<compile_context>
chip_gen: v7x
topology: tpu7x:2x2x1
jax: 0.10.2.dev20260603
libtpu: 0.0.44.dev20260713+nightly
codegen_flags: <defaults>
</compile_context>

<pallas_src>
import functools

import jax
import jax.numpy as jnp
from jax import lax
from jax.experimental import pallas as pl
from jax.experimental.pallas import tpu as pltpu
from jax.experimental.pallas import tpu_sc as plsc

N_NODES = 10000
D = 128
N_EDGES = 320000

NC = 2
NS = 16
NW = NC * NS

E_PER_TILE = N_EDGES // NW
HCHUNK = E_PER_TILE // 16

K_EDGES = 80
NBLK = N_EDGES // (NW * K_EDGES)
NCHUNK = 5
CBLK = NBLK // NCHUNK
RPT = N_NODES // NS

_sc_mesh = plsc.VectorSubcoreMesh(core_axis_name="c", subcore_axis_name="s")


@functools.partial(
    pl.kernel,
    out_type=jax.ShapeDtypeStruct((NW, N_NODES), jnp.float32),
    mesh=_sc_mesh,
    scratch_types=[
        pltpu.VMEM((E_PER_TILE,), jnp.int32),
        pltpu.VMEM((N_NODES,), jnp.float32),
    ],
    compiler_params=pltpu.CompilerParams(needs_layout_passes=False),
)
def _sc_degree(dst_hbm, out_hbm, dst_v, hist_v):
    c = lax.axis_index("c")
    s = lax.axis_index("s")
    wid = s * NC + c

    zero = jnp.zeros((16,), jnp.float32)

    def zloop(i, carry):
        hist_v[pl.ds(i * 16, 16)] = zero
        return carry

    lax.fori_loop(0, HCHUNK, zloop, 0)

    pltpu.sync_copy(dst_hbm.at[wid], dst_v)

    one = jnp.ones((16,), jnp.float32)

    def hloop(i, carry):
        idx = dst_v[pl.ds(i * 16, 16)]
        plsc.addupdate_scatter(hist_v, [idx], one)
        return carry

    lax.fori_loop(0, HCHUNK, hloop, 0)

    pltpu.sync_copy(hist_v, out_hbm.at[wid])


@functools.partial(
    pl.kernel,
    out_type=jax.ShapeDtypeStruct((NC, NS, RPT, D), jnp.float32),
    mesh=_sc_mesh,
    scratch_types=[
        pltpu.VMEM((2, CBLK, K_EDGES), jnp.int32),
        pltpu.VMEM((2, CBLK, K_EDGES), jnp.int32),
        pltpu.VMEM((3, K_EDGES, D), jnp.float32),
        pltpu.VMEM_SHARED((N_NODES, D), jnp.float32),
        pltpu.SemaphoreType.DMA,
        pltpu.SemaphoreType.DMA,
        pltpu.SemaphoreType.DMA,
    ],
)
def _sc_aggregate(g_hbm, src_hbm, dst_hbm, zeros_hbm, out_hbm,
                  idx_s, idx_d, rows, acc, gsem, ssem, isem):
    c = lax.axis_index("c")
    s = lax.axis_index("s")
    wid = s * NC + c
    base = s * RPT

    pltpu.async_copy(zeros_hbm, acc.at[pl.ds(base, RPT)], gsem)
    pltpu.async_copy(src_hbm.at[wid, 0], idx_s.at[0], gsem)
    pltpu.async_copy(dst_hbm.at[wid, 0], idx_d.at[0], gsem)
    pltpu.make_async_copy(zeros_hbm, acc.at[pl.ds(base, RPT)], gsem).wait()
    pltpu.make_async_copy(src_hbm.at[wid, 0], idx_s.at[0], gsem).wait()
    pltpu.make_async_copy(dst_hbm.at[wid, 0], idx_d.at[0], gsem).wait()
    plsc.subcore_barrier()

    for cc in range(NCHUNK):
        slot = cc % 2
        pltpu.async_copy(g_hbm.at[idx_s.at[slot, 0]], rows.at[0], gsem)
        pltpu.async_copy(g_hbm.at[idx_s.at[slot, 1]], rows.at[1], gsem)
        if cc + 1 < NCHUNK:
            pltpu.async_copy(src_hbm.at[wid, cc + 1],
                             idx_s.at[1 - slot], isem)
            pltpu.async_copy(dst_hbm.at[wid, cc + 1],
                             idx_d.at[1 - slot], isem)

        def blk(i, carry):
            buf = lax.rem(i, 3)
            pltpu.make_async_copy(g_hbm.at[idx_s.at[slot, i]],
                                  rows.at[buf], gsem).wait()
            pltpu.async_copy(rows.at[buf], acc.at[idx_d.at[slot, i]],
                             ssem, add=True)

            @pl.when(i > 0)
            def _():
                pbuf = lax.rem(i - 1, 3)
                pltpu.make_async_copy(rows.at[pbuf],
                                      acc.at[idx_d.at[slot, i - 1]],
                                      ssem).wait()

            @pl.when(i + 2 < CBLK)
            def _():
                pltpu.async_copy(g_hbm.at[idx_s.at[slot, i + 2]],
                                 rows.at[lax.rem(i + 2, 3)], gsem)

            return carry

        lax.fori_loop(0, CBLK, blk, 0)
        pltpu.make_async_copy(rows.at[(CBLK - 1) % 3],
                              acc.at[idx_d.at[slot, CBLK - 1]],
                              ssem).wait()
        if cc + 1 < NCHUNK:
            pltpu.make_async_copy(src_hbm.at[wid, cc + 1],
                                  idx_s.at[1 - slot], isem).wait()
            pltpu.make_async_copy(dst_hbm.at[wid, cc + 1],
                                  idx_d.at[1 - slot], isem).wait()

    plsc.subcore_barrier()
    pltpu.sync_copy(acc.at[pl.ds(base, RPT)], out_hbm.at[c, s])


BR = 1280
GRID = -(-N_NODES // BR)


def _mm1_body(x_ref, w_ref, degp_ref, g_ref, dis_ref):
    deg = jnp.sum(degp_ref[...], axis=0) + 1.0
    dis2 = jnp.broadcast_to(lax.rsqrt(deg)[:, None], (BR, D))
    h = jnp.dot(x_ref[...], w_ref[...], preferred_element_type=jnp.float32)
    g_ref[...] = h * dis2
    dis_ref[...] = dis2


def _tc_mm1(x, W1, degp):
    return pl.pallas_call(
        _mm1_body,
        grid=(GRID,),
        in_specs=[
            pl.BlockSpec((BR, D), lambda i: (i, 0)),
            pl.BlockSpec((D, D), lambda i: (0, 0)),
            pl.BlockSpec((NW, BR), lambda i: (0, i)),
        ],
        out_specs=[
            pl.BlockSpec((BR, D), lambda i: (i, 0)),
            pl.BlockSpec((BR, D), lambda i: (i, 0)),
        ],
        out_shape=[
            jax.ShapeDtypeStruct((N_NODES, D), jnp.float32),
            jax.ShapeDtypeStruct((N_NODES, D), jnp.float32),
        ],
    )(x, W1, degp)


def _ep1mm2_body(s1_ref, g1_ref, dis_ref, b1_ref, w_ref, g2_ref):
    dis = dis_ref[...]
    z1 = (s1_ref[0] + s1_ref[1] + g1_ref[...]) * dis + b1_ref[...]
    a1 = jnp.maximum(z1, 0.0)
    h2 = jnp.dot(a1, w_ref[...], preferred_element_type=jnp.float32)
    g2_ref[...] = h2 * dis


def _tc_ep1mm2(s1, g1, dis2, b1, W2):
    return pl.pallas_call(
        _ep1mm2_body,
        grid=(GRID,),
        in_specs=[
            pl.BlockSpec((NC, BR, D), lambda i: (0, i, 0)),
            pl.BlockSpec((BR, D), lambda i: (i, 0)),
            pl.BlockSpec((BR, D), lambda i: (i, 0)),
            pl.BlockSpec((1, D), lambda i: (0, 0)),
            pl.BlockSpec((D, D), lambda i: (0, 0)),
        ],
        out_specs=pl.BlockSpec((BR, D), lambda i: (i, 0)),
        out_shape=jax.ShapeDtypeStruct((N_NODES, D), jnp.float32),
    )(s1, g1, dis2, b1, W2)


def _ep2_body(s2_ref, g2_ref, dis_ref, b2_ref, out_ref):
    out_ref[...] = ((s2_ref[0] + s2_ref[1] + g2_ref[...]) * dis_ref[...]
                    + b2_ref[...])


def _tc_ep2(s2, g2, dis2, b2):
    return pl.pallas_call(
        _ep2_body,
        grid=(GRID,),
        in_specs=[
            pl.BlockSpec((NC, BR, D), lambda i: (0, i, 0)),
            pl.BlockSpec((BR, D), lambda i: (i, 0)),
            pl.BlockSpec((BR, D), lambda i: (i, 0)),
            pl.BlockSpec((1, D), lambda i: (0, 0)),
        ],
        out_specs=pl.BlockSpec((BR, D), lambda i: (i, 0)),
        out_shape=jax.ShapeDtypeStruct((N_NODES, D), jnp.float32),
    )(s2, g2, dis2, b2)


def kernel(x, edge_index, W1, b1, W2, b2):
    src = edge_index[0].astype(jnp.int32).reshape(NW, NCHUNK, CBLK, K_EDGES)
    dst = edge_index[1].astype(jnp.int32).reshape(NW, NCHUNK, CBLK, K_EDGES)
    dst_t = edge_index[1].astype(jnp.int32).reshape(NW, E_PER_TILE)
    zeros = jnp.zeros((RPT, D), jnp.float32)

    degp = _sc_degree(dst_t)
    g1, dis2 = _tc_mm1(x, W1, degp)
    s1 = _sc_aggregate(g1, src, dst, zeros).reshape(NC, N_NODES, D)
    g2 = _tc_ep1mm2(s1, g1, dis2, b1.reshape(1, D), W2)
    s2 = _sc_aggregate(g2, src, dst, zeros).reshape(NC, N_NODES, D)
    out = _tc_ep2(s2, g2, dis2, b2.reshape(1, D))
    return out

# --- scband reference (transcript-rebuilt; emitter-appended) ---
"""Pipeline reference for scband-gcnmodel-57208964382868 (READ-ONLY COPY).

The authoritative reference and input builder live on the scoring server;
editing this copy changes nothing except your own understanding.
"""

import jax, jax.numpy as jnp
import numpy as np

N_NODES = 10000
D_IN = 128
D_HID = 128
D_OUT = 128
N_EDGES = 320000


def setup_inputs(seed: int = 0) -> dict:
    key = jax.random.key(seed)
    k_x, k_e, k_w1, k_w2 = jax.random.split(key, 4)
    x = jax.random.normal(k_x, (N_NODES, D_IN), dtype=jnp.float32)
    edge_index = jax.random.randint(k_e, (2, N_EDGES), 0, N_NODES, dtype=jnp.int64)
    # GCNConv weights (glorot-style init) and zero biases, like PyG defaults
    W1 = jax.random.normal(k_w1, (D_IN, D_HID), dtype=jnp.float32) * (1.0 / np.sqrt(D_IN))
    b1 = jnp.zeros((D_HID,), dtype=jnp.float32)
    W2 = jax.random.normal(k_w2, (D_HID, D_OUT), dtype=jnp.float32) * (1.0 / np.sqrt(D_HID))
    b2 = jnp.zeros((D_OUT,), dtype=jnp.float32)
    return {"x": x, "edge_index": edge_index, "W1": W1, "b1": b1, "W2": W2, "b2": b2}


def gcn_conv(x, edge_index, W, b, num_nodes):
    # x' = D^{-1/2} (A + I) D^{-1/2} X W + b  (PyG GCNConv with add_self_loops=True)
    h = x @ W
    src = edge_index[0]
    dst = edge_index[1]
    loop = jnp.arange(num_nodes, dtype=edge_index.dtype)
    src = jnp.concatenate([src, loop])
    dst = jnp.concatenate([dst, loop])
    deg = jnp.zeros((num_nodes,), dtype=h.dtype).at[dst].add(1.0)
    deg_inv_sqrt = jnp.where(deg > 0, jax.lax.rsqrt(jnp.maximum(deg, 1e-12)), 0.0)
    norm = deg_inv_sqrt[src] * deg_inv_sqrt[dst]
    msg = h[src] * norm[:, None]
    out = jnp.zeros((num_nodes, h.shape[1]), dtype=h.dtype).at[dst].add(msg)
    return out + b


def reference(x, edge_index, W1, b1, W2, b2):
    num_nodes = x.shape[0]
    h = gcn_conv(x, edge_index, W1, b1, num_nodes)
    h = jax.nn.relu(h)
    out = gcn_conv(h, edge_index, W2, b2, num_nodes)
    return out

if __name__ == "__main__":
    import jax
    _d = setup_inputs()
    print(jax.jit(kernel)(*tuple(_d.values())))

</pallas_src>

<mosaic_0001>
#map = affine_map<(d0, d1) -> (0, 0)>
#map1 = affine_map<(d0, d1) -> (0, 0, 0, 0)>
module attributes {stable_mosaic.version = 14 : i64} {
  func.func @_sc_aggregate(%arg0: i32, %arg1: i32, %arg2: memref<10000x128xf32, #tpu.memory_space<hbm>>, %arg3: memref<32x5x25x80xi32, #tpu.memory_space<hbm>>, %arg4: memref<32x5x25x80xi32, #tpu.memory_space<hbm>>, %arg5: memref<625x128xf32, #tpu.memory_space<hbm>>, %arg6: memref<2x16x625x128xf32, #tpu.memory_space<hbm>>, %arg7: memref<2x25x80xi32, #tpu.memory_space<vmem>>, %arg8: memref<2x25x80xi32, #tpu.memory_space<vmem>>, %arg9: memref<3x80x128xf32, #tpu.memory_space<vmem>>, %arg10: memref<10000x128xf32, #tpu.memory_space<vmem_shared>>, %arg11: memref<!tpu.dma_semaphore, #tpu.memory_space<semaphore_mem>>, %arg12: memref<!tpu.dma_semaphore, #tpu.memory_space<semaphore_mem>>, %arg13: memref<!tpu.dma_semaphore, #tpu.memory_space<semaphore_mem>>) attributes {dimension_semantics = [#tpu.dimension_semantics<core_parallel>, #tpu.dimension_semantics<subcore_parallel>], iteration_bounds = array<i64: 2, 16>, scalar_prefetch = 0 : i64, scratch_operands = 7 : i64, tpu.core_type = #tpu.core_type<sc_vector_subcore>, window_params = [{transform_indices = #map}, {transform_indices = #map1}, {transform_indices = #map1}, {transform_indices = #map}, {transform_indices = #map1}]} {
    %mul3A = arith.constant 2 : i32
    %mul3A_0 = arith.muli %arg1, %mul3A : i32
    %add3A = arith.addi %mul3A_0, %arg0 : i32
    %mul3A_1 = arith.constant 625 : i32
    %mul3A_2 = arith.muli %arg1, %mul3A_1 : i32
    %dma_start3A = arith.constant 0 : i32
    %dma_start3A_3 = tpu.memref_slice %arg10[%mul3A_2, %dma_start3A] : memref<10000x128xf32, #tpu.memory_space<vmem_shared>> -> memref<625x128xf32, #tpu.memory_space<vmem_shared>>
    tpu.enqueue_dma source(%arg5 : memref<625x128xf32, #tpu.memory_space<hbm>>) target(%dma_start3A_3 : memref<625x128xf32, #tpu.memory_space<vmem_shared>>) target_semaphore(%arg11 : memref<!tpu.dma_semaphore, #tpu.memory_space<semaphore_mem>>)
    %dma_start3A_4 = arith.constant 0 : i32
    %dma_start3A_5 = arith.constant 0 : i32
    %dma_start3A_6 = arith.constant 0 : i32
    %dma_start3A_7 = arith.constant 0 : i32
    %dma_start3A_8 = tpu.memref_slice %arg7[%dma_start3A_5, %dma_start3A_6, %dma_start3A_7] : memref<2x25x80xi32, #tpu.memory_space<vmem>> -> memref<1x25x80xi32, #tpu.memory_space<vmem>>
    %dma_start3A_9 = tpu.memref_squeeze %dma_start3A_8 : memref<1x25x80xi32, #tpu.memory_space<vmem>> -> memref<25x80xi32, #tpu.memory_space<vmem>>
    %dma_start3A_10 = arith.constant 0 : i32
    %dma_start3A_11 = arith.constant 0 : i32
    %dma_start3A_12 = tpu.memref_slice %arg3[%add3A, %dma_start3A_4, %dma_start3A_10, %dma_start3A_11] : memref<32x5x25x80xi32, #tpu.memory_space<hbm>> -> memref<1x1x25x80xi32, #tpu.memory_space<hbm>>
    %dma_start3A_13 = tpu.memref_squeeze %dma_start3A_12 : memref<1x1x25x80xi32, #tpu.memory_space<hbm>> -> memref<25x80xi32, #tpu.memory_space<hbm>>
    %dma_start3A_14 = arith.constant 0 : i32
    %dma_start3A_15 = arith.constant 0 : i32
    %dma_start3A_16 = tpu.memref_slice %arg7[%dma_start3A_5, %dma_start3A_14, %dma_start3A_15] : memref<2x25x80xi32, #tpu.memory_space<vmem>> -> memref<1x25x80xi32, #tpu.memory_space<vmem>>
    %dma_start3A_17 = tpu.memref_squeeze %dma_start3A_16 : memref<1x25x80xi32, #tpu.memory_space<vmem>> -> memref<25x80xi32, #tpu.memory_space<vmem>>
    %dma_start3A_18 = arith.constant 0 : i32
    %dma_start3A_19 = arith.constant 0 : i32
    %dma_start3A_20 = tpu.memref_slice %arg3[%add3A, %dma_start3A_4, %dma_start3A_18, %dma_start3A_19] : memref<32x5x25x80xi32, #tpu.memory_space<hbm>> -> memref<1x1x25x80xi32, #tpu.memory_space<hbm>>
    %dma_start3A_21 = tpu.memref_squeeze %dma_start3A_20 : memref<1x1x25x80xi32, #tpu.memory_space<hbm>> -> memref<25x80xi32, #tpu.memory_space<hbm>>
    tpu.enqueue_dma source(%dma_start3A_21 : memref<25x80xi32, #tpu.memory_space<hbm>>) target(%dma_start3A_17 : memref<25x80xi32, #tpu.memory_space<vmem>>) target_semaphore(%arg11 : memref<!tpu.dma_semaphore, #tpu.memory_space<semaphore_mem>>)
    %dma_start3A_22 = arith.constant 0 : i32
    %dma_start3A_23 = arith.constant 0 : i32
    %dma_start3A_24 = arith.constant 0 : i32
    %dma_start3A_25 = arith.constant 0 : i32
    %dma_start3A_26 = tpu.memref_slice %arg8[%dma_start3A_23, %dma_start3A_24, %dma_start3A_25] : memref<2x25x80xi32, #tpu.memory_space<vmem>> -> memref<1x25x80xi32, #tpu.memory_space<vmem>>
    %dma_start3A_27 = tpu.memref_squeeze %dma_start3A_26 : memref<1x25x80xi32, #tpu.memory_space<vmem>> -> memref<25x80xi32, #tpu.memory_space<vmem>>
    %dma_start3A_28 = arith.constant 0 : i32
    %dma_start3A_29 = arith.constant 0 : i32
    %dma_start3A_30 = tpu.memref_slice %arg4[%add3A, %dma_start3A_22, %dma_start3A_28, %dma_start3A_29] : memref<32x5x25x80xi32, #tpu.memory_space<hbm>> -> memref<1x1x25x80xi32, #tpu.memory_space<hbm>>
    %dma_start3A_31 = tpu.memref_squeeze %dma_start3A_30 : memref<1x1x25x80xi32, #tpu.memory_space<hbm>> -> memref<25x80xi32, #tpu.memory_space<hbm>>
    %dma_start3A_32 = arith.constant 0 : i32
    %dma_start3A_33 = arith.constant 0 : i32
    %dma_start3A_34 = tpu.memref_slice %arg8[%dma_start3A_23, %dma_start3A_32, %dma_start3A_33] : memref<2x25x80xi32, #tpu.memory_space<vmem>> -> memref<1x25x80xi32, #tpu.memory_space<vmem>>
    %dma_start3A_35 = tpu.memref_squeeze %dma_start3A_34 : memref<1x25x80xi32, #tpu.memory_space<vmem>> -> memref<25x80xi32, #tpu.memory_space<vmem>>
    %dma_start3A_36 = arith.constant 0 : i32
    %dma_start3A_37 = arith.constant 0 : i32
    %dma_start3A_38 = tpu.memref_slice %arg4[%add3A, %dma_start3A_22, %dma_start3A_36, %dma_start3A_37] : memref<32x5x25x80xi32, #tpu.memory_space<hbm>> -> memref<1x1x25x80xi32, #tpu.memory_space<hbm>>
    %dma_start3A_39 = tpu.memref_squeeze %dma_start3A_38 : memref<1x1x25x80xi32, #tpu.memory_space<hbm>> -> memref<25x80xi32, #tpu.memory_space<hbm>>
    tpu.enqueue_dma source(%dma_start3A_39 : memref<25x80xi32, #tpu.memory_space<hbm>>) target(%dma_start3A_35 : memref<25x80xi32, #tpu.memory_space<vmem>>) target_semaphore(%arg11 : memref<!tpu.dma_semaphore, #tpu.memory_space<semaphore_mem>>)
    %dma_wait3A = arith.constant 0 : i32
    %dma_wait3A_40 = tpu.memref_slice %arg10[%mul3A_2, %dma_wait3A] : memref<10000x128xf32, #tpu.memory_space<vmem_shared>> -> memref<625x128xf32, #tpu.memory_space<vmem_shared>>
    tpu.wait_dma2 semaphore(%arg11 : memref<!tpu.dma_semaphore, #tpu.memory_space<semaphore_mem>>) src(%arg5 : memref<625x128xf32, #tpu.memory_space<hbm>>) dst(%dma_wait3A_40 : memref<625x128xf32, #tpu.memory_space<vmem_shared>>)
    %dma_wait3A_41 = arith.constant 0 : i32
    %dma_wait3A_42 = arith.constant 0 : i32
    %dma_wait3A_43 = arith.constant 0 : i32
    %dma_wait3A_44 = arith.constant 0 : i32
    %dma_wait3A_45 = tpu.memref_slice %arg7[%dma_wait3A_42, %dma_wait3A_43, %dma_wait3A_44] : memref<2x25x80xi32, #tpu.memory_space<vmem>> -> memref<1x25x80xi32, #tpu.memory_space<vmem>>
    %dma_wait3A_46 = tpu.memref_squeeze %dma_wait3A_45 : memref<1x25x80xi32, #tpu.memory_space<vmem>> -> memref<25x80xi32, #tpu.memory_space<vmem>>
    %dma_wait3A_47 = arith.constant 0 : i32
    %dma_wait3A_48 = arith.constant 0 : i32
    %dma_wait3A_49 = tpu.memref_slice %arg3[%add3A, %dma_wait3A_41, %dma_wait3A_47, %dma_wait3A_48] : memref<32x5x25x80xi32, #tpu.memory_space<hbm>> -> memref<1x1x25x80xi32, #tpu.memory_space<hbm>>
    %dma_wait3A_50 = tpu.memref_squeeze %dma_wait3A_49 : memref<1x1x25x80xi32, #tpu.memory_space<hbm>> -> memref<25x80xi32, #tpu.memory_space<hbm>>
    %dma_wait3A_51 = arith.constant 0 : i32
    %dma_wait3A_52 = arith.constant 0 : i32
    %dma_wait3A_53 = tpu.memref_slice %arg7[%dma_wait3A_42, %dma_wait3A_51, %dma_wait3A_52] : memref<2x25x80xi32, #tpu.memory_space<vmem>> -> memref<1x25x80xi32, #tpu.memory_space<vmem>>
    %dma_wait3A_54 = tpu.memref_squeeze %dma_wait3A_53 : memref<1x25x80xi32, #tpu.memory_space<vmem>> -> memref<25x80xi32, #tpu.memory_space<vmem>>
    %dma_wait3A_55 = arith.constant 0 : i32
    %dma_wait3A_56 = arith.constant 0 : i32
    %dma_wait3A_57 = tpu.memref_slice %arg3[%add3A, %dma_wait3A_41, %dma_wait3A_55, %dma_wait3A_56] : memref<32x5x25x80xi32, #tpu.memory_space<hbm>> -> memref<1x1x25x80xi32, #tpu.memory_space<hbm>>
    %dma_wait3A_58 = tpu.memref_squeeze %dma_wait3A_57 : memref<1x1x25x80xi32, #tpu.memory_space<hbm>> -> memref<25x80xi32, #tpu.memory_space<hbm>>
    tpu.wait_dma2 semaphore(%arg11 : memref<!tpu.dma_semaphore, #tpu.memory_space<semaphore_mem>>) src(%dma_wait3A_58 : memref<25x80xi32, #tpu.memory_space<hbm>>) dst(%dma_wait3A_54 : memref<25x80xi32, #tpu.memory_space<vmem>>)
    %dma_wait3A_59 = arith.constant 0 : i32
    %dma_wait3A_60 = arith.constant 0 : i32
    %dma_wait3A_61 = arith.constant 0 : i32
    %dma_wait3A_62 = arith.constant 0 : i32
    %dma_wait3A_63 = tpu.memref_slice %arg8[%dma_wait3A_60, %dma_wait3A_61, %dma_wait3A_62] : memref<2x25x80xi32, #tpu.memory_space<vmem>> -> memref<1x25x80xi32, #tpu.memory_space<vmem>>
    %dma_wait3A_64 = tpu.memref_squeeze %dma_wait3A_63 : memref<1x25x80xi32, #tpu.memory_space<vmem>> -> memref<25x80xi32, #tpu.memory_space<vmem>>
    %dma_wait3A_65 = arith.constant 0 : i32
    %dma_wait3A_66 = arith.constant 0 : i32
    %dma_wait3A_67 = tpu.memref_slice %arg4[%add3A, %dma_wait3A_59, %dma_wait3A_65, %dma_wait3A_66] : memref<32x5x25x80xi32, #tpu.memory_space<hbm>> -> memref<1x1x25x80xi32, #tpu.memory_space<hbm>>
    %dma_wait3A_68 = tpu.memref_squeeze %dma_wait3A_67 : memref<1x1x25x80xi32, #tpu.memory_space<hbm>> -> memref<25x80xi32, #tpu.memory_space<hbm>>
    %dma_wait3A_69 = arith.constant 0 : i32
    %dma_wait3A_70 = arith.constant 0 : i32
    %dma_wait3A_71 = tpu.memref_slice %arg8[%dma_wait3A_60, %dma_wait3A_69, %dma_wait3A_70] : memref<2x25x80xi32, #tpu.memory_space<vmem>> -> memref<1x25x80xi32, #tpu.memory_space<vmem>>
    %dma_wait3A_72 = tpu.memref_squeeze %dma_wait3A_71 : memref<1x25x80xi32, #tpu.memory_space<vmem>> -> memref<25x80xi32, #tpu.memory_space<vmem>>
    %dma_wait3A_73 = arith.constant 0 : i32
    %dma_wait3A_74 = arith.constant 0 : i32
    %dma_wait3A_75 = tpu.memref_slice %arg4[%add3A, %dma_wait3A_59, %dma_wait3A_73, %dma_wait3A_74] : memref<32x5x25x80xi32, #tpu.memory_space<hbm>> -> memref<1x1x25x80xi32, #tpu.memory_space<hbm>>
    %dma_wait3A_76 = tpu.memref_squeeze %dma_wait3A_75 : memref<1x1x25x80xi32, #tpu.memory_space<hbm>> -> memref<25x80xi32, #tpu.memory_space<hbm>>
    tpu.wait_dma2 semaphore(%arg11 : memref<!tpu.dma_semaphore, #tpu.memory_space<semaphore_mem>>) src(%dma_wait3A_76 : memref<25x80xi32, #tpu.memory_space<hbm>>) dst(%dma_wait3A_72 : memref<25x80xi32, #tpu.memory_space<vmem>>)
    %barrier3A = arith.constant 0 : index
    tpu.barrier barrier_id(%barrier3A)
    %dma_start3A_77 = arith.constant 0 : i32
    %dma_start3A_78 = arith.constant 0 : i32
    %dma_start3A_79 = arith.constant 0 : i32
    %dma_start3A_80 = arith.constant 0 : i32
    %dma_start3A_81 = arith.constant 0 : i32
    %dma_start3A_82 = tpu.memref_slice %arg9[%dma_start3A_79, %dma_start3A_80, %dma_start3A_81] : memref<3x80x128xf32, #tpu.memory_space<vmem>> -> memref<1x80x128xf32, #tpu.memory_space<vmem>>
    %dma_start3A_83 = tpu.memref_squeeze %dma_start3A_82 : memref<1x80x128xf32, #tpu.memory_space<vmem>> -> memref<80x128xf32, #tpu.memory_space<vmem>>
    %dma_start3A_84 = arith.constant 0 : i32
    %dma_start3A_85 = tpu.memref_slice %arg7[%dma_start3A_77, %dma_start3A_78, %dma_start3A_84] : memref<2x25x80xi32, #tpu.memory_space<vmem>> -> memref<1x1x80xi32, #tpu.memory_space<vmem>>
    %dma_start3A_86 = tpu.memref_squeeze %dma_start3A_85 : memref<1x1x80xi32, #tpu.memory_space<vmem>> -> memref<80xi32, #tpu.memory_space<vmem>>
    %dma_start3A_87 = arith.constant 0 : i32
    %dma_start3A_88 = arith.constant 0 : i32
    %dma_start3A_89 = tpu.memref_slice %arg2[%dma_start3A_87, %dma_start3A_88] : memref<10000x128xf32, #tpu.memory_space<hbm>> -> memref<10000x128xf32, #tpu.memory_space<hbm>>
    tpu.enqueue_indirect_dma source(%dma_start3A_89 : memref<10000x128xf32, #tpu.memory_space<hbm>>) target(%dma_start3A_83 : memref<80x128xf32, #tpu.memory_space<vmem>>) offsets(%dma_start3A_86 : memref<80xi32, #tpu.memory_space<vmem>>) semaphore(%arg11 : memref<!tpu.dma_semaphore, #tpu.memory_space<semaphore_mem>>)
    %dma_start3A_90 = arith.constant 0 : i32
    %dma_start3A_91 = arith.constant 1 : i32
    %dma_start3A_92 = arith.constant 1 : i32
    %dma_start3A_93 = arith.constant 0 : i32
    %dma_start3A_94 = arith.constant 0 : i32
    %dma_start3A_95 = tpu.memref_slice %arg9[%dma_start3A_92, %dma_start3A_93, %dma_start3A_94] : memref<3x80x128xf32, #tpu.memory_space<vmem>> -> memref<1x80x128xf32, #tpu.memory_space<vmem>>
    %dma_start3A_96 = tpu.memref_squeeze %dma_start3A_95 : memref<1x80x128xf32, #tpu.memory_space<vmem>> -> memref<80x128xf32, #tpu.memory_space<vmem>>
    %dma_start3A_97 = arith.constant 0 : i32
    %dma_start3A_98 = tpu.memref_slice %arg7[%dma_start3A_90, %dma_start3A_91, %dma_start3A_97] : memref<2x25x80xi32, #tpu.memory_space<vmem>> -> memref<1x1x80xi32, #tpu.memory_space<vmem>>
    %dma_start3A_99 = tpu.memref_squeeze %dma_start3A_98 : memref<1x1x80xi32, #tpu.memory_space<vmem>> -> memref<80xi32, #tpu.memory_space<vmem>>
    %dma_start3A_100 = arith.constant 0 : i32
    %dma_start3A_101 = arith.constant 0 : i32
    %dma_start3A_102 = tpu.memref_slice %arg2[%dma_start3A_100, %dma_start3A_101] : memref<10000x128xf32, #tpu.memory_space<hbm>> -> memref<10000x128xf32, #tpu.memory_space<hbm>>
    tpu.enqueue_indirect_dma source(%dma_start3A_102 : memref<10000x128xf32, #tpu.memory_space<hbm>>) target(%dma_start3A_96 : memref<80x128xf32, #tpu.memory_space<vmem>>) offsets(%dma_start3A_99 : memref<80xi32, #tpu.memory_space<vmem>>) semaphore(%arg11 : memref<!tpu.dma_semaphore, #tpu.memory_space<semaphore_mem>>)
    %dma_start3A_103 = arith.constant 1 : i32
    %dma_start3A_104 = arith.constant 1 : i32
    %dma_start3A_105 = arith.constant 0 : i32
    %dma_start3A_106 = arith.constant 0 : i32
    %dma_start3A_107 = tpu.memref_slice %arg7[%dma_start3A_104, %dma_start3A_105, %dma_start3A_106] : memref<2x25x80xi32, #tpu.memory_space<vmem>> -> memref<1x25x80xi32, #tpu.memory_space<vmem>>
    %dma_start3A_108 = tpu.memref_squeeze %dma_start3A_107 : memref<1x25x80xi32, #tpu.memory_space<vmem>> -> memref<25x80xi32, #tpu.memory_space<vmem>>
    %dma_start3A_109 = arith.constant 0 : i32
    %dma_start3A_110 = arith.constant 0 : i32
    %dma_start3A_111 = tpu.memref_slice %arg3[%add3A, %dma_start3A_103, %dma_start3A_109, %dma_start3A_110] : memref<32x5x25x80xi32, #tpu.memory_space<hbm>> -> memref<1x1x25x80xi32, #tpu.memory_space<hbm>>
    %dma_start3A_112 = tpu.memref_squeeze %dma_start3A_111 : memref<1x1x25x80xi32, #tpu.memory_space<hbm>> -> memref<25x80xi32, #tpu.memory_space<hbm>>
    %dma_start3A_113 = arith.constant 0 : i32
    %dma_start3A_114 = arith.constant 0 : i32
    %dma_start3A_115 = tpu.memref_slice %arg7[%dma_start3A_104, %dma_start3A_113, %dma_start3A_114] : memref<2x25x80xi32, #tpu.memory_space<vmem>> -> memref<1x25x80xi32, #tpu.memory_space<vmem>>
    %dma_start3A_116 = tpu.memref_squeeze %dma_start3A_115 : memref<1x25x80xi32, #tpu.memory_space<vmem>> -> memref<25x80xi32, #tpu.memory_space<vmem>>
    %dma_start3A_117 = arith.constant 0 : i32
    %dma_start3A_118 = arith.constant 0 : i32
    %dma_start3A_119 = tpu.memref_slice %arg3[%add3A, %dma_start3A_103, %dma_start3A_117, %dma_start3A_118] : memref<32x5x25x80xi32, #tpu.memory_space<hbm>> -> memref<1x1x25x80xi32, #tpu.memory_space<hbm>>
    %dma_start3A_120 = tpu.memref_squeeze %dma_start3A_119 : memref<1x1x25x80xi32, #tpu.memory_space<hbm>> -> memref<25x80xi32, #tpu.memory_space<hbm>>
    tpu.enqueue_dma source(%dma_start3A_120 : memref<25x80xi32, #tpu.memory_space<hbm>>) target(%dma_start3A_116 : memref<25x80xi32, #tpu.memory_space<vmem>>) target_semaphore(%arg13 : memref<!tpu.dma_semaphore, #tpu.memory_space<semaphore_mem>>)
    %dma_start3A_121 = arith.constant 1 : i32
    %dma_start3A_122 = arith.constant 1 : i32
    %dma_start3A_123 = arith.constant 0 : i32
    %dma_start3A_124 = arith.constant 0 : i32
    %dma_start3A_125 = tpu.memref_slice %arg8[%dma_start3A_122, %dma_start3A_123, %dma_start3A_124] : memref<2x25x80xi32, #tpu.memory_space<vmem>> -> memref<1x25x80xi32, #tpu.memory_space<vmem>>
    %dma_start3A_126 = tpu.memref_squeeze %dma_start3A_125 : memref<1x25x80xi32, #tpu.memory_space<vmem>> -> memref<25x80xi32, #tpu.memory_space<vmem>>
    %dma_start3A_127 = arith.constant 0 : i32
    %dma_start3A_128 = arith.constant 0 : i32
    %dma_start3A_129 = tpu.memref_slice %arg4[%add3A, %dma_start3A_121, %dma_start3A_127, %dma_start3A_128] : memref<32x5x25x80xi32, #tpu.memory_space<hbm>> -> memref<1x1x25x80xi32, #tpu.memory_space<hbm>>
    %dma_start3A_130 = tpu.memref_squeeze %dma_start3A_129 : memref<1x1x25x80xi32, #tpu.memory_space<hbm>> -> memref<25x80xi32, #tpu.memory_space<hbm>>
    %dma_start3A_131 = arith.constant 0 : i32
    %dma_start3A_132 = arith.constant 0 : i32
    %dma_start3A_133 = tpu.memref_slice %arg8[%dma_start3A_122, %dma_start3A_131, %dma_start3A_132] : memref<2x25x80xi32, #tpu.memory_space<vmem>> -> memref<1x25x80xi32, #tpu.memory_space<vmem>>
    %dma_start3A_134 = tpu.memref_squeeze %dma_start3A_133 : memref<1x25x80xi32, #tpu.memory_space<vmem>> -> memref<25x80xi32, #tpu.memory_space<vmem>>
    %dma_start3A_135 = arith.constant 0 : i32
    %dma_start3A_136 = arith.constant 0 : i32
    %dma_start3A_137 = tpu.memref_slice %arg4[%add3A, %dma_start3A_121, %dma_start3A_135, %dma_start3A_136] : memref<32x5x25x80xi32, #tpu.memory_space<hbm>> -> memref<1x1x25x80xi32, #tpu.memory_space<hbm>>
    %dma_start3A_138 = tpu.memref_squeeze %dma_start3A_137 : memref<1x1x25x80xi32, #tpu.memory_space<hbm>> -> memref<25x80xi32, #tpu.memory_space<hbm>>
    tpu.enqueue_dma source(%dma_start3A_138 : memref<25x80xi32, #tpu.memory_space<hbm>>) target(%dma_start3A_134 : memref<25x80xi32, #tpu.memory_space<vmem>>) target_semaphore(%arg13 : memref<!tpu.dma_semaphore, #tpu.memory_space<semaphore_mem>>)
    %scan3A = arith.constant 0 : i32
    %scan3A_139 = arith.constant 0 : i32
    %scan3A_140 = arith.constant 25 : i32
    %scan3A_141 = arith.addi %scan3A_139, %scan3A_140 : i32
    %scan3A_142 = arith.constant 1 : i32
    scf.for %scan3A_590 = %scan3A_139 to %scan3A_141 step %scan3A_142  : i32 {
      %rem3A = arith.constant 3 : i32
      %rem3A_591 = arith.remsi %scan3A_590, %rem3A : i32
      %dma_wait3A_592 = arith.constant 0 : i32
      %dma_wait3A_593 = arith.constant 0 : i32
      %dma_wait3A_594 = arith.constant 0 : i32
      %dma_wait3A_595 = tpu.memref_slice %arg9[%rem3A_591, %dma_wait3A_593, %dma_wait3A_594] : memref<3x80x128xf32, #tpu.memory_space<vmem>> -> memref<1x80x128xf32, #tpu.memory_space<vmem>>
      %dma_wait3A_596 = tpu.memref_squeeze %dma_wait3A_595 : memref<1x80x128xf32, #tpu.memory_space<vmem>> -> memref<80x128xf32, #tpu.memory_space<vmem>>
      %dma_wait3A_597 = arith.constant 0 : i32
      %dma_wait3A_598 = tpu.memref_slice %arg7[%dma_wait3A_592, %scan3A_590, %dma_wait3A_597] : memref<2x25x80xi32, #tpu.memory_space<vmem>> -> memref<1x1x80xi32, #tpu.memory_space<vmem>>
      %dma_wait3A_599 = tpu.memref_squeeze %dma_wait3A_598 : memref<1x1x80xi32, #tpu.memory_space<vmem>> -> memref<80xi32, #tpu.memory_space<vmem>>
      %dma_wait3A_600 = arith.constant 0 : i32
      %dma_wait3A_601 = arith.constant 0 : i32
      %dma_wait3A_602 = tpu.memref_slice %arg2[%dma_wait3A_600, %dma_wait3A_601] : memref<10000x128xf32, #tpu.memory_space<hbm>> -> memref<10000x128xf32, #tpu.memory_space<hbm>>
      tpu.wait_indirect_dma semaphore(%arg11 : memref<!tpu.dma_semaphore, #tpu.memory_space<semaphore_mem>>) src(%dma_wait3A_602 : memref<10000x128xf32, #tpu.memory_space<hbm>>) dst(%dma_wait3A_596 : memref<80x128xf32, #tpu.memory_space<vmem>>)
      %dma_start3A_603 = arith.constant 0 : i32
      %dma_start3A_604 = arith.constant 0 : i32
      %dma_start3A_605 = arith.constant 0 : i32
      %dma_start3A_606 = tpu.memref_slice %arg9[%rem3A_591, %dma_start3A_604, %dma_start3A_605] : memref<3x80x128xf32, #tpu.memory_space<vmem>> -> memref<1x80x128xf32, #tpu.memory_space<vmem>>
      %dma_start3A_607 = tpu.memref_squeeze %dma_start3A_606 : memref<1x80x128xf32, #tpu.memory_space<vmem>> -> memref<80x128xf32, #tpu.memory_space<vmem>>
      %dma_start3A_608 = arith.constant 0 : i32
      %dma_start3A_609 = tpu.memref_slice %arg8[%dma_start3A_603, %scan3A_590, %dma_start3A_608] : memref<2x25x80xi32, #tpu.memory_space<vmem>> -> memref<1x1x80xi32, #tpu.memory_space<vmem>>
      %dma_start3A_610 = tpu.memref_squeeze %dma_start3A_609 : memref<1x1x80xi32, #tpu.memory_space<vmem>> -> memref<80xi32, #tpu.memory_space<vmem>>
      %dma_start3A_611 = arith.constant 0 : i32
      %dma_start3A_612 = arith.constant 0 : i32
      %dma_start3A_613 = tpu.memref_slice %arg10[%dma_start3A_611, %dma_start3A_612] : memref<10000x128xf32, #tpu.memory_space<vmem_shared>> -> memref<10000x128xf32, #tpu.memory_space<vmem_shared>>
      tpu.enqueue_indirect_dma source(%dma_start3A_607 : memref<80x128xf32, #tpu.memory_space<vmem>>) target(%dma_start3A_613 : memref<10000x128xf32, #tpu.memory_space<vmem_shared>>) offsets(%dma_start3A_610 : memref<80xi32, #tpu.memory_space<vmem>>) semaphore(%arg12 : memref<!tpu.dma_semaphore, #tpu.memory_space<semaphore_mem>>) {add = true}
      %gt3A = arith.constant 0 : i32
      %gt3A_614 = arith.cmpi sgt, %scan3A_590, %gt3A : i32
      %convert_element_type3A = arith.extui %gt3A_614 : i1 to i32
      %cond3A = arith.constant 0 : i32
      %cond3A_615 = arith.cmpi ne, %convert_element_type3A, %cond3A : i32
      scf.if %cond3A_615 {
        %sub3A = arith.constant 1 : i32
        %sub3A_622 = arith.subi %scan3A_590, %sub3A : i32
        %rem3A_623 = arith.constant 3 : i32
        %rem3A_624 = arith.remsi %sub3A_622, %rem3A_623 : i32
        %sub3A_625 = arith.constant 1 : i32
        %sub3A_626 = arith.subi %scan3A_590, %sub3A_625 : i32
        %dma_wait3A_627 = arith.constant 0 : i32
        %dma_wait3A_628 = arith.constant 0 : i32
        %dma_wait3A_629 = arith.constant 0 : i32
        %dma_wait3A_630 = tpu.memref_slice %arg9[%rem3A_624, %dma_wait3A_628, %dma_wait3A_629] : memref<3x80x128xf32, #tpu.memory_space<vmem>> -> memref<1x80x128xf32, #tpu.memory_space<vmem>>
        %dma_wait3A_631 = tpu.memref_squeeze %dma_wait3A_630 : memref<1x80x128xf32, #tpu.memory_space<vmem>> -> memref<80x128xf32, #tpu.memory_space<vmem>>
        %dma_wait3A_632 = arith.constant 0 : i32
        %dma_wait3A_633 = tpu.memref_slice %arg8[%dma_wait3A_627, %sub3A_626, %dma_wait3A_632] : memref<2x25x80xi32, #tpu.memory_space<vmem>> -> memref<1x1x80xi32, #tpu.memory_space<vmem>>
        %dma_wait3A_634 = tpu.memref_squeeze %dma_wait3A_633 : memref<1x1x80xi32, #tpu.memory_space<vmem>> -> memref<80xi32, #tpu.memory_space<vmem>>
        %dma_wait3A_635 = arith.constant 0 : i32
        %dma_wait3A_636 = arith.constant 0 : i32
        %dma_wait3A_637 = tpu.memref_slice %arg10[%dma_wait3A_635, %dma_wait3A_636] : memref<10000x128xf32, #tpu.memory_space<vmem_shared>> -> memref<10000x128xf32, #tpu.memory_space<vmem_shared>>
        tpu.wait_indirect_dma semaphore(%arg12 : memref<!tpu.dma_semaphore, #tpu.memory_space<semaphore_mem>>) src(%dma_wait3A_631 : memref<80x128xf32, #tpu.memory_space<vmem>>) dst(%dma_wait3A_637 : memref<10000x128xf32, #tpu.memory_space<vmem_shared>>)
      } else {
      }
      %add3A_616 = arith.constant 2 : i32
      %add3A_617 = arith.addi %scan3A_590, %add3A_616 : i32
      %lt3A = arith.constant 25 : i32
      %lt3A_618 = arith.cmpi slt, %add3A_617, %lt3A : i32
      %convert_element_type3A_619 = arith.extui %lt3A_618 : i1 to i32
      %cond3A_620 = arith.constant 0 : i32
      %cond3A_621 = arith.cmpi ne, %convert_element_type3A_619, %cond3A_620 : i32
      scf.if %cond3A_621 {
        %add3A_622 = arith.constant 2 : i32
        %add3A_623 = arith.addi %scan3A_590, %add3A_622 : i32
        %add3A_624 = arith.constant 2 : i32
        %add3A_625 = arith.addi %scan3A_590, %add3A_624 : i32
        %rem3A_626 = arith.constant 3 : i32
        %rem3A_627 = arith.remsi %add3A_625, %rem3A_626 : i32
        %dma_start3A_628 = arith.constant 0 : i32
        %dma_start3A_629 = arith.constant 0 : i32
        %dma_start3A_630 = arith.constant 0 : i32
        %dma_start3A_631 = tpu.memref_slice %arg9[%rem3A_627, %dma_start3A_629, %dma_start3A_630] : memref<3x80x128xf32, #tpu.memory_space<vmem>> -> memref<1x80x128xf32, #tpu.memory_space<vmem>>
        %dma_start3A_632 = tpu.memref_squeeze %dma_start3A_631 : memref<1x80x128xf32, #tpu.memory_space<vmem>> -> memref<80x128xf32, #tpu.memory_space<vmem>>
        %dma_start3A_633 = arith.constant 0 : i32
        %dma_start3A_634 = tpu.memref_slice %arg7[%dma_start3A_628, %add3A_623, %dma_start3A_633] : memref<2x25x80xi32, #tpu.memory_space<vmem>> -> memref<1x1x80xi32, #tpu.memory_space<vmem>>
        %dma_start3A_635 = tpu.memref_squeeze %dma_start3A_634 : memref<1x1x80xi32, #tpu.memory_space<vmem>> -> memref<80xi32, #tpu.memory_space<vmem>>
        %dma_start3A_636 = arith.constant 0 : i32
        %dma_start3A_637 = arith.constant 0 : i32
        %dma_start3A_638 = tpu.memref_slice %arg2[%dma_start3A_636, %dma_start3A_637] : memref<10000x128xf32, #tpu.memory_space<hbm>> -> memref<10000x128xf32, #tpu.memory_space<hbm>>
        tpu.enqueue_indirect_dma source(%dma_start3A_638 : memref<10000x128xf32, #tpu.memory_space<hbm>>) target(%dma_start3A_632 : memref<80x128xf32, #tpu.memory_space<vmem>>) offsets(%dma_start3A_635 : memref<80xi32, #tpu.memory_space<vmem>>) semaphore(%arg11 : memref<!tpu.dma_semaphore, #tpu.memory_space<semaphore_mem>>)
      } else {
      }
    }
    %scan3A_143 = arith.constant 25 : i32
    %dma_wait3A_144 = arith.constant 0 : i32
    %dma_wait3A_145 = arith.constant 0 : i32
    %dma_wait3A_146 = arith.constant 24 : i32
    %dma_wait3A_147 = arith.constant 0 : i32
    %dma_wait3A_148 = arith.constant 0 : i32
    %dma_wait3A_149 = tpu.memref_slice %arg9[%dma_wait3A_144, %dma_wait3A_147, %dma_wait3A_148] : memref<3x80x128xf32, #tpu.memory_space<vmem>> -> memref<1x80x128xf32, #tpu.memory_space<vmem>>
    %dma_wait3A_150 = tpu.memref_squeeze %dma_wait3A_149 : memref<1x80x128xf32, #tpu.memory_space<vmem>> -> memref<80x128xf32, #tpu.memory_space<vmem>>
    %dma_wait3A_151 = arith.constant 0 : i32
    %dma_wait3A_152 = tpu.memref_slice %arg8[%dma_wait3A_145, %dma_wait3A_146, %dma_wait3A_151] : memref<2x25x80xi32, #tpu.memory_space<vmem>> -> memref<1x1x80xi32, #tpu.memory_space<vmem>>
    %dma_wait3A_153 = tpu.memref_squeeze %dma_wait3A_152 : memref<1x1x80xi32, #tpu.memory_space<vmem>> -> memref<80xi32, #tpu.memory_space<vmem>>
    %dma_wait3A_154 = arith.constant 0 : i32
    %dma_wait3A_155 = arith.constant 0 : i32
    %dma_wait3A_156 = tpu.memref_slice %arg10[%dma_wait3A_154, %dma_wait3A_155] : memref<10000x128xf32, #tpu.memory_space<vmem_shared>> -> memref<10000x128xf32, #tpu.memory_space<vmem_shared>>
    tpu.wait_indirect_dma semaphore(%arg12 : memref<!tpu.dma_semaphore, #tpu.memory_space<semaphore_mem>>) src(%dma_wait3A_150 : memref<80x128xf32, #tpu.memory_space<vmem>>) dst(%dma_wait3A_156 : memref<10000x128xf32, #tpu.memory_space<vmem_shared>>)
    %dma_wait3A_157 = arith.constant 1 : i32
    %dma_wait3A_158 = arith.constant 1 : i32
    %dma_wait3A_159 = arith.constant 0 : i32
    %dma_wait3A_160 = arith.constant 0 : i32
    %dma_wait3A_161 = tpu.memref_slice %arg7[%dma_wait3A_158, %dma_wait3A_159, %dma_wait3A_160] : memref<2x25x80xi32, #tpu.memory_space<vmem>> -> memref<1x25x80xi32, #tpu.memory_space<vmem>>
    %dma_wait3A_162 = tpu.memref_squeeze %dma_wait3A_161 : memref<1x25x80xi32, #tpu.memory_space<vmem>> -> memref<25x80xi32, #tpu.memory_space<vmem>>
    %dma_wait3A_163 = arith.constant 0 : i32
    %dma_wait3A_164 = arith.constant 0 : i32
    %dma_wait3A_165 = tpu.memref_slice %arg3[%add3A, %dma_wait3A_157, %dma_wait3A_163, %dma_wait3A_164] : memref<32x5x25x80xi32, #tpu.memory_space<hbm>> -> memref<1x1x25x80xi32, #tpu.memory_space<hbm>>
    %dma_wait3A_166 = tpu.memref_squeeze %dma_wait3A_165 : memref<1x1x25x80xi32, #tpu.memory_space<hbm>> -> memref<25x80xi32, #tpu.memory_space<hbm>>
    %dma_wait3A_167 = arith.constant 0 : i32
    %dma_wait3A_168 = arith.constant 0 : i32
    %dma_wait3A_169 = tpu.memref_slice %arg7[%dma_wait3A_158, %dma_wait3A_167, %dma_wait3A_168] : memref<2x25x80xi32, #tpu.memory_space<vmem>> -> memref<1x25x80xi32, #tpu.memory_space<vmem>>
    %dma_wait3A_170 = tpu.memref_squeeze %dma_wait3A_169 : memref<1x25x80xi32, #tpu.memory_space<vmem>> -> memref<25x80xi32, #tpu.memory_space<vmem>>
    %dma_wait3A_171 = arith.constant 0 : i32
    %dma_wait3A_172 = arith.constant 0 : i32
    %dma_wait3A_173 = tpu.memref_slice %arg3[%add3A, %dma_wait3A_157, %dma_wait3A_171, %dma_wait3A_172] : memref<32x5x25x80xi32, #tpu.memory_space<hbm>> -> memref<1x1x25x80xi32, #tpu.memory_space<hbm>>
    %dma_wait3A_174 = tpu.memref_squeeze %dma_wait3A_173 : memref<1x1x25x80xi32, #tpu.memory_space<hbm>> -> memref<25x80xi32, #tpu.memory_space<hbm>>
    tpu.wait_dma2 semaphore(%arg13 : memref<!tpu.dma_semaphore, #tpu.memory_space<semaphore_mem>>) src(%dma_wait3A_174 : memref<25x80xi32, #tpu.memory_space<hbm>>) dst(%dma_wait3A_170 : memref<25x80xi32, #tpu.memory_space<vmem>>)
    %dma_wait3A_175 = arith.constant 1 : i32
    %dma_wait3A_176 = arith.constant 1 : i32
    %dma_wait3A_177 = arith.constant 0 : i32
    %dma_wait3A_178 = arith.constant 0 : i32
    %dma_wait3A_179 = tpu.memref_slice %arg8[%dma_wait3A_176, %dma_wait3A_177, %dma_wait3A_178] : memref<2x25x80xi32, #tpu.memory_space<vmem>> -> memref<1x25x80xi32, #tpu.memory_space<vmem>>
    %dma_wait3A_180 = tpu.memref_squeeze %dma_wait3A_179 : memref<1x25x80xi32, #tpu.memory_space<vmem>> -> memref<25x80xi32, #tpu.memory_space<vmem>>
    %dma_wait3A_181 = arith.constant 0 : i32
    %dma_wait3A_182 = arith.constant 0 : i32
    %dma_wait3A_183 = tpu.memref_slice %arg4[%add3A, %dma_wait3A_175, %dma_wait3A_181, %dma_wait3A_182] : memref<32x5x25x80xi32, #tpu.memory_space<hbm>> -> memref<1x1x25x80xi32, #tpu.memory_space<hbm>>
    %dma_wait3A_184 = tpu.memref_squeeze %dma_wait3A_183 : memref<1x1x25x80xi32, #tpu.memory_space<hbm>> -> memref<25x80xi32, #tpu.memory_space<hbm>>
    %dma_wait3A_185 = arith.constant 0 : i32
    %dma_wait3A_186 = arith.constant 0 : i32
    %dma_wait3A_187 = tpu.memref_slice %arg8[%dma_wait3A_176, %dma_wait3A_185, %dma_wait3A_186] : memref<2x25x80xi32, #tpu.memory_space<vmem>> -> memref<1x25x80xi32, #tpu.memory_space<vmem>>
    %dma_wait3A_188 = tpu.memref_squeeze %dma_wait3A_187 : memref<1x25x80xi32, #tpu.memory_space<vmem>> -> memref<25x80xi32, #tpu.memory_space<vmem>>
    %dma_wait3A_189 = arith.constant 0 : i32
    %dma_wait3A_190 = arith.constant 0 : i32
    %dma_wait3A_191 = tpu.memref_slice %arg4[%add3A, %dma_wait3A_175, %dma_wait3A_189, %dma_wait3A_190] : memref<32x5x25x80xi32, #tpu.memory_space<hbm>> -> memref<1x1x25x80xi32, #tpu.memory_space<hbm>>
    %dma_wait3A_192 = tpu.memref_squeeze %dma_wait3A_191 : memref<1x1x25x80xi32, #tpu.memory_space<hbm>> -> memref<25x80xi32, #tpu.memory_space<hbm>>
    tpu.wait_dma2 semaphore(%arg13 : memref<!tpu.dma_semaphore, #tpu.memory_space<semaphore_mem>>) src(%dma_wait3A_192 : memref<25x80xi32, #tpu.memory_space<hbm>>) dst(%dma_wait3A_188 : memref<25x80xi32, #tpu.memory_space<vmem>>)
    %dma_start3A_193 = arith.constant 1 : i32
    %dma_start3A_194 = arith.constant 0 : i32
    %dma_start3A_195 = arith.constant 0 : i32
    %dma_start3A_196 = arith.constant 0 : i32
    %dma_start3A_197 = arith.constant 0 : i32
    %dma_start3A_198 = tpu.memref_slice %arg9[%dma_start3A_195, %dma_start3A_196, %dma_start3A_197] : memref<3x80x128xf32, #tpu.memory_space<vmem>> -> memref<1x80x128xf32, #tpu.memory_space<vmem>>
    %dma_start3A_199 = tpu.memref_squeeze %dma_start3A_198 : memref<1x80x128xf32, #tpu.memory_space<vmem>> -> memref<80x128xf32, #tpu.memory_space<vmem>>
    %dma_start3A_200 = arith.constant 0 : i32
    %dma_start3A_201 = tpu.memref_slice %arg7[%dma_start3A_193, %dma_start3A_194, %dma_start3A_200] : memref<2x25x80xi32, #tpu.memory_space<vmem>> -> memref<1x1x80xi32, #tpu.memory_space<vmem>>
    %dma_start3A_202 = tpu.memref_squeeze %dma_start3A_201 : memref<1x1x80xi32, #tpu.memory_space<vmem>> -> memref<80xi32, #tpu.memory_space<vmem>>
    %dma_start3A_203 = arith.constant 0 : i32
    %dma_start3A_204 = arith.constant 0 : i32
    %dma_start3A_205 = tpu.memref_slice %arg2[%dma_start3A_203, %dma_start3A_204] : memref<10000x128xf32, #tpu.memory_space<hbm>> -> memref<10000x128xf32, #tpu.memory_space<hbm>>
    tpu.enqueue_indirect_dma source(%dma_start3A_205 : memref<10000x128xf32, #tpu.memory_space<hbm>>) target(%dma_start3A_199 : memref<80x128xf32, #tpu.memory_space<vmem>>) offsets(%dma_start3A_202 : memref<80xi32, #tpu.memory_space<vmem>>) semaphore(%arg11 : memref<!tpu.dma_semaphore, #tpu.memory_space<semaphore_mem>>)
    %dma_start3A_206 = arith.constant 1 : i32
    %dma_start3A_207 = arith.constant 1 : i32
    %dma_start3A_208 = arith.constant 1 : i32
    %dma_start3A_209 = arith.constant 0 : i32
    %dma_start3A_210 = arith.constant 0 : i32
    %dma_start3A_211 = tpu.memref_slice %arg9[%dma_start3A_208, %dma_start3A_209, %dma_start3A_210] : memref<3x80x128xf32, #tpu.memory_space<vmem>> -> memref<1x80x128xf32, #tpu.memory_space<vmem>>
    %dma_start3A_212 = tpu.memref_squeeze %dma_start3A_211 : memref<1x80x128xf32, #tpu.memory_space<vmem>> -> memref<80x128xf32, #tpu.memory_space<vmem>>
    %dma_start3A_213 = arith.constant 0 : i32
    %dma_start3A_214 = tpu.memref_slice %arg7[%dma_start3A_206, %dma_start3A_207, %dma_start3A_213] : memref<2x25x80xi32, #tpu.memory_space<vmem>> -> memref<1x1x80xi32, #tpu.memory_space<vmem>>
    %dma_start3A_215 = tpu.memref_squeeze %dma_start3A_214 : memref<1x1x80xi32, #tpu.memory_space<vmem>> -> memref<80xi32, #tpu.memory_space<vmem>>
    %dma_start3A_216 = arith.constant 0 : i32
    %dma_start3A_217 = arith.constant 0 : i32
    %dma_start3A_218 = tpu.memref_slice %arg2[%dma_start3A_216, %dma_start3A_217] : memref<10000x128xf32, #tpu.memory_space<hbm>> -> memref<10000x128xf32, #tpu.memory_space<hbm>>
    tpu.enqueue_indirect_dma source(%dma_start3A_218 : memref<10000x128xf32, #tpu.memory_space<hbm>>) target(%dma_start3A_212 : memref<80x128xf32, #tpu.memory_space<vmem>>) offsets(%dma_start3A_215 : memref<80xi32, #tpu.memory_space<vmem>>) semaphore(%arg11 : memref<!tpu.dma_semaphore, #tpu.memory_space<semaphore_mem>>)
    %dma_start3A_219 = arith.constant 2 : i32
    %dma_start3A_220 = arith.constant 0 : i32
    %dma_start3A_221 = arith.constant 0 : i32
    %dma_start3A_222 = arith.constant 0 : i32
    %dma_start3A_223 = tpu.memref_slice %arg7[%dma_start3A_220, %dma_start3A_221, %dma_start3A_222] : memref<2x25x80xi32, #tpu.memory_space<vmem>> -> memref<1x25x80xi32, #tpu.memory_space<vmem>>
    %dma_start3A_224 = tpu.memref_squeeze %dma_start3A_223 : memref<1x25x80xi32, #tpu.memory_space<vmem>> -> memref<25x80xi32, #tpu.memory_space<vmem>>
    %dma_start3A_225 = arith.constant 0 : i32
    %dma_start3A_226 = arith.constant 0 : i32
    %dma_start3A_227 = tpu.memref_slice %arg3[%add3A, %dma_start3A_219, %dma_start3A_225, %dma_start3A_226] : memref<32x5x25x80xi32, #tpu.memory_space<hbm>> -> memref<1x1x25x80xi32, #tpu.memory_space<hbm>>
    %dma_start3A_228 = tpu.memref_squeeze %dma_start3A_227 : memref<1x1x25x80xi32, #tpu.memory_space<hbm>> -> memref<25x80xi32, #tpu.memory_space<hbm>>
    %dma_start3A_229 = arith.constant 0 : i32
    %dma_start3A_230 = arith.constant 0 : i32
    %dma_start3A_231 = tpu.memref_slice %arg7[%dma_start3A_220, %dma_start3A_229, %dma_start3A_230] : memref<2x25x80xi32, #tpu.memory_space<vmem>> -> memref<1x25x80xi32, #tpu.memory_space<vmem>>
    %dma_start3A_232 = tpu.memref_squeeze %dma_start3A_231 : memref<1x25x80xi32, #tpu.memory_space<vmem>> -> memref<25x80xi32, #tpu.memory_space<vmem>>
    %dma_start3A_233 = arith.constant 0 : i32
    %dma_start3A_234 = arith.constant 0 : i32
    %dma_start3A_235 = tpu.memref_slice %arg3[%add3A, %dma_start3A_219, %dma_start3A_233, %dma_start3A_234] : memref<32x5x25x80xi32, #tpu.memory_space<hbm>> -> memref<1x1x25x80xi32, #tpu.memory_space<hbm>>
    %dma_start3A_236 = tpu.memref_squeeze %dma_start3A_235 : memref<1x1x25x80xi32, #tpu.memory_space<hbm>> -> memref<25x80xi32, #tpu.memory_space<hbm>>
    tpu.enqueue_dma source(%dma_start3A_236 : memref<25x80xi32, #tpu.memory_space<hbm>>) target(%dma_start3A_232 : memref<25x80xi32, #tpu.memory_space<vmem>>) target_semaphore(%arg13 : memref<!tpu.dma_semaphore, #tpu.memory_space<semaphore_mem>>)
    %dma_start3A_237 = arith.constant 2 : i32
    %dma_start3A_238 = arith.constant 0 : i32
    %dma_start3A_239 = arith.constant 0 : i32
    %dma_start3A_240 = arith.constant 0 : i32
    %dma_start3A_241 = tpu.memref_slice %arg8[%dma_start3A_238, %dma_start3A_239, %dma_start3A_240] : memref<2x25x80xi32, #tpu.memory_space<vmem>> -> memref<1x25x80xi32, #tpu.memory_space<vmem>>
    %dma_start3A_242 = tpu.memref_squeeze %dma_start3A_241 : memref<1x25x80xi32, #tpu.memory_space<vmem>> -> memref<25x80xi32, #tpu.memory_space<vmem>>
    %dma_start3A_243 = arith.constant 0 : i32
    %dma_start3A_244 = arith.constant 0 : i32
    %dma_start3A_245 = tpu.memref_slice %arg4[%add3A, %dma_start3A_237, %dma_start3A_243, %dma_start3A_244] : memref<32x5x25x80xi32, #tpu.memory_space<hbm>> -> memref<1x1x25x80xi32, #tpu.memory_space<hbm>>
    %dma_start3A_246 = tpu.memref_squeeze %dma_start3A_245 : memref<1x1x25x80xi32, #tpu.memory_space<hbm>> -> memref<25x80xi32, #tpu.memory_space<hbm>>
    %dma_start3A_247 = arith.constant 0 : i32
    %dma_start3A_248 = arith.constant 0 : i32
    %dma_start3A_249 = tpu.memref_slice %arg8[%dma_start3A_238, %dma_start3A_247, %dma_start3A_248] : memref<2x25x80xi32, #tpu.memory_space<vmem>> -> memref<1x25x80xi32, #tpu.memory_space<vmem>>
    %dma_start3A_250 = tpu.memref_squeeze %dma_start3A_249 : memref<1x25x80xi32, #tpu.memory_space<vmem>> -> memref<25x80xi32, #tpu.memory_space<vmem>>
    %dma_start3A_251 = arith.constant 0 : i32
    %dma_start3A_252 = arith.constant 0 : i32
    %dma_start3A_253 = tpu.memref_slice %arg4[%add3A, %dma_start3A_237, %dma_start3A_251, %dma_start3A_252] : memref<32x5x25x80xi32, #tpu.memory_space<hbm>> -> memref<1x1x25x80xi32, #tpu.memory_space<hbm>>
    %dma_start3A_254 = tpu.memref_squeeze %dma_start3A_253 : memref<1x1x25x80xi32, #tpu.memory_space<hbm>> -> memref<25x80xi32, #tpu.memory_space<hbm>>
    tpu.enqueue_dma source(%dma_start3A_254 : memref<25x80xi32, #tpu.memory_space<hbm>>) target(%dma_start3A_250 : memref<25x80xi32, #tpu.memory_space<vmem>>) target_semaphore(%arg13 : memref<!tpu.dma_semaphore, #tpu.memory_space<semaphore_mem>>)
    %scan3A_255 = arith.constant 0 : i32
    %scan3A_256 = arith.constant 0 : i32
    %scan3A_257 = arith.constant 25 : i32
    %scan3A_258 = arith.addi %scan3A_256, %scan3A_257 : i32
    %scan3A_259 = arith.constant 1 : i32
    scf.for %scan3A_590 = %scan3A_256 to %scan3A_258 step %scan3A_259  : i32 {
      %rem3A = arith.constant 3 : i32
      %rem3A_591 = arith.remsi %scan3A_590, %rem3A : i32
      %dma_wait3A_592 = arith.constant 1 : i32
      %dma_wait3A_593 = arith.constant 0 : i32
      %dma_wait3A_594 = arith.constant 0 : i32
      %dma_wait3A_595 = tpu.memref_slice %arg9[%rem3A_591, %dma_wait3A_593, %dma_wait3A_594] : memref<3x80x128xf32, #tpu.memory_space<vmem>> -> memref<1x80x128xf32, #tpu.memory_space<vmem>>
      %dma_wait3A_596 = tpu.memref_squeeze %dma_wait3A_595 : memref<1x80x128xf32, #tpu.memory_space<vmem>> -> memref<80x128xf32, #tpu.memory_space<vmem>>
      %dma_wait3A_597 = arith.constant 0 : i32
      %dma_wait3A_598 = tpu.memref_slice %arg7[%dma_wait3A_592, %scan3A_590, %dma_wait3A_597] : memref<2x25x80xi32, #tpu.memory_space<vmem>> -> memref<1x1x80xi32, #tpu.memory_space<vmem>>
      %dma_wait3A_599 = tpu.memref_squeeze %dma_wait3A_598 : memref<1x1x80xi32, #tpu.memory_space<vmem>> -> memref<80xi32, #tpu.memory_space<vmem>>
      %dma_wait3A_600 = arith.constant 0 : i32
      %dma_wait3A_601 = arith.constant 0 : i32
      %dma_wait3A_602 = tpu.memref_slice %arg2[%dma_wait3A_600, %dma_wait3A_601] : memref<10000x128xf32, #tpu.memory_space<hbm>> -> memref<10000x128xf32, #tpu.memory_space<hbm>>
      tpu.wait_indirect_dma semaphore(%arg11 : memref<!tpu.dma_semaphore, #tpu.memory_space<semaphore_mem>>) src(%dma_wait3A_602 : memref<10000x128xf32, #tpu.memory_space<hbm>>) dst(%dma_wait3A_596 : memref<80x128xf32, #tpu.memory_space<vmem>>)
      %dma_start3A_603 = arith.constant 1 : i32
      %dma_start3A_604 = arith.constant 0 : i32
      %dma_start3A_605 = arith.constant 0 : i32
      %dma_start3A_606 = tpu.memref_slice %arg9[%rem3A_591, %dma_start3A_604, %dma_start3A_605] : memref<3x80x128xf32, #tpu.memory_space<vmem>> -> memref<1x80x128xf32, #tpu.memory_space<vmem>>
      %dma_start3A_607 = tpu.memref_squeeze %dma_start3A_606 : memref<1x80x128xf32, #tpu.memory_space<vmem>> -> memref<80x128xf32, #tpu.memory_space<vmem>>
      %dma_start3A_608 = arith.constant 0 : i32
      %dma_start3A_609 = tpu.memref_slice %arg8[%dma_start3A_603, %scan3A_590, %dma_start3A_608] : memref<2x25x80xi32, #tpu.memory_space<vmem>> -> memref<1x1x80xi32, #tpu.memory_space<vmem>>
      %dma_start3A_610 = tpu.memref_squeeze %dma_start3A_609 : memref<1x1x80xi32, #tpu.memory_space<vmem>> -> memref<80xi32, #tpu.memory_space<vmem>>
      %dma_start3A_611 = arith.constant 0 : i32
      %dma_start3A_612 = arith.constant 0 : i32
      %dma_start3A_613 = tpu.memref_slice %arg10[%dma_start3A_611, %dma_start3A_612] : memref<10000x128xf32, #tpu.memory_space<vmem_shared>> -> memref<10000x128xf32, #tpu.memory_space<vmem_shared>>
      tpu.enqueue_indirect_dma source(%dma_start3A_607 : memref<80x128xf32, #tpu.memory_space<vmem>>) target(%dma_start3A_613 : memref<10000x128xf32, #tpu.memory_space<vmem_shared>>) offsets(%dma_start3A_610 : memref<80xi32, #tpu.memory_space<vmem>>) semaphore(%arg12 : memref<!tpu.dma_semaphore, #tpu.memory_space<semaphore_mem>>) {add = true}
      %gt3A = arith.constant 0 : i32
      %gt3A_614 = arith.cmpi sgt, %scan3A_590, %gt3A : i32
      %convert_element_type3A = arith.extui %gt3A_614 : i1 to i32
      %cond3A = arith.constant 0 : i32
      %cond3A_615 = arith.cmpi ne, %convert_element_type3A, %cond3A : i32
      scf.if %cond3A_615 {
        %sub3A = arith.constant 1 : i32
        %sub3A_622 = arith.subi %scan3A_590, %sub3A : i32
        %rem3A_623 = arith.constant 3 : i32
        %rem3A_624 = arith.remsi %sub3A_622, %rem3A_623 : i32
        %sub3A_625 = arith.constant 1 : i32
        %sub3A_626 = arith.subi %scan3A_590, %sub3A_625 : i32
        %dma_wait3A_627 = arith.constant 1 : i32
        %dma_wait3A_628 = arith.constant 0 : i32
        %dma_wait3A_629 = arith.constant 0 : i32
        %dma_wait3A_630 = tpu.memref_slice %arg9[%rem3A_624, %dma_wait3A_628, %dma_wait3A_629] : memref<3x80x128xf32, #tpu.memory_space<vmem>> -> memref<1x80x128xf32, #tpu.memory_space<vmem>>
        %dma_wait3A_631 = tpu.memref_squeeze %dma_wait3A_630 : memref<1x80x128xf32, #tpu.memory_space<vmem>> -> memref<80x128xf32, #tpu.memory_space<vmem>>
        %dma_wait3A_632 = arith.constant 0 : i32
        %dma_wait3A_633 = tpu.memref_slice %arg8[%dma_wait3A_627, %sub3A_626, %dma_wait3A_632] : memref<2x25x80xi32, #tpu.memory_space<vmem>> -> memref<1x1x80xi32, #tpu.memory_space<vmem>>
        %dma_wait3A_634 = tpu.memref_squeeze %dma_wait3A_633 : memref<1x1x80xi32, #tpu.memory_space<vmem>> -> memref<80xi32, #tpu.memory_space<vmem>>
        %dma_wait3A_635 = arith.constant 0 : i32
        %dma_wait3A_636 = arith.constant 0 : i32
        %dma_wait3A_637 = tpu.memref_slice %arg10[%dma_wait3A_635, %dma_wait3A_636] : memref<10000x128xf32, #tpu.memory_space<vmem_shared>> -> memref<10000x128xf32, #tpu.memory_space<vmem_shared>>
        tpu.wait_indirect_dma semaphore(%arg12 : memref<!tpu.dma_semaphore, #tpu.memory_space<semaphore_mem>>) src(%dma_wait3A_631 : memref<80x128xf32, #tpu.memory_space<vmem>>) dst(%dma_wait3A_637 : memref<10000x128xf32, #tpu.memory_space<vmem_shared>>)
      } else {
      }
      %add3A_616 = arith.constant 2 : i32
      %add3A_617 = arith.addi %scan3A_590, %add3A_616 : i32
      %lt3A = arith.constant 25 : i32
      %lt3A_618 = arith.cmpi slt, %add3A_617, %lt3A : i32
      %convert_element_type3A_619 = arith.extui %lt3A_618 : i1 to i32
      %cond3A_620 = arith.constant 0 : i32
      %cond3A_621 = arith.cmpi ne, %convert_element_type3A_619, %cond3A_620 : i32
      scf.if %cond3A_621 {
        %add3A_622 = arith.constant 2 : i32
        %add3A_623 = arith.addi %scan3A_590, %add3A_622 : i32
        %add3A_624 = arith.constant 2 : i32
        %add3A_625 = arith.addi %scan3A_590, %add3A_624 : i32
        %rem3A_626 = arith.constant 3 : i32
        %rem3A_627 = arith.remsi %add3A_625, %rem3A_626 : i32
        %dma_start3A_628 = arith.constant 1 : i32
        %dma_start3A_629 = arith.constant 0 : i32
        %dma_start3A_630 = arith.constant 0 : i32
        %dma_start3A_631 = tpu.memref_slice %arg9[%rem3A_627, %dma_start3A_629, %dma_start3A_630] : memref<3x80x128xf32, #tpu.memory_space<vmem>> -> memref<1x80x128xf32, #tpu.memory_space<vmem>>
        %dma_start3A_632 = tpu.memref_squeeze %dma_start3A_631 : memref<1x80x128xf32, #tpu.memory_space<vmem>> -> memref<80x128xf32, #tpu.memory_space<vmem>>
        %dma_start3A_633 = arith.constant 0 : i32
        %dma_start3A_634 = tpu.memref_slice %arg7[%dma_start3A_628, %add3A_623, %dma_start3A_633] : memref<2x25x80xi32, #tpu.memory_space<vmem>> -> memref<1x1x80xi32, #tpu.memory_space<vmem>>
        %dma_start3A_635 = tpu.memref_squeeze %dma_start3A_634 : memref<1x1x80xi32, #tpu.memory_space<vmem>> -> memref<80xi32, #tpu.memory_space<vmem>>
        %dma_start3A_636 = arith.constant 0 : i32
        %dma_start3A_637 = arith.constant 0 : i32
        %dma_start3A_638 = tpu.memref_slice %arg2[%dma_start3A_636, %dma_start3A_637] : memref<10000x128xf32, #tpu.memory_space<hbm>> -> memref<10000x128xf32, #tpu.memory_space<hbm>>
        tpu.enqueue_indirect_dma source(%dma_start3A_638 : memref<10000x128xf32, #tpu.memory_space<hbm>>) target(%dma_start3A_632 : memref<80x128xf32, #tpu.memory_space<vmem>>) offsets(%dma_start3A_635 : memref<80xi32, #tpu.memory_space<vmem>>) semaphore(%arg11 : memref<!tpu.dma_semaphore, #tpu.memory_space<semaphore_mem>>)
      } else {
      }
    }
    %scan3A_260 = arith.constant 25 : i32
    %dma_wait3A_261 = arith.constant 0 : i32
    %dma_wait3A_262 = arith.constant 1 : i32
    %dma_wait3A_263 = arith.constant 24 : i32
    %dma_wait3A_264 = arith.constant 0 : i32
    %dma_wait3A_265 = arith.constant 0 : i32
    %dma_wait3A_266 = tpu.memref_slice %arg9[%dma_wait3A_261, %dma_wait3A_264, %dma_wait3A_265] : memref<3x80x128xf32, #tpu.memory_space<vmem>> -> memref<1x80x128xf32, #tpu.memory_space<vmem>>
    %dma_wait3A_267 = tpu.memref_squeeze %dma_wait3A_266 : memref<1x80x128xf32, #tpu.memory_space<vmem>> -> memref<80x128xf32, #tpu.memory_space<vmem>>
    %dma_wait3A_268 = arith.constant 0 : i32
    %dma_wait3A_269 = tpu.memref_slice %arg8[%dma_wait3A_262, %dma_wait3A_263, %dma_wait3A_268] : memref<2x25x80xi32, #tpu.memory_space<vmem>> -> memref<1x1x80xi32, #tpu.memory_space<vmem>>
    %dma_wait3A_270 = tpu.memref_squeeze %dma_wait3A_269 : memref<1x1x80xi32, #tpu.memory_space<vmem>> -> memref<80xi32, #tpu.memory_space<vmem>>
    %dma_wait3A_271 = arith.constant 0 : i32
    %dma_wait3A_272 = arith.constant 0 : i32
    %dma_wait3A_273 = tpu.memref_slice %arg10[%dma_wait3A_271, %dma_wait3A_272] : memref<10000x128xf32, #tpu.memory_space<vmem_shared>> -> memref<10000x128xf32, #tpu.memory_space<vmem_shared>>
    tpu.wait_indirect_dma semaphore(%arg12 : memref<!tpu.dma_semaphore, #tpu.memory_space<semaphore_mem>>) src(%dma_wait3A_267 : memref<80x128xf32, #tpu.memory_space<vmem>>) dst(%dma_wait3A_273 : memref<10000x128xf32, #tpu.memory_space<vmem_shared>>)
    %dma_wait3A_274 = arith.constant 2 : i32
    %dma_wait3A_275 = arith.constant 0 : i32
    %dma_wait3A_276 = arith.constant 0 : i32
    %dma_wait3A_277 = arith.constant 0 : i32
    %dma_wait3A_278 = tpu.memref_slice %arg7[%dma_wait3A_275, %dma_wait3A_276, %dma_wait3A_277] : memref<2x25x80xi32, #tpu.memory_space<vmem>> -> memref<1x25x80xi32, #tpu.memory_space<vmem>>
    %dma_wait3A_279 = tpu.memref_squeeze %dma_wait3A_278 : memref<1x25x80xi32, #tpu.memory_space<vmem>> -> memref<25x80xi32, #tpu.memory_space<vmem>>
    %dma_wait3A_280 = arith.constant 0 : i32
    %dma_wait3A_281 = arith.constant 0 : i32
    %dma_wait3A_282 = tpu.memref_slice %arg3[%add3A, %dma_wait3A_274, %dma_wait3A_280, %dma_wait3A_281] : memref<32x5x25x80xi32, #tpu.memory_space<hbm>> -> memref<1x1x25x80xi32, #tpu.memory_space<hbm>>
    %dma_wait3A_283 = tpu.memref_squeeze %dma_wait3A_282 : memref<1x1x25x80xi32, #tpu.memory_space<hbm>> -> memref<25x80xi32, #tpu.memory_space<hbm>>
    %dma_wait3A_284 = arith.constant 0 : i32
    %dma_wait3A_285 = arith.constant 0 : i32
    %dma_wait3A_286 = tpu.memref_slice %arg7[%dma_wait3A_275, %dma_wait3A_284, %dma_wait3A_285] : memref<2x25x80xi32, #tpu.memory_space<vmem>> -> memref<1x25x80xi32, #tpu.memory_space<vmem>>
    %dma_wait3A_287 = tpu.memref_squeeze %dma_wait3A_286 : memref<1x25x80xi32, #tpu.memory_space<vmem>> -> memref<25x80xi32, #tpu.memory_space<vmem>>
    %dma_wait3A_288 = arith.constant 0 : i32
    %dma_wait3A_289 = arith.constant 0 : i32
    %dma_wait3A_290 = tpu.memref_slice %arg3[%add3A, %dma_wait3A_274, %dma_wait3A_288, %dma_wait3A_289] : memref<32x5x25x80xi32, #tpu.memory_space<hbm>> -> memref<1x1x25x80xi32, #tpu.memory_space<hbm>>
    %dma_wait3A_291 = tpu.memref_squeeze %dma_wait3A_290 : memref<1x1x25x80xi32, #tpu.memory_space<hbm>> -> memref<25x80xi32, #tpu.memory_space<hbm>>
    tpu.wait_dma2 semaphore(%arg13 : memref<!tpu.dma_semaphore, #tpu.memory_space<semaphore_mem>>) src(%dma_wait3A_291 : memref<25x80xi32, #tpu.memory_space<hbm>>) dst(%dma_wait3A_287 : memref<25x80xi32, #tpu.memory_space<vmem>>)
    %dma_wait3A_292 = arith.constant 2 : i32
    %dma_wait3A_293 = arith.constant 0 : i32
    %dma_wait3A_294 = arith.constant 0 : i32
    %dma_wait3A_295 = arith.constant 0 : i32
    %dma_wait3A_296 = tpu.memref_slice %arg8[%dma_wait3A_293, %dma_wait3A_294, %dma_wait3A_295] : memref<2x25x80xi32, #tpu.memory_space<vmem>> -> memref<1x25x80xi32, #tpu.memory_space<vmem>>
    %dma_wait3A_297 = tpu.memref_squeeze %dma_wait3A_296 : memref<1x25x80xi32, #tpu.memory_space<vmem>> -> memref<25x80xi32, #tpu.memory_space<vmem>>
    %dma_wait3A_298 = arith.constant 0 : i32
    %dma_wait3A_299 = arith.constant 0 : i32
    %dma_wait3A_300 = tpu.memref_slice %arg4[%add3A, %dma_wait3A_292, %dma_wait3A_298, %dma_wait3A_299] : memref<32x5x25x80xi32, #tpu.memory_space<hbm>> -> memref<1x1x25x80xi32, #tpu.memory_space<hbm>>
    %dma_wait3A_301 = tpu.memref_squeeze %dma_wait3A_300 : memref<1x1x25x80xi32, #tpu.memory_space<hbm>> -> memref<25x80xi32, #tpu.memory_space<hbm>>
    %dma_wait3A_302 = arith.constant 0 : i32
    %dma_wait3A_303 = arith.constant 0 : i32
    %dma_wait3A_304 = tpu.memref_slice %arg8[%dma_wait3A_293, %dma_wait3A_302, %dma_wait3A_303] : memref<2x25x80xi32, #tpu.memory_space<vmem>> -> memref<1x25x80xi32, #tpu.memory_space<vmem>>
    %dma_wait3A_305 = tpu.memref_squeeze %dma_wait3A_304 : memref<1x25x80xi32, #tpu.memory_space<vmem>> -> memref<25x80xi32, #tpu.memory_space<vmem>>
    %dma_wait3A_306 = arith.constant 0 : i32
    %dma_wait3A_307 = arith.constant 0 : i32
    %dma_wait3A_308 = tpu.memref_slice %arg4[%add3A, %dma_wait3A_292, %dma_wait3A_306, %dma_wait3A_307] : memref<32x5x25x80xi32, #tpu.memory_space<hbm>> -> memref<1x1x25x80xi32, #tpu.memory_space<hbm>>
    %dma_wait3A_309 = tpu.memref_squeeze %dma_wait3A_308 : memref<1x1x25x80xi32, #tpu.memory_space<hbm>> -> memref<25x80xi32, #tpu.memory_space<hbm>>
    tpu.wait_dma2 semaphore(%arg13 : memref<!tpu.dma_semaphore, #tpu.memory_space<semaphore_mem>>) src(%dma_wait3A_309 : memref<25x80xi32, #tpu.memory_space<hbm>>) dst(%dma_wait3A_305 : memref<25x80xi32, #tpu.memory_space<vmem>>)
    %dma_start3A_310 = arith.constant 0 : i32
    %dma_start3A_311 = arith.constant 0 : i32
    %dma_start3A_312 = arith.constant 0 : i32
    %dma_start3A_313 = arith.constant 0 : i32
    %dma_start3A_314 = arith.constant 0 : i32
    %dma_start3A_315 = tpu.memref_slice %arg9[%dma_start3A_312, %dma_start3A_313, %dma_start3A_314] : memref<3x80x128xf32, #tpu.memory_space<vmem>> -> memref<1x80x128xf32, #tpu.memory_space<vmem>>
    %dma_start3A_316 = tpu.memref_squeeze %dma_start3A_315 : memref<1x80x128xf32, #tpu.memory_space<vmem>> -> memref<80x128xf32, #tpu.memory_space<vmem>>
    %dma_start3A_317 = arith.constant 0 : i32
    %dma_start3A_318 = tpu.memref_slice %arg7[%dma_start3A_310, %dma_start3A_311, %dma_start3A_317] : memref<2x25x80xi32, #tpu.memory_space<vmem>> -> memref<1x1x80xi32, #tpu.memory_space<vmem>>
    %dma_start3A_319 = tpu.memref_squeeze %dma_start3A_318 : memref<1x1x80xi32, #tpu.memory_space<vmem>> -> memref<80xi32, #tpu.memory_space<vmem>>
    %dma_start3A_320 = arith.constant 0 : i32
    %dma_start3A_321 = arith.constant 0 : i32
    %dma_start3A_322 = tpu.memref_slice %arg2[%dma_start3A_320, %dma_start3A_321] : memref<10000x128xf32, #tpu.memory_space<hbm>> -> memref<10000x128xf32, #tpu.memory_space<hbm>>
    tpu.enqueue_indirect_dma source(%dma_start3A_322 : memref<10000x128xf32, #tpu.memory_space<hbm>>) target(%dma_start3A_316 : memref<80x128xf32, #tpu.memory_space<vmem>>) offsets(%dma_start3A_319 : memref<80xi32, #tpu.memory_space<vmem>>) semaphore(%arg11 : memref<!tpu.dma_semaphore, #tpu.memory_space<semaphore_mem>>)
    %dma_start3A_323 = arith.constant 0 : i32
    %dma_start3A_324 = arith.constant 1 : i32
    %dma_start3A_325 = arith.constant 1 : i32
    %dma_start3A_326 = arith.constant 0 : i32
    %dma_start3A_327 = arith.constant 0 : i32
    %dma_start3A_328 = tpu.memref_slice %arg9[%dma_start3A_325, %dma_start3A_326, %dma_start3A_327] : memref<3x80x128xf32, #tpu.memory_space<vmem>> -> memref<1x80x128xf32, #tpu.memory_space<vmem>>
    %dma_start3A_329 = tpu.memref_squeeze %dma_start3A_328 : memref<1x80x128xf32, #tpu.memory_space<vmem>> -> memref<80x128xf32, #tpu.memory_space<vmem>>
    %dma_start3A_330 = arith.constant 0 : i32
    %dma_start3A_331 = tpu.memref_slice %arg7[%dma_start3A_323, %dma_start3A_324, %dma_start3A_330] : memref<2x25x80xi32, #tpu.memory_space<vmem>> -> memref<1x1x80xi32, #tpu.memory_space<vmem>>
    %dma_start3A_332 = tpu.memref_squeeze %dma_start3A_331 : memref<1x1x80xi32, #tpu.memory_space<vmem>> -> memref<80xi32, #tpu.memory_space<vmem>>
    %dma_start3A_333 = arith.constant 0 : i32
    %dma_start3A_334 = arith.constant 0 : i32
    %dma_start3A_335 = tpu.memref_slice %arg2[%dma_start3A_333, %dma_start3A_334] : memref<10000x128xf32, #tpu.memory_space<hbm>> -> memref<10000x128xf32, #tpu.memory_space<hbm>>
    tpu.enqueue_indirect_dma source(%dma_start3A_335 : memref<10000x128xf32, #tpu.memory_space<hbm>>) target(%dma_start3A_329 : memref<80x128xf32, #tpu.memory_space<vmem>>) offsets(%dma_start3A_332 : memref<80xi32, #tpu.memory_space<vmem>>) semaphore(%arg11 : memref<!tpu.dma_semaphore, #tpu.memory_space<semaphore_mem>>)
    %dma_start3A_336 = arith.constant 3 : i32
    %dma_start3A_337 = arith.constant 1 : i32
    %dma_start3A_338 = arith.constant 0 : i32
    %dma_start3A_339 = arith.constant 0 : i32
    %dma_start3A_340 = tpu.memref_slice %arg7[%dma_start3A_337, %dma_start3A_338, %dma_start3A_339] : memref<2x25x80xi32, #tpu.memory_space<vmem>> -> memref<1x25x80xi32, #tpu.memory_space<vmem>>
    %dma_start3A_341 = tpu.memref_squeeze %dma_start3A_340 : memref<1x25x80xi32, #tpu.memory_space<vmem>> -> memref<25x80xi32, #tpu.memory_space<vmem>>
    %dma_start3A_342 = arith.constant 0 : i32
    %dma_start3A_343 = arith.constant 0 : i32
    %dma_start3A_344 = tpu.memref_slice %arg3[%add3A, %dma_start3A_336, %dma_start3A_342, %dma_start3A_343] : memref<32x5x25x80xi32, #tpu.memory_space<hbm>> -> memref<1x1x25x80xi32, #tpu.memory_space<hbm>>
    %dma_start3A_345 = tpu.memref_squeeze %dma_start3A_344 : memref<1x1x25x80xi32, #tpu.memory_space<hbm>> -> memref<25x80xi32, #tpu.memory_space<hbm>>
    %dma_start3A_346 = arith.constant 0 : i32
    %dma_start3A_347 = arith.constant 0 : i32
    %dma_start3A_348 = tpu.memref_slice %arg7[%dma_start3A_337, %dma_start3A_346, %dma_start3A_347] : memref<2x25x80xi32, #tpu.memory_space<vmem>> -> memref<1x25x80xi32, #tpu.memory_space<vmem>>
    %dma_start3A_349 = tpu.memref_squeeze %dma_start3A_348 : memref<1x25x80xi32, #tpu.memory_space<vmem>> -> memref<25x80xi32, #tpu.memory_space<vmem>>
    %dma_start3A_350 = arith.constant 0 : i32
    %dma_start3A_351 = arith.constant 0 : i32
    %dma_start3A_352 = tpu.memref_slice %arg3[%add3A, %dma_start3A_336, %dma_start3A_350, %dma_start3A_351] : memref<32x5x25x80xi32, #tpu.memory_space<hbm>> -> memref<1x1x25x80xi32, #tpu.memory_space<hbm>>
    %dma_start3A_353 = tpu.memref_squeeze %dma_start3A_352 : memref<1x1x25x80xi32, #tpu.memory_space<hbm>> -> memref<25x80xi32, #tpu.memory_space<hbm>>
    tpu.enqueue_dma source(%dma_start3A_353 : memref<25x80xi32, #tpu.memory_space<hbm>>) target(%dma_start3A_349 : memref<25x80xi32, #tpu.memory_space<vmem>>) target_semaphore(%arg13 : memref<!tpu.dma_semaphore, #tpu.memory_space<semaphore_mem>>)
    %dma_start3A_354 = arith.constant 3 : i32
    %dma_start3A_355 = arith.constant 1 : i32
    %dma_start3A_356 = arith.constant 0 : i32
    %dma_start3A_357 = arith.constant 0 : i32
    %dma_start3A_358 = tpu.memref_slice %arg8[%dma_start3A_355, %dma_start3A_356, %dma_start3A_357] : memref<2x25x80xi32, #tpu.memory_space<vmem>> -> memref<1x25x80xi32, #tpu.memory_space<vmem>>
    %dma_start3A_359 = tpu.memref_squeeze %dma_start3A_358 : memref<1x25x80xi32, #tpu.memory_space<vmem>> -> memref<25x80xi32, #tpu.memory_space<vmem>>
    %dma_start3A_360 = arith.constant 0 : i32
    %dma_start3A_361 = arith.constant 0 : i32
    %dma_start3A_362 = tpu.memref_slice %arg4[%add3A, %dma_start3A_354, %dma_start3A_360, %dma_start3A_361] : memref<32x5x25x80xi32, #tpu.memory_space<hbm>> -> memref<1x1x25x80xi32, #tpu.memory_space<hbm>>
    %dma_start3A_363 = tpu.memref_squeeze %dma_start3A_362 : memref<1x1x25x80xi32, #tpu.memory_space<hbm>> -> memref<25x80xi32, #tpu.memory_space<hbm>>
    %dma_start3A_364 = arith.constant 0 : i32
    %dma_start3A_365 = arith.constant 0 : i32
    %dma_start3A_366 = tpu.memref_slice %arg8[%dma_start3A_355, %dma_start3A_364, %dma_start3A_365] : memref<2x25x80xi32, #tpu.memory_space<vmem>> -> memref<1x25x80xi32, #tpu.memory_space<vmem>>
    %dma_start3A_367 = tpu.memref_squeeze %dma_start3A_366 : memref<1x25x80xi32, #tpu.memory_space<vmem>> -> memref<25x80xi32, #tpu.memory_space<vmem>>
    %dma_start3A_368 = arith.constant 0 : i32
    %dma_start3A_369 = arith.constant 0 : i32
    %dma_start3A_370 = tpu.memref_slice %arg4[%add3A, %dma_start3A_354, %dma_start3A_368, %dma_start3A_369] : memref<32x5x25x80xi32, #tpu.memory_space<hbm>> -> memref<1x1x25x80xi32, #tpu.memory_space<hbm>>
    %dma_start3A_371 = tpu.memref_squeeze %dma_start3A_370 : memref<1x1x25x80xi32, #tpu.memory_space<hbm>> -> memref<25x80xi32, #tpu.memory_space<hbm>>
    tpu.enqueue_dma source(%dma_start3A_371 : memref<25x80xi32, #tpu.memory_space<hbm>>) target(%dma_start3A_367 : memref<25x80xi32, #tpu.memory_space<vmem>>) target_semaphore(%arg13 : memref<!tpu.dma_semaphore, #tpu.memory_space<semaphore_mem>>)
    %scan3A_372 = arith.constant 0 : i32
    %scan3A_373 = arith.constant 0 : i32
    %scan3A_374 = arith.constant 25 : i32
    %scan3A_375 = arith.addi %scan3A_373, %scan3A_374 : i32
    %scan3A_376 = arith.constant 1 : i32
    scf.for %scan3A_590 = %scan3A_373 to %scan3A_375 step %scan3A_376  : i32 {
      %rem3A = arith.constant 3 : i32
      %rem3A_591 = arith.remsi %scan3A_590, %rem3A : i32
      %dma_wait3A_592 = arith.constant 0 : i32
      %dma_wait3A_593 = arith.constant 0 : i32
      %dma_wait3A_594 = arith.constant 0 : i32
      %dma_wait3A_595 = tpu.memref_slice %arg9[%rem3A_591, %dma_wait3A_593, %dma_wait3A_594] : memref<3x80x128xf32, #tpu.memory_space<vmem>> -> memref<1x80x128xf32, #tpu.memory_space<vmem>>
      %dma_wait3A_596 = tpu.memref_squeeze %dma_wait3A_595 : memref<1x80x128xf32, #tpu.memory_space<vmem>> -> memref<80x128xf32, #tpu.memory_space<vmem>>
      %dma_wait3A_597 = arith.constant 0 : i32
      %dma_wait3A_598 = tpu.memref_slice %arg7[%dma_wait3A_592, %scan3A_590, %dma_wait3A_597] : memref<2x25x80xi32, #tpu.memory_space<vmem>> -> memref<1x1x80xi32, #tpu.memory_space<vmem>>
      %dma_wait3A_599 = tpu.memref_squeeze %dma_wait3A_598 : memref<1x1x80xi32, #tpu.memory_space<vmem>> -> memref<80xi32, #tpu.memory_space<vmem>>
      %dma_wait3A_600 = arith.constant 0 : i32
      %dma_wait3A_601 = arith.constant 0 : i32
      %dma_wait3A_602 = tpu.memref_slice %arg2[%dma_wait3A_600, %dma_wait3A_601] : memref<10000x128xf32, #tpu.memory_space<hbm>> -> memref<10000x128xf32, #tpu.memory_space<hbm>>
      tpu.wait_indirect_dma semaphore(%arg11 : memref<!tpu.dma_semaphore, #tpu.memory_space<semaphore_mem>>) src(%dma_wait3A_602 : memref<10000x128xf32, #tpu.memory_space<hbm>>) dst(%dma_wait3A_596 : memref<80x128xf32, #tpu.memory_space<vmem>>)
      %dma_start3A_603 = arith.constant 0 : i32
      %dma_start3A_604 = arith.constant 0 : i32
      %dma_start3A_605 = arith.constant 0 : i32
      %dma_start3A_606 = tpu.memref_slice %arg9[%rem3A_591, %dma_start3A_604, %dma_start3A_605] : memref<3x80x128xf32, #tpu.memory_space<vmem>> -> memref<1x80x128xf32, #tpu.memory_space<vmem>>
      %dma_start3A_607 = tpu.memref_squeeze %dma_start3A_606 : memref<1x80x128xf32, #tpu.memory_space<vmem>> -> memref<80x128xf32, #tpu.memory_space<vmem>>
      %dma_start3A_608 = arith.constant 0 : i32
      %dma_start3A_609 = tpu.memref_slice %arg8[%dma_start3A_603, %scan3A_590, %dma_start3A_608] : memref<2x25x80xi32, #tpu.memory_space<vmem>> -> memref<1x1x80xi32, #tpu.memory_space<vmem>>
      %dma_start3A_610 = tpu.memref_squeeze %dma_start3A_609 : memref<1x1x80xi32, #tpu.memory_space<vmem>> -> memref<80xi32, #tpu.memory_space<vmem>>
      %dma_start3A_611 = arith.constant 0 : i32
      %dma_start3A_612 = arith.constant 0 : i32
      %dma_start3A_613 = tpu.memref_slice %arg10[%dma_start3A_611, %dma_start3A_612] : memref<10000x128xf32, #tpu.memory_space<vmem_shared>> -> memref<10000x128xf32, #tpu.memory_space<vmem_shared>>
      tpu.enqueue_indirect_dma source(%dma_start3A_607 : memref<80x128xf32, #tpu.memory_space<vmem>>) target(%dma_start3A_613 : memref<10000x128xf32, #tpu.memory_space<vmem_shared>>) offsets(%dma_start3A_610 : memref<80xi32, #tpu.memory_space<vmem>>) semaphore(%arg12 : memref<!tpu.dma_semaphore, #tpu.memory_space<semaphore_mem>>) {add = true}
      %gt3A = arith.constant 0 : i32
      %gt3A_614 = arith.cmpi sgt, %scan3A_590, %gt3A : i32
      %convert_element_type3A = arith.extui %gt3A_614 : i1 to i32
      %cond3A = arith.constant 0 : i32
      %cond3A_615 = arith.cmpi ne, %convert_element_type3A, %cond3A : i32
      scf.if %cond3A_615 {
        %sub3A = arith.constant 1 : i32
        %sub3A_622 = arith.subi %scan3A_590, %sub3A : i32
        %rem3A_623 = arith.constant 3 : i32
        %rem3A_624 = arith.remsi %sub3A_622, %rem3A_623 : i32
        %sub3A_625 = arith.constant 1 : i32
        %sub3A_626 = arith.subi %scan3A_590, %sub3A_625 : i32
        %dma_wait3A_627 = arith.constant 0 : i32
        %dma_wait3A_628 = arith.constant 0 : i32
        %dma_wait3A_629 = arith.constant 0 : i32
        %dma_wait3A_630 = tpu.memref_slice %arg9[%rem3A_624, %dma_wait3A_628, %dma_wait3A_629] : memref<3x80x128xf32, #tpu.memory_space<vmem>> -> memref<1x80x128xf32, #tpu.memory_space<vmem>>
        %dma_wait3A_631 = tpu.memref_squeeze %dma_wait3A_630 : memref<1x80x128xf32, #tpu.memory_space<vmem>> -> memref<80x128xf32, #tpu.memory_space<vmem>>
        %dma_wait3A_632 = arith.constant 0 : i32
        %dma_wait3A_633 = tpu.memref_slice %arg8[%dma_wait3A_627, %sub3A_626, %dma_wait3A_632] : memref<2x25x80xi32, #tpu.memory_space<vmem>> -> memref<1x1x80xi32, #tpu.memory_space<vmem>>
        %dma_wait3A_634 = tpu.memref_squeeze %dma_wait3A_633 : memref<1x1x80xi32, #tpu.memory_space<vmem>> -> memref<80xi32, #tpu.memory_space<vmem>>
        %dma_wait3A_635 = arith.constant 0 : i32
        %dma_wait3A_636 = arith.constant 0 : i32
        %dma_wait3A_637 = tpu.memref_slice %arg10[%dma_wait3A_635, %dma_wait3A_636] : memref<10000x128xf32, #tpu.memory_space<vmem_shared>> -> memref<10000x128xf32, #tpu.memory_space<vmem_shared>>
        tpu.wait_indirect_dma semaphore(%arg12 : memref<!tpu.dma_semaphore, #tpu.memory_space<semaphore_mem>>) src(%dma_wait3A_631 : memref<80x128xf32, #tpu.memory_space<vmem>>) dst(%dma_wait3A_637 : memref<10000x128xf32, #tpu.memory_space<vmem_shared>>)
      } else {
      }
      %add3A_616 = arith.constant 2 : i32
      %add3A_617 = arith.addi %scan3A_590, %add3A_616 : i32
      %lt3A = arith.constant 25 : i32
      %lt3A_618 = arith.cmpi slt, %add3A_617, %lt3A : i32
      %convert_element_type3A_619 = arith.extui %lt3A_618 : i1 to i32
      %cond3A_620 = arith.constant 0 : i32
      %cond3A_621 = arith.cmpi ne, %convert_element_type3A_619, %cond3A_620 : i32
      scf.if %cond3A_621 {
        %add3A_622 = arith.constant 2 : i32
        %add3A_623 = arith.addi %scan3A_590, %add3A_622 : i32
        %add3A_624 = arith.constant 2 : i32
        %add3A_625 = arith.addi %scan3A_590, %add3A_624 : i32
        %rem3A_626 = arith.constant 3 : i32
        %rem3A_627 = arith.remsi %add3A_625, %rem3A_626 : i32
        %dma_start3A_628 = arith.constant 0 : i32
        %dma_start3A_629 = arith.constant 0 : i32
        %dma_start3A_630 = arith.constant 0 : i32
        %dma_start3A_631 = tpu.memref_slice %arg9[%rem3A_627, %dma_start3A_629, %dma_start3A_630] : memref<3x80x128xf32, #tpu.memory_space<vmem>> -> memref<1x80x128xf32, #tpu.memory_space<vmem>>
        %dma_start3A_632 = tpu.memref_squeeze %dma_start3A_631 : memref<1x80x128xf32, #tpu.memory_space<vmem>> -> memref<80x128xf32, #tpu.memory_space<vmem>>
        %dma_start3A_633 = arith.constant 0 : i32
        %dma_start3A_634 = tpu.memref_slice %arg7[%dma_start3A_628, %add3A_623, %dma_start3A_633] : memref<2x25x80xi32, #tpu.memory_space<vmem>> -> memref<1x1x80xi32, #tpu.memory_space<vmem>>
        %dma_start3A_635 = tpu.memref_squeeze %dma_start3A_634 : memref<1x1x80xi32, #tpu.memory_space<vmem>> -> memref<80xi32, #tpu.memory_space<vmem>>
        %dma_start3A_636 = arith.constant 0 : i32
        %dma_start3A_637 = arith.constant 0 : i32
        %dma_start3A_638 = tpu.memref_slice %arg2[%dma_start3A_636, %dma_start3A_637] : memref<10000x128xf32, #tpu.memory_space<hbm>> -> memref<10000x128xf32, #tpu.memory_space<hbm>>
        tpu.enqueue_indirect_dma source(%dma_start3A_638 : memref<10000x128xf32, #tpu.memory_space<hbm>>) target(%dma_start3A_632 : memref<80x128xf32, #tpu.memory_space<vmem>>) offsets(%dma_start3A_635 : memref<80xi32, #tpu.memory_space<vmem>>) semaphore(%arg11 : memref<!tpu.dma_semaphore, #tpu.memory_space<semaphore_mem>>)
      } else {
      }
    }
    %scan3A_377 = arith.constant 25 : i32
    %dma_wait3A_378 = arith.constant 0 : i32
    %dma_wait3A_379 = arith.constant 0 : i32
    %dma_wait3A_380 = arith.constant 24 : i32
    %dma_wait3A_381 = arith.constant 0 : i32
    %dma_wait3A_382 = arith.constant 0 : i32
    %dma_wait3A_383 = tpu.memref_slice %arg9[%dma_wait3A_378, %dma_wait3A_381, %dma_wait3A_382] : memref<3x80x128xf32, #tpu.memory_space<vmem>> -> memref<1x80x128xf32, #tpu.memory_space<vmem>>
    %dma_wait3A_384 = tpu.memref_squeeze %dma_wait3A_383 : memref<1x80x128xf32, #tpu.memory_space<vmem>> -> memref<80x128xf32, #tpu.memory_space<vmem>>
    %dma_wait3A_385 = arith.constant 0 : i32
    %dma_wait3A_386 = tpu.memref_slice %arg8[%dma_wait3A_379, %dma_wait3A_380, %dma_wait3A_385] : memref<2x25x80xi32, #tpu.memory_space<vmem>> -> memref<1x1x80xi32, #tpu.memory_space<vmem>>
    %dma_wait3A_387 = tpu.memref_squeeze %dma_wait3A_386 : memref<1x1x80xi32, #tpu.memory_space<vmem>> -> memref<80xi32, #tpu.memory_space<vmem>>
    %dma_wait3A_388 = arith.constant 0 : i32
    %dma_wait3A_389 = arith.constant 0 : i32
    %dma_wait3A_390 = tpu.memref_slice %arg10[%dma_wait3A_388, %dma_wait3A_389] : memref<10000x128xf32, #tpu.memory_space<vmem_shared>> -> memref<10000x128xf32, #tpu.memory_space<vmem_shared>>
    tpu.wait_indirect_dma semaphore(%arg12 : memref<!tpu.dma_semaphore, #tpu.memory_space<semaphore_mem>>) src(%dma_wait3A_384 : memref<80x128xf32, #tpu.memory_space<vmem>>) dst(%dma_wait3A_390 : memref<10000x128xf32, #tpu.memory_space<vmem_shared>>)
    %dma_wait3A_391 = arith.constant 3 : i32
    %dma_wait3A_392 = arith.constant 1 : i32
    %dma_wait3A_393 = arith.constant 0 : i32
    %dma_wait3A_394 = arith.constant 0 : i32
    %dma_wait3A_395 = tpu.memref_slice %arg7[%dma_wait3A_392, %dma_wait3A_393, %dma_wait3A_394] : memref<2x25x80xi32, #tpu.memory_space<vmem>> -> memref<1x25x80xi32, #tpu.memory_space<vmem>>
    %dma_wait3A_396 = tpu.memref_squeeze %dma_wait3A_395 : memref<1x25x80xi32, #tpu.memory_space<vmem>> -> memref<25x80xi32, #tpu.memory_space<vmem>>
    %dma_wait3A_397 = arith.constant 0 : i32
    %dma_wait3A_398 = arith.constant 0 : i32
    %dma_wait3A_399 = tpu.memref_slice %arg3[%add3A, %dma_wait3A_391, %dma_wait3A_397, %dma_wait3A_398] : memref<32x5x25x80xi32, #tpu.memory_space<hbm>> -> memref<1x1x25x80xi32, #tpu.memory_space<hbm>>
    %dma_wait3A_400 = tpu.memref_squeeze %dma_wait3A_399 : memref<1x1x25x80xi32, #tpu.memory_space<hbm>> -> memref<25x80xi32, #tpu.memory_space<hbm>>
    %dma_wait3A_401 = arith.constant 0 : i32
    %dma_wait3A_402 = arith.constant 0 : i32
    %dma_wait3A_403 = tpu.memref_slice %arg7[%dma_wait3A_392, %dma_wait3A_401, %dma_wait3A_402] : memref<2x25x80xi32, #tpu.memory_space<vmem>> -> memref<1x25x80xi32, #tpu.memory_space<vmem>>
    %dma_wait3A_404 = tpu.memref_squeeze %dma_wait3A_403 : memref<1x25x80xi32, #tpu.memory_space<vmem>> -> memref<25x80xi32, #tpu.memory_space<vmem>>
    %dma_wait3A_405 = arith.constant 0 : i32
    %dma_wait3A_406 = arith.constant 0 : i32
    %dma_wait3A_407 = tpu.memref_slice %arg3[%add3A, %dma_wait3A_391, %dma_wait3A_405, %dma_wait3A_406] : memref<32x5x25x80xi32, #tpu.memory_space<hbm>> -> memref<1x1x25x80xi32, #tpu.memory_space<hbm>>
    %dma_wait3A_408 = tpu.memref_squeeze %dma_wait3A_407 : memref<1x1x25x80xi32, #tpu.memory_space<hbm>> -> memref<25x80xi32, #tpu.memory_space<hbm>>
    tpu.wait_dma2 semaphore(%arg13 : memref<!tpu.dma_semaphore, #tpu.memory_space<semaphore_mem>>) src(%dma_wait3A_408 : memref<25x80xi32, #tpu.memory_space<hbm>>) dst(%dma_wait3A_404 : memref<25x80xi32, #tpu.memory_space<vmem>>)
    %dma_wait3A_409 = arith.constant 3 : i32
    %dma_wait3A_410 = arith.constant 1 : i32
    %dma_wait3A_411 = arith.constant 0 : i32
    %dma_wait3A_412 = arith.constant 0 : i32
    %dma_wait3A_413 = tpu.memref_slice %arg8[%dma_wait3A_410, %dma_wait3A_411, %dma_wait3A_412] : memref<2x25x80xi32, #tpu.memory_space<vmem>> -> memref<1x25x80xi32, #tpu.memory_space<vmem>>
    %dma_wait3A_414 = tpu.memref_squeeze %dma_wait3A_413 : memref<1x25x80xi32, #tpu.memory_space<vmem>> -> memref<25x80xi32, #tpu.memory_space<vmem>>
    %dma_wait3A_415 = arith.constant 0 : i32
    %dma_wait3A_416 = arith.constant 0 : i32
    %dma_wait3A_417 = tpu.memref_slice %arg4[%add3A, %dma_wait3A_409, %dma_wait3A_415, %dma_wait3A_416] : memref<32x5x25x80xi32, #tpu.memory_space<hbm>> -> memref<1x1x25x80xi32, #tpu.memory_space<hbm>>
    %dma_wait3A_418 = tpu.memref_squeeze %dma_wait3A_417 : memref<1x1x25x80xi32, #tpu.memory_space<hbm>> -> memref<25x80xi32, #tpu.memory_space<hbm>>
    %dma_wait3A_419 = arith.constant 0 : i32
    %dma_wait3A_420 = arith.constant 0 : i32
    %dma_wait3A_421 = tpu.memref_slice %arg8[%dma_wait3A_410, %dma_wait3A_419, %dma_wait3A_420] : memref<2x25x80xi32, #tpu.memory_space<vmem>> -> memref<1x25x80xi32, #tpu.memory_space<vmem>>
    %dma_wait3A_422 = tpu.memref_squeeze %dma_wait3A_421 : memref<1x25x80xi32, #tpu.memory_space<vmem>> -> memref<25x80xi32, #tpu.memory_space<vmem>>
    %dma_wait3A_423 = arith.constant 0 : i32
    %dma_wait3A_424 = arith.constant 0 : i32
    %dma_wait3A_425 = tpu.memref_slice %arg4[%add3A, %dma_wait3A_409, %dma_wait3A_423, %dma_wait3A_424] : memref<32x5x25x80xi32, #tpu.memory_space<hbm>> -> memref<1x1x25x80xi32, #tpu.memory_space<hbm>>
    %dma_wait3A_426 = tpu.memref_squeeze %dma_wait3A_425 : memref<1x1x25x80xi32, #tpu.memory_space<hbm>> -> memref<25x80xi32, #tpu.memory_space<hbm>>
    tpu.wait_dma2 semaphore(%arg13 : memref<!tpu.dma_semaphore, #tpu.memory_space<semaphore_mem>>) src(%dma_wait3A_426 : memref<25x80xi32, #tpu.memory_space<hbm>>) dst(%dma_wait3A_422 : memref<25x80xi32, #tpu.memory_space<vmem>>)
    %dma_start3A_427 = arith.constant 1 : i32
    %dma_start3A_428 = arith.constant 0 : i32
    %dma_start3A_429 = arith.constant 0 : i32
    %dma_start3A_430 = arith.constant 0 : i32
    %dma_start3A_431 = arith.constant 0 : i32
    %dma_start3A_432 = tpu.memref_slice %arg9[%dma_start3A_429, %dma_start3A_430, %dma_start3A_431] : memref<3x80x128xf32, #tpu.memory_space<vmem>> -> memref<1x80x128xf32, #tpu.memory_space<vmem>>
    %dma_start3A_433 = tpu.memref_squeeze %dma_start3A_432 : memref<1x80x128xf32, #tpu.memory_space<vmem>> -> memref<80x128xf32, #tpu.memory_space<vmem>>
    %dma_start3A_434 = arith.constant 0 : i32
    %dma_start3A_435 = tpu.memref_slice %arg7[%dma_start3A_427, %dma_start3A_428, %dma_start3A_434] : memref<2x25x80xi32, #tpu.memory_space<vmem>> -> memref<1x1x80xi32, #tpu.memory_space<vmem>>
    %dma_start3A_436 = tpu.memref_squeeze %dma_start3A_435 : memref<1x1x80xi32, #tpu.memory_space<vmem>> -> memref<80xi32, #tpu.memory_space<vmem>>
    %dma_start3A_437 = arith.constant 0 : i32
    %dma_start3A_438 = arith.constant 0 : i32
    %dma_start3A_439 = tpu.memref_slice %arg2[%dma_start3A_437, %dma_start3A_438] : memref<10000x128xf32, #tpu.memory_space<hbm>> -> memref<10000x128xf32, #tpu.memory_space<hbm>>
    tpu.enqueue_indirect_dma source(%dma_start3A_439 : memref<10000x128xf32, #tpu.memory_space<hbm>>) target(%dma_start3A_433 : memref<80x128xf32, #tpu.memory_space<vmem>>) offsets(%dma_start3A_436 : memref<80xi32, #tpu.memory_space<vmem>>) semaphore(%arg11 : memref<!tpu.dma_semaphore, #tpu.memory_space<semaphore_mem>>)
    %dma_start3A_440 = arith.constant 1 : i32
    %dma_start3A_441 = arith.constant 1 : i32
    %dma_start3A_442 = arith.constant 1 : i32
    %dma_start3A_443 = arith.constant 0 : i32
    %dma_start3A_444 = arith.constant 0 : i32
    %dma_start3A_445 = tpu.memref_slice %arg9[%dma_start3A_442, %dma_start3A_443, %dma_start3A_444] : memref<3x80x128xf32, #tpu.memory_space<vmem>> -> memref<1x80x128xf32, #tpu.memory_space<vmem>>
    %dma_start3A_446 = tpu.memref_squeeze %dma_start3A_445 : memref<1x80x128xf32, #tpu.memory_space<vmem>> -> memref<80x128xf32, #tpu.memory_space<vmem>>
    %dma_start3A_447 = arith.constant 0 : i32
    %dma_start3A_448 = tpu.memref_slice %arg7[%dma_start3A_440, %dma_start3A_441, %dma_start3A_447] : memref<2x25x80xi32, #tpu.memory_space<vmem>> -> memref<1x1x80xi32, #tpu.memory_space<vmem>>
    %dma_start3A_449 = tpu.memref_squeeze %dma_start3A_448 : memref<1x1x80xi32, #tpu.memory_space<vmem>> -> memref<80xi32, #tpu.memory_space<vmem>>
    %dma_start3A_450 = arith.constant 0 : i32
    %dma_start3A_451 = arith.constant 0 : i32
    %dma_start3A_452 = tpu.memref_slice %arg2[%dma_start3A_450, %dma_start3A_451] : memref<10000x128xf32, #tpu.memory_space<hbm>> -> memref<10000x128xf32, #tpu.memory_space<hbm>>
    tpu.enqueue_indirect_dma source(%dma_start3A_452 : memref<10000x128xf32, #tpu.memory_space<hbm>>) target(%dma_start3A_446 : memref<80x128xf32, #tpu.memory_space<vmem>>) offsets(%dma_start3A_449 : memref<80xi32, #tpu.memory_space<vmem>>) semaphore(%arg11 : memref<!tpu.dma_semaphore, #tpu.memory_space<semaphore_mem>>)
    %dma_start3A_453 = arith.constant 4 : i32
    %dma_start3A_454 = arith.constant 0 : i32
    %dma_start3A_455 = arith.constant 0 : i32
    %dma_start3A_456 = arith.constant 0 : i32
    %dma_start3A_457 = tpu.memref_slice %arg7[%dma_start3A_454, %dma_start3A_455, %dma_start3A_456] : memref<2x25x80xi32, #tpu.memory_space<vmem>> -> memref<1x25x80xi32, #tpu.memory_space<vmem>>
    %dma_start3A_458 = tpu.memref_squeeze %dma_start3A_457 : memref<1x25x80xi32, #tpu.memory_space<vmem>> -> memref<25x80xi32, #tpu.memory_space<vmem>>
    %dma_start3A_459 = arith.constant 0 : i32
    %dma_start3A_460 = arith.constant 0 : i32
    %dma_start3A_461 = tpu.memref_slice %arg3[%add3A, %dma_start3A_453, %dma_start3A_459, %dma_start3A_460] : memref<32x5x25x80xi32, #tpu.memory_space<hbm>> -> memref<1x1x25x80xi32, #tpu.memory_space<hbm>>
    %dma_start3A_462 = tpu.memref_squeeze %dma_start3A_461 : memref<1x1x25x80xi32, #tpu.memory_space<hbm>> -> memref<25x80xi32, #tpu.memory_space<hbm>>
    %dma_start3A_463 = arith.constant 0 : i32
    %dma_start3A_464 = arith.constant 0 : i32
    %dma_start3A_465 = tpu.memref_slice %arg7[%dma_start3A_454, %dma_start3A_463, %dma_start3A_464] : memref<2x25x80xi32, #tpu.memory_space<vmem>> -> memref<1x25x80xi32, #tpu.memory_space<vmem>>
    %dma_start3A_466 = tpu.memref_squeeze %dma_start3A_465 : memref<1x25x80xi32, #tpu.memory_space<vmem>> -> memref<25x80xi32, #tpu.memory_space<vmem>>
    %dma_start3A_467 = arith.constant 0 : i32
    %dma_start3A_468 = arith.constant 0 : i32
    %dma_start3A_469 = tpu.memref_slice %arg3[%add3A, %dma_start3A_453, %dma_start3A_467, %dma_start3A_468] : memref<32x5x25x80xi32, #tpu.memory_space<hbm>> -> memref<1x1x25x80xi32, #tpu.memory_space<hbm>>
    %dma_start3A_470 = tpu.memref_squeeze %dma_start3A_469 : memref<1x1x25x80xi32, #tpu.memory_space<hbm>> -> memref<25x80xi32, #tpu.memory_space<hbm>>
    tpu.enqueue_dma source(%dma_start3A_470 : memref<25x80xi32, #tpu.memory_space<hbm>>) target(%dma_start3A_466 : memref<25x80xi32, #tpu.memory_space<vmem>>) target_semaphore(%arg13 : memref<!tpu.dma_semaphore, #tpu.memory_space<semaphore_mem>>)
    %dma_start3A_471 = arith.constant 4 : i32
    %dma_start3A_472 = arith.constant 0 : i32
    %dma_start3A_473 = arith.constant 0 : i32
    %dma_start3A_474 = arith.constant 0 : i32
    %dma_start3A_475 = tpu.memref_slice %arg8[%dma_start3A_472, %dma_start3A_473, %dma_start3A_474] : memref<2x25x80xi32, #tpu.memory_space<vmem>> -> memref<1x25x80xi32, #tpu.memory_space<vmem>>
    %dma_start3A_476 = tpu.memref_squeeze %dma_start3A_475 : memref<1x25x80xi32, #tpu.memory_space<vmem>> -> memref<25x80xi32, #tpu.memory_space<vmem>>
    %dma_start3A_477 = arith.constant 0 : i32
    %dma_start3A_478 = arith.constant 0 : i32
    %dma_start3A_479 = tpu.memref_slice %arg4[%add3A, %dma_start3A_471, %dma_start3A_477, %dma_start3A_478] : memref<32x5x25x80xi32, #tpu.memory_space<hbm>> -> memref<1x1x25x80xi32, #tpu.memory_space<hbm>>
    %dma_start3A_480 = tpu.memref_squeeze %dma_start3A_479 : memref<1x1x25x80xi32, #tpu.memory_space<hbm>> -> memref<25x80xi32, #tpu.memory_space<hbm>>
    %dma_start3A_481 = arith.constant 0 : i32
    %dma_start3A_482 = arith.constant 0 : i32
    %dma_start3A_483 = tpu.memref_slice %arg8[%dma_start3A_472, %dma_start3A_481, %dma_start3A_482] : memref<2x25x80xi32, #tpu.memory_space<vmem>> -> memref<1x25x80xi32, #tpu.memory_space<vmem>>
    %dma_start3A_484 = tpu.memref_squeeze %dma_start3A_483 : memref<1x25x80xi32, #tpu.memory_space<vmem>> -> memref<25x80xi32, #tpu.memory_space<vmem>>
    %dma_start3A_485 = arith.constant 0 : i32
    %dma_start3A_486 = arith.constant 0 : i32
    %dma_start3A_487 = tpu.memref_slice %arg4[%add3A, %dma_start3A_471, %dma_start3A_485, %dma_start3A_486] : memref<32x5x25x80xi32, #tpu.memory_space<hbm>> -> memref<1x1x25x80xi32, #tpu.memory_space<hbm>>
    %dma_start3A_488 = tpu.memref_squeeze %dma_start3A_487 : memref<1x1x25x80xi32, #tpu.memory_space<hbm>> -> memref<25x80xi32, #tpu.memory_space<hbm>>
    tpu.enqueue_dma source(%dma_start3A_488 : memref<25x80xi32, #tpu.memory_space<hbm>>) target(%dma_start3A_484 : memref<25x80xi32, #tpu.memory_space<vmem>>) target_semaphore(%arg13 : memref<!tpu.dma_semaphore, #tpu.memory_space<semaphore_mem>>)
    %scan3A_489 = arith.constant 0 : i32
    %scan3A_490 = arith.constant 0 : i32
    %scan3A_491 = arith.constant 25 : i32
    %scan3A_492 = arith.addi %scan3A_490, %scan3A_491 : i32
    %scan3A_493 = arith.constant 1 : i32
    scf.for %scan3A_590 = %scan3A_490 to %scan3A_492 step %scan3A_493  : i32 {
      %rem3A = arith.constant 3 : i32
      %rem3A_591 = arith.remsi %scan3A_590, %rem3A : i32
      %dma_wait3A_592 = arith.constant 1 : i32
      %dma_wait3A_593 = arith.constant 0 : i32
      %dma_wait3A_594 = arith.constant 0 : i32
      %dma_wait3A_595 = tpu.memref_slice %arg9[%rem3A_591, %dma_wait3A_593, %dma_wait3A_594] : memref<3x80x128xf32, #tpu.memory_space<vmem>> -> memref<1x80x128xf32, #tpu.memory_space<vmem>>
      %dma_wait3A_596 = tpu.memref_squeeze %dma_wait3A_595 : memref<1x80x128xf32, #tpu.memory_space<vmem>> -> memref<80x128xf32, #tpu.memory_space<vmem>>
      %dma_wait3A_597 = arith.constant 0 : i32
      %dma_wait3A_598 = tpu.memref_slice %arg7[%dma_wait3A_592, %scan3A_590, %dma_wait3A_597] : memref<2x25x80xi32, #tpu.memory_space<vmem>> -> memref<1x1x80xi32, #tpu.memory_space<vmem>>
      %dma_wait3A_599 = tpu.memref_squeeze %dma_wait3A_598 : memref<1x1x80xi32, #tpu.memory_space<vmem>> -> memref<80xi32, #tpu.memory_space<vmem>>
      %dma_wait3A_600 = arith.constant 0 : i32
      %dma_wait3A_601 = arith.constant 0 : i32
      %dma_wait3A_602 = tpu.memref_slice %arg2[%dma_wait3A_600, %dma_wait3A_601] : memref<10000x128xf32, #tpu.memory_space<hbm>> -> memref<10000x128xf32, #tpu.memory_space<hbm>>
      tpu.wait_indirect_dma semaphore(%arg11 : memref<!tpu.dma_semaphore, #tpu.memory_space<semaphore_mem>>) src(%dma_wait3A_602 : memref<10000x128xf32, #tpu.memory_space<hbm>>) dst(%dma_wait3A_596 : memref<80x128xf32, #tpu.memory_space<vmem>>)
      %dma_start3A_603 = arith.constant 1 : i32
      %dma_start3A_604 = arith.constant 0 : i32
      %dma_start3A_605 = arith.constant 0 : i32
      %dma_start3A_606 = tpu.memref_slice %arg9[%rem3A_591, %dma_start3A_604, %dma_start3A_605] : memref<3x80x128xf32, #tpu.memory_space<vmem>> -> memref<1x80x128xf32, #tpu.memory_space<vmem>>
      %dma_start3A_607 = tpu.memref_squeeze %dma_start3A_606 : memref<1x80x128xf32, #tpu.memory_space<vmem>> -> memref<80x128xf32, #tpu.memory_space<vmem>>
      %dma_start3A_608 = arith.constant 0 : i32
      %dma_start3A_609 = tpu.memref_slice %arg8[%dma_start3A_603, %scan3A_590, %dma_start3A_608] : memref<2x25x80xi32, #tpu.memory_space<vmem>> -> memref<1x1x80xi32, #tpu.memory_space<vmem>>
      %dma_start3A_610 = tpu.memref_squeeze %dma_start3A_609 : memref<1x1x80xi32, #tpu.memory_space<vmem>> -> memref<80xi32, #tpu.memory_space<vmem>>
      %dma_start3A_611 = arith.constant 0 : i32
      %dma_start3A_612 = arith.constant 0 : i32
      %dma_start3A_613 = tpu.memref_slice %arg10[%dma_start3A_611, %dma_start3A_612] : memref<10000x128xf32, #tpu.memory_space<vmem_shared>> -> memref<10000x128xf32, #tpu.memory_space<vmem_shared>>
      tpu.enqueue_indirect_dma source(%dma_start3A_607 : memref<80x128xf32, #tpu.memory_space<vmem>>) target(%dma_start3A_613 : memref<10000x128xf32, #tpu.memory_space<vmem_shared>>) offsets(%dma_start3A_610 : memref<80xi32, #tpu.memory_space<vmem>>) semaphore(%arg12 : memref<!tpu.dma_semaphore, #tpu.memory_space<semaphore_mem>>) {add = true}
      %gt3A = arith.constant 0 : i32
      %gt3A_614 = arith.cmpi sgt, %scan3A_590, %gt3A : i32
      %convert_element_type3A = arith.extui %gt3A_614 : i1 to i32
      %cond3A = arith.constant 0 : i32
      %cond3A_615 = arith.cmpi ne, %convert_element_type3A, %cond3A : i32
      scf.if %cond3A_615 {
        %sub3A = arith.constant 1 : i32
        %sub3A_622 = arith.subi %scan3A_590, %sub3A : i32
        %rem3A_623 = arith.constant 3 : i32
        %rem3A_624 = arith.remsi %sub3A_622, %rem3A_623 : i32
        %sub3A_625 = arith.constant 1 : i32
        %sub3A_626 = arith.subi %scan3A_590, %sub3A_625 : i32
        %dma_wait3A_627 = arith.constant 1 : i32
        %dma_wait3A_628 = arith.constant 0 : i32
        %dma_wait3A_629 = arith.constant 0 : i32
        %dma_wait3A_630 = tpu.memref_slice %arg9[%rem3A_624, %dma_wait3A_628, %dma_wait3A_629] : memref<3x80x128xf32, #tpu.memory_space<vmem>> -> memref<1x80x128xf32, #tpu.memory_space<vmem>>
        %dma_wait3A_631 = tpu.memref_squeeze %dma_wait3A_630 : memref<1x80x128xf32, #tpu.memory_space<vmem>> -> memref<80x128xf32, #tpu.memory_space<vmem>>
        %dma_wait3A_632 = arith.constant 0 : i32
        %dma_wait3A_633 = tpu.memref_slice %arg8[%dma_wait3A_627, %sub3A_626, %dma_wait3A_632] : memref<2x25x80xi32, #tpu.memory_space<vmem>> -> memref<1x1x80xi32, #tpu.memory_space<vmem>>
        %dma_wait3A_634 = tpu.memref_squeeze %dma_wait3A_633 : memref<1x1x80xi32, #tpu.memory_space<vmem>> -> memref<80xi32, #tpu.memory_space<vmem>>
        %dma_wait3A_635 = arith.constant 0 : i32
        %dma_wait3A_636 = arith.constant 0 : i32
        %dma_wait3A_637 = tpu.memref_slice %arg10[%dma_wait3A_635, %dma_wait3A_636] : memref<10000x128xf32, #tpu.memory_space<vmem_shared>> -> memref<10000x128xf32, #tpu.memory_space<vmem_shared>>
        tpu.wait_indirect_dma semaphore(%arg12 : memref<!tpu.dma_semaphore, #tpu.memory_space<semaphore_mem>>) src(%dma_wait3A_631 : memref<80x128xf32, #tpu.memory_space<vmem>>) dst(%dma_wait3A_637 : memref<10000x128xf32, #tpu.memory_space<vmem_shared>>)
      } else {
      }
      %add3A_616 = arith.constant 2 : i32
      %add3A_617 = arith.addi %scan3A_590, %add3A_616 : i32
      %lt3A = arith.constant 25 : i32
      %lt3A_618 = arith.cmpi slt, %add3A_617, %lt3A : i32
      %convert_element_type3A_619 = arith.extui %lt3A_618 : i1 to i32
      %cond3A_620 = arith.constant 0 : i32
      %cond3A_621 = arith.cmpi ne, %convert_element_type3A_619, %cond3A_620 : i32
      scf.if %cond3A_621 {
        %add3A_622 = arith.constant 2 : i32
        %add3A_623 = arith.addi %scan3A_590, %add3A_622 : i32
        %add3A_624 = arith.constant 2 : i32
        %add3A_625 = arith.addi %scan3A_590, %add3A_624 : i32
        %rem3A_626 = arith.constant 3 : i32
        %rem3A_627 = arith.remsi %add3A_625, %rem3A_626 : i32
        %dma_start3A_628 = arith.constant 1 : i32
        %dma_start3A_629 = arith.constant 0 : i32
        %dma_start3A_630 = arith.constant 0 : i32
        %dma_start3A_631 = tpu.memref_slice %arg9[%rem3A_627, %dma_start3A_629, %dma_start3A_630] : memref<3x80x128xf32, #tpu.memory_space<vmem>> -> memref<1x80x128xf32, #tpu.memory_space<vmem>>
        %dma_start3A_632 = tpu.memref_squeeze %dma_start3A_631 : memref<1x80x128xf32, #tpu.memory_space<vmem>> -> memref<80x128xf32, #tpu.memory_space<vmem>>
        %dma_start3A_633 = arith.constant 0 : i32
        %dma_start3A_634 = tpu.memref_slice %arg7[%dma_start3A_628, %add3A_623, %dma_start3A_633] : memref<2x25x80xi32, #tpu.memory_space<vmem>> -> memref<1x1x80xi32, #tpu.memory_space<vmem>>
        %dma_start3A_635 = tpu.memref_squeeze %dma_start3A_634 : memref<1x1x80xi32, #tpu.memory_space<vmem>> -> memref<80xi32, #tpu.memory_space<vmem>>
        %dma_start3A_636 = arith.constant 0 : i32
        %dma_start3A_637 = arith.constant 0 : i32
        %dma_start3A_638 = tpu.memref_slice %arg2[%dma_start3A_636, %dma_start3A_637] : memref<10000x128xf32, #tpu.memory_space<hbm>> -> memref<10000x128xf32, #tpu.memory_space<hbm>>
        tpu.enqueue_indirect_dma source(%dma_start3A_638 : memref<10000x128xf32, #tpu.memory_space<hbm>>) target(%dma_start3A_632 : memref<80x128xf32, #tpu.memory_space<vmem>>) offsets(%dma_start3A_635 : memref<80xi32, #tpu.memory_space<vmem>>) semaphore(%arg11 : memref<!tpu.dma_semaphore, #tpu.memory_space<semaphore_mem>>)
      } else {
      }
    }
    %scan3A_494 = arith.constant 25 : i32
    %dma_wait3A_495 = arith.constant 0 : i32
    %dma_wait3A_496 = arith.constant 1 : i32
    %dma_wait3A_497 = arith.constant 24 : i32
    %dma_wait3A_498 = arith.constant 0 : i32
    %dma_wait3A_499 = arith.constant 0 : i32
    %dma_wait3A_500 = tpu.memref_slice %arg9[%dma_wait3A_495, %dma_wait3A_498, %dma_wait3A_499] : memref<3x80x128xf32, #tpu.memory_space<vmem>> -> memref<1x80x128xf32, #tpu.memory_space<vmem>>
    %dma_wait3A_501 = tpu.memref_squeeze %dma_wait3A_500 : memref<1x80x128xf32, #tpu.memory_space<vmem>> -> memref<80x128xf32, #tpu.memory_space<vmem>>
    %dma_wait3A_502 = arith.constant 0 : i32
    %dma_wait3A_503 = tpu.memref_slice %arg8[%dma_wait3A_496, %dma_wait3A_497, %dma_wait3A_502] : memref<2x25x80xi32, #tpu.memory_space<vmem>> -> memref<1x1x80xi32, #tpu.memory_space<vmem>>
    %dma_wait3A_504 = tpu.memref_squeeze %dma_wait3A_503 : memref<1x1x80xi32, #tpu.memory_space<vmem>> -> memref<80xi32, #tpu.memory_space<vmem>>
    %dma_wait3A_505 = arith.constant 0 : i32
    %dma_wait3A_506 = arith.constant 0 : i32
    %dma_wait3A_507 = tpu.memref_slice %arg10[%dma_wait3A_505, %dma_wait3A_506] : memref<10000x128xf32, #tpu.memory_space<vmem_shared>> -> memref<10000x128xf32, #tpu.memory_space<vmem_shared>>
    tpu.wait_indirect_dma semaphore(%arg12 : memref<!tpu.dma_semaphore, #tpu.memory_space<semaphore_mem>>) src(%dma_wait3A_501 : memref<80x128xf32, #tpu.memory_space<vmem>>) dst(%dma_wait3A_507 : memref<10000x128xf32, #tpu.memory_space<vmem_shared>>)
    %dma_wait3A_508 = arith.constant 4 : i32
    %dma_wait3A_509 = arith.constant 0 : i32
    %dma_wait3A_510 = arith.constant 0 : i32
    %dma_wait3A_511 = arith.constant 0 : i32
    %dma_wait3A_512 = tpu.memref_slice %arg7[%dma_wait3A_509, %dma_wait3A_510, %dma_wait3A_511] : memref<2x25x80xi32, #tpu.memory_space<vmem>> -> memref<1x25x80xi32, #tpu.memory_space<vmem>>
    %dma_wait3A_513 = tpu.memref_squeeze %dma_wait3A_512 : memref<1x25x80xi32, #tpu.memory_space<vmem>> -> memref<25x80xi32, #tpu.memory_space<vmem>>
    %dma_wait3A_514 = arith.constant 0 : i32
    %dma_wait3A_515 = arith.constant 0 : i32
    %dma_wait3A_516 = tpu.memref_slice %arg3[%add3A, %dma_wait3A_508, %dma_wait3A_514, %dma_wait3A_515] : memref<32x5x25x80xi32, #tpu.memory_space<hbm>> -> memref<1x1x25x80xi32, #tpu.memory_space<hbm>>
    %dma_wait3A_517 = tpu.memref_squeeze %dma_wait3A_516 : memref<1x1x25x80xi32, #tpu.memory_space<hbm>> -> memref<25x80xi32, #tpu.memory_space<hbm>>
    %dma_wait3A_518 = arith.constant 0 : i32
    %dma_wait3A_519 = arith.constant 0 : i32
    %dma_wait3A_520 = tpu.memref_slice %arg7[%dma_wait3A_509, %dma_wait3A_518, %dma_wait3A_519] : memref<2x25x80xi32, #tpu.memory_space<vmem>> -> memref<1x25x80xi32, #tpu.memory_space<vmem>>
    %dma_wait3A_521 = tpu.memref_squeeze %dma_wait3A_520 : memref<1x25x80xi32, #tpu.memory_space<vmem>> -> memref<25x80xi32, #tpu.memory_space<vmem>>
    %dma_wait3A_522 = arith.constant 0 : i32
    %dma_wait3A_523 = arith.constant 0 : i32
    %dma_wait3A_524 = tpu.memref_slice %arg3[%add3A, %dma_wait3A_508, %dma_wait3A_522, %dma_wait3A_523] : memref<32x5x25x80xi32, #tpu.memory_space<hbm>> -> memref<1x1x25x80xi32, #tpu.memory_space<hbm>>
    %dma_wait3A_525 = tpu.memref_squeeze %dma_wait3A_524 : memref<1x1x25x80xi32, #tpu.memory_space<hbm>> -> memref<25x80xi32, #tpu.memory_space<hbm>>
    tpu.wait_dma2 semaphore(%arg13 : memref<!tpu.dma_semaphore, #tpu.memory_space<semaphore_mem>>) src(%dma_wait3A_525 : memref<25x80xi32, #tpu.memory_space<hbm>>) dst(%dma_wait3A_521 : memref<25x80xi32, #tpu.memory_space<vmem>>)
    %dma_wait3A_526 = arith.constant 4 : i32
    %dma_wait3A_527 = arith.constant 0 : i32
    %dma_wait3A_528 = arith.constant 0 : i32
    %dma_wait3A_529 = arith.constant 0 : i32
    %dma_wait3A_530 = tpu.memref_slice %arg8[%dma_wait3A_527, %dma_wait3A_528, %dma_wait3A_529] : memref<2x25x80xi32, #tpu.memory_space<vmem>> -> memref<1x25x80xi32, #tpu.memory_space<vmem>>
    %dma_wait3A_531 = tpu.memref_squeeze %dma_wait3A_530 : memref<1x25x80xi32, #tpu.memory_space<vmem>> -> memref<25x80xi32, #tpu.memory_space<vmem>>
    %dma_wait3A_532 = arith.constant 0 : i32
    %dma_wait3A_533 = arith.constant 0 : i32
    %dma_wait3A_534 = tpu.memref_slice %arg4[%add3A, %dma_wait3A_526, %dma_wait3A_532, %dma_wait3A_533] : memref<32x5x25x80xi32, #tpu.memory_space<hbm>> -> memref<1x1x25x80xi32, #tpu.memory_space<hbm>>
    %dma_wait3A_535 = tpu.memref_squeeze %dma_wait3A_534 : memref<1x1x25x80xi32, #tpu.memory_space<hbm>> -> memref<25x80xi32, #tpu.memory_space<hbm>>
    %dma_wait3A_536 = arith.constant 0 : i32
    %dma_wait3A_537 = arith.constant 0 : i32
    %dma_wait3A_538 = tpu.memref_slice %arg8[%dma_wait3A_527, %dma_wait3A_536, %dma_wait3A_537] : memref<2x25x80xi32, #tpu.memory_space<vmem>> -> memref<1x25x80xi32, #tpu.memory_space<vmem>>
    %dma_wait3A_539 = tpu.memref_squeeze %dma_wait3A_538 : memref<1x25x80xi32, #tpu.memory_space<vmem>> -> memref<25x80xi32, #tpu.memory_space<vmem>>
    %dma_wait3A_540 = arith.constant 0 : i32
    %dma_wait3A_541 = arith.constant 0 : i32
    %dma_wait3A_542 = tpu.memref_slice %arg4[%add3A, %dma_wait3A_526, %dma_wait3A_540, %dma_wait3A_541] : memref<32x5x25x80xi32, #tpu.memory_space<hbm>> -> memref<1x1x25x80xi32, #tpu.memory_space<hbm>>
    %dma_wait3A_543 = tpu.memref_squeeze %dma_wait3A_542 : memref<1x1x25x80xi32, #tpu.memory_space<hbm>> -> memref<25x80xi32, #tpu.memory_space<hbm>>
    tpu.wait_dma2 semaphore(%arg13 : memref<!tpu.dma_semaphore, #tpu.memory_space<semaphore_mem>>) src(%dma_wait3A_543 : memref<25x80xi32, #tpu.memory_space<hbm>>) dst(%dma_wait3A_539 : memref<25x80xi32, #tpu.memory_space<vmem>>)
    %dma_start3A_544 = arith.constant 0 : i32
    %dma_start3A_545 = arith.constant 0 : i32
    %dma_start3A_546 = arith.constant 0 : i32
    %dma_start3A_547 = arith.constant 0 : i32
    %dma_start3A_548 = arith.constant 0 : i32
    %dma_start3A_549 = tpu.memref_slice %arg9[%dma_start3A_546, %dma_start3A_547, %dma_start3A_548] : memref<3x80x128xf32, #tpu.memory_space<vmem>> -> memref<1x80x128xf32, #tpu.memory_space<vmem>>
    %dma_start3A_550 = tpu.memref_squeeze %dma_start3A_549 : memref<1x80x128xf32, #tpu.memory_space<vmem>> -> memref<80x128xf32, #tpu.memory_space<vmem>>
    %dma_start3A_551 = arith.constant 0 : i32
    %dma_start3A_552 = tpu.memref_slice %arg7[%dma_start3A_544, %dma_start3A_545, %dma_start3A_551] : memref<2x25x80xi32, #tpu.memory_space<vmem>> -> memref<1x1x80xi32, #tpu.memory_space<vmem>>
    %dma_start3A_553 = tpu.memref_squeeze %dma_start3A_552 : memref<1x1x80xi32, #tpu.memory_space<vmem>> -> memref<80xi32, #tpu.memory_space<vmem>>
    %dma_start3A_554 = arith.constant 0 : i32
    %dma_start3A_555 = arith.constant 0 : i32
    %dma_start3A_556 = tpu.memref_slice %arg2[%dma_start3A_554, %dma_start3A_555] : memref<10000x128xf32, #tpu.memory_space<hbm>> -> memref<10000x128xf32, #tpu.memory_space<hbm>>
    tpu.enqueue_indirect_dma source(%dma_start3A_556 : memref<10000x128xf32, #tpu.memory_space<hbm>>) target(%dma_start3A_550 : memref<80x128xf32, #tpu.memory_space<vmem>>) offsets(%dma_start3A_553 : memref<80xi32, #tpu.memory_space<vmem>>) semaphore(%arg11 : memref<!tpu.dma_semaphore, #tpu.memory_space<semaphore_mem>>)
    %dma_start3A_557 = arith.constant 0 : i32
    %dma_start3A_558 = arith.constant 1 : i32
    %dma_start3A_559 = arith.constant 1 : i32
    %dma_start3A_560 = arith.constant 0 : i32
    %dma_start3A_561 = arith.constant 0 : i32
    %dma_start3A_562 = tpu.memref_slice %arg9[%dma_start3A_559, %dma_start3A_560, %dma_start3A_561] : memref<3x80x128xf32, #tpu.memory_space<vmem>> -> memref<1x80x128xf32, #tpu.memory_space<vmem>>
    %dma_start3A_563 = tpu.memref_squeeze %dma_start3A_562 : memref<1x80x128xf32, #tpu.memory_space<vmem>> -> memref<80x128xf32, #tpu.memory_space<vmem>>
    %dma_start3A_564 = arith.constant 0 : i32
    %dma_start3A_565 = tpu.memref_slice %arg7[%dma_start3A_557, %dma_start3A_558, %dma_start3A_564] : memref<2x25x80xi32, #tpu.memory_space<vmem>> -> memref<1x1x80xi32, #tpu.memory_space<vmem>>
    %dma_start3A_566 = tpu.memref_squeeze %dma_start3A_565 : memref<1x1x80xi32, #tpu.memory_space<vmem>> -> memref<80xi32, #tpu.memory_space<vmem>>
    %dma_start3A_567 = arith.constant 0 : i32
    %dma_start3A_568 = arith.constant 0 : i32
    %dma_start3A_569 = tpu.memref_slice %arg2[%dma_start3A_567, %dma_start3A_568] : memref<10000x128xf32, #tpu.memory_space<hbm>> -> memref<10000x128xf32, #tpu.memory_space<hbm>>
    tpu.enqueue_indirect_dma source(%dma_start3A_569 : memref<10000x128xf32, #tpu.memory_space<hbm>>) target(%dma_start3A_563 : memref<80x128xf32, #tpu.memory_space<vmem>>) offsets(%dma_start3A_566 : memref<80xi32, #tpu.memory_space<vmem>>) semaphore(%arg11 : memref<!tpu.dma_semaphore, #tpu.memory_space<semaphore_mem>>)
    %scan3A_570 = arith.constant 0 : i32
    %scan3A_571 = arith.constant 0 : i32
    %scan3A_572 = arith.constant 25 : i32
    %scan3A_573 = arith.addi %scan3A_571, %scan3A_572 : i32
    %scan3A_574 = arith.constant 1 : i32
    scf.for %scan3A_590 = %scan3A_571 to %scan3A_573 step %scan3A_574  : i32 {
      %rem3A = arith.constant 3 : i32
      %rem3A_591 = arith.remsi %scan3A_590, %rem3A : i32
      %dma_wait3A_592 = arith.constant 0 : i32
      %dma_wait3A_593 = arith.constant 0 : i32
      %dma_wait3A_594 = arith.constant 0 : i32
      %dma_wait3A_595 = tpu.memref_slice %arg9[%rem3A_591, %dma_wait3A_593, %dma_wait3A_594] : memref<3x80x128xf32, #tpu.memory_space<vmem>> -> memref<1x80x128xf32, #tpu.memory_space<vmem>>
      %dma_wait3A_596 = tpu.memref_squeeze %dma_wait3A_595 : memref<1x80x128xf32, #tpu.memory_space<vmem>> -> memref<80x128xf32, #tpu.memory_space<vmem>>
      %dma_wait3A_597 = arith.constant 0 : i32
      %dma_wait3A_598 = tpu.memref_slice %arg7[%dma_wait3A_592, %scan3A_590, %dma_wait3A_597] : memref<2x25x80xi32, #tpu.memory_space<vmem>> -> memref<1x1x80xi32, #tpu.memory_space<vmem>>
      %dma_wait3A_599 = tpu.memref_squeeze %dma_wait3A_598 : memref<1x1x80xi32, #tpu.memory_space<vmem>> -> memref<80xi32, #tpu.memory_space<vmem>>
      %dma_wait3A_600 = arith.constant 0 : i32
      %dma_wait3A_601 = arith.constant 0 : i32
      %dma_wait3A_602 = tpu.memref_slice %arg2[%dma_wait3A_600, %dma_wait3A_601] : memref<10000x128xf32, #tpu.memory_space<hbm>> -> memref<10000x128xf32, #tpu.memory_space<hbm>>
      tpu.wait_indirect_dma semaphore(%arg11 : memref<!tpu.dma_semaphore, #tpu.memory_space<semaphore_mem>>) src(%dma_wait3A_602 : memref<10000x128xf32, #tpu.memory_space<hbm>>) dst(%dma_wait3A_596 : memref<80x128xf32, #tpu.memory_space<vmem>>)
      %dma_start3A_603 = arith.constant 0 : i32
      %dma_start3A_604 = arith.constant 0 : i32
      %dma_start3A_605 = arith.constant 0 : i32
      %dma_start3A_606 = tpu.memref_slice %arg9[%rem3A_591, %dma_start3A_604, %dma_start3A_605] : memref<3x80x128xf32, #tpu.memory_space<vmem>> -> memref<1x80x128xf32, #tpu.memory_space<vmem>>
      %dma_start3A_607 = tpu.memref_squeeze %dma_start3A_606 : memref<1x80x128xf32, #tpu.memory_space<vmem>> -> memref<80x128xf32, #tpu.memory_space<vmem>>
      %dma_start3A_608 = arith.constant 0 : i32
      %dma_start3A_609 = tpu.memref_slice %arg8[%dma_start3A_603, %scan3A_590, %dma_start3A_608] : memref<2x25x80xi32, #tpu.memory_space<vmem>> -> memref<1x1x80xi32, #tpu.memory_space<vmem>>
      %dma_start3A_610 = tpu.memref_squeeze %dma_start3A_609 : memref<1x1x80xi32, #tpu.memory_space<vmem>> -> memref<80xi32, #tpu.memory_space<vmem>>
      %dma_start3A_611 = arith.constant 0 : i32
      %dma_start3A_612 = arith.constant 0 : i32
      %dma_start3A_613 = tpu.memref_slice %arg10[%dma_start3A_611, %dma_start3A_612] : memref<10000x128xf32, #tpu.memory_space<vmem_shared>> -> memref<10000x128xf32, #tpu.memory_space<vmem_shared>>
      tpu.enqueue_indirect_dma source(%dma_start3A_607 : memref<80x128xf32, #tpu.memory_space<vmem>>) target(%dma_start3A_613 : memref<10000x128xf32, #tpu.memory_space<vmem_shared>>) offsets(%dma_start3A_610 : memref<80xi32, #tpu.memory_space<vmem>>) semaphore(%arg12 : memref<!tpu.dma_semaphore, #tpu.memory_space<semaphore_mem>>) {add = true}
      %gt3A = arith.constant 0 : i32
      %gt3A_614 = arith.cmpi sgt, %scan3A_590, %gt3A : i32
      %convert_element_type3A = arith.extui %gt3A_614 : i1 to i32
      %cond3A = arith.constant 0 : i32
      %cond3A_615 = arith.cmpi ne, %convert_element_type3A, %cond3A : i32
      scf.if %cond3A_615 {
        %sub3A = arith.constant 1 : i32
        %sub3A_622 = arith.subi %scan3A_590, %sub3A : i32
        %rem3A_623 = arith.constant 3 : i32
        %rem3A_624 = arith.remsi %sub3A_622, %rem3A_623 : i32
        %sub3A_625 = arith.constant 1 : i32
        %sub3A_626 = arith.subi %scan3A_590, %sub3A_625 : i32
        %dma_wait3A_627 = arith.constant 0 : i32
        %dma_wait3A_628 = arith.constant 0 : i32
        %dma_wait3A_629 = arith.constant 0 : i32
        %dma_wait3A_630 = tpu.memref_slice %arg9[%rem3A_624, %dma_wait3A_628, %dma_wait3A_629] : memref<3x80x128xf32, #tpu.memory_space<vmem>> -> memref<1x80x128xf32, #tpu.memory_space<vmem>>
        %dma_wait3A_631 = tpu.memref_squeeze %dma_wait3A_630 : memref<1x80x128xf32, #tpu.memory_space<vmem>> -> memref<80x128xf32, #tpu.memory_space<vmem>>
        %dma_wait3A_632 = arith.constant 0 : i32
        %dma_wait3A_633 = tpu.memref_slice %arg8[%dma_wait3A_627, %sub3A_626, %dma_wait3A_632] : memref<2x25x80xi32, #tpu.memory_space<vmem>> -> memref<1x1x80xi32, #tpu.memory_space<vmem>>
        %dma_wait3A_634 = tpu.memref_squeeze %dma_wait3A_633 : memref<1x1x80xi32, #tpu.memory_space<vmem>> -> memref<80xi32, #tpu.memory_space<vmem>>
        %dma_wait3A_635 = arith.constant 0 : i32
        %dma_wait3A_636 = arith.constant 0 : i32
        %dma_wait3A_637 = tpu.memref_slice %arg10[%dma_wait3A_635, %dma_wait3A_636] : memref<10000x128xf32, #tpu.memory_space<vmem_shared>> -> memref<10000x128xf32, #tpu.memory_space<vmem_shared>>
        tpu.wait_indirect_dma semaphore(%arg12 : memref<!tpu.dma_semaphore, #tpu.memory_space<semaphore_mem>>) src(%dma_wait3A_631 : memref<80x128xf32, #tpu.memory_space<vmem>>) dst(%dma_wait3A_637 : memref<10000x128xf32, #tpu.memory_space<vmem_shared>>)
      } else {
      }
      %add3A_616 = arith.constant 2 : i32
      %add3A_617 = arith.addi %scan3A_590, %add3A_616 : i32
      %lt3A = arith.constant 25 : i32
      %lt3A_618 = arith.cmpi slt, %add3A_617, %lt3A : i32
      %convert_element_type3A_619 = arith.extui %lt3A_618 : i1 to i32
      %cond3A_620 = arith.constant 0 : i32
      %cond3A_621 = arith.cmpi ne, %convert_element_type3A_619, %cond3A_620 : i32
      scf.if %cond3A_621 {
        %add3A_622 = arith.constant 2 : i32
        %add3A_623 = arith.addi %scan3A_590, %add3A_622 : i32
        %add3A_624 = arith.constant 2 : i32
        %add3A_625 = arith.addi %scan3A_590, %add3A_624 : i32
        %rem3A_626 = arith.constant 3 : i32
        %rem3A_627 = arith.remsi %add3A_625, %rem3A_626 : i32
        %dma_start3A_628 = arith.constant 0 : i32
        %dma_start3A_629 = arith.constant 0 : i32
        %dma_start3A_630 = arith.constant 0 : i32
        %dma_start3A_631 = tpu.memref_slice %arg9[%rem3A_627, %dma_start3A_629, %dma_start3A_630] : memref<3x80x128xf32, #tpu.memory_space<vmem>> -> memref<1x80x128xf32, #tpu.memory_space<vmem>>
        %dma_start3A_632 = tpu.memref_squeeze %dma_start3A_631 : memref<1x80x128xf32, #tpu.memory_space<vmem>> -> memref<80x128xf32, #tpu.memory_space<vmem>>
        %dma_start3A_633 = arith.constant 0 : i32
        %dma_start3A_634 = tpu.memref_slice %arg7[%dma_start3A_628, %add3A_623, %dma_start3A_633] : memref<2x25x80xi32, #tpu.memory_space<vmem>> -> memref<1x1x80xi32, #tpu.memory_space<vmem>>
        %dma_start3A_635 = tpu.memref_squeeze %dma_start3A_634 : memref<1x1x80xi32, #tpu.memory_space<vmem>> -> memref<80xi32, #tpu.memory_space<vmem>>
        %dma_start3A_636 = arith.constant 0 : i32
        %dma_start3A_637 = arith.constant 0 : i32
        %dma_start3A_638 = tpu.memref_slice %arg2[%dma_start3A_636, %dma_start3A_637] : memref<10000x128xf32, #tpu.memory_space<hbm>> -> memref<10000x128xf32, #tpu.memory_space<hbm>>
        tpu.enqueue_indirect_dma source(%dma_start3A_638 : memref<10000x128xf32, #tpu.memory_space<hbm>>) target(%dma_start3A_632 : memref<80x128xf32, #tpu.memory_space<vmem>>) offsets(%dma_start3A_635 : memref<80xi32, #tpu.memory_space<vmem>>) semaphore(%arg11 : memref<!tpu.dma_semaphore, #tpu.memory_space<semaphore_mem>>)
      } else {
      }
    }
    %scan3A_575 = arith.constant 25 : i32
    %dma_wait3A_576 = arith.constant 0 : i32
    %dma_wait3A_577 = arith.constant 0 : i32
    %dma_wait3A_578 = arith.constant 24 : i32
    %dma_wait3A_579 = arith.constant 0 : i32
    %dma_wait3A_580 = arith.constant 0 : i32
    %dma_wait3A_581 = tpu.memref_slice %arg9[%dma_wait3A_576, %dma_wait3A_579, %dma_wait3A_580] : memref<3x80x128xf32, #tpu.memory_space<vmem>> -> memref<1x80x128xf32, #tpu.memory_space<vmem>>
    %dma_wait3A_582 = tpu.memref_squeeze %dma_wait3A_581 : memref<1x80x128xf32, #tpu.memory_space<vmem>> -> memref<80x128xf32, #tpu.memory_space<vmem>>
    %dma_wait3A_583 = arith.constant 0 : i32
    %dma_wait3A_584 = tpu.memref_slice %arg8[%dma_wait3A_577, %dma_wait3A_578, %dma_wait3A_583] : memref<2x25x80xi32, #tpu.memory_space<vmem>> -> memref<1x1x80xi32, #tpu.memory_space<vmem>>
    %dma_wait3A_585 = tpu.memref_squeeze %dma_wait3A_584 : memref<1x1x80xi32, #tpu.memory_space<vmem>> -> memref<80xi32, #tpu.memory_space<vmem>>
    %dma_wait3A_586 = arith.constant 0 : i32
    %dma_wait3A_587 = arith.constant 0 : i32
    %dma_wait3A_588 = tpu.memref_slice %arg10[%dma_wait3A_586, %dma_wait3A_587] : memref<10000x128xf32, #tpu.memory_space<vmem_shared>> -> memref<10000x128xf32, #tpu.memory_space<vmem_shared>>
    tpu.wait_indirect_dma semaphore(%arg12 : memref<!tpu.dma_semaphore, #tpu.memory_space<semaphore_mem>>) src(%dma_wait3A_582 : memref<80x128xf32, #tpu.memory_space<vmem>>) dst(%dma_wait3A_588 : memref<10000x128xf32, #tpu.memory_space<vmem_shared>>)
    %barrier3A_589 = arith.constant 0 : index
    tpu.barrier barrier_id(%barrier3A_589)
    "tpu.region"() ({
      %run_scoped3A = tpu.sem_alloc : memref<!tpu.dma_semaphore, #tpu.memory_space<semaphore_mem>>
      %dma_start3A_590 = arith.constant 0 : i32
      %dma_start3A_591 = arith.constant 0 : i32
      %dma_start3A_592 = tpu.memref_slice %arg6[%arg0, %arg1, %dma_start3A_590, %dma_start3A_591] : memref<2x16x625x128xf32, #tpu.memory_space<hbm>> -> memref<1x1x625x128xf32, #tpu.memory_space<hbm>>
      %dma_start3A_593 = tpu.memref_squeeze %dma_start3A_592 : memref<1x1x625x128xf32, #tpu.memory_space<hbm>> -> memref<625x128xf32, #tpu.memory_space<hbm>>
      %dma_start3A_594 = arith.constant 0 : i32
      %dma_start3A_595 = tpu.memref_slice %arg10[%mul3A_2, %dma_start3A_594] : memref<10000x128xf32, #tpu.memory_space<vmem_shared>> -> memref<625x128xf32, #tpu.memory_space<vmem_shared>>
      tpu.enqueue_dma source(%dma_start3A_595 : memref<625x128xf32, #tpu.memory_space<vmem_shared>>) target(%dma_start3A_593 : memref<625x128xf32, #tpu.memory_space<hbm>>) target_semaphore(%run_scoped3A : memref<!tpu.dma_semaphore, #tpu.memory_space<semaphore_mem>>)
      %dma_wait3A_596 = arith.constant 0 : i32
      %dma_wait3A_597 = arith.constant 0 : i32
      %dma_wait3A_598 = tpu.memref_slice %arg6[%arg0, %arg1, %dma_wait3A_596, %dma_wait3A_597] : memref<2x16x625x128xf32, #tpu.memory_space<hbm>> -> memref<1x1x625x128xf32, #tpu.memory_space<hbm>>
      %dma_wait3A_599 = tpu.memref_squeeze %dma_wait3A_598 : memref<1x1x625x128xf32, #tpu.memory_space<hbm>> -> memref<625x128xf32, #tpu.memory_space<hbm>>
      %dma_wait3A_600 = arith.constant 0 : i32
      %dma_wait3A_601 = tpu.memref_slice %arg10[%mul3A_2, %dma_wait3A_600] : memref<10000x128xf32, #tpu.memory_space<vmem_shared>> -> memref<625x128xf32, #tpu.memory_space<vmem_shared>>
      tpu.wait_dma2 semaphore(%run_scoped3A : memref<!tpu.dma_semaphore, #tpu.memory_space<semaphore_mem>>) src(%dma_wait3A_601 : memref<625x128xf32, #tpu.memory_space<vmem_shared>>) dst(%dma_wait3A_599 : memref<625x128xf32, #tpu.memory_space<hbm>>)
      tpu.yield
    }) : () -> ()
    return
  }
}

#map = affine_map<(d0, d1) -> (0, 0)>
module attributes {stable_mosaic.version = 14 : i64} {
  func.func @_sc_degree(%arg0: i32, %arg1: i32, %arg2: memref<32x10000xi32, #tpu.memory_space<hbm>>, %arg3: memref<32x10000xf32, #tpu.memory_space<hbm>>, %arg4: memref<10000xi32, #tpu.memory_space<vmem>>, %arg5: memref<10000xf32, #tpu.memory_space<vmem>>) attributes {dimension_semantics = [#tpu.dimension_semantics<core_parallel>, #tpu.dimension_semantics<subcore_parallel>], iteration_bounds = array<i64: 2, 16>, scalar_prefetch = 0 : i64, scratch_operands = 2 : i64, tpu.core_type = #tpu.core_type<sc_vector_subcore>, window_params = [{transform_indices = #map}, {transform_indices = #map}]} {
    %mul3A = arith.constant 2 : i32
    %mul3A_0 = arith.muli %arg1, %mul3A : i32
    %add3A = arith.addi %mul3A_0, %arg0 : i32
    %broadcast_in_dim3A = arith.constant 0.000000e+00 : f32
    %broadcast_in_dim3A_1 = vector.broadcast %broadcast_in_dim3A : f32 to vector<16xf32>
    %scan3A = arith.constant 0 : i32
    %scan3A_2 = arith.constant 0 : i32
    %scan3A_3 = arith.constant 625 : i32
    %scan3A_4 = arith.addi %scan3A_2, %scan3A_3 : i32
    %scan3A_5 = arith.constant 1 : i32
    scf.for %scan3A_15 = %scan3A_2 to %scan3A_4 step %scan3A_5  : i32 {
      %mul3A_16 = arith.constant 16 : i32
      %mul3A_17 = arith.muli %scan3A_15, %mul3A_16 : i32
      %swap3A = arith.index_cast %mul3A_17 : i32 to index
      %swap3A_18 = tpu.vector_load %arg5[%swap3A] {strides = array<i32>} : memref<10000xf32, #tpu.memory_space<vmem>>, vector<16xf32>,
      tpu.vector_store %arg5[%swap3A], %broadcast_in_dim3A_1 {strides = array<i32>} : memref<10000xf32, #tpu.memory_space<vmem>>, vector<16xf32>,
    }
    %scan3A_6 = arith.constant 625 : i32
    "tpu.region"() ({
      %run_scoped3A = tpu.sem_alloc : memref<!tpu.dma_semaphore, #tpu.memory_space<semaphore_mem>>
      %dma_start3A = arith.constant 0 : i32
      %dma_start3A_15 = tpu.memref_slice %arg2[%add3A, %dma_start3A] : memref<32x10000xi32, #tpu.memory_space<hbm>> -> memref<1x10000xi32, #tpu.memory_space<hbm>>
      %dma_start3A_16 = tpu.memref_squeeze %dma_start3A_15 : memref<1x10000xi32, #tpu.memory_space<hbm>> -> memref<10000xi32, #tpu.memory_space<hbm>>
      %dma_start3A_17 = arith.constant 0 : i32
      %dma_start3A_18 = tpu.memref_slice %arg2[%add3A, %dma_start3A_17] : memref<32x10000xi32, #tpu.memory_space<hbm>> -> memref<1x10000xi32, #tpu.memory_space<hbm>>
      %dma_start3A_19 = tpu.memref_squeeze %dma_start3A_18 : memref<1x10000xi32, #tpu.memory_space<hbm>> -> memref<10000xi32, #tpu.memory_space<hbm>>
      tpu.enqueue_dma source(%dma_start3A_19 : memref<10000xi32, #tpu.memory_space<hbm>>) target(%arg4 : memref<10000xi32, #tpu.memory_space<vmem>>) target_semaphore(%run_scoped3A : memref<!tpu.dma_semaphore, #tpu.memory_space<semaphore_mem>>)
      %dma_wait3A = arith.constant 0 : i32
      %dma_wait3A_20 = tpu.memref_slice %arg2[%add3A, %dma_wait3A] : memref<32x10000xi32, #tpu.memory_space<hbm>> -> memref<1x10000xi32, #tpu.memory_space<hbm>>
      %dma_wait3A_21 = tpu.memref_squeeze %dma_wait3A_20 : memref<1x10000xi32, #tpu.memory_space<hbm>> -> memref<10000xi32, #tpu.memory_space<hbm>>
      %dma_wait3A_22 = arith.constant 0 : i32
      %dma_wait3A_23 = tpu.memref_slice %arg2[%add3A, %dma_wait3A_22] : memref<32x10000xi32, #tpu.memory_space<hbm>> -> memref<1x10000xi32, #tpu.memory_space<hbm>>
      %dma_wait3A_24 = tpu.memref_squeeze %dma_wait3A_23 : memref<1x10000xi32, #tpu.memory_space<hbm>> -> memref<10000xi32, #tpu.memory_space<hbm>>
      tpu.wait_dma2 semaphore(%run_scoped3A : memref<!tpu.dma_semaphore, #tpu.memory_space<semaphore_mem>>) src(%dma_wait3A_24 : memref<10000xi32, #tpu.memory_space<hbm>>) dst(%arg4 : memref<10000xi32, #tpu.memory_space<vmem>>)
      tpu.yield
    }) : () -> ()
    %broadcast_in_dim3A_7 = arith.constant 1.000000e+00 : f32
    %broadcast_in_dim3A_8 = vector.broadcast %broadcast_in_dim3A_7 : f32 to vector<16xf32>
    %scan3A_9 = arith.constant 0 : i32
    %scan3A_10 = arith.constant 0 : i32
    %scan3A_11 = arith.constant 625 : i32
    %scan3A_12 = arith.addi %scan3A_10, %scan3A_11 : i32
    %scan3A_13 = arith.constant 1 : i32
    scf.for %scan3A_15 = %scan3A_10 to %scan3A_12 step %scan3A_13  : i32 {
      %mul3A_16 = arith.constant 16 : i32
      %mul3A_17 = arith.muli %scan3A_15, %mul3A_16 : i32
      %get3A = arith.index_cast %mul3A_17 : i32 to index
      %get3A_18 = tpu.vector_load %arg4[%get3A] {strides = array<i32>} : memref<10000xi32, #tpu.memory_space<vmem>>, vector<16xi32>,
      tpu.vector_store_idx %arg5[%get3A_18], %broadcast_in_dim3A_8 {add = true} : memref<10000xf32, #tpu.memory_space<vmem>>[vector<16xi32>], vector<16xf32>,
    }
    %scan3A_14 = arith.constant 625 : i32
    "tpu.region"() ({
      %run_scoped3A = tpu.sem_alloc : memref<!tpu.dma_semaphore, #tpu.memory_space<semaphore_mem>>
      %dma_start3A = arith.constant 0 : i32
      %dma_start3A_15 = tpu.memref_slice %arg3[%add3A, %dma_start3A] : memref<32x10000xf32, #tpu.memory_space<hbm>> -> memref<1x10000xf32, #tpu.memory_space<hbm>>
      %dma_start3A_16 = tpu.memref_squeeze %dma_start3A_15 : memref<1x10000xf32, #tpu.memory_space<hbm>> -> memref<10000xf32, #tpu.memory_space<hbm>>
      %dma_start3A_17 = arith.constant 0 : i32
      %dma_start3A_18 = tpu.memref_slice %arg3[%add3A, %dma_start3A_17] : memref<32x10000xf32, #tpu.memory_space<hbm>> -> memref<1x10000xf32, #tpu.memory_space<hbm>>
      %dma_start3A_19 = tpu.memref_squeeze %dma_start3A_18 : memref<1x10000xf32, #tpu.memory_space<hbm>> -> memref<10000xf32, #tpu.memory_space<hbm>>
      tpu.enqueue_dma source(%arg5 : memref<10000xf32, #tpu.memory_space<vmem>>) target(%dma_start3A_19 : memref<10000xf32, #tpu.memory_space<hbm>>) target_semaphore(%run_scoped3A : memref<!tpu.dma_semaphore, #tpu.memory_space<semaphore_mem>>)
      %dma_wait3A = arith.constant 0 : i32
      %dma_wait3A_20 = tpu.memref_slice %arg3[%add3A, %dma_wait3A] : memref<32x10000xf32, #tpu.memory_space<hbm>> -> memref<1x10000xf32, #tpu.memory_space<hbm>>
      %dma_wait3A_21 = tpu.memref_squeeze %dma_wait3A_20 : memref<1x10000xf32, #tpu.memory_space<hbm>> -> memref<10000xf32, #tpu.memory_space<hbm>>
      %dma_wait3A_22 = arith.constant 0 : i32
      %dma_wait3A_23 = tpu.memref_slice %arg3[%add3A, %dma_wait3A_22] : memref<32x10000xf32, #tpu.memory_space<hbm>> -> memref<1x10000xf32, #tpu.memory_space<hbm>>
      %dma_wait3A_24 = tpu.memref_squeeze %dma_wait3A_23 : memref<1x10000xf32, #tpu.memory_space<hbm>> -> memref<10000xf32, #tpu.memory_space<hbm>>
      tpu.wait_dma2 semaphore(%run_scoped3A : memref<!tpu.dma_semaphore, #tpu.memory_space<semaphore_mem>>) src(%arg5 : memref<10000xf32, #tpu.memory_space<vmem>>) dst(%dma_wait3A_24 : memref<10000xf32, #tpu.memory_space<hbm>>)
      tpu.yield
    }) : () -> ()
    return
  }
}

#map = affine_map<(d0, d1) -> (0, 0)>
#map1 = affine_map<(d0, d1) -> (0, 0, 0, 0)>
module attributes {stable_mosaic.version = 14 : i64} {
  func.func @_sc_aggregate(%arg0: i32, %arg1: i32, %arg2: memref<10000x128xf32, #tpu.memory_space<hbm>>, %arg3: memref<32x5x25x80xi32, #tpu.memory_space<hbm>>, %arg4: memref<32x5x25x80xi32, #tpu.memory_space<hbm>>, %arg5: memref<625x128xf32, #tpu.memory_space<hbm>>, %arg6: memref<2x16x625x128xf32, #tpu.memory_space<hbm>>, %arg7: memref<2x25x80xi32, #tpu.memory_space<vmem>>, %arg8: memref<2x25x80xi32, #tpu.memory_space<vmem>>, %arg9: memref<3x80x128xf32, #tpu.memory_space<vmem>>, %arg10: memref<10000x128xf32, #tpu.memory_space<vmem_shared>>, %arg11: memref<!tpu.dma_semaphore, #tpu.memory_space<semaphore_mem>>, %arg12: memref<!tpu.dma_semaphore, #tpu.memory_space<semaphore_mem>>, %arg13: memref<!tpu.dma_semaphore, #tpu.memory_space<semaphore_mem>>) attributes {dimension_semantics = [#tpu.dimension_semantics<core_parallel>, #tpu.dimension_semantics<subcore_parallel>], iteration_bounds = array<i64: 2, 16>, scalar_prefetch = 0 : i64, scratch_operands = 7 : i64, tpu.core_type = #tpu.core_type<sc_vector_subcore>, window_params = [{transform_indices = #map}, {transform_indices = #map1}, {transform_indices = #map1}, {transform_indices = #map}, {transform_indices = #map1}]} {
    %mul3A = arith.constant 2 : i32
    %mul3A_0 = arith.muli %arg1, %mul3A : i32
    %add3A = arith.addi %mul3A_0, %arg0 : i32
    %mul3A_1 = arith.constant 625 : i32
    %mul3A_2 = arith.muli %arg1, %mul3A_1 : i32
    %dma_start3A = arith.constant 0 : i32
    %dma_start3A_3 = tpu.memref_slice %arg10[%mul3A_2, %dma_start3A] : memref<10000x128xf32, #tpu.memory_space<vmem_shared>> -> memref<625x128xf32, #tpu.memory_space<vmem_shared>>
    tpu.enqueue_dma source(%arg5 : memref<625x128xf32, #tpu.memory_space<hbm>>) target(%dma_start3A_3 : memref<625x128xf32, #tpu.memory_space<vmem_shared>>) target_semaphore(%arg11 : memref<!tpu.dma_semaphore, #tpu.memory_space<semaphore_mem>>)
    %dma_start3A_4 = arith.constant 0 : i32
    %dma_start3A_5 = arith.constant 0 : i32
    %dma_start3A_6 = arith.constant 0 : i32
    %dma_start3A_7 = arith.constant 0 : i32
    %dma_start3A_8 = tpu.memref_slice %arg7[%dma_start3A_5, %dma_start3A_6, %dma_start3A_7] : memref<2x25x80xi32, #tpu.memory_space<vmem>> -> memref<1x25x80xi32, #tpu.memory_space<vmem>>
    %dma_start3A_9 = tpu.memref_squeeze %dma_start3A_8 : memref<1x25x80xi32, #tpu.memory_space<vmem>> -> memref<25x80xi32, #tpu.memory_space<vmem>>
    %dma_start3A_10 = arith.constant 0 : i32
    %dma_start3A_11 = arith.constant 0 : i32
    %dma_start3A_12 = tpu.memref_slice %arg3[%add3A, %dma_start3A_4, %dma_start3A_10, %dma_start3A_11] : memref<32x5x25x80xi32, #tpu.memory_space<hbm>> -> memref<1x1x25x80xi32, #tpu.memory_space<hbm>>
    %dma_start3A_13 = tpu.memref_squeeze %dma_start3A_12 : memref<1x1x25x80xi32, #tpu.memory_space<hbm>> -> memref<25x80xi32, #tpu.memory_space<hbm>>
    %dma_start3A_14 = arith.constant 0 : i32
    %dma_start3A_15 = arith.constant 0 : i32
    %dma_start3A_16 = tpu.memref_slice %arg7[%dma_start3A_5, %dma_start3A_14, %dma_start3A_15] : memref<2x25x80xi32, #tpu.memory_space<vmem>> -> memref<1x25x80xi32, #tpu.memory_space<vmem>>
    %dma_start3A_17 = tpu.memref_squeeze %dma_start3A_16 : memref<1x25x80xi32, #tpu.memory_space<vmem>> -> memref<25x80xi32, #tpu.memory_space<vmem>>
    %dma_start3A_18 = arith.constant 0 : i32
    %dma_start3A_19 = arith.constant 0 : i32
    %dma_start3A_20 = tpu.memref_slice %arg3[%add3A, %dma_start3A_4, %dma_start3A_18, %dma_start3A_19] : memref<32x5x25x80xi32, #tpu.memory_space<hbm>> -> memref<1x1x25x80xi32, #tpu.memory_space<hbm>>
    %dma_start3A_21 = tpu.memref_squeeze %dma_start3A_20 : memref<1x1x25x80xi32, #tpu.memory_space<hbm>> -> memref<25x80xi32, #tpu.memory_space<hbm>>
    tpu.enqueue_dma source(%dma_start3A_21 : memref<25x80xi32, #tpu.memory_space<hbm>>) target(%dma_start3A_17 : memref<25x80xi32, #tpu.memory_space<vmem>>) target_semaphore(%arg11 : memref<!tpu.dma_semaphore, #tpu.memory_space<semaphore_mem>>)
    %dma_start3A_22 = arith.constant 0 : i32
    %dma_start3A_23 = arith.constant 0 : i32
    %dma_start3A_24 = arith.constant 0 : i32
    %dma_start3A_25 = arith.constant 0 : i32
    %dma_start3A_26 = tpu.memref_slice %arg8[%dma_start3A_23, %dma_start3A_24, %dma_start3A_25] : memref<2x25x80xi32, #tpu.memory_space<vmem>> -> memref<1x25x80xi32, #tpu.memory_space<vmem>>
    %dma_start3A_27 = tpu.memref_squeeze %dma_start3A_26 : memref<1x25x80xi32, #tpu.memory_space<vmem>> -> memref<25x80xi32, #tpu.memory_space<vmem>>
    %dma_start3A_28 = arith.constant 0 : i32
    %dma_start3A_29 = arith.constant 0 : i32
    %dma_start3A_30 = tpu.memref_slice %arg4[%add3A, %dma_start3A_22, %dma_start3A_28, %dma_start3A_29] : memref<32x5x25x80xi32, #tpu.memory_space<hbm>> -> memref<1x1x25x80xi32, #tpu.memory_space<hbm>>
    %dma_start3A_31 = tpu.memref_squeeze %dma_start3A_30 : memref<1x1x25x80xi32, #tpu.memory_space<hbm>> -> memref<25x80xi32, #tpu.memory_space<hbm>>
    %dma_start3A_32 = arith.constant 0 : i32
    %dma_start3A_33 = arith.constant 0 : i32
    %dma_start3A_34 = tpu.memref_slice %arg8[%dma_start3A_23, %dma_start3A_32, %dma_start3A_33] : memref<2x25x80xi32, #tpu.memory_space<vmem>> -> memref<1x25x80xi32, #tpu.memory_space<vmem>>
    %dma_start3A_35 = tpu.memref_squeeze %dma_start3A_34 : memref<1x25x80xi32, #tpu.memory_space<vmem>> -> memref<25x80xi32, #tpu.memory_space<vmem>>
    %dma_start3A_36 = arith.constant 0 : i32
    %dma_start3A_37 = arith.constant 0 : i32
    %dma_start3A_38 = tpu.memref_slice %arg4[%add3A, %dma_start3A_22, %dma_start3A_36, %dma_start3A_37] : memref<32x5x25x80xi32, #tpu.memory_space<hbm>> -> memref<1x1x25x80xi32, #tpu.memory_space<hbm>>
    %dma_start3A_39 = tpu.memref_squeeze %dma_start3A_38 : memref<1x1x25x80xi32, #tpu.memory_space<hbm>> -> memref<25x80xi32, #tpu.memory_space<hbm>>
    tpu.enqueue_dma source(%dma_start3A_39 : memref<25x80xi32, #tpu.memory_space<hbm>>) target(%dma_start3A_35 : memref<25x80xi32, #tpu.memory_space<vmem>>) target_semaphore(%arg11 : memref<!tpu.dma_semaphore, #tpu.memory_space<semaphore_mem>>)
    %dma_wait3A = arith.constant 0 : i32
    %dma_wait3A_40 = tpu.memref_slice %arg10[%mul3A_2, %dma_wait3A] : memref<10000x128xf32, #tpu.memory_space<vmem_shared>> -> memref<625x128xf32, #tpu.memory_space<vmem_shared>>
    tpu.wait_dma2 semaphore(%arg11 : memref<!tpu.dma_semaphore, #tpu.memory_space<semaphore_mem>>) src(%arg5 : memref<625x128xf32, #tpu.memory_space<hbm>>) dst(%dma_wait3A_40 : memref<625x128xf32, #tpu.memory_space<vmem_shared>>)
    %dma_wait3A_41 = arith.constant 0 : i32
    %dma_wait3A_42 = arith.constant 0 : i32
    %dma_wait3A_43 = arith.constant 0 : i32
    %dma_wait3A_44 = arith.constant 0 : i32
    %dma_wait3A_45 = tpu.memref_slice %arg7[%dma_wait3A_42, %dma_wait3A_43, %dma_wait3A_44] : memref<2x25x80xi32, #tpu.memory_space<vmem>> -> memref<1x25x80xi32, #tpu.memory_space<vmem>>
    %dma_wait3A_46 = tpu.memref_squeeze %dma_wait3A_45 : memref<1x25x80xi32, #tpu.memory_space<vmem>> -> memref<25x80xi32, #tpu.memory_space<vmem>>
    %dma_wait3A_47 = arith.constant 0 : i32
    %dma_wait3A_48 = arith.constant 0 : i32
    %dma_wait3A_49 = tpu.memref_slice %arg3[%add3A, %dma_wait3A_41, %dma_wait3A_47, %dma_wait3A_48] : memref<32x5x25x80xi32, #tpu.memory_space<hbm>> -> memref<1x1x25x80xi32, #tpu.memory_space<hbm>>
    %dma_wait3A_50 = tpu.memref_squeeze %dma_wait3A_49 : memref<1x1x25x80xi32, #tpu.memory_space<hbm>> -> memref<25x80xi32, #tpu.memory_space<hbm>>
    %dma_wait3A_51 = arith.constant 0 : i32
    %dma_wait3A_52 = arith.constant 0 : i32
    %dma_wait3A_53 = tpu.memref_slice %arg7[%dma_wait3A_42, %dma_wait3A_51, %dma_wait3A_52] : memref<2x25x80xi32, #tpu.memory_space<vmem>> -> memref<1x25x80xi32, #tpu.memory_space<vmem>>
    %dma_wait3A_54 = tpu.memref_squeeze %dma_wait3A_53 : memref<1x25x80xi32, #tpu.memory_space<vmem>> -> memref<25x80xi32, #tpu.memory_space<vmem>>
    %dma_wait3A_55 = arith.constant 0 : i32
    %dma_wait3A_56 = arith.constant 0 : i32
    %dma_wait3A_57 = tpu.memref_slice %arg3[%add3A, %dma_wait3A_41, %dma_wait3A_55, %dma_wait3A_56] : memref<32x5x25x80xi32, #tpu.memory_space<hbm>> -> memref<1x1x25x80xi32, #tpu.memory_space<hbm>>
    %dma_wait3A_58 = tpu.memref_squeeze %dma_wait3A_57 : memref<1x1x25x80xi32, #tpu.memory_space<hbm>> -> memref<25x80xi32, #tpu.memory_space<hbm>>
    tpu.wait_dma2 semaphore(%arg11 : memref<!tpu.dma_semaphore, #tpu.memory_space<semaphore_mem>>) src(%dma_wait3A_58 : memref<25x80xi32, #tpu.memory_space<hbm>>) dst(%dma_wait3A_54 : memref<25x80xi32, #tpu.memory_space<vmem>>)
    %dma_wait3A_59 = arith.constant 0 : i32
    %dma_wait3A_60 = arith.constant 0 : i32
    %dma_wait3A_61 = arith.constant 0 : i32
    %dma_wait3A_62 = arith.constant 0 : i32
    %dma_wait3A_63 = tpu.memref_slice %arg8[%dma_wait3A_60, %dma_wait3A_61, %dma_wait3A_62] : memref<2x25x80xi32, #tpu.memory_space<vmem>> -> memref<1x25x80xi32, #tpu.memory_space<vmem>>
    %dma_wait3A_64 = tpu.memref_squeeze %dma_wait3A_63 : memref<1x25x80xi32, #tpu.memory_space<vmem>> -> memref<25x80xi32, #tpu.memory_space<vmem>>
    %dma_wait3A_65 = arith.constant 0 : i32
    %dma_wait3A_66 = arith.constant 0 : i32
    %dma_wait3A_67 = tpu.memref_slice %arg4[%add3A, %dma_wait3A_59, %dma_wait3A_65, %dma_wait3A_66] : memref<32x5x25x80xi32, #tpu.memory_space<hbm>> -> memref<1x1x25x80xi32, #tpu.memory_space<hbm>>
    %dma_wait3A_68 = tpu.memref_squeeze %dma_wait3A_67 : memref<1x1x25x80xi32, #tpu.memory_space<hbm>> -> memref<25x80xi32, #tpu.memory_space<hbm>>
    %dma_wait3A_69 = arith.constant 0 : i32
    %dma_wait3A_70 = arith.constant 0 : i32
    %dma_wait3A_71 = tpu.memref_slice %arg8[%dma_wait3A_60, %dma_wait3A_69, %dma_wait3A_70] : memref<2x25x80xi32, #tpu.memory_space<vmem>> -> memref<1x25x80xi32, #tpu.memory_space<vmem>>
    %dma_wait3A_72 = tpu.memref_squeeze %dma_wait3A_71 : memref<1x25x80xi32, #tpu.memory_space<vmem>> -> memref<25x80xi32, #tpu.memory_space<vmem>>
    %dma_wait3A_73 = arith.constant 0 : i32
    %dma_wait3A_74 = arith.constant 0 : i32
    %dma_wait3A_75 = tpu.memref_slice %arg4[%add3A, %dma_wait3A_59, %dma_wait3A_73, %dma_wait3A_74] : memref<32x5x25x80xi32, #tpu.memory_space<hbm>> -> memref<1x1x25x80xi32, #tpu.memory_space<hbm>>
    %dma_wait3A_76 = tpu.memref_squeeze %dma_wait3A_75 : memref<1x1x25x80xi32, #tpu.memory_space<hbm>> -> memref<25x80xi32, #tpu.memory_space<hbm>>
    tpu.wait_dma2 semaphore(%arg11 : memref<!tpu.dma_semaphore, #tpu.memory_space<semaphore_mem>>) src(%dma_wait3A_76 : memref<25x80xi32, #tpu.memory_space<hbm>>) dst(%dma_wait3A_72 : memref<25x80xi32, #tpu.memory_space<vmem>>)
    %barrier3A = arith.constant 0 : index
    tpu.barrier barrier_id(%barrier3A)
    %dma_start3A_77 = arith.constant 0 : i32
    %dma_start3A_78 = arith.constant 0 : i32
    %dma_start3A_79 = arith.constant 0 : i32
    %dma_start3A_80 = arith.constant 0 : i32
    %dma_start3A_81 = arith.constant 0 : i32
    %dma_start3A_82 = tpu.memref_slice %arg9[%dma_start3A_79, %dma_start3A_80, %dma_start3A_81] : memref<3x80x128xf32, #tpu.memory_space<vmem>> -> memref<1x80x128xf32, #tpu.memory_space<vmem>>
    %dma_start3A_83 = tpu.memref_squeeze %dma_start3A_82 : memref<1x80x128xf32, #tpu.memory_space<vmem>> -> memref<80x128xf32, #tpu.memory_space<vmem>>
    %dma_start3A_84 = arith.constant 0 : i32
    %dma_start3A_85 = tpu.memref_slice %arg7[%dma_start3A_77, %dma_start3A_78, %dma_start3A_84] : memref<2x25x80xi32, #tpu.memory_space<vmem>> -> memref<1x1x80xi32, #tpu.memory_space<vmem>>
    %dma_start3A_86 = tpu.memref_squeeze %dma_start3A_85 : memref<1x1x80xi32, #tpu.memory_space<vmem>> -> memref<80xi32, #tpu.memory_space<vmem>>
    %dma_start3A_87 = arith.constant 0 : i32
    %dma_start3A_88 = arith.constant 0 : i32
    %dma_start3A_89 = tpu.memref_slice %arg2[%dma_start3A_87, %dma_start3A_88] : memref<10000x128xf32, #tpu.memory_space<hbm>> -> memref<10000x128xf32, #tpu.memory_space<hbm>>
    tpu.enqueue_indirect_dma source(%dma_start3A_89 : memref<10000x128xf32, #tpu.memory_space<hbm>>) target(%dma_start3A_83 : memref<80x128xf32, #tpu.memory_space<vmem>>) offsets(%dma_start3A_86 : memref<80xi32, #tpu.memory_space<vmem>>) semaphore(%arg11 : memref<!tpu.dma_semaphore, #tpu.memory_space<semaphore_mem>>)
    %dma_start3A_90 = arith.constant 0 : i32
    %dma_start3A_91 = arith.constant 1 : i32
    %dma_start3A_92 = arith.constant 1 : i32
    %dma_start3A_93 = arith.constant 0 : i32
    %dma_start3A_94 = arith.constant 0 : i32
    %dma_start3A_95 = tpu.memref_slice %arg9[%dma_start3A_92, %dma_start3A_93, %dma_start3A_94] : memref<3x80x128xf32, #tpu.memory_space<vmem>> -> memref<1x80x128xf32, #tpu.memory_space<vmem>>
    %dma_start3A_96 = tpu.memref_squeeze %dma_start3A_95 : memref<1x80x128xf32, #tpu.memory_space<vmem>> -> memref<80x128xf32, #tpu.memory_space<vmem>>
    %dma_start3A_97 = arith.constant 0 : i32
    %dma_start3A_98 = tpu.memref_slice %arg7[%dma_start3A_90, %dma_start3A_91, %dma_start3A_97] : memref<2x25x80xi32, #tpu.memory_space<vmem>> -> memref<1x1x80xi32, #tpu.memory_space<vmem>>
    %dma_start3A_99 = tpu.memref_squeeze %dma_start3A_98 : memref<1x1x80xi32, #tpu.memory_space<vmem>> -> memref<80xi32, #tpu.memory_space<vmem>>
    %dma_start3A_100 = arith.constant 0 : i32
    %dma_start3A_101 = arith.constant 0 : i32
    %dma_start3A_102 = tpu.memref_slice %arg2[%dma_start3A_100, %dma_start3A_101] : memref<10000x128xf32, #tpu.memory_space<hbm>> -> memref<10000x128xf32, #tpu.memory_space<hbm>>
    tpu.enqueue_indirect_dma source(%dma_start3A_102 : memref<10000x128xf32, #tpu.memory_space<hbm>>) target(%dma_start3A_96 : memref<80x128xf32, #tpu.memory_space<vmem>>) offsets(%dma_start3A_99 : memref<80xi32, #tpu.memory_space<vmem>>) semaphore(%arg11 : memref<!tpu.dma_semaphore, #tpu.memory_space<semaphore_mem>>)
    %dma_start3A_103 = arith.constant 1 : i32
    %dma_start3A_104 = arith.constant 1 : i32
    %dma_start3A_105 = arith.constant 0 : i32
    %dma_start3A_106 = arith.constant 0 : i32
    %dma_start3A_107 = tpu.memref_slice %arg7[%dma_start3A_104, %dma_start3A_105, %dma_start3A_106] : memref<2x25x80xi32, #tpu.memory_space<vmem>> -> memref<1x25x80xi32, #tpu.memory_space<vmem>>
    %dma_start3A_108 = tpu.memref_squeeze %dma_start3A_107 : memref<1x25x80xi32, #tpu.memory_space<vmem>> -> memref<25x80xi32, #tpu.memory_space<vmem>>
    %dma_start3A_109 = arith.constant 0 : i32
    %dma_start3A_110 = arith.constant 0 : i32
    %dma_start3A_111 = tpu.memref_slice %arg3[%add3A, %dma_start3A_103, %dma_start3A_109, %dma_start3A_110] : memref<32x5x25x80xi32, #tpu.memory_space<hbm>> -> memref<1x1x25x80xi32, #tpu.memory_space<hbm>>
    %dma_start3A_112 = tpu.memref_squeeze %dma_start3A_111 : memref<1x1x25x80xi32, #tpu.memory_space<hbm>> -> memref<25x80xi32, #tpu.memory_space<hbm>>
    %dma_start3A_113 = arith.constant 0 : i32
    %dma_start3A_114 = arith.constant 0 : i32
    %dma_start3A_115 = tpu.memref_slice %arg7[%dma_start3A_104, %dma_start3A_113, %dma_start3A_114] : memref<2x25x80xi32, #tpu.memory_space<vmem>> -> memref<1x25x80xi32, #tpu.memory_space<vmem>>
    %dma_start3A_116 = tpu.memref_squeeze %dma_start3A_115 : memref<1x25x80xi32, #tpu.memory_space<vmem>> -> memref<25x80xi32, #tpu.memory_space<vmem>>
    %dma_start3A_117 = arith.constant 0 : i32
    %dma_start3A_118 = arith.constant 0 : i32
    %dma_start3A_119 = tpu.memref_slice %arg3[%add3A, %dma_start3A_103, %dma_start3A_117, %dma_start3A_118] : memref<32x5x25x80xi32, #tpu.memory_space<hbm>> -> memref<1x1x25x80xi32, #tpu.memory_space<hbm>>
    %dma_start3A_120 = tpu.memref_squeeze %dma_start3A_119 : memref<1x1x25x80xi32, #tpu.memory_space<hbm>> -> memref<25x80xi32, #tpu.memory_space<hbm>>
    tpu.enqueue_dma source(%dma_start3A_120 : memref<25x80xi32, #tpu.memory_space<hbm>>) target(%dma_start3A_116 : memref<25x80xi32, #tpu.memory_space<vmem>>) target_semaphore(%arg13 : memref<!tpu.dma_semaphore, #tpu.memory_space<semaphore_mem>>)
    %dma_start3A_121 = arith.constant 1 : i32
    %dma_start3A_122 = arith.constant 1 : i32
    %dma_start3A_123 = arith.constant 0 : i32
    %dma_start3A_124 = arith.constant 0 : i32
    %dma_start3A_125 = tpu.memref_slice %arg8[%dma_start3A_122, %dma_start3A_123, %dma_start3A_124] : memref<2x25x80xi32, #tpu.memory_space<vmem>> -> memref<1x25x80xi32, #tpu.memory_space<vmem>>
    %dma_start3A_126 = tpu.memref_squeeze %dma_start3A_125 : memref<1x25x80xi32, #tpu.memory_space<vmem>> -> memref<25x80xi32, #tpu.memory_space<vmem>>
    %dma_start3A_127 = arith.constant 0 : i32
    %dma_start3A_128 = arith.constant 0 : i32
    %dma_start3A_129 = tpu.memref_slice %arg4[%add3A, %dma_start3A_121, %dma_start3A_127, %dma_start3A_128] : memref<32x5x25x80xi32, #tpu.memory_space<hbm>> -> memref<1x1x25x80xi32, #tpu.memory_space<hbm>>
    %dma_start3A_130 = tpu.memref_squeeze %dma_start3A_129 : memref<1x1x25x80xi32, #tpu.memory_space<hbm>> -> memref<25x80xi32, #tpu.memory_space<hbm>>
    %dma_start3A_131 = arith.constant 0 : i32
    %dma_start3A_132 = arith.constant 0 : i32
    %dma_start3A_133 = tpu.memref_slice %arg8[%dma_start3A_122, %dma_start3A_131, %dma_start3A_132] : memref<2x25x80xi32, #tpu.memory_space<vmem>> -> memref<1x25x80xi32, #tpu.memory_space<vmem>>
    %dma_start3A_134 = tpu.memref_squeeze %dma_start3A_133 : memref<1x25x80xi32, #tpu.memory_space<vmem>> -> memref<25x80xi32, #tpu.memory_space<vmem>>
    %dma_start3A_135 = arith.constant 0 : i32
    %dma_start3A_136 = arith.constant 0 : i32
    %dma_start3A_137 = tpu.memref_slice %arg4[%add3A, %dma_start3A_121, %dma_start3A_135, %dma_start3A_136] : memref<32x5x25x80xi32, #tpu.memory_space<hbm>> -> memref<1x1x25x80xi32, #tpu.memory_space<hbm>>
    %dma_start3A_138 = tpu.memref_squeeze %dma_start3A_137 : memref<1x1x25x80xi32, #tpu.memory_space<hbm>> -> memref<25x80xi32, #tpu.memory_space<hbm>>
    tpu.enqueue_dma source(%dma_start3A_138 : memref<25x80xi32, #tpu.memory_space<hbm>>) target(%dma_start3A_134 : memref<25x80xi32, #tpu.memory_space<vmem>>) target_semaphore(%arg13 : memref<!tpu.dma_semaphore, #tpu.memory_space<semaphore_mem>>)
    %scan3A = arith.constant 0 : i32
    %scan3A_139 = arith.constant 0 : i32
    %scan3A_140 = arith.constant 25 : i32
    %scan3A_141 = arith.addi %scan3A_139, %scan3A_140 : i32
    %scan3A_142 = arith.constant 1 : i32
    scf.for %scan3A_590 = %scan3A_139 to %scan3A_141 step %scan3A_142  : i32 {
      %rem3A = arith.constant 3 : i32
      %rem3A_591 = arith.remsi %scan3A_590, %rem3A : i32
      %dma_wait3A_592 = arith.constant 0 : i32
      %dma_wait3A_593 = arith.constant 0 : i32
      %dma_wait3A_594 = arith.constant 0 : i32
      %dma_wait3A_595 = tpu.memref_slice %arg9[%rem3A_591, %dma_wait3A_593, %dma_wait3A_594] : memref<3x80x128xf32, #tpu.memory_space<vmem>> -> memref<1x80x128xf32, #tpu.memory_space<vmem>>
      %dma_wait3A_596 = tpu.memref_squeeze %dma_wait3A_595 : memref<1x80x128xf32, #tpu.memory_space<vmem>> -> memref<80x128xf32, #tpu.memory_space<vmem>>
      %dma_wait3A_597 = arith.constant 0 : i32
      %dma_wait3A_598 = tpu.memref_slice %arg7[%dma_wait3A_592, %scan3A_590, %dma_wait3A_597] : memref<2x25x80xi32, #tpu.memory_space<vmem>> -> memref<1x1x80xi32, #tpu.memory_space<vmem>>
      %dma_wait3A_599 = tpu.memref_squeeze %dma_wait3A_598 : memref<1x1x80xi32, #tpu.memory_space<vmem>> -> memref<80xi32, #tpu.memory_space<vmem>>
      %dma_wait3A_600 = arith.constant 0 : i32
      %dma_wait3A_601 = arith.constant 0 : i32
      %dma_wait3A_602 = tpu.memref_slice %arg2[%dma_wait3A_600, %dma_wait3A_601] : memref<10000x128xf32, #tpu.memory_space<hbm>> -> memref<10000x128xf32, #tpu.memory_space<hbm>>
      tpu.wait_indirect_dma semaphore(%arg11 : memref<!tpu.dma_semaphore, #tpu.memory_space<semaphore_mem>>) src(%dma_wait3A_602 : memref<10000x128xf32, #tpu.memory_space<hbm>>) dst(%dma_wait3A_596 : memref<80x128xf32, #tpu.memory_space<vmem>>)
      %dma_start3A_603 = arith.constant 0 : i32
      %dma_start3A_604 = arith.constant 0 : i32
      %dma_start3A_605 = arith.constant 0 : i32
      %dma_start3A_606 = tpu.memref_slice %arg9[%rem3A_591, %dma_start3A_604, %dma_start3A_605] : memref<3x80x128xf32, #tpu.memory_space<vmem>> -> memref<1x80x128xf32, #tpu.memory_space<vmem>>
      %dma_start3A_607 = tpu.memref_squeeze %dma_start3A_606 : memref<1x80x128xf32, #tpu.memory_space<vmem>> -> memref<80x128xf32, #tpu.memory_space<vmem>>
      %dma_start3A_608 = arith.constant 0 : i32
      %dma_start3A_609 = tpu.memref_slice %arg8[%dma_start3A_603, %scan3A_590, %dma_start3A_608] : memref<2x25x80xi32, #tpu.memory_space<vmem>> -> memref<1x1x80xi32, #tpu.memory_space<vmem>>
      %dma_start3A_610 = tpu.memref_squeeze %dma_start3A_609 : memref<1x1x80xi32, #tpu.memory_space<vmem>> -> memref<80xi32, #tpu.memory_space<vmem>>
      %dma_start3A_611 = arith.constant 0 : i32
      %dma_start3A_612 = arith.constant 0 : i32
      %dma_start3A_613 = tpu.memref_slice %arg10[%dma_start3A_611, %dma_start3A_612] : memref<10000x128xf32, #tpu.memory_space<vmem_shared>> -> memref<10000x128xf32, #tpu.memory_space<vmem_shared>>
      tpu.enqueue_indirect_dma source(%dma_start3A_607 : memref<80x128xf32, #tpu.memory_space<vmem>>) target(%dma_start3A_613 : memref<10000x128xf32, #tpu.memory_space<vmem_shared>>) offsets(%dma_start3A_610 : memref<80xi32, #tpu.memory_space<vmem>>) semaphore(%arg12 : memref<!tpu.dma_semaphore, #tpu.memory_space<semaphore_mem>>) {add = true}
      %gt3A = arith.constant 0 : i32
      %gt3A_614 = arith.cmpi sgt, %scan3A_590, %gt3A : i32
      %convert_element_type3A = arith.extui %gt3A_614 : i1 to i32
      %cond3A = arith.constant 0 : i32
      %cond3A_615 = arith.cmpi ne, %convert_element_type3A, %cond3A : i32
      scf.if %cond3A_615 {
        %sub3A = arith.constant 1 : i32
        %sub3A_622 = arith.subi %scan3A_590, %sub3A : i32
        %rem3A_623 = arith.constant 3 : i32
        %rem3A_624 = arith.remsi %sub3A_622, %rem3A_623 : i32
        %sub3A_625 = arith.constant 1 : i32
        %sub3A_626 = arith.subi %scan3A_590, %sub3A_625 : i32
        %dma_wait3A_627 = arith.constant 0 : i32
        %dma_wait3A_628 = arith.constant 0 : i32
        %dma_wait3A_629 = arith.constant 0 : i32
        %dma_wait3A_630 = tpu.memref_slice %arg9[%rem3A_624, %dma_wait3A_628, %dma_wait3A_629] : memref<3x80x128xf32, #tpu.memory_space<vmem>> -> memref<1x80x128xf32, #tpu.memory_space<vmem>>
        %dma_wait3A_631 = tpu.memref_squeeze %dma_wait3A_630 : memref<1x80x128xf32, #tpu.memory_space<vmem>> -> memref<80x128xf32, #tpu.memory_space<vmem>>
        %dma_wait3A_632 = arith.constant 0 : i32
        %dma_wait3A_633 = tpu.memref_slice %arg8[%dma_wait3A_627, %sub3A_626, %dma_wait3A_632] : memref<2x25x80xi32, #tpu.memory_space<vmem>> -> memref<1x1x80xi32, #tpu.memory_space<vmem>>
        %dma_wait3A_634 = tpu.memref_squeeze %dma_wait3A_633 : memref<1x1x80xi32, #tpu.memory_space<vmem>> -> memref<80xi32, #tpu.memory_space<vmem>>
        %dma_wait3A_635 = arith.constant 0 : i32
        %dma_wait3A_636 = arith.constant 0 : i32
        %dma_wait3A_637 = tpu.memref_slice %arg10[%dma_wait3A_635, %dma_wait3A_636] : memref<10000x128xf32, #tpu.memory_space<vmem_shared>> -> memref<10000x128xf32, #tpu.memory_space<vmem_shared>>
        tpu.wait_indirect_dma semaphore(%arg12 : memref<!tpu.dma_semaphore, #tpu.memory_space<semaphore_mem>>) src(%dma_wait3A_631 : memref<80x128xf32, #tpu.memory_space<vmem>>) dst(%dma_wait3A_637 : memref<10000x128xf32, #tpu.memory_space<vmem_shared>>)
      } else {
      }
      %add3A_616 = arith.constant 2 : i32
      %add3A_617 = arith.addi %scan3A_590, %add3A_616 : i32
      %lt3A = arith.constant 25 : i32
      %lt3A_618 = arith.cmpi slt, %add3A_617, %lt3A : i32
      %convert_element_type3A_619 = arith.extui %lt3A_618 : i1 to i32
      %cond3A_620 = arith.constant 0 : i32
      %cond3A_621 = arith.cmpi ne, %convert_element_type3A_619, %cond3A_620 : i32
      scf.if %cond3A_621 {
        %add3A_622 = arith.constant 2 : i32
        %add3A_623 = arith.addi %scan3A_590, %add3A_622 : i32
        %add3A_624 = arith.constant 2 : i32
        %add3A_625 = arith.addi %scan3A_590, %add3A_624 : i32
        %rem3A_626 = arith.constant 3 : i32
        %rem3A_627 = arith.remsi %add3A_625, %rem3A_626 : i32
        %dma_start3A_628 = arith.constant 0 : i32
        %dma_start3A_629 = arith.constant 0 : i32
        %dma_start3A_630 = arith.constant 0 : i32
        %dma_start3A_631 = tpu.memref_slice %arg9[%rem3A_627, %dma_start3A_629, %dma_start3A_630] : memref<3x80x128xf32, #tpu.memory_space<vmem>> -> memref<1x80x128xf32, #tpu.memory_space<vmem>>
        %dma_start3A_632 = tpu.memref_squeeze %dma_start3A_631 : memref<1x80x128xf32, #tpu.memory_space<vmem>> -> memref<80x128xf32, #tpu.memory_space<vmem>>
        %dma_start3A_633 = arith.constant 0 : i32
        %dma_start3A_634 = tpu.memref_slice %arg7[%dma_start3A_628, %add3A_623, %dma_start3A_633] : memref<2x25x80xi32, #tpu.memory_space<vmem>> -> memref<1x1x80xi32, #tpu.memory_space<vmem>>
        %dma_start3A_635 = tpu.memref_squeeze %dma_start3A_634 : memref<1x1x80xi32, #tpu.memory_space<vmem>> -> memref<80xi32, #tpu.memory_space<vmem>>
        %dma_start3A_636 = arith.constant 0 : i32
        %dma_start3A_637 = arith.constant 0 : i32
        %dma_start3A_638 = tpu.memref_slice %arg2[%dma_start3A_636, %dma_start3A_637] : memref<10000x128xf32, #tpu.memory_space<hbm>> -> memref<10000x128xf32, #tpu.memory_space<hbm>>
        tpu.enqueue_indirect_dma source(%dma_start3A_638 : memref<10000x128xf32, #tpu.memory_space<hbm>>) target(%dma_start3A_632 : memref<80x128xf32, #tpu.memory_space<vmem>>) offsets(%dma_start3A_635 : memref<80xi32, #tpu.memory_space<vmem>>) semaphore(%arg11 : memref<!tpu.dma_semaphore, #tpu.memory_space<semaphore_mem>>)
      } else {
      }
    }
    %scan3A_143 = arith.constant 25 : i32
    %dma_wait3A_144 = arith.constant 0 : i32
    %dma_wait3A_145 = arith.constant 0 : i32
    %dma_wait3A_146 = arith.constant 24 : i32
    %dma_wait3A_147 = arith.constant 0 : i32
    %dma_wait3A_148 = arith.constant 0 : i32
    %dma_wait3A_149 = tpu.memref_slice %arg9[%dma_wait3A_144, %dma_wait3A_147, %dma_wait3A_148] : memref<3x80x128xf32, #tpu.memory_space<vmem>> -> memref<1x80x128xf32, #tpu.memory_space<vmem>>
    %dma_wait3A_150 = tpu.memref_squeeze %dma_wait3A_149 : memref<1x80x128xf32, #tpu.memory_space<vmem>> -> memref<80x128xf32, #tpu.memory_space<vmem>>
    %dma_wait3A_151 = arith.constant 0 : i32
    %dma_wait3A_152 = tpu.memref_slice %arg8[%dma_wait3A_145, %dma_wait3A_146, %dma_wait3A_151] : memref<2x25x80xi32, #tpu.memory_space<vmem>> -> memref<1x1x80xi32, #tpu.memory_space<vmem>>
    %dma_wait3A_153 = tpu.memref_squeeze %dma_wait3A_152 : memref<1x1x80xi32, #tpu.memory_space<vmem>> -> memref<80xi32, #tpu.memory_space<vmem>>
    %dma_wait3A_154 = arith.constant 0 : i32
    %dma_wait3A_155 = arith.constant 0 : i32
    %dma_wait3A_156 = tpu.memref_slice %arg10[%dma_wait3A_154, %dma_wait3A_155] : memref<10000x128xf32, #tpu.memory_space<vmem_shared>> -> memref<10000x128xf32, #tpu.memory_space<vmem_shared>>
    tpu.wait_indirect_dma semaphore(%arg12 : memref<!tpu.dma_semaphore, #tpu.memory_space<semaphore_mem>>) src(%dma_wait3A_150 : memref<80x128xf32, #tpu.memory_space<vmem>>) dst(%dma_wait3A_156 : memref<10000x128xf32, #tpu.memory_space<vmem_shared>>)
    %dma_wait3A_157 = arith.constant 1 : i32
    %dma_wait3A_158 = arith.constant 1 : i32
    %dma_wait3A_159 = arith.constant 0 : i32
    %dma_wait3A_160 = arith.constant 0 : i32
    %dma_wait3A_161 = tpu.memref_slice %arg7[%dma_wait3A_158, %dma_wait3A_159, %dma_wait3A_160] : memref<2x25x80xi32, #tpu.memory_space<vmem>> -> memref<1x25x80xi32, #tpu.memory_space<vmem>>
    %dma_wait3A_162 = tpu.memref_squeeze %dma_wait3A_161 : memref<1x25x80xi32, #tpu.memory_space<vmem>> -> memref<25x80xi32, #tpu.memory_space<vmem>>
    %dma_wait3A_163 = arith.constant 0 : i32
    %dma_wait3A_164 = arith.constant 0 : i32
    %dma_wait3A_165 = tpu.memref_slice %arg3[%add3A, %dma_wait3A_157, %dma_wait3A_163, %dma_wait3A_164] : memref<32x5x25x80xi32, #tpu.memory_space<hbm>> -> memref<1x1x25x80xi32, #tpu.memory_space<hbm>>
    %dma_wait3A_166 = tpu.memref_squeeze %dma_wait3A_165 : memref<1x1x25x80xi32, #tpu.memory_space<hbm>> -> memref<25x80xi32, #tpu.memory_space<hbm>>
    %dma_wait3A_167 = arith.constant 0 : i32
    %dma_wait3A_168 = arith.constant 0 : i32
    %dma_wait3A_169 = tpu.memref_slice %arg7[%dma_wait3A_158, %dma_wait3A_167, %dma_wait3A_168] : memref<2x25x80xi32, #tpu.memory_space<vmem>> -> memref<1x25x80xi32, #tpu.memory_space<vmem>>
    %dma_wait3A_170 = tpu.memref_squeeze %dma_wait3A_169 : memref<1x25x80xi32, #tpu.memory_space<vmem>> -> memref<25x80xi32, #tpu.memory_space<vmem>>
    %dma_wait3A_171 = arith.constant 0 : i32
    %dma_wait3A_172 = arith.constant 0 : i32
    %dma_wait3A_173 = tpu.memref_slice %arg3[%add3A, %dma_wait3A_157, %dma_wait3A_171, %dma_wait3A_172] : memref<32x5x25x80xi32, #tpu.memory_space<hbm>> -> memref<1x1x25x80xi32, #tpu.memory_space<hbm>>
    %dma_wait3A_174 = tpu.memref_squeeze %dma_wait3A_173 : memref<1x1x25x80xi32, #tpu.memory_space<hbm>> -> memref<25x80xi32, #tpu.memory_space<hbm>>
    tpu.wait_dma2 semaphore(%arg13 : memref<!tpu.dma_semaphore, #tpu.memory_space<semaphore_mem>>) src(%dma_wait3A_174 : memref<25x80xi32, #tpu.memory_space<hbm>>) dst(%dma_wait3A_170 : memref<25x80xi32, #tpu.memory_space<vmem>>)
    %dma_wait3A_175 = arith.constant 1 : i32
    %dma_wait3A_176 = arith.constant 1 : i32
    %dma_wait3A_177 = arith.constant 0 : i32
    %dma_wait3A_178 = arith.constant 0 : i32
    %dma_wait3A_179 = tpu.memref_slice %arg8[%dma_wait3A_176, %dma_wait3A_177, %dma_wait3A_178] : memref<2x25x80xi32, #tpu.memory_space<vmem>> -> memref<1x25x80xi32, #tpu.memory_space<vmem>>
    %dma_wait3A_180 = tpu.memref_squeeze %dma_wait3A_179 : memref<1x25x80xi32, #tpu.memory_space<vmem>> -> memref<25x80xi32, #tpu.memory_space<vmem>>
    %dma_wait3A_181 = arith.constant 0 : i32
    %dma_wait3A_182 = arith.constant 0 : i32
    %dma_wait3A_183 = tpu.memref_slice %arg4[%add3A, %dma_wait3A_175, %dma_wait3A_181, %dma_wait3A_182] : memref<32x5x25x80xi32, #tpu.memory_space<hbm>> -> memref<1x1x25x80xi32, #tpu.memory_space<hbm>>
    %dma_wait3A_184 = tpu.memref_squeeze %dma_wait3A_183 : memref<1x1x25x80xi32, #tpu.memory_space<hbm>> -> memref<25x80xi32, #tpu.memory_space<hbm>>
    %dma_wait3A_185 = arith.constant 0 : i32
    %dma_wait3A_186 = arith.constant 0 : i32
    %dma_wait3A_187 = tpu.memref_slice %arg8[%dma_wait3A_176, %dma_wait3A_185, %dma_wait3A_186] : memref<2x25x80xi32, #tpu.memory_space<vmem>> -> memref<1x25x80xi32, #tpu.memory_space<vmem>>
    %dma_wait3A_188 = tpu.memref_squeeze %dma_wait3A_187 : memref<1x25x80xi32, #tpu.memory_space<vmem>> -> memref<25x80xi32, #tpu.memory_space<vmem>>
    %dma_wait3A_189 = arith.constant 0 : i32
    %dma_wait3A_190 = arith.constant 0 : i32
    %dma_wait3A_191 = tpu.memref_slice %arg4[%add3A, %dma_wait3A_175, %dma_wait3A_189, %dma_wait3A_190] : memref<32x5x25x80xi32, #tpu.memory_space<hbm>> -> memref<1x1x25x80xi32, #tpu.memory_space<hbm>>
    %dma_wait3A_192 = tpu.memref_squeeze %dma_wait3A_191 : memref<1x1x25x80xi32, #tpu.memory_space<hbm>> -> memref<25x80xi32, #tpu.memory_space<hbm>>
    tpu.wait_dma2 semaphore(%arg13 : memref<!tpu.dma_semaphore, #tpu.memory_space<semaphore_mem>>) src(%dma_wait3A_192 : memref<25x80xi32, #tpu.memory_space<hbm>>) dst(%dma_wait3A_188 : memref<25x80xi32, #tpu.memory_space<vmem>>)
    %dma_start3A_193 = arith.constant 1 : i32
    %dma_start3A_194 = arith.constant 0 : i32
    %dma_start3A_195 = arith.constant 0 : i32
    %dma_start3A_196 = arith.constant 0 : i32
    %dma_start3A_197 = arith.constant 0 : i32
    %dma_start3A_198 = tpu.memref_slice %arg9[%dma_start3A_195, %dma_start3A_196, %dma_start3A_197] : memref<3x80x128xf32, #tpu.memory_space<vmem>> -> memref<1x80x128xf32, #tpu.memory_space<vmem>>
    %dma_start3A_199 = tpu.memref_squeeze %dma_start3A_198 : memref<1x80x128xf32, #tpu.memory_space<vmem>> -> memref<80x128xf32, #tpu.memory_space<vmem>>
    %dma_start3A_200 = arith.constant 0 : i32
    %dma_start3A_201 = tpu.memref_slice %arg7[%dma_start3A_193, %dma_start3A_194, %dma_start3A_200] : memref<2x25x80xi32, #tpu.memory_space<vmem>> -> memref<1x1x80xi32, #tpu.memory_space<vmem>>
    %dma_start3A_202 = tpu.memref_squeeze %dma_start3A_201 : memref<1x1x80xi32, #tpu.memory_space<vmem>> -> memref<80xi32, #tpu.memory_space<vmem>>
    %dma_start3A_203 = arith.constant 0 : i32
    %dma_start3A_204 = arith.constant 0 : i32
    %dma_start3A_205 = tpu.memref_slice %arg2[%dma_start3A_203, %dma_start3A_204] : memref<10000x128xf32, #tpu.memory_space<hbm>> -> memref<10000x128xf32, #tpu.memory_space<hbm>>
    tpu.enqueue_indirect_dma source(%dma_start3A_205 : memref<10000x128xf32, #tpu.memory_space<hbm>>) target(%dma_start3A_199 : memref<80x128xf32, #tpu.memory_space<vmem>>) offsets(%dma_start3A_202 : memref<80xi32, #tpu.memory_space<vmem>>) semaphore(%arg11 : memref<!tpu.dma_semaphore, #tpu.memory_space<semaphore_mem>>)
    %dma_start3A_206 = arith.constant 1 : i32
    %dma_start3A_207 = arith.constant 1 : i32
    %dma_start3A_208 = arith.constant 1 : i32
    %dma_start3A_209 = arith.constant 0 : i32
    %dma_start3A_210 = arith.constant 0 : i32
    %dma_start3A_211 = tpu.memref_slice %arg9[%dma_start3A_208, %dma_start3A_209, %dma_start3A_210] : memref<3x80x128xf32, #tpu.memory_space<vmem>> -> memref<1x80x128xf32, #tpu.memory_space<vmem>>
    %dma_start3A_212 = tpu.memref_squeeze %dma_start3A_211 : memref<1x80x128xf32, #tpu.memory_space<vmem>> -> memref<80x128xf32, #tpu.memory_space<vmem>>
    %dma_start3A_213 = arith.constant 0 : i32
    %dma_start3A_214 = tpu.memref_slice %arg7[%dma_start3A_206, %dma_start3A_207, %dma_start3A_213] : memref<2x25x80xi32, #tpu.memory_space<vmem>> -> memref<1x1x80xi32, #tpu.memory_space<vmem>>
    %dma_start3A_215 = tpu.memref_squeeze %dma_start3A_214 : memref<1x1x80xi32, #tpu.memory_space<vmem>> -> memref<80xi32, #tpu.memory_space<vmem>>
    %dma_start3A_216 = arith.constant 0 : i32
    %dma_start3A_217 = arith.constant 0 : i32
    %dma_start3A_218 = tpu.memref_slice %arg2[%dma_start3A_216, %dma_start3A_217] : memref<10000x128xf32, #tpu.memory_space<hbm>> -> memref<10000x128xf32, #tpu.memory_space<hbm>>
    tpu.enqueue_indirect_dma source(%dma_start3A_218 : memref<10000x128xf32, #tpu.memory_space<hbm>>) target(%dma_start3A_212 : memref<80x128xf32, #tpu.memory_space<vmem>>) offsets(%dma_start3A_215 : memref<80xi32, #tpu.memory_space<vmem>>) semaphore(%arg11 : memref<!tpu.dma_semaphore, #tpu.memory_space<semaphore_mem>>)
    %dma_start3A_219 = arith.constant 2 : i32
    %dma_start3A_220 = arith.constant 0 : i32
    %dma_start3A_221 = arith.constant 0 : i32
    %dma_start3A_222 = arith.constant 0 : i32
    %dma_start3A_223 = tpu.memref_slice %arg7[%dma_start3A_220, %dma_start3A_221, %dma_start3A_222] : memref<2x25x80xi32, #tpu.memory_space<vmem>> -> memref<1x25x80xi32, #tpu.memory_space<vmem>>
    %dma_start3A_224 = tpu.memref_squeeze %dma_start3A_223 : memref<1x25x80xi32, #tpu.memory_space<vmem>> -> memref<25x80xi32, #tpu.memory_space<vmem>>
    %dma_start3A_225 = arith.constant 0 : i32
    %dma_start3A_226 = arith.constant 0 : i32
    %dma_start3A_227 = tpu.memref_slice %arg3[%add3A, %dma_start3A_219, %dma_start3A_225, %dma_start3A_226] : memref<32x5x25x80xi32, #tpu.memory_space<hbm>> -> memref<1x1x25x80xi32, #tpu.memory_space<hbm>>
    %dma_start3A_228 = tpu.memref_squeeze %dma_start3A_227 : memref<1x1x25x80xi32, #tpu.memory_space<hbm>> -> memref<25x80xi32, #tpu.memory_space<hbm>>
    %dma_start3A_229 = arith.constant 0 : i32
    %dma_start3A_230 = arith.constant 0 : i32
    %dma_start3A_231 = tpu.memref_slice %arg7[%dma_start3A_220, %dma_start3A_229, %dma_start3A_230] : memref<2x25x80xi32, #tpu.memory_space<vmem>> -> memref<1x25x80xi32, #tpu.memory_space<vmem>>
    %dma_start3A_232 = tpu.memref_squeeze %dma_start3A_231 : memref<1x25x80xi32, #tpu.memory_space<vmem>> -> memref<25x80xi32, #tpu.memory_space<vmem>>
    %dma_start3A_233 = arith.constant 0 : i32
    %dma_start3A_234 = arith.constant 0 : i32
    %dma_start3A_235 = tpu.memref_slice %arg3[%add3A, %dma_start3A_219, %dma_start3A_233, %dma_start3A_234] : memref<32x5x25x80xi32, #tpu.memory_space<hbm>> -> memref<1x1x25x80xi32, #tpu.memory_space<hbm>>
    %dma_start3A_236 = tpu.memref_squeeze %dma_start3A_235 : memref<1x1x25x80xi32, #tpu.memory_space<hbm>> -> memref<25x80xi32, #tpu.memory_space<hbm>>
    tpu.enqueue_dma source(%dma_start3A_236 : memref<25x80xi32, #tpu.memory_space<hbm>>) target(%dma_start3A_232 : memref<25x80xi32, #tpu.memory_space<vmem>>) target_semaphore(%arg13 : memref<!tpu.dma_semaphore, #tpu.memory_space<semaphore_mem>>)
    %dma_start3A_237 = arith.constant 2 : i32
    %dma_start3A_238 = arith.constant 0 : i32
    %dma_start3A_239 = arith.constant 0 : i32
    %dma_start3A_240 = arith.constant 0 : i32
    %dma_start3A_241 = tpu.memref_slice %arg8[%dma_start3A_238, %dma_start3A_239, %dma_start3A_240] : memref<2x25x80xi32, #tpu.memory_space<vmem>> -> memref<1x25x80xi32, #tpu.memory_space<vmem>>
    %dma_start3A_242 = tpu.memref_squeeze %dma_start3A_241 : memref<1x25x80xi32, #tpu.memory_space<vmem>> -> memref<25x80xi32, #tpu.memory_space<vmem>>
    %dma_start3A_243 = arith.constant 0 : i32
    %dma_start3A_244 = arith.constant 0 : i32
    %dma_start3A_245 = tpu.memref_slice %arg4[%add3A, %dma_start3A_237, %dma_start3A_243, %dma_start3A_244] : memref<32x5x25x80xi32, #tpu.memory_space<hbm>> -> memref<1x1x25x80xi32, #tpu.memory_space<hbm>>
    %dma_start3A_246 = tpu.memref_squeeze %dma_start3A_245 : memref<1x1x25x80xi32, #tpu.memory_space<hbm>> -> memref<25x80xi32, #tpu.memory_space<hbm>>
    %dma_start3A_247 = arith.constant 0 : i32
    %dma_start3A_248 = arith.constant 0 : i32
    %dma_start3A_249 = tpu.memref_slice %arg8[%dma_start3A_238, %dma_start3A_247, %dma_start3A_248] : memref<2x25x80xi32, #tpu.memory_space<vmem>> -> memref<1x25x80xi32, #tpu.memory_space<vmem>>
    %dma_start3A_250 = tpu.memref_squeeze %dma_start3A_249 : memref<1x25x80xi32, #tpu.memory_space<vmem>> -> memref<25x80xi32, #tpu.memory_space<vmem>>
    %dma_start3A_251 = arith.constant 0 : i32
    %dma_start3A_252 = arith.constant 0 : i32
    %dma_start3A_253 = tpu.memref_slice %arg4[%add3A, %dma_start3A_237, %dma_start3A_251, %dma_start3A_252] : memref<32x5x25x80xi32, #tpu.memory_space<hbm>> -> memref<1x1x25x80xi32, #tpu.memory_space<hbm>>
    %dma_start3A_254 = tpu.memref_squeeze %dma_start3A_253 : memref<1x1x25x80xi32, #tpu.memory_space<hbm>> -> memref<25x80xi32, #tpu.memory_space<hbm>>
    tpu.enqueue_dma source(%dma_start3A_254 : memref<25x80xi32, #tpu.memory_space<hbm>>) target(%dma_start3A_250 : memref<25x80xi32, #tpu.memory_space<vmem>>) target_semaphore(%arg13 : memref<!tpu.dma_semaphore, #tpu.memory_space<semaphore_mem>>)
    %scan3A_255 = arith.constant 0 : i32
    %scan3A_256 = arith.constant 0 : i32
    %scan3A_257 = arith.constant 25 : i32
    %scan3A_258 = arith.addi %scan3A_256, %scan3A_257 : i32
    %scan3A_259 = arith.constant 1 : i32
    scf.for %scan3A_590 = %scan3A_256 to %scan3A_258 step %scan3A_259  : i32 {
      %rem3A = arith.constant 3 : i32
      %rem3A_591 = arith.remsi %scan3A_590, %rem3A : i32
      %dma_wait3A_592 = arith.constant 1 : i32
      %dma_wait3A_593 = arith.constant 0 : i32
      %dma_wait3A_594 = arith.constant 0 : i32
      %dma_wait3A_595 = tpu.memref_slice %arg9[%rem3A_591, %dma_wait3A_593, %dma_wait3A_594] : memref<3x80x128xf32, #tpu.memory_space<vmem>> -> memref<1x80x128xf32, #tpu.memory_space<vmem>>
      %dma_wait3A_596 = tpu.memref_squeeze %dma_wait3A_595 : memref<1x80x128xf32, #tpu.memory_space<vmem>> -> memref<80x128xf32, #tpu.memory_space<vmem>>
      %dma_wait3A_597 = arith.constant 0 : i32
      %dma_wait3A_598 = tpu.memref_slice %arg7[%dma_wait3A_592, %scan3A_590, %dma_wait3A_597] : memref<2x25x80xi32, #tpu.memory_space<vmem>> -> memref<1x1x80xi32, #tpu.memory_space<vmem>>
      %dma_wait3A_599 = tpu.memref_squeeze %dma_wait3A_598 : memref<1x1x80xi32, #tpu.memory_space<vmem>> -> memref<80xi32, #tpu.memory_space<vmem>>
      %dma_wait3A_600 = arith.constant 0 : i32
      %dma_wait3A_601 = arith.constant 0 : i32
      %dma_wait3A_602 = tpu.memref_slice %arg2[%dma_wait3A_600, %dma_wait3A_601] : memref<10000x128xf32, #tpu.memory_space<hbm>> -> memref<10000x128xf32, #tpu.memory_space<hbm>>
      tpu.wait_indirect_dma semaphore(%arg11 : memref<!tpu.dma_semaphore, #tpu.memory_space<semaphore_mem>>) src(%dma_wait3A_602 : memref<10000x128xf32, #tpu.memory_space<hbm>>) dst(%dma_wait3A_596 : memref<80x128xf32, #tpu.memory_space<vmem>>)
      %dma_start3A_603 = arith.constant 1 : i32
      %dma_start3A_604 = arith.constant 0 : i32
      %dma_start3A_605 = arith.constant 0 : i32
      %dma_start3A_606 = tpu.memref_slice %arg9[%rem3A_591, %dma_start3A_604, %dma_start3A_605] : memref<3x80x128xf32, #tpu.memory_space<vmem>> -> memref<1x80x128xf32, #tpu.memory_space<vmem>>
      %dma_start3A_607 = tpu.memref_squeeze %dma_start3A_606 : memref<1x80x128xf32, #tpu.memory_space<vmem>> -> memref<80x128xf32, #tpu.memory_space<vmem>>
      %dma_start3A_608 = arith.constant 0 : i32
      %dma_start3A_609 = tpu.memref_slice %arg8[%dma_start3A_603, %scan3A_590, %dma_start3A_608] : memref<2x25x80xi32, #tpu.memory_space<vmem>> -> memref<1x1x80xi32, #tpu.memory_space<vmem>>
      %dma_start3A_610 = tpu.memref_squeeze %dma_start3A_609 : memref<1x1x80xi32, #tpu.memory_space<vmem>> -> memref<80xi32, #tpu.memory_space<vmem>>
      %dma_start3A_611 = arith.constant 0 : i32
      %dma_start3A_612 = arith.constant 0 : i32
      %dma_start3A_613 = tpu.memref_slice %arg10[%dma_start3A_611, %dma_start3A_612] : memref<10000x128xf32, #tpu.memory_space<vmem_shared>> -> memref<10000x128xf32, #tpu.memory_space<vmem_shared>>
      tpu.enqueue_indirect_dma source(%dma_start3A_607 : memref<80x128xf32, #tpu.memory_space<vmem>>) target(%dma_start3A_613 : memref<10000x128xf32, #tpu.memory_space<vmem_shared>>) offsets(%dma_start3A_610 : memref<80xi32, #tpu.memory_space<vmem>>) semaphore(%arg12 : memref<!tpu.dma_semaphore, #tpu.memory_space<semaphore_mem>>) {add = true}
      %gt3A = arith.constant 0 : i32
      %gt3A_614 = arith.cmpi sgt, %scan3A_590, %gt3A : i32
      %convert_element_type3A = arith.extui %gt3A_614 : i1 to i32
      %cond3A = arith.constant 0 : i32
      %cond3A_615 = arith.cmpi ne, %convert_element_type3A, %cond3A : i32
      scf.if %cond3A_615 {
        %sub3A = arith.constant 1 : i32
        %sub3A_622 = arith.subi %scan3A_590, %sub3A : i32
        %rem3A_623 = arith.constant 3 : i32
        %rem3A_624 = arith.remsi %sub3A_622, %rem3A_623 : i32
        %sub3A_625 = arith.constant 1 : i32
        %sub3A_626 = arith.subi %scan3A_590, %sub3A_625 : i32
        %dma_wait3A_627 = arith.constant 1 : i32
        %dma_wait3A_628 = arith.constant 0 : i32
        %dma_wait3A_629 = arith.constant 0 : i32
        %dma_wait3A_630 = tpu.memref_slice %arg9[%rem3A_624, %dma_wait3A_628, %dma_wait3A_629] : memref<3x80x128xf32, #tpu.memory_space<vmem>> -> memref<1x80x128xf32, #tpu.memory_space<vmem>>
        %dma_wait3A_631 = tpu.memref_squeeze %dma_wait3A_630 : memref<1x80x128xf32, #tpu.memory_space<vmem>> -> memref<80x128xf32, #tpu.memory_space<vmem>>
        %dma_wait3A_632 = arith.constant 0 : i32
        %dma_wait3A_633 = tpu.memref_slice %arg8[%dma_wait3A_627, %sub3A_626, %dma_wait3A_632] : memref<2x25x80xi32, #tpu.memory_space<vmem>> -> memref<1x1x80xi32, #tpu.memory_space<vmem>>
        %dma_wait3A_634 = tpu.memref_squeeze %dma_wait3A_633 : memref<1x1x80xi32, #tpu.memory_space<vmem>> -> memref<80xi32, #tpu.memory_space<vmem>>
        %dma_wait3A_635 = arith.constant 0 : i32
        %dma_wait3A_636 = arith.constant 0 : i32
        %dma_wait3A_637 = tpu.memref_slice %arg10[%dma_wait3A_635, %dma_wait3A_636] : memref<10000x128xf32, #tpu.memory_space<vmem_shared>> -> memref<10000x128xf32, #tpu.memory_space<vmem_shared>>
        tpu.wait_indirect_dma semaphore(%arg12 : memref<!tpu.dma_semaphore, #tpu.memory_space<semaphore_mem>>) src(%dma_wait3A_631 : memref<80x128xf32, #tpu.memory_space<vmem>>) dst(%dma_wait3A_637 : memref<10000x128xf32, #tpu.memory_space<vmem_shared>>)
      } else {
      }
      %add3A_616 = arith.constant 2 : i32
      %add3A_617 = arith.addi %scan3A_590, %add3A_616 : i32
      %lt3A = arith.constant 25 : i32
      %lt3A_618 = arith.cmpi slt, %add3A_617, %lt3A : i32
      %convert_element_type3A_619 = arith.extui %lt3A_618 : i1 to i32
      %cond3A_620 = arith.constant 0 : i32
      %cond3A_621 = arith.cmpi ne, %convert_element_type3A_619, %cond3A_620 : i32
      scf.if %cond3A_621 {
        %add3A_622 = arith.constant 2 : i32
        %add3A_623 = arith.addi %scan3A_590, %add3A_622 : i32
        %add3A_624 = arith.constant 2 : i32
        %add3A_625 = arith.addi %scan3A_590, %add3A_624 : i32
        %rem3A_626 = arith.constant 3 : i32
        %rem3A_627 = arith.remsi %add3A_625, %rem3A_626 : i32
        %dma_start3A_628 = arith.constant 1 : i32
        %dma_start3A_629 = arith.constant 0 : i32
        %dma_start3A_630 = arith.constant 0 : i32
        %dma_start3A_631 = tpu.memref_slice %arg9[%rem3A_627, %dma_start3A_629, %dma_start3A_630] : memref<3x80x128xf32, #tpu.memory_space<vmem>> -> memref<1x80x128xf32, #tpu.memory_space<vmem>>
        %dma_start3A_632 = tpu.memref_squeeze %dma_start3A_631 : memref<1x80x128xf32, #tpu.memory_space<vmem>> -> memref<80x128xf32, #tpu.memory_space<vmem>>
        %dma_start3A_633 = arith.constant 0 : i32
        %dma_start3A_634 = tpu.memref_slice %arg7[%dma_start3A_628, %add3A_623, %dma_start3A_633] : memref<2x25x80xi32, #tpu.memory_space<vmem>> -> memref<1x1x80xi32, #tpu.memory_space<vmem>>
        %dma_start3A_635 = tpu.memref_squeeze %dma_start3A_634 : memref<1x1x80xi32, #tpu.memory_space<vmem>> -> memref<80xi32, #tpu.memory_space<vmem>>
        %dma_start3A_636 = arith.constant 0 : i32
        %dma_start3A_637 = arith.constant 0 : i32
        %dma_start3A_638 = tpu.memref_slice %arg2[%dma_start3A_636, %dma_start3A_637] : memref<10000x128xf32, #tpu.memory_space<hbm>> -> memref<10000x128xf32, #tpu.memory_space<hbm>>
        tpu.enqueue_indirect_dma source(%dma_start3A_638 : memref<10000x128xf32, #tpu.memory_space<hbm>>) target(%dma_start3A_632 : memref<80x128xf32, #tpu.memory_space<vmem>>) offsets(%dma_start3A_635 : memref<80xi32, #tpu.memory_space<vmem>>) semaphore(%arg11 : memref<!tpu.dma_semaphore, #tpu.memory_space<semaphore_mem>>)
      } else {
      }
    }
    %scan3A_260 = arith.constant 25 : i32
    %dma_wait3A_261 = arith.constant 0 : i32
    %dma_wait3A_262 = arith.constant 1 : i32
    %dma_wait3A_263 = arith.constant 24 : i32
    %dma_wait3A_264 = arith.constant 0 : i32
    %dma_wait3A_265 = arith.constant 0 : i32
    %dma_wait3A_266 = tpu.memref_slice %arg9[%dma_wait3A_261, %dma_wait3A_264, %dma_wait3A_265] : memref<3x80x128xf32, #tpu.memory_space<vmem>> -> memref<1x80x128xf32, #tpu.memory_space<vmem>>
    %dma_wait3A_267 = tpu.memref_squeeze %dma_wait3A_266 : memref<1x80x128xf32, #tpu.memory_space<vmem>> -> memref<80x128xf32, #tpu.memory_space<vmem>>
    %dma_wait3A_268 = arith.constant 0 : i32
    %dma_wait3A_269 = tpu.memref_slice %arg8[%dma_wait3A_262, %dma_wait3A_263, %dma_wait3A_268] : memref<2x25x80xi32, #tpu.memory_space<vmem>> -> memref<1x1x80xi32, #tpu.memory_space<vmem>>
    %dma_wait3A_270 = tpu.memref_squeeze %dma_wait3A_269 : memref<1x1x80xi32, #tpu.memory_space<vmem>> -> memref<80xi32, #tpu.memory_space<vmem>>
    %dma_wait3A_271 = arith.constant 0 : i32
    %dma_wait3A_272 = arith.constant 0 : i32
    %dma_wait3A_273 = tpu.memref_slice %arg10[%dma_wait3A_271, %dma_wait3A_272] : memref<10000x128xf32, #tpu.memory_space<vmem_shared>> -> memref<10000x128xf32, #tpu.memory_space<vmem_shared>>
    tpu.wait_indirect_dma semaphore(%arg12 : memref<!tpu.dma_semaphore, #tpu.memory_space<semaphore_mem>>) src(%dma_wait3A_267 : memref<80x128xf32, #tpu.memory_space<vmem>>) dst(%dma_wait3A_273 : memref<10000x128xf32, #tpu.memory_space<vmem_shared>>)
    %dma_wait3A_274 = arith.constant 2 : i32
    %dma_wait3A_275 = arith.constant 0 : i32
    %dma_wait3A_276 = arith.constant 0 : i32
    %dma_wait3A_277 = arith.constant 0 : i32
    %dma_wait3A_278 = tpu.memref_slice %arg7[%dma_wait3A_275, %dma_wait3A_276, %dma_wait3A_277] : memref<2x25x80xi32, #tpu.memory_space<vmem>> -> memref<1x25x80xi32, #tpu.memory_space<vmem>>
    %dma_wait3A_279 = tpu.memref_squeeze %dma_wait3A_278 : memref<1x25x80xi32, #tpu.memory_space<vmem>> -> memref<25x80xi32, #tpu.memory_space<vmem>>
    %dma_wait3A_280 = arith.constant 0 : i32
    %dma_wait3A_281 = arith.constant 0 : i32
    %dma_wait3A_282 = tpu.memref_slice %arg3[%add3A, %dma_wait3A_274, %dma_wait3A_280, %dma_wait3A_281] : memref<32x5x25x80xi32, #tpu.memory_space<hbm>> -> memref<1x1x25x80xi32, #tpu.memory_space<hbm>>
    %dma_wait3A_283 = tpu.memref_squeeze %dma_wait3A_282 : memref<1x1x25x80xi32, #tpu.memory_space<hbm>> -> memref<25x80xi32, #tpu.memory_space<hbm>>
    %dma_wait3A_284 = arith.constant 0 : i32
    %dma_wait3A_285 = arith.constant 0 : i32
    %dma_wait3A_286 = tpu.memref_slice %arg7[%dma_wait3A_275, %dma_wait3A_284, %dma_wait3A_285] : memref<2x25x80xi32, #tpu.memory_space<vmem>> -> memref<1x25x80xi32, #tpu.memory_space<vmem>>
    %dma_wait3A_287 = tpu.memref_squeeze %dma_wait3A_286 : memref<1x25x80xi32, #tpu.memory_space<vmem>> -> memref<25x80xi32, #tpu.memory_space<vmem>>
    %dma_wait3A_288 = arith.constant 0 : i32
    %dma_wait3A_289 = arith.constant 0 : i32
    %dma_wait3A_290 = tpu.memref_slice %arg3[%add3A, %dma_wait3A_274, %dma_wait3A_288, %dma_wait3A_289] : memref<32x5x25x80xi32, #tpu.memory_space<hbm>> -> memref<1x1x25x80xi32, #tpu.memory_space<hbm>>
    %dma_wait3A_291 = tpu.memref_squeeze %dma_wait3A_290 : memref<1x1x25x80xi32, #tpu.memory_space<hbm>> -> memref<25x80xi32, #tpu.memory_space<hbm>>
    tpu.wait_dma2 semaphore(%arg13 : memref<!tpu.dma_semaphore, #tpu.memory_space<semaphore_mem>>) src(%dma_wait3A_291 : memref<25x80xi32, #tpu.memory_space<hbm>>) dst(%dma_wait3A_287 : memref<25x80xi32, #tpu.memory_space<vmem>>)
    %dma_wait3A_292 = arith.constant 2 : i32
    %dma_wait3A_293 = arith.constant 0 : i32
    %dma_wait3A_294 = arith.constant 0 : i32
    %dma_wait3A_295 = arith.constant 0 : i32
    %dma_wait3A_296 = tpu.memref_slice %arg8[%dma_wait3A_293, %dma_wait3A_294, %dma_wait3A_295] : memref<2x25x80xi32, #tpu.memory_space<vmem>> -> memref<1x25x80xi32, #tpu.memory_space<vmem>>
    %dma_wait3A_297 = tpu.memref_squeeze %dma_wait3A_296 : memref<1x25x80xi32, #tpu.memory_space<vmem>> -> memref<25x80xi32, #tpu.memory_space<vmem>>
    %dma_wait3A_298 = arith.constant 0 : i32
    %dma_wait3A_299 = arith.constant 0 : i32
    %dma_wait3A_300 = tpu.memref_slice %arg4[%add3A, %dma_wait3A_292, %dma_wait3A_298, %dma_wait3A_299] : memref<32x5x25x80xi32, #tpu.memory_space<hbm>> -> memref<1x1x25x80xi32, #tpu.memory_space<hbm>>
    %dma_wait3A_301 = tpu.memref_squeeze %dma_wait3A_300 : memref<1x1x25x80xi32, #tpu.memory_space<hbm>> -> memref<25x80xi32, #tpu.memory_space<hbm>>
    %dma_wait3A_302 = arith.constant 0 : i32
    %dma_wait3A_303 = arith.constant 0 : i32
    %dma_wait3A_304 = tpu.memref_slice %arg8[%dma_wait3A_293, %dma_wait3A_302, %dma_wait3A_303] : memref<2x25x80xi32, #tpu.memory_space<vmem>> -> memref<1x25x80xi32, #tpu.memory_space<vmem>>
    %dma_wait3A_305 = tpu.memref_squeeze %dma_wait3A_304 : memref<1x25x80xi32, #tpu.memory_space<vmem>> -> memref<25x80xi32, #tpu.memory_space<vmem>>
    %dma_wait3A_306 = arith.constant 0 : i32
    %dma_wait3A_307 = arith.constant 0 : i32
    %dma_wait3A_308 = tpu.memref_slice %arg4[%add3A, %dma_wait3A_292, %dma_wait3A_306, %dma_wait3A_307] : memref<32x5x25x80xi32, #tpu.memory_space<hbm>> -> memref<1x1x25x80xi32, #tpu.memory_space<hbm>>
    %dma_wait3A_309 = tpu.memref_squeeze %dma_wait3A_308 : memref<1x1x25x80xi32, #tpu.memory_space<hbm>> -> memref<25x80xi32, #tpu.memory_space<hbm>>
    tpu.wait_dma2 semaphore(%arg13 : memref<!tpu.dma_semaphore, #tpu.memory_space<semaphore_mem>>) src(%dma_wait3A_309 : memref<25x80xi32, #tpu.memory_space<hbm>>) dst(%dma_wait3A_305 : memref<25x80xi32, #tpu.memory_space<vmem>>)
    %dma_start3A_310 = arith.constant 0 : i32
    %dma_start3A_311 = arith.constant 0 : i32
    %dma_start3A_312 = arith.constant 0 : i32
    %dma_start3A_313 = arith.constant 0 : i32
    %dma_start3A_314 = arith.constant 0 : i32
    %dma_start3A_315 = tpu.memref_slice %arg9[%dma_start3A_312, %dma_start3A_313, %dma_start3A_314] : memref<3x80x128xf32, #tpu.memory_space<vmem>> -> memref<1x80x128xf32, #tpu.memory_space<vmem>>
    %dma_start3A_316 = tpu.memref_squeeze %dma_start3A_315 : memref<1x80x128xf32, #tpu.memory_space<vmem>> -> memref<80x128xf32, #tpu.memory_space<vmem>>
    %dma_start3A_317 = arith.constant 0 : i32
    %dma_start3A_318 = tpu.memref_slice %arg7[%dma_start3A_310, %dma_start3A_311, %dma_start3A_317] : memref<2x25x80xi32, #tpu.memory_space<vmem>> -> memref<1x1x80xi32, #tpu.memory_space<vmem>>
    %dma_start3A_319 = tpu.memref_squeeze %dma_start3A_318 : memref<1x1x80xi32, #tpu.memory_space<vmem>> -> memref<80xi32, #tpu.memory_space<vmem>>
    %dma_start3A_320 = arith.constant 0 : i32
    %dma_start3A_321 = arith.constant 0 : i32
    %dma_start3A_322 = tpu.memref_slice %arg2[%dma_start3A_320, %dma_start3A_321] : memref<10000x128xf32, #tpu.memory_space<hbm>> -> memref<10000x128xf32, #tpu.memory_space<hbm>>
    tpu.enqueue_indirect_dma source(%dma_start3A_322 : memref<10000x128xf32, #tpu.memory_space<hbm>>) target(%dma_start3A_316 : memref<80x128xf32, #tpu.memory_space<vmem>>) offsets(%dma_start3A_319 : memref<80xi32, #tpu.memory_space<vmem>>) semaphore(%arg11 : memref<!tpu.dma_semaphore, #tpu.memory_space<semaphore_mem>>)
    %dma_start3A_323 = arith.constant 0 : i32
    %dma_start3A_324 = arith.constant 1 : i32
    %dma_start3A_325 = arith.constant 1 : i32
    %dma_start3A_326 = arith.constant 0 : i32
    %dma_start3A_327 = arith.constant 0 : i32
    %dma_start3A_328 = tpu.memref_slice %arg9[%dma_start3A_325, %dma_start3A_326, %dma_start3A_327] : memref<3x80x128xf32, #tpu.memory_space<vmem>> -> memref<1x80x128xf32, #tpu.memory_space<vmem>>
    %dma_start3A_329 = tpu.memref_squeeze %dma_start3A_328 : memref<1x80x128xf32, #tpu.memory_space<vmem>> -> memref<80x128xf32, #tpu.memory_space<vmem>>
    %dma_start3A_330 = arith.constant 0 : i32
    %dma_start3A_331 = tpu.memref_slice %arg7[%dma_start3A_323, %dma_start3A_324, %dma_start3A_330] : memref<2x25x80xi32, #tpu.memory_space<vmem>> -> memref<1x1x80xi32, #tpu.memory_space<vmem>>
    %dma_start3A_332 = tpu.memref_squeeze %dma_start3A_331 : memref<1x1x80xi32, #tpu.memory_space<vmem>> -> memref<80xi32, #tpu.memory_space<vmem>>
    %dma_start3A_333 = arith.constant 0 : i32
    %dma_start3A_334 = arith.constant 0 : i32
    %dma_start3A_335 = tpu.memref_slice %arg2[%dma_start3A_333, %dma_start3A_334] : memref<10000x128xf32, #tpu.memory_space<hbm>> -> memref<10000x128xf32, #tpu.memory_space<hbm>>
    tpu.enqueue_indirect_dma source(%dma_start3A_335 : memref<10000x128xf32, #tpu.memory_space<hbm>>) target(%dma_start3A_329 : memref<80x128xf32, #tpu.memory_space<vmem>>) offsets(%dma_start3A_332 : memref<80xi32, #tpu.memory_space<vmem>>) semaphore(%arg11 : memref<!tpu.dma_semaphore, #tpu.memory_space<semaphore_mem>>)
    %dma_start3A_336 = arith.constant 3 : i32
    %dma_start3A_337 = arith.constant 1 : i32
    %dma_start3A_338 = arith.constant 0 : i32
    %dma_start3A_339 = arith.constant 0 : i32
    %dma_start3A_340 = tpu.memref_slice %arg7[%dma_start3A_337, %dma_start3A_338, %dma_start3A_339] : memref<2x25x80xi32, #tpu.memory_space<vmem>> -> memref<1x25x80xi32, #tpu.memory_space<vmem>>
    %dma_start3A_341 = tpu.memref_squeeze %dma_start3A_340 : memref<1x25x80xi32, #tpu.memory_space<vmem>> -> memref<25x80xi32, #tpu.memory_space<vmem>>
    %dma_start3A_342 = arith.constant 0 : i32
    %dma_start3A_343 = arith.constant 0 : i32
    %dma_start3A_344 = tpu.memref_slice %arg3[%add3A, %dma_start3A_336, %dma_start3A_342, %dma_start3A_343] : memref<32x5x25x80xi32, #tpu.memory_space<hbm>> -> memref<1x1x25x80xi32, #tpu.memory_space<hbm>>
    %dma_start3A_345 = tpu.memref_squeeze %dma_start3A_344 : memref<1x1x25x80xi32, #tpu.memory_space<hbm>> -> memref<25x80xi32, #tpu.memory_space<hbm>>
    %dma_start3A_346 = arith.constant 0 : i32
    %dma_start3A_347 = arith.constant 0 : i32
    %dma_start3A_348 = tpu.memref_slice %arg7[%dma_start3A_337, %dma_start3A_346, %dma_start3A_347] : memref<2x25x80xi32, #tpu.memory_space<vmem>> -> memref<1x25x80xi32, #tpu.memory_space<vmem>>
    %dma_start3A_349 = tpu.memref_squeeze %dma_start3A_348 : memref<1x25x80xi32, #tpu.memory_space<vmem>> -> memref<25x80xi32, #tpu.memory_space<vmem>>
    %dma_start3A_350 = arith.constant 0 : i32
    %dma_start3A_351 = arith.constant 0 : i32
    %dma_start3A_352 = tpu.memref_slice %arg3[%add3A, %dma_start3A_336, %dma_start3A_350, %dma_start3A_351] : memref<32x5x25x80xi32, #tpu.memory_space<hbm>> -> memref<1x1x25x80xi32, #tpu.memory_space<hbm>>
    %dma_start3A_353 = tpu.memref_squeeze %dma_start3A_352 : memref<1x1x25x80xi32, #tpu.memory_space<hbm>> -> memref<25x80xi32, #tpu.memory_space<hbm>>
    tpu.enqueue_dma source(%dma_start3A_353 : memref<25x80xi32, #tpu.memory_space<hbm>>) target(%dma_start3A_349 : memref<25x80xi32, #tpu.memory_space<vmem>>) target_semaphore(%arg13 : memref<!tpu.dma_semaphore, #tpu.memory_space<semaphore_mem>>)
    %dma_start3A_354 = arith.constant 3 : i32
    %dma_start3A_355 = arith.constant 1 : i32
    %dma_start3A_356 = arith.constant 0 : i32
    %dma_start3A_357 = arith.constant 0 : i32
    %dma_start3A_358 = tpu.memref_slice %arg8[%dma_start3A_355, %dma_start3A_356, %dma_start3A_357] : memref<2x25x80xi32, #tpu.memory_space<vmem>> -> memref<1x25x80xi32, #tpu.memory_space<vmem>>
    %dma_start3A_359 = tpu.memref_squeeze %dma_start3A_358 : memref<1x25x80xi32, #tpu.memory_space<vmem>> -> memref<25x80xi32, #tpu.memory_space<vmem>>
    %dma_start3A_360 = arith.constant 0 : i32
    %dma_start3A_361 = arith.constant 0 : i32
    %dma_start3A_362 = tpu.memref_slice %arg4[%add3A, %dma_start3A_354, %dma_start3A_360, %dma_start3A_361] : memref<32x5x25x80xi32, #tpu.memory_space<hbm>> -> memref<1x1x25x80xi32, #tpu.memory_space<hbm>>
    %dma_start3A_363 = tpu.memref_squeeze %dma_start3A_362 : memref<1x1x25x80xi32, #tpu.memory_space<hbm>> -> memref<25x80xi32, #tpu.memory_space<hbm>>
    %dma_start3A_364 = arith.constant 0 : i32
    %dma_start3A_365 = arith.constant 0 : i32
    %dma_start3A_366 = tpu.memref_slice %arg8[%dma_start3A_355, %dma_start3A_364, %dma_start3A_365] : memref<2x25x80xi32, #tpu.memory_space<vmem>> -> memref<1x25x80xi32, #tpu.memory_space<vmem>>
    %dma_start3A_367 = tpu.memref_squeeze %dma_start3A_366 : memref<1x25x80xi32, #tpu.memory_space<vmem>> -> memref<25x80xi32, #tpu.memory_space<vmem>>
    %dma_start3A_368 = arith.constant 0 : i32
    %dma_start3A_369 = arith.constant 0 : i32
    %dma_start3A_370 = tpu.memref_slice %arg4[%add3A, %dma_start3A_354, %dma_start3A_368, %dma_start3A_369] : memref<32x5x25x80xi32, #tpu.memory_space<hbm>> -> memref<1x1x25x80xi32, #tpu.memory_space<hbm>>
    %dma_start3A_371 = tpu.memref_squeeze %dma_start3A_370 : memref<1x1x25x80xi32, #tpu.memory_space<hbm>> -> memref<25x80xi32, #tpu.memory_space<hbm>>
    tpu.enqueue_dma source(%dma_start3A_371 : memref<25x80xi32, #tpu.memory_space<hbm>>) target(%dma_start3A_367 : memref<25x80xi32, #tpu.memory_space<vmem>>) target_semaphore(%arg13 : memref<!tpu.dma_semaphore, #tpu.memory_space<semaphore_mem>>)
    %scan3A_372 = arith.constant 0 : i32
    %scan3A_373 = arith.constant 0 : i32
    %scan3A_374 = arith.constant 25 : i32
    %scan3A_375 = arith.addi %scan3A_373, %scan3A_374 : i32
    %scan3A_376 = arith.constant 1 : i32
    scf.for %scan3A_590 = %scan3A_373 to %scan3A_375 step %scan3A_376  : i32 {
      %rem3A = arith.constant 3 : i32
      %rem3A_591 = arith.remsi %scan3A_590, %rem3A : i32
      %dma_wait3A_592 = arith.constant 0 : i32
      %dma_wait3A_593 = arith.constant 0 : i32
      %dma_wait3A_594 = arith.constant 0 : i32
      %dma_wait3A_595 = tpu.memref_slice %arg9[%rem3A_591, %dma_wait3A_593, %dma_wait3A_594] : memref<3x80x128xf32, #tpu.memory_space<vmem>> -> memref<1x80x128xf32, #tpu.memory_space<vmem>>
      %dma_wait3A_596 = tpu.memref_squeeze %dma_wait3A_595 : memref<1x80x128xf32, #tpu.memory_space<vmem>> -> memref<80x128xf32, #tpu.memory_space<vmem>>
      %dma_wait3A_597 = arith.constant 0 : i32
      %dma_wait3A_598 = tpu.memref_slice %arg7[%dma_wait3A_592, %scan3A_590, %dma_wait3A_597] : memref<2x25x80xi32, #tpu.memory_space<vmem>> -> memref<1x1x80xi32, #tpu.memory_space<vmem>>
      %dma_wait3A_599 = tpu.memref_squeeze %dma_wait3A_598 : memref<1x1x80xi32, #tpu.memory_space<vmem>> -> memref<80xi32, #tpu.memory_space<vmem>>
      %dma_wait3A_600 = arith.constant 0 : i32
      %dma_wait3A_601 = arith.constant 0 : i32
      %dma_wait3A_602 = tpu.memref_slice %arg2[%dma_wait3A_600, %dma_wait3A_601] : memref<10000x128xf32, #tpu.memory_space<hbm>> -> memref<10000x128xf32, #tpu.memory_space<hbm>>
      tpu.wait_indirect_dma semaphore(%arg11 : memref<!tpu.dma_semaphore, #tpu.memory_space<semaphore_mem>>) src(%dma_wait3A_602 : memref<10000x128xf32, #tpu.memory_space<hbm>>) dst(%dma_wait3A_596 : memref<80x128xf32, #tpu.memory_space<vmem>>)
      %dma_start3A_603 = arith.constant 0 : i32
      %dma_start3A_604 = arith.constant 0 : i32
      %dma_start3A_605 = arith.constant 0 : i32
      %dma_start3A_606 = tpu.memref_slice %arg9[%rem3A_591, %dma_start3A_604, %dma_start3A_605] : memref<3x80x128xf32, #tpu.memory_space<vmem>> -> memref<1x80x128xf32, #tpu.memory_space<vmem>>
      %dma_start3A_607 = tpu.memref_squeeze %dma_start3A_606 : memref<1x80x128xf32, #tpu.memory_space<vmem>> -> memref<80x128xf32, #tpu.memory_space<vmem>>
      %dma_start3A_608 = arith.constant 0 : i32
      %dma_start3A_609 = tpu.memref_slice %arg8[%dma_start3A_603, %scan3A_590, %dma_start3A_608] : memref<2x25x80xi32, #tpu.memory_space<vmem>> -> memref<1x1x80xi32, #tpu.memory_space<vmem>>
      %dma_start3A_610 = tpu.memref_squeeze %dma_start3A_609 : memref<1x1x80xi32, #tpu.memory_space<vmem>> -> memref<80xi32, #tpu.memory_space<vmem>>
      %dma_start3A_611 = arith.constant 0 : i32
      %dma_start3A_612 = arith.constant 0 : i32
      %dma_start3A_613 = tpu.memref_slice %arg10[%dma_start3A_611, %dma_start3A_612] : memref<10000x128xf32, #tpu.memory_space<vmem_shared>> -> memref<10000x128xf32, #tpu.memory_space<vmem_shared>>
      tpu.enqueue_indirect_dma source(%dma_start3A_607 : memref<80x128xf32, #tpu.memory_space<vmem>>) target(%dma_start3A_613 : memref<10000x128xf32, #tpu.memory_space<vmem_shared>>) offsets(%dma_start3A_610 : memref<80xi32, #tpu.memory_space<vmem>>) semaphore(%arg12 : memref<!tpu.dma_semaphore, #tpu.memory_space<semaphore_mem>>) {add = true}
      %gt3A = arith.constant 0 : i32
      %gt3A_614 = arith.cmpi sgt, %scan3A_590, %gt3A : i32
      %convert_element_type3A = arith.extui %gt3A_614 : i1 to i32
      %cond3A = arith.constant 0 : i32
      %cond3A_615 = arith.cmpi ne, %convert_element_type3A, %cond3A : i32
      scf.if %cond3A_615 {
        %sub3A = arith.constant 1 : i32
        %sub3A_622 = arith.subi %scan3A_590, %sub3A : i32
        %rem3A_623 = arith.constant 3 : i32
        %rem3A_624 = arith.remsi %sub3A_622, %rem3A_623 : i32
        %sub3A_625 = arith.constant 1 : i32
        %sub3A_626 = arith.subi %scan3A_590, %sub3A_625 : i32
        %dma_wait3A_627 = arith.constant 0 : i32
        %dma_wait3A_628 = arith.constant 0 : i32
        %dma_wait3A_629 = arith.constant 0 : i32
        %dma_wait3A_630 = tpu.memref_slice %arg9[%rem3A_624, %dma_wait3A_628, %dma_wait3A_629] : memref<3x80x128xf32, #tpu.memory_space<vmem>> -> memref<1x80x128xf32, #tpu.memory_space<vmem>>
        %dma_wait3A_631 = tpu.memref_squeeze %dma_wait3A_630 : memref<1x80x128xf32, #tpu.memory_space<vmem>> -> memref<80x128xf32, #tpu.memory_space<vmem>>
        %dma_wait3A_632 = arith.constant 0 : i32
        %dma_wait3A_633 = tpu.memref_slice %arg8[%dma_wait3A_627, %sub3A_626, %dma_wait3A_632] : memref<2x25x80xi32, #tpu.memory_space<vmem>> -> memref<1x1x80xi32, #tpu.memory_space<vmem>>
        %dma_wait3A_634 = tpu.memref_squeeze %dma_wait3A_633 : memref<1x1x80xi32, #tpu.memory_space<vmem>> -> memref<80xi32, #tpu.memory_space<vmem>>
        %dma_wait3A_635 = arith.constant 0 : i32
        %dma_wait3A_636 = arith.constant 0 : i32
        %dma_wait3A_637 = tpu.memref_slice %arg10[%dma_wait3A_635, %dma_wait3A_636] : memref<10000x128xf32, #tpu.memory_space<vmem_shared>> -> memref<10000x128xf32, #tpu.memory_space<vmem_shared>>
        tpu.wait_indirect_dma semaphore(%arg12 : memref<!tpu.dma_semaphore, #tpu.memory_space<semaphore_mem>>) src(%dma_wait3A_631 : memref<80x128xf32, #tpu.memory_space<vmem>>) dst(%dma_wait3A_637 : memref<10000x128xf32, #tpu.memory_space<vmem_shared>>)
      } else {
      }
      %add3A_616 = arith.constant 2 : i32
      %add3A_617 = arith.addi %scan3A_590, %add3A_616 : i32
      %lt3A = arith.constant 25 : i32
      %lt3A_618 = arith.cmpi slt, %add3A_617, %lt3A : i32
      %convert_element_type3A_619 = arith.extui %lt3A_618 : i1 to i32
      %cond3A_620 = arith.constant 0 : i32
      %cond3A_621 = arith.cmpi ne, %convert_element_type3A_619, %cond3A_620 : i32
      scf.if %cond3A_621 {
        %add3A_622 = arith.constant 2 : i32
        %add3A_623 = arith.addi %scan3A_590, %add3A_622 : i32
        %add3A_624 = arith.constant 2 : i32
        %add3A_625 = arith.addi %scan3A_590, %add3A_624 : i32
        %rem3A_626 = arith.constant 3 : i32
        %rem3A_627 = arith.remsi %add3A_625, %rem3A_626 : i32
        %dma_start3A_628 = arith.constant 0 : i32
        %dma_start3A_629 = arith.constant 0 : i32
        %dma_start3A_630 = arith.constant 0 : i32
        %dma_start3A_631 = tpu.memref_slice %arg9[%rem3A_627, %dma_start3A_629, %dma_start3A_630] : memref<3x80x128xf32, #tpu.memory_space<vmem>> -> memref<1x80x128xf32, #tpu.memory_space<vmem>>
        %dma_start3A_632 = tpu.memref_squeeze %dma_start3A_631 : memref<1x80x128xf32, #tpu.memory_space<vmem>> -> memref<80x128xf32, #tpu.memory_space<vmem>>
        %dma_start3A_633 = arith.constant 0 : i32
        %dma_start3A_634 = tpu.memref_slice %arg7[%dma_start3A_628, %add3A_623, %dma_start3A_633] : memref<2x25x80xi32, #tpu.memory_space<vmem>> -> memref<1x1x80xi32, #tpu.memory_space<vmem>>
        %dma_start3A_635 = tpu.memref_squeeze %dma_start3A_634 : memref<1x1x80xi32, #tpu.memory_space<vmem>> -> memref<80xi32, #tpu.memory_space<vmem>>
        %dma_start3A_636 = arith.constant 0 : i32
        %dma_start3A_637 = arith.constant 0 : i32
        %dma_start3A_638 = tpu.memref_slice %arg2[%dma_start3A_636, %dma_start3A_637] : memref<10000x128xf32, #tpu.memory_space<hbm>> -> memref<10000x128xf32, #tpu.memory_space<hbm>>
        tpu.enqueue_indirect_dma source(%dma_start3A_638 : memref<10000x128xf32, #tpu.memory_space<hbm>>) target(%dma_start3A_632 : memref<80x128xf32, #tpu.memory_space<vmem>>) offsets(%dma_start3A_635 : memref<80xi32, #tpu.memory_space<vmem>>) semaphore(%arg11 : memref<!tpu.dma_semaphore, #tpu.memory_space<semaphore_mem>>)
      } else {
      }
    }
    %scan3A_377 = arith.constant 25 : i32
    %dma_wait3A_378 = arith.constant 0 : i32
    %dma_wait3A_379 = arith.constant 0 : i32
    %dma_wait3A_380 = arith.constant 24 : i32
    %dma_wait3A_381 = arith.constant 0 : i32
    %dma_wait3A_382 = arith.constant 0 : i32
    %dma_wait3A_383 = tpu.memref_slice %arg9[%dma_wait3A_378, %dma_wait3A_381, %dma_wait3A_382] : memref<3x80x128xf32, #tpu.memory_space<vmem>> -> memref<1x80x128xf32, #tpu.memory_space<vmem>>
    %dma_wait3A_384 = tpu.memref_squeeze %dma_wait3A_383 : memref<1x80x128xf32, #tpu.memory_space<vmem>> -> memref<80x128xf32, #tpu.memory_space<vmem>>
    %dma_wait3A_385 = arith.constant 0 : i32
    %dma_wait3A_386 = tpu.memref_slice %arg8[%dma_wait3A_379, %dma_wait3A_380, %dma_wait3A_385] : memref<2x25x80xi32, #tpu.memory_space<vmem>> -> memref<1x1x80xi32, #tpu.memory_space<vmem>>
    %dma_wait3A_387 = tpu.memref_squeeze %dma_wait3A_386 : memref<1x1x80xi32, #tpu.memory_space<vmem>> -> memref<80xi32, #tpu.memory_space<vmem>>
    %dma_wait3A_388 = arith.constant 0 : i32
    %dma_wait3A_389 = arith.constant 0 : i32
    %dma_wait3A_390 = tpu.memref_slice %arg10[%dma_wait3A_388, %dma_wait3A_389] : memref<10000x128xf32, #tpu.memory_space<vmem_shared>> -> memref<10000x128xf32, #tpu.memory_space<vmem_shared>>
    tpu.wait_indirect_dma semaphore(%arg12 : memref<!tpu.dma_semaphore, #tpu.memory_space<semaphore_mem>>) src(%dma_wait3A_384 : memref<80x128xf32, #tpu.memory_space<vmem>>) dst(%dma_wait3A_390 : memref<10000x128xf32, #tpu.memory_space<vmem_shared>>)
    %dma_wait3A_391 = arith.constant 3 : i32
    %dma_wait3A_392 = arith.constant 1 : i32
    %dma_wait3A_393 = arith.constant 0 : i32
    %dma_wait3A_394 = arith.constant 0 : i32
    %dma_wait3A_395 = tpu.memref_slice %arg7[%dma_wait3A_392, %dma_wait3A_393, %dma_wait3A_394] : memref<2x25x80xi32, #tpu.memory_space<vmem>> -> memref<1x25x80xi32, #tpu.memory_space<vmem>>
    %dma_wait3A_396 = tpu.memref_squeeze %dma_wait3A_395 : memref<1x25x80xi32, #tpu.memory_space<vmem>> -> memref<25x80xi32, #tpu.memory_space<vmem>>
    %dma_wait3A_397 = arith.constant 0 : i32
    %dma_wait3A_398 = arith.constant 0 : i32
    %dma_wait3A_399 = tpu.memref_slice %arg3[%add3A, %dma_wait3A_391, %dma_wait3A_397, %dma_wait3A_398] : memref<32x5x25x80xi32, #tpu.memory_space<hbm>> -> memref<1x1x25x80xi32, #tpu.memory_space<hbm>>
    %dma_wait3A_400 = tpu.memref_squeeze %dma_wait3A_399 : memref<1x1x25x80xi32, #tpu.memory_space<hbm>> -> memref<25x80xi32, #tpu.memory_space<hbm>>
    %dma_wait3A_401 = arith.constant 0 : i32
    %dma_wait3A_402 = arith.constant 0 : i32
    %dma_wait3A_403 = tpu.memref_slice %arg7[%dma_wait3A_392, %dma_wait3A_401, %dma_wait3A_402] : memref<2x25x80xi32, #tpu.memory_space<vmem>> -> memref<1x25x80xi32, #tpu.memory_space<vmem>>
    %dma_wait3A_404 = tpu.memref_squeeze %dma_wait3A_403 : memref<1x25x80xi32, #tpu.memory_space<vmem>> -> memref<25x80xi32, #tpu.memory_space<vmem>>
    %dma_wait3A_405 = arith.constant 0 : i32
    %dma_wait3A_406 = arith.constant 0 : i32
    %dma_wait3A_407 = tpu.memref_slice %arg3[%add3A, %dma_wait3A_391, %dma_wait3A_405, %dma_wait3A_406] : memref<32x5x25x80xi32, #tpu.memory_space<hbm>> -> memref<1x1x25x80xi32, #tpu.memory_space<hbm>>
    %dma_wait3A_408 = tpu.memref_squeeze %dma_wait3A_407 : memref<1x1x25x80xi32, #tpu.memory_space<hbm>> -> memref<25x80xi32, #tpu.memory_space<hbm>>
    tpu.wait_dma2 semaphore(%arg13 : memref<!tpu.dma_semaphore, #tpu.memory_space<semaphore_mem>>) src(%dma_wait3A_408 : memref<25x80xi32, #tpu.memory_space<hbm>>) dst(%dma_wait3A_404 : memref<25x80xi32, #tpu.memory_space<vmem>>)
    %dma_wait3A_409 = arith.constant 3 : i32
    %dma_wait3A_410 = arith.constant 1 : i32
    %dma_wait3A_411 = arith.constant 0 : i32
    %dma_wait3A_412 = arith.constant 0 : i32
    %dma_wait3A_413 = tpu.memref_slice %arg8[%dma_wait3A_410, %dma_wait3A_411, %dma_wait3A_412] : memref<2x25x80xi32, #tpu.memory_space<vmem>> -> memref<1x25x80xi32, #tpu.memory_space<vmem>>
    %dma_wait3A_414 = tpu.memref_squeeze %dma_wait3A_413 : memref<1x25x80xi32, #tpu.memory_space<vmem>> -> memref<25x80xi32, #tpu.memory_space<vmem>>
    %dma_wait3A_415 = arith.constant 0 : i32
    %dma_wait3A_416 = arith.constant 0 : i32
    %dma_wait3A_417 = tpu.memref_slice %arg4[%add3A, %dma_wait3A_409, %dma_wait3A_415, %dma_wait3A_416] : memref<32x5x25x80xi32, #tpu.memory_space<hbm>> -> memref<1x1x25x80xi32, #tpu.memory_space<hbm>>
    %dma_wait3A_418 = tpu.memref_squeeze %dma_wait3A_417 : memref<1x1x25x80xi32, #tpu.memory_space<hbm>> -> memref<25x80xi32, #tpu.memory_space<hbm>>
    %dma_wait3A_419 = arith.constant 0 : i32
    %dma_wait3A_420 = arith.constant 0 : i32
    %dma_wait3A_421 = tpu.memref_slice %arg8[%dma_wait3A_410, %dma_wait3A_419, %dma_wait3A_420] : memref<2x25x80xi32, #tpu.memory_space<vmem>> -> memref<1x25x80xi32, #tpu.memory_space<vmem>>
    %dma_wait3A_422 = tpu.memref_squeeze %dma_wait3A_421 : memref<1x25x80xi32, #tpu.memory_space<vmem>> -> memref<25x80xi32, #tpu.memory_space<vmem>>
    %dma_wait3A_423 = arith.constant 0 : i32
    %dma_wait3A_424 = arith.constant 0 : i32
    %dma_wait3A_425 = tpu.memref_slice %arg4[%add3A, %dma_wait3A_409, %dma_wait3A_423, %dma_wait3A_424] : memref<32x5x25x80xi32, #tpu.memory_space<hbm>> -> memref<1x1x25x80xi32, #tpu.memory_space<hbm>>
    %dma_wait3A_426 = tpu.memref_squeeze %dma_wait3A_425 : memref<1x1x25x80xi32, #tpu.memory_space<hbm>> -> memref<25x80xi32, #tpu.memory_space<hbm>>
    tpu.wait_dma2 semaphore(%arg13 : memref<!tpu.dma_semaphore, #tpu.memory_space<semaphore_mem>>) src(%dma_wait3A_426 : memref<25x80xi32, #tpu.memory_space<hbm>>) dst(%dma_wait3A_422 : memref<25x80xi32, #tpu.memory_space<vmem>>)
    %dma_start3A_427 = arith.constant 1 : i32
    %dma_start3A_428 = arith.constant 0 : i32
    %dma_start3A_429 = arith.constant 0 : i32
    %dma_start3A_430 = arith.constant 0 : i32
    %dma_start3A_431 = arith.constant 0 : i32
    %dma_start3A_432 = tpu.memref_slice %arg9[%dma_start3A_429, %dma_start3A_430, %dma_start3A_431] : memref<3x80x128xf32, #tpu.memory_space<vmem>> -> memref<1x80x128xf32, #tpu.memory_space<vmem>>
    %dma_start3A_433 = tpu.memref_squeeze %dma_start3A_432 : memref<1x80x128xf32, #tpu.memory_space<vmem>> -> memref<80x128xf32, #tpu.memory_space<vmem>>
    %dma_start3A_434 = arith.constant 0 : i32
    %dma_start3A_435 = tpu.memref_slice %arg7[%dma_start3A_427, %dma_start3A_428, %dma_start3A_434] : memref<2x25x80xi32, #tpu.memory_space<vmem>> -> memref<1x1x80xi32, #tpu.memory_space<vmem>>
    %dma_start3A_436 = tpu.memref_squeeze %dma_start3A_435 : memref<1x1x80xi32, #tpu.memory_space<vmem>> -> memref<80xi32, #tpu.memory_space<vmem>>
    %dma_start3A_437 = arith.constant 0 : i32
    %dma_start3A_438 = arith.constant 0 : i32
    %dma_start3A_439 = tpu.memref_slice %arg2[%dma_start3A_437, %dma_start3A_438] : memref<10000x128xf32, #tpu.memory_space<hbm>> -> memref<10000x128xf32, #tpu.memory_space<hbm>>
    tpu.enqueue_indirect_dma source(%dma_start3A_439 : memref<10000x128xf32, #tpu.memory_space<hbm>>) target(%dma_start3A_433 : memref<80x128xf32, #tpu.memory_space<vmem>>) offsets(%dma_start3A_436 : memref<80xi32, #tpu.memory_space<vmem>>) semaphore(%arg11 : memref<!tpu.dma_semaphore, #tpu.memory_space<semaphore_mem>>)
    %dma_start3A_440 = arith.constant 1 : i32
    %dma_start3A_441 = arith.constant 1 : i32
    %dma_start3A_442 = arith.constant 1 : i32
    %dma_start3A_443 = arith.constant 0 : i32
    %dma_start3A_444 = arith.constant 0 : i32
    %dma_start3A_445 = tpu.memref_slice %arg9[%dma_start3A_442, %dma_start3A_443, %dma_start3A_444] : memref<3x80x128xf32, #tpu.memory_space<vmem>> -> memref<1x80x128xf32, #tpu.memory_space<vmem>>
    %dma_start3A_446 = tpu.memref_squeeze %dma_start3A_445 : memref<1x80x128xf32, #tpu.memory_space<vmem>> -> memref<80x128xf32, #tpu.memory_space<vmem>>
    %dma_start3A_447 = arith.constant 0 : i32
    %dma_start3A_448 = tpu.memref_slice %arg7[%dma_start3A_440, %dma_start3A_441, %dma_start3A_447] : memref<2x25x80xi32, #tpu.memory_space<vmem>> -> memref<1x1x80xi32, #tpu.memory_space<vmem>>
    %dma_start3A_449 = tpu.memref_squeeze %dma_start3A_448 : memref<1x1x80xi32, #tpu.memory_space<vmem>> -> memref<80xi32, #tpu.memory_space<vmem>>
    %dma_start3A_450 = arith.constant 0 : i32
    %dma_start3A_451 = arith.constant 0 : i32
    %dma_start3A_452 = tpu.memref_slice %arg2[%dma_start3A_450, %dma_start3A_451] : memref<10000x128xf32, #tpu.memory_space<hbm>> -> memref<10000x128xf32, #tpu.memory_space<hbm>>
    tpu.enqueue_indirect_dma source(%dma_start3A_452 : memref<10000x128xf32, #tpu.memory_space<hbm>>) target(%dma_start3A_446 : memref<80x128xf32, #tpu.memory_space<vmem>>) offsets(%dma_start3A_449 : memref<80xi32, #tpu.memory_space<vmem>>) semaphore(%arg11 : memref<!tpu.dma_semaphore, #tpu.memory_space<semaphore_mem>>)
    %dma_start3A_453 = arith.constant 4 : i32
    %dma_start3A_454 = arith.constant 0 : i32
    %dma_start3A_455 = arith.constant 0 : i32
    %dma_start3A_456 = arith.constant 0 : i32
    %dma_start3A_457 = tpu.memref_slice %arg7[%dma_start3A_454, %dma_start3A_455, %dma_start3A_456] : memref<2x25x80xi32, #tpu.memory_space<vmem>> -> memref<1x25x80xi32, #tpu.memory_space<vmem>>
    %dma_start3A_458 = tpu.memref_squeeze %dma_start3A_457 : memref<1x25x80xi32, #tpu.memory_space<vmem>> -> memref<25x80xi32, #tpu.memory_space<vmem>>
    %dma_start3A_459 = arith.constant 0 : i32
    %dma_start3A_460 = arith.constant 0 : i32
    %dma_start3A_461 = tpu.memref_slice %arg3[%add3A, %dma_start3A_453, %dma_start3A_459, %dma_start3A_460] : memref<32x5x25x80xi32, #tpu.memory_space<hbm>> -> memref<1x1x25x80xi32, #tpu.memory_space<hbm>>
    %dma_start3A_462 = tpu.memref_squeeze %dma_start3A_461 : memref<1x1x25x80xi32, #tpu.memory_space<hbm>> -> memref<25x80xi32, #tpu.memory_space<hbm>>
    %dma_start3A_463 = arith.constant 0 : i32
    %dma_start3A_464 = arith.constant 0 : i32
    %dma_start3A_465 = tpu.memref_slice %arg7[%dma_start3A_454, %dma_start3A_463, %dma_start3A_464] : memref<2x25x80xi32, #tpu.memory_space<vmem>> -> memref<1x25x80xi32, #tpu.memory_space<vmem>>
    %dma_start3A_466 = tpu.memref_squeeze %dma_start3A_465 : memref<1x25x80xi32, #tpu.memory_space<vmem>> -> memref<25x80xi32, #tpu.memory_space<vmem>>
    %dma_start3A_467 = arith.constant 0 : i32
    %dma_start3A_468 = arith.constant 0 : i32
    %dma_start3A_469 = tpu.memref_slice %arg3[%add3A, %dma_start3A_453, %dma_start3A_467, %dma_start3A_468] : memref<32x5x25x80xi32, #tpu.memory_space<hbm>> -> memref<1x1x25x80xi32, #tpu.memory_space<hbm>>
    %dma_start3A_470 = tpu.memref_squeeze %dma_start3A_469 : memref<1x1x25x80xi32, #tpu.memory_space<hbm>> -> memref<25x80xi32, #tpu.memory_space<hbm>>
    tpu.enqueue_dma source(%dma_start3A_470 : memref<25x80xi32, #tpu.memory_space<hbm>>) target(%dma_start3A_466 : memref<25x80xi32, #tpu.memory_space<vmem>>) target_semaphore(%arg13 : memref<!tpu.dma_semaphore, #tpu.memory_space<semaphore_mem>>)
    %dma_start3A_471 = arith.constant 4 : i32
    %dma_start3A_472 = arith.constant 0 : i32
    %dma_start3A_473 = arith.constant 0 : i32
    %dma_start3A_474 = arith.constant 0 : i32
    %dma_start3A_475 = tpu.memref_slice %arg8[%dma_start3A_472, %dma_start3A_473, %dma_start3A_474] : memref<2x25x80xi32, #tpu.memory_space<vmem>> -> memref<1x25x80xi32, #tpu.memory_space<vmem>>
    %dma_start3A_476 = tpu.memref_squeeze %dma_start3A_475 : memref<1x25x80xi32, #tpu.memory_space<vmem>> -> memref<25x80xi32, #tpu.memory_space<vmem>>
    %dma_start3A_477 = arith.constant 0 : i32
    %dma_start3A_478 = arith.constant 0 : i32
    %dma_start3A_479 = tpu.memref_slice %arg4[%add3A, %dma_start3A_471, %dma_start3A_477, %dma_start3A_478] : memref<32x5x25x80xi32, #tpu.memory_space<hbm>> -> memref<1x1x25x80xi32, #tpu.memory_space<hbm>>
    %dma_start3A_480 = tpu.memref_squeeze %dma_start3A_479 : memref<1x1x25x80xi32, #tpu.memory_space<hbm>> -> memref<25x80xi32, #tpu.memory_space<hbm>>
    %dma_start3A_481 = arith.constant 0 : i32
    %dma_start3A_482 = arith.constant 0 : i32
    %dma_start3A_483 = tpu.memref_slice %arg8[%dma_start3A_472, %dma_start3A_481, %dma_start3A_482] : memref<2x25x80xi32, #tpu.memory_space<vmem>> -> memref<1x25x80xi32, #tpu.memory_space<vmem>>
    %dma_start3A_484 = tpu.memref_squeeze %dma_start3A_483 : memref<1x25x80xi32, #tpu.memory_space<vmem>> -> memref<25x80xi32, #tpu.memory_space<vmem>>
    %dma_start3A_485 = arith.constant 0 : i32
    %dma_start3A_486 = arith.constant 0 : i32
    %dma_start3A_487 = tpu.memref_slice %arg4[%add3A, %dma_start3A_471, %dma_start3A_485, %dma_start3A_486] : memref<32x5x25x80xi32, #tpu.memory_space<hbm>> -> memref<1x1x25x80xi32, #tpu.memory_space<hbm>>
    %dma_start3A_488 = tpu.memref_squeeze %dma_start3A_487 : memref<1x1x25x80xi32, #tpu.memory_space<hbm>> -> memref<25x80xi32, #tpu.memory_space<hbm>>
    tpu.enqueue_dma source(%dma_start3A_488 : memref<25x80xi32, #tpu.memory_space<hbm>>) target(%dma_start3A_484 : memref<25x80xi32, #tpu.memory_space<vmem>>) target_semaphore(%arg13 : memref<!tpu.dma_semaphore, #tpu.memory_space<semaphore_mem>>)
    %scan3A_489 = arith.constant 0 : i32
    %scan3A_490 = arith.constant 0 : i32
    %scan3A_491 = arith.constant 25 : i32
    %scan3A_492 = arith.addi %scan3A_490, %scan3A_491 : i32
    %scan3A_493 = arith.constant 1 : i32
    scf.for %scan3A_590 = %scan3A_490 to %scan3A_492 step %scan3A_493  : i32 {
      %rem3A = arith.constant 3 : i32
      %rem3A_591 = arith.remsi %scan3A_590, %rem3A : i32
      %dma_wait3A_592 = arith.constant 1 : i32
      %dma_wait3A_593 = arith.constant 0 : i32
      %dma_wait3A_594 = arith.constant 0 : i32
      %dma_wait3A_595 = tpu.memref_slice %arg9[%rem3A_591, %dma_wait3A_593, %dma_wait3A_594] : memref<3x80x128xf32, #tpu.memory_space<vmem>> -> memref<1x80x128xf32, #tpu.memory_space<vmem>>
      %dma_wait3A_596 = tpu.memref_squeeze %dma_wait3A_595 : memref<1x80x128xf32, #tpu.memory_space<vmem>> -> memref<80x128xf32, #tpu.memory_space<vmem>>
      %dma_wait3A_597 = arith.constant 0 : i32
      %dma_wait3A_598 = tpu.memref_slice %arg7[%dma_wait3A_592, %scan3A_590, %dma_wait3A_597] : memref<2x25x80xi32, #tpu.memory_space<vmem>> -> memref<1x1x80xi32, #tpu.memory_space<vmem>>
      %dma_wait3A_599 = tpu.memref_squeeze %dma_wait3A_598 : memref<1x1x80xi32, #tpu.memory_space<vmem>> -> memref<80xi32, #tpu.memory_space<vmem>>
      %dma_wait3A_600 = arith.constant 0 : i32
      %dma_wait3A_601 = arith.constant 0 : i32
      %dma_wait3A_602 = tpu.memref_slice %arg2[%dma_wait3A_600, %dma_wait3A_601] : memref<10000x128xf32, #tpu.memory_space<hbm>> -> memref<10000x128xf32, #tpu.memory_space<hbm>>
      tpu.wait_indirect_dma semaphore(%arg11 : memref<!tpu.dma_semaphore, #tpu.memory_space<semaphore_mem>>) src(%dma_wait3A_602 : memref<10000x128xf32, #tpu.memory_space<hbm>>) dst(%dma_wait3A_596 : memref<80x128xf32, #tpu.memory_space<vmem>>)
      %dma_start3A_603 = arith.constant 1 : i32
      %dma_start3A_604 = arith.constant 0 : i32
      %dma_start3A_605 = arith.constant 0 : i32
      %dma_start3A_606 = tpu.memref_slice %arg9[%rem3A_591, %dma_start3A_604, %dma_start3A_605] : memref<3x80x128xf32, #tpu.memory_space<vmem>> -> memref<1x80x128xf32, #tpu.memory_space<vmem>>
      %dma_start3A_607 = tpu.memref_squeeze %dma_start3A_606 : memref<1x80x128xf32, #tpu.memory_space<vmem>> -> memref<80x128xf32, #tpu.memory_space<vmem>>
      %dma_start3A_608 = arith.constant 0 : i32
      %dma_start3A_609 = tpu.memref_slice %arg8[%dma_start3A_603, %scan3A_590, %dma_start3A_608] : memref<2x25x80xi32, #tpu.memory_space<vmem>> -> memref<1x1x80xi32, #tpu.memory_space<vmem>>
      %dma_start3A_610 = tpu.memref_squeeze %dma_start3A_609 : memref<1x1x80xi32, #tpu.memory_space<vmem>> -> memref<80xi32, #tpu.memory_space<vmem>>
      %dma_start3A_611 = arith.constant 0 : i32
      %dma_start3A_612 = arith.constant 0 : i32
      %dma_start3A_613 = tpu.memref_slice %arg10[%dma_start3A_611, %dma_start3A_612] : memref<10000x128xf32, #tpu.memory_space<vmem_shared>> -> memref<10000x128xf32, #tpu.memory_space<vmem_shared>>
      tpu.enqueue_indirect_dma source(%dma_start3A_607 : memref<80x128xf32, #tpu.memory_space<vmem>>) target(%dma_start3A_613 : memref<10000x128xf32, #tpu.memory_space<vmem_shared>>) offsets(%dma_start3A_610 : memref<80xi32, #tpu.memory_space<vmem>>) semaphore(%arg12 : memref<!tpu.dma_semaphore, #tpu.memory_space<semaphore_mem>>) {add = true}
      %gt3A = arith.constant 0 : i32
      %gt3A_614 = arith.cmpi sgt, %scan3A_590, %gt3A : i32
      %convert_element_type3A = arith.extui %gt3A_614 : i1 to i32
      %cond3A = arith.constant 0 : i32
      %cond3A_615 = arith.cmpi ne, %convert_element_type3A, %cond3A : i32
      scf.if %cond3A_615 {
        %sub3A = arith.constant 1 : i32
        %sub3A_622 = arith.subi %scan3A_590, %sub3A : i32
        %rem3A_623 = arith.constant 3 : i32
        %rem3A_624 = arith.remsi %sub3A_622, %rem3A_623 : i32
        %sub3A_625 = arith.constant 1 : i32
        %sub3A_626 = arith.subi %scan3A_590, %sub3A_625 : i32
        %dma_wait3A_627 = arith.constant 1 : i32
        %dma_wait3A_628 = arith.constant 0 : i32
        %dma_wait3A_629 = arith.constant 0 : i32
        %dma_wait3A_630 = tpu.memref_slice %arg9[%rem3A_624, %dma_wait3A_628, %dma_wait3A_629] : memref<3x80x128xf32, #tpu.memory_space<vmem>> -> memref<1x80x128xf32, #tpu.memory_space<vmem>>
        %dma_wait3A_631 = tpu.memref_squeeze %dma_wait3A_630 : memref<1x80x128xf32, #tpu.memory_space<vmem>> -> memref<80x128xf32, #tpu.memory_space<vmem>>
        %dma_wait3A_632 = arith.constant 0 : i32
        %dma_wait3A_633 = tpu.memref_slice %arg8[%dma_wait3A_627, %sub3A_626, %dma_wait3A_632] : memref<2x25x80xi32, #tpu.memory_space<vmem>> -> memref<1x1x80xi32, #tpu.memory_space<vmem>>
        %dma_wait3A_634 = tpu.memref_squeeze %dma_wait3A_633 : memref<1x1x80xi32, #tpu.memory_space<vmem>> -> memref<80xi32, #tpu.memory_space<vmem>>
        %dma_wait3A_635 = arith.constant 0 : i32
        %dma_wait3A_636 = arith.constant 0 : i32
        %dma_wait3A_637 = tpu.memref_slice %arg10[%dma_wait3A_635, %dma_wait3A_636] : memref<10000x128xf32, #tpu.memory_space<vmem_shared>> -> memref<10000x128xf32, #tpu.memory_space<vmem_shared>>
        tpu.wait_indirect_dma semaphore(%arg12 : memref<!tpu.dma_semaphore, #tpu.memory_space<semaphore_mem>>) src(%dma_wait3A_631 : memref<80x128xf32, #tpu.memory_space<vmem>>) dst(%dma_wait3A_637 : memref<10000x128xf32, #tpu.memory_space<vmem_shared>>)
      } else {
      }
      %add3A_616 = arith.constant 2 : i32
      %add3A_617 = arith.addi %scan3A_590, %add3A_616 : i32
      %lt3A = arith.constant 25 : i32
      %lt3A_618 = arith.cmpi slt, %add3A_617, %lt3A : i32
      %convert_element_type3A_619 = arith.extui %lt3A_618 : i1 to i32
      %cond3A_620 = arith.constant 0 : i32
      %cond3A_621 = arith.cmpi ne, %convert_element_type3A_619, %cond3A_620 : i32
      scf.if %cond3A_621 {
        %add3A_622 = arith.constant 2 : i32
        %add3A_623 = arith.addi %scan3A_590, %add3A_622 : i32
        %add3A_624 = arith.constant 2 : i32
        %add3A_625 = arith.addi %scan3A_590, %add3A_624 : i32
        %rem3A_626 = arith.constant 3 : i32
        %rem3A_627 = arith.remsi %add3A_625, %rem3A_626 : i32
        %dma_start3A_628 = arith.constant 1 : i32
        %dma_start3A_629 = arith.constant 0 : i32
        %dma_start3A_630 = arith.constant 0 : i32
        %dma_start3A_631 = tpu.memref_slice %arg9[%rem3A_627, %dma_start3A_629, %dma_start3A_630] : memref<3x80x128xf32, #tpu.memory_space<vmem>> -> memref<1x80x128xf32, #tpu.memory_space<vmem>>
        %dma_start3A_632 = tpu.memref_squeeze %dma_start3A_631 : memref<1x80x128xf32, #tpu.memory_space<vmem>> -> memref<80x128xf32, #tpu.memory_space<vmem>>
        %dma_start3A_633 = arith.constant 0 : i32
        %dma_start3A_634 = tpu.memref_slice %arg7[%dma_start3A_628, %add3A_623, %dma_start3A_633] : memref<2x25x80xi32, #tpu.memory_space<vmem>> -> memref<1x1x80xi32, #tpu.memory_space<vmem>>
        %dma_start3A_635 = tpu.memref_squeeze %dma_start3A_634 : memref<1x1x80xi32, #tpu.memory_space<vmem>> -> memref<80xi32, #tpu.memory_space<vmem>>
        %dma_start3A_636 = arith.constant 0 : i32
        %dma_start3A_637 = arith.constant 0 : i32
        %dma_start3A_638 = tpu.memref_slice %arg2[%dma_start3A_636, %dma_start3A_637] : memref<10000x128xf32, #tpu.memory_space<hbm>> -> memref<10000x128xf32, #tpu.memory_space<hbm>>
        tpu.enqueue_indirect_dma source(%dma_start3A_638 : memref<10000x128xf32, #tpu.memory_space<hbm>>) target(%dma_start3A_632 : memref<80x128xf32, #tpu.memory_space<vmem>>) offsets(%dma_start3A_635 : memref<80xi32, #tpu.memory_space<vmem>>) semaphore(%arg11 : memref<!tpu.dma_semaphore, #tpu.memory_space<semaphore_mem>>)
      } else {
      }
    }
    %scan3A_494 = arith.constant 25 : i32
    %dma_wait3A_495 = arith.constant 0 : i32
    %dma_wait3A_496 = arith.constant 1 : i32
    %dma_wait3A_497 = arith.constant 24 : i32
    %dma_wait3A_498 = arith.constant 0 : i32
    %dma_wait3A_499 = arith.constant 0 : i32
    %dma_wait3A_500 = tpu.memref_slice %arg9[%dma_wait3A_495, %dma_wait3A_498, %dma_wait3A_499] : memref<3x80x128xf32, #tpu.memory_space<vmem>> -> memref<1x80x128xf32, #tpu.memory_space<vmem>>
    %dma_wait3A_501 = tpu.memref_squeeze %dma_wait3A_500 : memref<1x80x128xf32, #tpu.memory_space<vmem>> -> memref<80x128xf32, #tpu.memory_space<vmem>>
    %dma_wait3A_502 = arith.constant 0 : i32
    %dma_wait3A_503 = tpu.memref_slice %arg8[%dma_wait3A_496, %dma_wait3A_497, %dma_wait3A_502] : memref<2x25x80xi32, #tpu.memory_space<vmem>> -> memref<1x1x80xi32, #tpu.memory_space<vmem>>
    %dma_wait3A_504 = tpu.memref_squeeze %dma_wait3A_503 : memref<1x1x80xi32, #tpu.memory_space<vmem>> -> memref<80xi32, #tpu.memory_space<vmem>>
    %dma_wait3A_505 = arith.constant 0 : i32
    %dma_wait3A_506 = arith.constant 0 : i32
    %dma_wait3A_507 = tpu.memref_slice %arg10[%dma_wait3A_505, %dma_wait3A_506] : memref<10000x128xf32, #tpu.memory_space<vmem_shared>> -> memref<10000x128xf32, #tpu.memory_space<vmem_shared>>
    tpu.wait_indirect_dma semaphore(%arg12 : memref<!tpu.dma_semaphore, #tpu.memory_space<semaphore_mem>>) src(%dma_wait3A_501 : memref<80x128xf32, #tpu.memory_space<vmem>>) dst(%dma_wait3A_507 : memref<10000x128xf32, #tpu.memory_space<vmem_shared>>)
    %dma_wait3A_508 = arith.constant 4 : i32
    %dma_wait3A_509 = arith.constant 0 : i32
    %dma_wait3A_510 = arith.constant 0 : i32
    %dma_wait3A_511 = arith.constant 0 : i32
    %dma_wait3A_512 = tpu.memref_slice %arg7[%dma_wait3A_509, %dma_wait3A_510, %dma_wait3A_511] : memref<2x25x80xi32, #tpu.memory_space<vmem>> -> memref<1x25x80xi32, #tpu.memory_space<vmem>>
    %dma_wait3A_513 = tpu.memref_squeeze %dma_wait3A_512 : memref<1x25x80xi32, #tpu.memory_space<vmem>> -> memref<25x80xi32, #tpu.memory_space<vmem>>
    %dma_wait3A_514 = arith.constant 0 : i32
    %dma_wait3A_515 = arith.constant 0 : i32
    %dma_wait3A_516 = tpu.memref_slice %arg3[%add3A, %dma_wait3A_508, %dma_wait3A_514, %dma_wait3A_515] : memref<32x5x25x80xi32, #tpu.memory_space<hbm>> -> memref<1x1x25x80xi32, #tpu.memory_space<hbm>>
    %dma_wait3A_517 = tpu.memref_squeeze %dma_wait3A_516 : memref<1x1x25x80xi32, #tpu.memory_space<hbm>> -> memref<25x80xi32, #tpu.memory_space<hbm>>
    %dma_wait3A_518 = arith.constant 0 : i32
    %dma_wait3A_519 = arith.constant 0 : i32
    %dma_wait3A_520 = tpu.memref_slice %arg7[%dma_wait3A_509, %dma_wait3A_518, %dma_wait3A_519] : memref<2x25x80xi32, #tpu.memory_space<vmem>> -> memref<1x25x80xi32, #tpu.memory_space<vmem>>
    %dma_wait3A_521 = tpu.memref_squeeze %dma_wait3A_520 : memref<1x25x80xi32, #tpu.memory_space<vmem>> -> memref<25x80xi32, #tpu.memory_space<vmem>>
    %dma_wait3A_522 = arith.constant 0 : i32
    %dma_wait3A_523 = arith.constant 0 : i32
    %dma_wait3A_524 = tpu.memref_slice %arg3[%add3A, %dma_wait3A_508, %dma_wait3A_522, %dma_wait3A_523] : memref<32x5x25x80xi32, #tpu.memory_space<hbm>> -> memref<1x1x25x80xi32, #tpu.memory_space<hbm>>
    %dma_wait3A_525 = tpu.memref_squeeze %dma_wait3A_524 : memref<1x1x25x80xi32, #tpu.memory_space<hbm>> -> memref<25x80xi32, #tpu.memory_space<hbm>>
    tpu.wait_dma2 semaphore(%arg13 : memref<!tpu.dma_semaphore, #tpu.memory_space<semaphore_mem>>) src(%dma_wait3A_525 : memref<25x80xi32, #tpu.memory_space<hbm>>) dst(%dma_wait3A_521 : memref<25x80xi32, #tpu.memory_space<vmem>>)
    %dma_wait3A_526 = arith.constant 4 : i32
    %dma_wait3A_527 = arith.constant 0 : i32
    %dma_wait3A_528 = arith.constant 0 : i32
    %dma_wait3A_529 = arith.constant 0 : i32
    %dma_wait3A_530 = tpu.memref_slice %arg8[%dma_wait3A_527, %dma_wait3A_528, %dma_wait3A_529] : memref<2x25x80xi32, #tpu.memory_space<vmem>> -> memref<1x25x80xi32, #tpu.memory_space<vmem>>
    %dma_wait3A_531 = tpu.memref_squeeze %dma_wait3A_530 : memref<1x25x80xi32, #tpu.memory_space<vmem>> -> memref<25x80xi32, #tpu.memory_space<vmem>>
    %dma_wait3A_532 = arith.constant 0 : i32
    %dma_wait3A_533 = arith.constant 0 : i32
    %dma_wait3A_534 = tpu.memref_slice %arg4[%add3A, %dma_wait3A_526, %dma_wait3A_532, %dma_wait3A_533] : memref<32x5x25x80xi32, #tpu.memory_space<hbm>> -> memref<1x1x25x80xi32, #tpu.memory_space<hbm>>
    %dma_wait3A_535 = tpu.memref_squeeze %dma_wait3A_534 : memref<1x1x25x80xi32, #tpu.memory_space<hbm>> -> memref<25x80xi32, #tpu.memory_space<hbm>>
    %dma_wait3A_536 = arith.constant 0 : i32
    %dma_wait3A_537 = arith.constant 0 : i32
    %dma_wait3A_538 = tpu.memref_slice %arg8[%dma_wait3A_527, %dma_wait3A_536, %dma_wait3A_537] : memref<2x25x80xi32, #tpu.memory_space<vmem>> -> memref<1x25x80xi32, #tpu.memory_space<vmem>>
    %dma_wait3A_539 = tpu.memref_squeeze %dma_wait3A_538 : memref<1x25x80xi32, #tpu.memory_space<vmem>> -> memref<25x80xi32, #tpu.memory_space<vmem>>
    %dma_wait3A_540 = arith.constant 0 : i32
    %dma_wait3A_541 = arith.constant 0 : i32
    %dma_wait3A_542 = tpu.memref_slice %arg4[%add3A, %dma_wait3A_526, %dma_wait3A_540, %dma_wait3A_541] : memref<32x5x25x80xi32, #tpu.memory_space<hbm>> -> memref<1x1x25x80xi32, #tpu.memory_space<hbm>>
    %dma_wait3A_543 = tpu.memref_squeeze %dma_wait3A_542 : memref<1x1x25x80xi32, #tpu.memory_space<hbm>> -> memref<25x80xi32, #tpu.memory_space<hbm>>
    tpu.wait_dma2 semaphore(%arg13 : memref<!tpu.dma_semaphore, #tpu.memory_space<semaphore_mem>>) src(%dma_wait3A_543 : memref<25x80xi32, #tpu.memory_space<hbm>>) dst(%dma_wait3A_539 : memref<25x80xi32, #tpu.memory_space<vmem>>)
    %dma_start3A_544 = arith.constant 0 : i32
    %dma_start3A_545 = arith.constant 0 : i32
    %dma_start3A_546 = arith.constant 0 : i32
    %dma_start3A_547 = arith.constant 0 : i32
    %dma_start3A_548 = arith.constant 0 : i32
    %dma_start3A_549 = tpu.memref_slice %arg9[%dma_start3A_546, %dma_start3A_547, %dma_start3A_548] : memref<3x80x128xf32, #tpu.memory_space<vmem>> -> memref<1x80x128xf32, #tpu.memory_space<vmem>>
    %dma_start3A_550 = tpu.memref_squeeze %dma_start3A_549 : memref<1x80x128xf32, #tpu.memory_space<vmem>> -> memref<80x128xf32, #tpu.memory_space<vmem>>
    %dma_start3A_551 = arith.constant 0 : i32
    %dma_start3A_552 = tpu.memref_slice %arg7[%dma_start3A_544, %dma_start3A_545, %dma_start3A_551] : memref<2x25x80xi32, #tpu.memory_space<vmem>> -> memref<1x1x80xi32, #tpu.memory_space<vmem>>
    %dma_start3A_553 = tpu.memref_squeeze %dma_start3A_552 : memref<1x1x80xi32, #tpu.memory_space<vmem>> -> memref<80xi32, #tpu.memory_space<vmem>>
    %dma_start3A_554 = arith.constant 0 : i32
    %dma_start3A_555 = arith.constant 0 : i32
    %dma_start3A_556 = tpu.memref_slice %arg2[%dma_start3A_554, %dma_start3A_555] : memref<10000x128xf32, #tpu.memory_space<hbm>> -> memref<10000x128xf32, #tpu.memory_space<hbm>>
    tpu.enqueue_indirect_dma source(%dma_start3A_556 : memref<10000x128xf32, #tpu.memory_space<hbm>>) target(%dma_start3A_550 : memref<80x128xf32, #tpu.memory_space<vmem>>) offsets(%dma_start3A_553 : memref<80xi32, #tpu.memory_space<vmem>>) semaphore(%arg11 : memref<!tpu.dma_semaphore, #tpu.memory_space<semaphore_mem>>)
    %dma_start3A_557 = arith.constant 0 : i32
    %dma_start3A_558 = arith.constant 1 : i32
    %dma_start3A_559 = arith.constant 1 : i32
    %dma_start3A_560 = arith.constant 0 : i32
    %dma_start3A_561 = arith.constant 0 : i32
    %dma_start3A_562 = tpu.memref_slice %arg9[%dma_start3A_559, %dma_start3A_560, %dma_start3A_561] : memref<3x80x128xf32, #tpu.memory_space<vmem>> -> memref<1x80x128xf32, #tpu.memory_space<vmem>>
    %dma_start3A_563 = tpu.memref_squeeze %dma_start3A_562 : memref<1x80x128xf32, #tpu.memory_space<vmem>> -> memref<80x128xf32, #tpu.memory_space<vmem>>
    %dma_start3A_564 = arith.constant 0 : i32
    %dma_start3A_565 = tpu.memref_slice %arg7[%dma_start3A_557, %dma_start3A_558, %dma_start3A_564] : memref<2x25x80xi32, #tpu.memory_space<vmem>> -> memref<1x1x80xi32, #tpu.memory_space<vmem>>
    %dma_start3A_566 = tpu.memref_squeeze %dma_start3A_565 : memref<1x1x80xi32, #tpu.memory_space<vmem>> -> memref<80xi32, #tpu.memory_space<vmem>>
    %dma_start3A_567 = arith.constant 0 : i32
    %dma_start3A_568 = arith.constant 0 : i32
    %dma_start3A_569 = tpu.memref_slice %arg2[%dma_start3A_567, %dma_start3A_568] : memref<10000x128xf32, #tpu.memory_space<hbm>> -> memref<10000x128xf32, #tpu.memory_space<hbm>>
    tpu.enqueue_indirect_dma source(%dma_start3A_569 : memref<10000x128xf32, #tpu.memory_space<hbm>>) target(%dma_start3A_563 : memref<80x128xf32, #tpu.memory_space<vmem>>) offsets(%dma_start3A_566 : memref<80xi32, #tpu.memory_space<vmem>>) semaphore(%arg11 : memref<!tpu.dma_semaphore, #tpu.memory_space<semaphore_mem>>)
    %scan3A_570 = arith.constant 0 : i32
    %scan3A_571 = arith.constant 0 : i32
    %scan3A_572 = arith.constant 25 : i32
    %scan3A_573 = arith.addi %scan3A_571, %scan3A_572 : i32
    %scan3A_574 = arith.constant 1 : i32
    scf.for %scan3A_590 = %scan3A_571 to %scan3A_573 step %scan3A_574  : i32 {
      %rem3A = arith.constant 3 : i32
      %rem3A_591 = arith.remsi %scan3A_590, %rem3A : i32
      %dma_wait3A_592 = arith.constant 0 : i32
      %dma_wait3A_593 = arith.constant 0 : i32
      %dma_wait3A_594 = arith.constant 0 : i32
      %dma_wait3A_595 = tpu.memref_slice %arg9[%rem3A_591, %dma_wait3A_593, %dma_wait3A_594] : memref<3x80x128xf32, #tpu.memory_space<vmem>> -> memref<1x80x128xf32, #tpu.memory_space<vmem>>
      %dma_wait3A_596 = tpu.memref_squeeze %dma_wait3A_595 : memref<1x80x128xf32, #tpu.memory_space<vmem>> -> memref<80x128xf32, #tpu.memory_space<vmem>>
      %dma_wait3A_597 = arith.constant 0 : i32
      %dma_wait3A_598 = tpu.memref_slice %arg7[%dma_wait3A_592, %scan3A_590, %dma_wait3A_597] : memref<2x25x80xi32, #tpu.memory_space<vmem>> -> memref<1x1x80xi32, #tpu.memory_space<vmem>>
      %dma_wait3A_599 = tpu.memref_squeeze %dma_wait3A_598 : memref<1x1x80xi32, #tpu.memory_space<vmem>> -> memref<80xi32, #tpu.memory_space<vmem>>
      %dma_wait3A_600 = arith.constant 0 : i32
      %dma_wait3A_601 = arith.constant 0 : i32
      %dma_wait3A_602 = tpu.memref_slice %arg2[%dma_wait3A_600, %dma_wait3A_601] : memref<10000x128xf32, #tpu.memory_space<hbm>> -> memref<10000x128xf32, #tpu.memory_space<hbm>>
      tpu.wait_indirect_dma semaphore(%arg11 : memref<!tpu.dma_semaphore, #tpu.memory_space<semaphore_mem>>) src(%dma_wait3A_602 : memref<10000x128xf32, #tpu.memory_space<hbm>>) dst(%dma_wait3A_596 : memref<80x128xf32, #tpu.memory_space<vmem>>)
      %dma_start3A_603 = arith.constant 0 : i32
      %dma_start3A_604 = arith.constant 0 : i32
      %dma_start3A_605 = arith.constant 0 : i32
      %dma_start3A_606 = tpu.memref_slice %arg9[%rem3A_591, %dma_start3A_604, %dma_start3A_605] : memref<3x80x128xf32, #tpu.memory_space<vmem>> -> memref<1x80x128xf32, #tpu.memory_space<vmem>>
      %dma_start3A_607 = tpu.memref_squeeze %dma_start3A_606 : memref<1x80x128xf32, #tpu.memory_space<vmem>> -> memref<80x128xf32, #tpu.memory_space<vmem>>
      %dma_start3A_608 = arith.constant 0 : i32
      %dma_start3A_609 = tpu.memref_slice %arg8[%dma_start3A_603, %scan3A_590, %dma_start3A_608] : memref<2x25x80xi32, #tpu.memory_space<vmem>> -> memref<1x1x80xi32, #tpu.memory_space<vmem>>
      %dma_start3A_610 = tpu.memref_squeeze %dma_start3A_609 : memref<1x1x80xi32, #tpu.memory_space<vmem>> -> memref<80xi32, #tpu.memory_space<vmem>>
      %dma_start3A_611 = arith.constant 0 : i32
      %dma_start3A_612 = arith.constant 0 : i32
      %dma_start3A_613 = tpu.memref_slice %arg10[%dma_start3A_611, %dma_start3A_612] : memref<10000x128xf32, #tpu.memory_space<vmem_shared>> -> memref<10000x128xf32, #tpu.memory_space<vmem_shared>>
      tpu.enqueue_indirect_dma source(%dma_start3A_607 : memref<80x128xf32, #tpu.memory_space<vmem>>) target(%dma_start3A_613 : memref<10000x128xf32, #tpu.memory_space<vmem_shared>>) offsets(%dma_start3A_610 : memref<80xi32, #tpu.memory_space<vmem>>) semaphore(%arg12 : memref<!tpu.dma_semaphore, #tpu.memory_space<semaphore_mem>>) {add = true}
      %gt3A = arith.constant 0 : i32
      %gt3A_614 = arith.cmpi sgt, %scan3A_590, %gt3A : i32
      %convert_element_type3A = arith.extui %gt3A_614 : i1 to i32
      %cond3A = arith.constant 0 : i32
      %cond3A_615 = arith.cmpi ne, %convert_element_type3A, %cond3A : i32
      scf.if %cond3A_615 {
        %sub3A = arith.constant 1 : i32
        %sub3A_622 = arith.subi %scan3A_590, %sub3A : i32
        %rem3A_623 = arith.constant 3 : i32
        %rem3A_624 = arith.remsi %sub3A_622, %rem3A_623 : i32
        %sub3A_625 = arith.constant 1 : i32
        %sub3A_626 = arith.subi %scan3A_590, %sub3A_625 : i32
        %dma_wait3A_627 = arith.constant 0 : i32
        %dma_wait3A_628 = arith.constant 0 : i32
        %dma_wait3A_629 = arith.constant 0 : i32
        %dma_wait3A_630 = tpu.memref_slice %arg9[%rem3A_624, %dma_wait3A_628, %dma_wait3A_629] : memref<3x80x128xf32, #tpu.memory_space<vmem>> -> memref<1x80x128xf32, #tpu.memory_space<vmem>>
        %dma_wait3A_631 = tpu.memref_squeeze %dma_wait3A_630 : memref<1x80x128xf32, #tpu.memory_space<vmem>> -> memref<80x128xf32, #tpu.memory_space<vmem>>
        %dma_wait3A_632 = arith.constant 0 : i32
        %dma_wait3A_633 = tpu.memref_slice %arg8[%dma_wait3A_627, %sub3A_626, %dma_wait3A_632] : memref<2x25x80xi32, #tpu.memory_space<vmem>> -> memref<1x1x80xi32, #tpu.memory_space<vmem>>
        %dma_wait3A_634 = tpu.memref_squeeze %dma_wait3A_633 : memref<1x1x80xi32, #tpu.memory_space<vmem>> -> memref<80xi32, #tpu.memory_space<vmem>>
        %dma_wait3A_635 = arith.constant 0 : i32
        %dma_wait3A_636 = arith.constant 0 : i32
        %dma_wait3A_637 = tpu.memref_slice %arg10[%dma_wait3A_635, %dma_wait3A_636] : memref<10000x128xf32, #tpu.memory_space<vmem_shared>> -> memref<10000x128xf32, #tpu.memory_space<vmem_shared>>
        tpu.wait_indirect_dma semaphore(%arg12 : memref<!tpu.dma_semaphore, #tpu.memory_space<semaphore_mem>>) src(%dma_wait3A_631 : memref<80x128xf32, #tpu.memory_space<vmem>>) dst(%dma_wait3A_637 : memref<10000x128xf32, #tpu.memory_space<vmem_shared>>)
      } else {
      }
      %add3A_616 = arith.constant 2 : i32
      %add3A_617 = arith.addi %scan3A_590, %add3A_616 : i32
      %lt3A = arith.constant 25 : i32
      %lt3A_618 = arith.cmpi slt, %add3A_617, %lt3A : i32
      %convert_element_type3A_619 = arith.extui %lt3A_618 : i1 to i32
      %cond3A_620 = arith.constant 0 : i32
      %cond3A_621 = arith.cmpi ne, %convert_element_type3A_619, %cond3A_620 : i32
      scf.if %cond3A_621 {
        %add3A_622 = arith.constant 2 : i32
        %add3A_623 = arith.addi %scan3A_590, %add3A_622 : i32
        %add3A_624 = arith.constant 2 : i32
        %add3A_625 = arith.addi %scan3A_590, %add3A_624 : i32
        %rem3A_626 = arith.constant 3 : i32
        %rem3A_627 = arith.remsi %add3A_625, %rem3A_626 : i32
        %dma_start3A_628 = arith.constant 0 : i32
        %dma_start3A_629 = arith.constant 0 : i32
        %dma_start3A_630 = arith.constant 0 : i32
        %dma_start3A_631 = tpu.memref_slice %arg9[%rem3A_627, %dma_start3A_629, %dma_start3A_630] : memref<3x80x128xf32, #tpu.memory_space<vmem>> -> memref<1x80x128xf32, #tpu.memory_space<vmem>>
        %dma_start3A_632 = tpu.memref_squeeze %dma_start3A_631 : memref<1x80x128xf32, #tpu.memory_space<vmem>> -> memref<80x128xf32, #tpu.memory_space<vmem>>
        %dma_start3A_633 = arith.constant 0 : i32
        %dma_start3A_634 = tpu.memref_slice %arg7[%dma_start3A_628, %add3A_623, %dma_start3A_633] : memref<2x25x80xi32, #tpu.memory_space<vmem>> -> memref<1x1x80xi32, #tpu.memory_space<vmem>>
        %dma_start3A_635 = tpu.memref_squeeze %dma_start3A_634 : memref<1x1x80xi32, #tpu.memory_space<vmem>> -> memref<80xi32, #tpu.memory_space<vmem>>
        %dma_start3A_636 = arith.constant 0 : i32
        %dma_start3A_637 = arith.constant 0 : i32
        %dma_start3A_638 = tpu.memref_slice %arg2[%dma_start3A_636, %dma_start3A_637] : memref<10000x128xf32, #tpu.memory_space<hbm>> -> memref<10000x128xf32, #tpu.memory_space<hbm>>
        tpu.enqueue_indirect_dma source(%dma_start3A_638 : memref<10000x128xf32, #tpu.memory_space<hbm>>) target(%dma_start3A_632 : memref<80x128xf32, #tpu.memory_space<vmem>>) offsets(%dma_start3A_635 : memref<80xi32, #tpu.memory_space<vmem>>) semaphore(%arg11 : memref<!tpu.dma_semaphore, #tpu.memory_space<semaphore_mem>>)
      } else {
      }
    }
    %scan3A_575 = arith.constant 25 : i32
    %dma_wait3A_576 = arith.constant 0 : i32
    %dma_wait3A_577 = arith.constant 0 : i32
    %dma_wait3A_578 = arith.constant 24 : i32
    %dma_wait3A_579 = arith.constant 0 : i32
    %dma_wait3A_580 = arith.constant 0 : i32
    %dma_wait3A_581 = tpu.memref_slice %arg9[%dma_wait3A_576, %dma_wait3A_579, %dma_wait3A_580] : memref<3x80x128xf32, #tpu.memory_space<vmem>> -> memref<1x80x128xf32, #tpu.memory_space<vmem>>
    %dma_wait3A_582 = tpu.memref_squeeze %dma_wait3A_581 : memref<1x80x128xf32, #tpu.memory_space<vmem>> -> memref<80x128xf32, #tpu.memory_space<vmem>>
    %dma_wait3A_583 = arith.constant 0 : i32
    %dma_wait3A_584 = tpu.memref_slice %arg8[%dma_wait3A_577, %dma_wait3A_578, %dma_wait3A_583] : memref<2x25x80xi32, #tpu.memory_space<vmem>> -> memref<1x1x80xi32, #tpu.memory_space<vmem>>
    %dma_wait3A_585 = tpu.memref_squeeze %dma_wait3A_584 : memref<1x1x80xi32, #tpu.memory_space<vmem>> -> memref<80xi32, #tpu.memory_space<vmem>>
    %dma_wait3A_586 = arith.constant 0 : i32
    %dma_wait3A_587 = arith.constant 0 : i32
    %dma_wait3A_588 = tpu.memref_slice %arg10[%dma_wait3A_586, %dma_wait3A_587] : memref<10000x128xf32, #tpu.memory_space<vmem_shared>> -> memref<10000x128xf32, #tpu.memory_space<vmem_shared>>
    tpu.wait_indirect_dma semaphore(%arg12 : memref<!tpu.dma_semaphore, #tpu.memory_space<semaphore_mem>>) src(%dma_wait3A_582 : memref<80x128xf32, #tpu.memory_space<vmem>>) dst(%dma_wait3A_588 : memref<10000x128xf32, #tpu.memory_space<vmem_shared>>)
    %barrier3A_589 = arith.constant 0 : index
    tpu.barrier barrier_id(%barrier3A_589)
    "tpu.region"() ({
      %run_scoped3A = tpu.sem_alloc : memref<!tpu.dma_semaphore, #tpu.memory_space<semaphore_mem>>
      %dma_start3A_590 = arith.constant 0 : i32
      %dma_start3A_591 = arith.constant 0 : i32
      %dma_start3A_592 = tpu.memref_slice %arg6[%arg0, %arg1, %dma_start3A_590, %dma_start3A_591] : memref<2x16x625x128xf32, #tpu.memory_space<hbm>> -> memref<1x1x625x128xf32, #tpu.memory_space<hbm>>
      %dma_start3A_593 = tpu.memref_squeeze %dma_start3A_592 : memref<1x1x625x128xf32, #tpu.memory_space<hbm>> -> memref<625x128xf32, #tpu.memory_space<hbm>>
      %dma_start3A_594 = arith.constant 0 : i32
      %dma_start3A_595 = tpu.memref_slice %arg10[%mul3A_2, %dma_start3A_594] : memref<10000x128xf32, #tpu.memory_space<vmem_shared>> -> memref<625x128xf32, #tpu.memory_space<vmem_shared>>
      tpu.enqueue_dma source(%dma_start3A_595 : memref<625x128xf32, #tpu.memory_space<vmem_shared>>) target(%dma_start3A_593 : memref<625x128xf32, #tpu.memory_space<hbm>>) target_semaphore(%run_scoped3A : memref<!tpu.dma_semaphore, #tpu.memory_space<semaphore_mem>>)
      %dma_wait3A_596 = arith.constant 0 : i32
      %dma_wait3A_597 = arith.constant 0 : i32
      %dma_wait3A_598 = tpu.memref_slice %arg6[%arg0, %arg1, %dma_wait3A_596, %dma_wait3A_597] : memref<2x16x625x128xf32, #tpu.memory_space<hbm>> -> memref<1x1x625x128xf32, #tpu.memory_space<hbm>>
      %dma_wait3A_599 = tpu.memref_squeeze %dma_wait3A_598 : memref<1x1x625x128xf32, #tpu.memory_space<hbm>> -> memref<625x128xf32, #tpu.memory_space<hbm>>
      %dma_wait3A_600 = arith.constant 0 : i32
      %dma_wait3A_601 = tpu.memref_slice %arg10[%mul3A_2, %dma_wait3A_600] : memref<10000x128xf32, #tpu.memory_space<vmem_shared>> -> memref<625x128xf32, #tpu.memory_space<vmem_shared>>
      tpu.wait_dma2 semaphore(%run_scoped3A : memref<!tpu.dma_semaphore, #tpu.memory_space<semaphore_mem>>) src(%dma_wait3A_601 : memref<625x128xf32, #tpu.memory_space<vmem_shared>>) dst(%dma_wait3A_599 : memref<625x128xf32, #tpu.memory_space<hbm>>)
      tpu.yield
    }) : () -> ()
    return
  }
}

module attributes {stable_mosaic.version = 14 : i64} {
  func.func @_mm1_body(%arg0: i32, %arg1: memref<1280x128xf32, #tpu.memory_space<vmem>>, %arg2: memref<128x128xf32, #tpu.memory_space<vmem>>, %arg3: memref<32x1280xf32, #tpu.memory_space<vmem>>, %arg4: memref<1280x128xf32, #tpu.memory_space<vmem>>, %arg5: memref<1280x128xf32, #tpu.memory_space<vmem>>) attributes {dimension_semantics = [#tpu.dimension_semantics<arbitrary>], iteration_bounds = array<i64: 8>, scalar_prefetch = 0 : i64, scratch_operands = 0 : i64, tpu.core_type = #tpu.core_type<tc>, window_params = [{transform_indices = @transform_0, window_bounds = array<i64: 1280, 128>}, {pipeline_mode = #tpu.pipeline_mode<synchronous>, transform_indices = @transform_1, window_bounds = array<i64: 128, 128>}, {transform_indices = @transform_2, window_bounds = array<i64: 32, 1280>}, {transform_indices = @transform_3, window_bounds = array<i64: 1280, 128>}, {transform_indices = @transform_4, window_bounds = array<i64: 1280, 128>}]} {
    %get3A = arith.constant 0 : index
    %get3A_0 = arith.constant 0 : index
    %get3A_1 = vector.load %arg3[%get3A, %get3A_0] : memref<32x1280xf32, #tpu.memory_space<vmem>>, vector<32x1280xf32>
    %reduce_sum3A = arith.constant dense<0.000000e+00> : vector<1280xf32>
    %reduce_sum3A_2 = vector.multi_reduction <add>, %get3A_1, %reduce_sum3A [0] : vector<32x1280xf32> to vector<1280xf32>
    %add3A = arith.constant 1.000000e+00 : f32
    %add3A_3 = vector.broadcast %add3A : f32 to vector<1280xf32>
    %add3A_4 = arith.addf %reduce_sum3A_2, %add3A_3 : vector<1280xf32>
    %rsqrt3A = math.rsqrt %add3A_4 : vector<1280xf32>
    %broadcast_in_dim3A = vector.shape_cast %rsqrt3A : vector<1280xf32> to vector<1280x1xf32>
    %broadcast_in_dim3A_5 = vector.shape_cast %broadcast_in_dim3A : vector<1280x1xf32> to vector<1280x1xf32>
    %broadcast_in_dim3A_6 = vector.broadcast %broadcast_in_dim3A_5 : vector<1280x1xf32> to vector<1280x128xf32>
    %get3A_7 = arith.constant 0 : index
    %get3A_8 = arith.constant 0 : index
    %get3A_9 = vector.load %arg1[%get3A_7, %get3A_8] : memref<1280x128xf32, #tpu.memory_space<vmem>>, vector<1280x128xf32>
    %get3A_10 = arith.constant 0 : index
    %get3A_11 = arith.constant 0 : index
    %get3A_12 = vector.load %arg2[%get3A_10, %get3A_11] : memref<128x128xf32, #tpu.memory_space<vmem>>, vector<128x128xf32>
    %dot_general3A = arith.constant dense<0.000000e+00> : vector<1280x128xf32>
    %dot_general3A_13 = tpu.matmul %get3A_9, %get3A_12, %dot_general3A {dimension_numbers = #tpu.dot_dimension_numbers<[1], [0], [0], [1], [0, 0, 1, 1], [], []>, transpose_lhs_hint = false} : vector<1280x128xf32>, vector<128x128xf32>, vector<1280x128xf32> -> vector<1280x128xf32>
    %mul3A = arith.mulf %dot_general3A_13, %broadcast_in_dim3A_6 : vector<1280x128xf32>
    %swap3A = arith.constant 0 : index
    %swap3A_14 = arith.constant 0 : index
    %swap3A_15 = vector.load %arg4[%swap3A, %swap3A_14] : memref<1280x128xf32, #tpu.memory_space<vmem>>, vector<1280x128xf32>
    tpu.vector_store %arg4[%swap3A, %swap3A_14], %mul3A {strides = array<i32>} : memref<1280x128xf32, #tpu.memory_space<vmem>>, vector<1280x128xf32>,
    %swap3A_16 = arith.constant 0 : index
    %swap3A_17 = arith.constant 0 : index
    %swap3A_18 = vector.load %arg5[%swap3A_16, %swap3A_17] : memref<1280x128xf32, #tpu.memory_space<vmem>>, vector<1280x128xf32>
    tpu.vector_store %arg5[%swap3A_16, %swap3A_17], %broadcast_in_dim3A_6 {strides = array<i32>} : memref<1280x128xf32, #tpu.memory_space<vmem>>, vector<1280x128xf32>,
    return
  }
  func.func @transform_0(%arg0: i32) -> (i32, i32) {
    %c0_i32 = arith.constant 0 : i32
    %c0_i32_0 = arith.constant 0 : i32
    return %arg0, %c0_i32 : i32, i32
  }
  func.func @transform_1(%arg0: i32) -> (i32, i32) {
    %c0_i32 = arith.constant 0 : i32
    %c0_i32_0 = arith.constant 0 : i32
    %c0_i32_1 = arith.constant 0 : i32
    return %c0_i32, %c0_i32_0 : i32, i32
  }
  func.func @transform_2(%arg0: i32) -> (i32, i32) {
    %c0_i32 = arith.constant 0 : i32
    %c0_i32_0 = arith.constant 0 : i32
    return %c0_i32, %arg0 : i32, i32
  }
  func.func @transform_3(%arg0: i32) -> (i32, i32) {
    %c0_i32 = arith.constant 0 : i32
    %c0_i32_0 = arith.constant 0 : i32
    return %arg0, %c0_i32 : i32, i32
  }
  func.func @transform_4(%arg0: i32) -> (i32, i32) {
    %c0_i32 = arith.constant 0 : i32
    %c0_i32_0 = arith.constant 0 : i32
    return %arg0, %c0_i32 : i32, i32
  }
}

module attributes {stable_mosaic.version = 14 : i64} {
  func.func @_ep1mm2_body(%arg0: i32, %arg1: memref<2x1280x128xf32, #tpu.memory_space<vmem>>, %arg2: memref<1280x128xf32, #tpu.memory_space<vmem>>, %arg3: memref<1280x128xf32, #tpu.memory_space<vmem>>, %arg4: memref<1x128xf32, #tpu.memory_space<vmem>>, %arg5: memref<128x128xf32, #tpu.memory_space<vmem>>, %arg6: memref<1280x128xf32, #tpu.memory_space<vmem>>) attributes {dimension_semantics = [#tpu.dimension_semantics<arbitrary>], iteration_bounds = array<i64: 8>, scalar_prefetch = 0 : i64, scratch_operands = 0 : i64, tpu.core_type = #tpu.core_type<tc>, window_params = [{transform_indices = @transform_0, window_bounds = array<i64: 2, 1280, 128>}, {transform_indices = @transform_1, window_bounds = array<i64: 1280, 128>}, {transform_indices = @transform_2, window_bounds = array<i64: 1280, 128>}, {pipeline_mode = #tpu.pipeline_mode<synchronous>, transform_indices = @transform_3, window_bounds = array<i64: 1, 128>}, {pipeline_mode = #tpu.pipeline_mode<synchronous>, transform_indices = @transform_4, window_bounds = array<i64: 128, 128>}, {transform_indices = @transform_5, window_bounds = array<i64: 1280, 128>}]} {
    %get3A = arith.constant 0 : index
    %get3A_0 = arith.constant 0 : index
    %get3A_1 = vector.load %arg3[%get3A, %get3A_0] : memref<1280x128xf32, #tpu.memory_space<vmem>>, vector<1280x128xf32>
    %get3A_2 = arith.constant 0 : index
    %get3A_3 = arith.constant 0 : index
    %get3A_4 = arith.constant 0 : index
    %get3A_5 = vector.load %arg1[%get3A_2, %get3A_3, %get3A_4] : memref<2x1280x128xf32, #tpu.memory_space<vmem>>, vector<1x1280x128xf32>
    %get3A_6 = vector.shape_cast %get3A_5 : vector<1x1280x128xf32> to vector<1280x128xf32>
    %get3A_7 = arith.constant 1 : index
    %get3A_8 = arith.constant 0 : index
    %get3A_9 = arith.constant 0 : index
    %get3A_10 = vector.load %arg1[%get3A_7, %get3A_8, %get3A_9] : memref<2x1280x128xf32, #tpu.memory_space<vmem>>, vector<1x1280x128xf32>
    %get3A_11 = vector.shape_cast %get3A_10 : vector<1x1280x128xf32> to vector<1280x128xf32>
    %add3A = arith.addf %get3A_6, %get3A_11 : vector<1280x128xf32>
    %get3A_12 = arith.constant 0 : index
    %get3A_13 = arith.constant 0 : index
    %get3A_14 = vector.load %arg2[%get3A_12, %get3A_13] : memref<1280x128xf32, #tpu.memory_space<vmem>>, vector<1280x128xf32>
    %add3A_15 = arith.addf %add3A, %get3A_14 : vector<1280x128xf32>
    %mul3A = arith.mulf %add3A_15, %get3A_1 : vector<1280x128xf32>
    %get3A_16 = arith.constant 0 : index
    %get3A_17 = arith.constant 0 : index
    %get3A_18 = vector.load %arg4[%get3A_16, %get3A_17] : memref<1x128xf32, #tpu.memory_space<vmem>>, vector<1x128xf32>
    %add3A_19 = vector.broadcast %get3A_18 : vector<1x128xf32> to vector<1280x128xf32>
    %add3A_20 = arith.addf %mul3A, %add3A_19 : vector<1280x128xf32>
    %max3A = arith.constant 0.000000e+00 : f32
    %max3A_21 = vector.broadcast %max3A : f32 to vector<1280x128xf32>
    %max3A_22 = arith.maximumf %add3A_20, %max3A_21 : vector<1280x128xf32>
    %get3A_23 = arith.constant 0 : index
    %get3A_24 = arith.constant 0 : index
    %get3A_25 = vector.load %arg5[%get3A_23, %get3A_24] : memref<128x128xf32, #tpu.memory_space<vmem>>, vector<128x128xf32>
    %dot_general3A = arith.constant dense<0.000000e+00> : vector<1280x128xf32>
    %dot_general3A_26 = tpu.matmul %max3A_22, %get3A_25, %dot_general3A {dimension_numbers = #tpu.dot_dimension_numbers<[1], [0], [0], [1], [0, 0, 1, 1], [], []>, transpose_lhs_hint = false} : vector<1280x128xf32>, vector<128x128xf32>, vector<1280x128xf32> -> vector<1280x128xf32>
    %mul3A_27 = arith.mulf %dot_general3A_26, %get3A_1 : vector<1280x128xf32>
    %swap3A = arith.constant 0 : index
    %swap3A_28 = arith.constant 0 : index
    %swap3A_29 = vector.load %arg6[%swap3A, %swap3A_28] : memref<1280x128xf32, #tpu.memory_space<vmem>>, vector<1280x128xf32>
    tpu.vector_store %arg6[%swap3A, %swap3A_28], %mul3A_27 {strides = array<i32>} : memref<1280x128xf32, #tpu.memory_space<vmem>>, vector<1280x128xf32>,
    return
  }
  func.func @transform_0(%arg0: i32) -> (i32, i32, i32) {
    %c0_i32 = arith.constant 0 : i32
    %c0_i32_0 = arith.constant 0 : i32
    %c0_i32_1 = arith.constant 0 : i32
    return %c0_i32, %arg0, %c0_i32_0 : i32, i32, i32
  }
  func.func @transform_1(%arg0: i32) -> (i32, i32) {
    %c0_i32 = arith.constant 0 : i32
    %c0_i32_0 = arith.constant 0 : i32
    return %arg0, %c0_i32 : i32, i32
  }
  func.func @transform_2(%arg0: i32) -> (i32, i32) {
    %c0_i32 = arith.constant 0 : i32
    %c0_i32_0 = arith.constant 0 : i32
    return %arg0, %c0_i32 : i32, i32
  }
  func.func @transform_3(%arg0: i32) -> (i32, i32) {
    %c0_i32 = arith.constant 0 : i32
    %c0_i32_0 = arith.constant 0 : i32
    %c0_i32_1 = arith.constant 0 : i32
    return %c0_i32, %c0_i32_0 : i32, i32
  }
  func.func @transform_4(%arg0: i32) -> (i32, i32) {
    %c0_i32 = arith.constant 0 : i32
    %c0_i32_0 = arith.constant 0 : i32
    %c0_i32_1 = arith.constant 0 : i32
    return %c0_i32, %c0_i32_0 : i32, i32
  }
  func.func @transform_5(%arg0: i32) -> (i32, i32) {
    %c0_i32 = arith.constant 0 : i32
    %c0_i32_0 = arith.constant 0 : i32
    return %arg0, %c0_i32 : i32, i32
  }
}

module attributes {stable_mosaic.version = 14 : i64} {
  func.func @_ep2_body(%arg0: i32, %arg1: memref<2x1280x128xf32, #tpu.memory_space<vmem>>, %arg2: memref<1280x128xf32, #tpu.memory_space<vmem>>, %arg3: memref<1280x128xf32, #tpu.memory_space<vmem>>, %arg4: memref<1x128xf32, #tpu.memory_space<vmem>>, %arg5: memref<1280x128xf32, #tpu.memory_space<vmem>>) attributes {dimension_semantics = [#tpu.dimension_semantics<arbitrary>], iteration_bounds = array<i64: 8>, scalar_prefetch = 0 : i64, scratch_operands = 0 : i64, tpu.core_type = #tpu.core_type<tc>, window_params = [{transform_indices = @transform_0, window_bounds = array<i64: 2, 1280, 128>}, {transform_indices = @transform_1, window_bounds = array<i64: 1280, 128>}, {transform_indices = @transform_2, window_bounds = array<i64: 1280, 128>}, {pipeline_mode = #tpu.pipeline_mode<synchronous>, transform_indices = @transform_3, window_bounds = array<i64: 1, 128>}, {transform_indices = @transform_4, window_bounds = array<i64: 1280, 128>}]} {
    %get3A = arith.constant 0 : index
    %get3A_0 = arith.constant 0 : index
    %get3A_1 = arith.constant 0 : index
    %get3A_2 = vector.load %arg1[%get3A, %get3A_0, %get3A_1] : memref<2x1280x128xf32, #tpu.memory_space<vmem>>, vector<1x1280x128xf32>
    %get3A_3 = vector.shape_cast %get3A_2 : vector<1x1280x128xf32> to vector<1280x128xf32>
    %get3A_4 = arith.constant 1 : index
    %get3A_5 = arith.constant 0 : index
    %get3A_6 = arith.constant 0 : index
    %get3A_7 = vector.load %arg1[%get3A_4, %get3A_5, %get3A_6] : memref<2x1280x128xf32, #tpu.memory_space<vmem>>, vector<1x1280x128xf32>
    %get3A_8 = vector.shape_cast %get3A_7 : vector<1x1280x128xf32> to vector<1280x128xf32>
    %add3A = arith.addf %get3A_3, %get3A_8 : vector<1280x128xf32>
    %get3A_9 = arith.constant 0 : index
    %get3A_10 = arith.constant 0 : index
    %get3A_11 = vector.load %arg2[%get3A_9, %get3A_10] : memref<1280x128xf32, #tpu.memory_space<vmem>>, vector<1280x128xf32>
    %add3A_12 = arith.addf %add3A, %get3A_11 : vector<1280x128xf32>
    %get3A_13 = arith.constant 0 : index
    %get3A_14 = arith.constant 0 : index
    %get3A_15 = vector.load %arg3[%get3A_13, %get3A_14] : memref<1280x128xf32, #tpu.memory_space<vmem>>, vector<1280x128xf32>
    %mul3A = arith.mulf %add3A_12, %get3A_15 : vector<1280x128xf32>
    %get3A_16 = arith.constant 0 : index
    %get3A_17 = arith.constant 0 : index
    %get3A_18 = vector.load %arg4[%get3A_16, %get3A_17] : memref<1x128xf32, #tpu.memory_space<vmem>>, vector<1x128xf32>
    %add3A_19 = vector.broadcast %get3A_18 : vector<1x128xf32> to vector<1280x128xf32>
    %add3A_20 = arith.addf %mul3A, %add3A_19 : vector<1280x128xf32>
    %swap3A = arith.constant 0 : index
    %swap3A_21 = arith.constant 0 : index
    %swap3A_22 = vector.load %arg5[%swap3A, %swap3A_21] : memref<1280x128xf32, #tpu.memory_space<vmem>>, vector<1280x128xf32>
    tpu.vector_store %arg5[%swap3A, %swap3A_21], %add3A_20 {strides = array<i32>} : memref<1280x128xf32, #tpu.memory_space<vmem>>, vector<1280x128xf32>,
    return
  }
  func.func @transform_0(%arg0: i32) -> (i32, i32, i32) {
    %c0_i32 = arith.constant 0 : i32
    %c0_i32_0 = arith.constant 0 : i32
    %c0_i32_1 = arith.constant 0 : i32
    return %c0_i32, %arg0, %c0_i32_0 : i32, i32, i32
  }
  func.func @transform_1(%arg0: i32) -> (i32, i32) {
    %c0_i32 = arith.constant 0 : i32
    %c0_i32_0 = arith.constant 0 : i32
    return %arg0, %c0_i32 : i32, i32
  }
  func.func @transform_2(%arg0: i32) -> (i32, i32) {
    %c0_i32 = arith.constant 0 : i32
    %c0_i32_0 = arith.constant 0 : i32
    return %arg0, %c0_i32 : i32, i32
  }
  func.func @transform_3(%arg0: i32) -> (i32, i32) {
    %c0_i32 = arith.constant 0 : i32
    %c0_i32_0 = arith.constant 0 : i32
    %c0_i32_1 = arith.constant 0 : i32
    return %c0_i32, %c0_i32_0 : i32, i32
  }
  func.func @transform_4(%arg0: i32) -> (i32, i32) {
    %c0_i32 = arith.constant 0 : i32
    %c0_i32_0 = arith.constant 0 : i32
    return %arg0, %c0_i32 : i32, i32
  }
}

</mosaic_0001>

<sc_bundles>
// kernel: kernel.11.cloned.1.call-start
scs
__scs_entry_jumppad:
0x0: {  	(pc) =	sbr.rel $0x88, $3  }
0x1: {  	(tag) =	ssettag $0x0;
	lr =	simm.s32 $0x1  }
0x2: {  	[smem:$0x3F9B] =	sst lr;
	_ =	strace $0xD0000000  }
0x3: {  	_ = 	snop  }
0x4: {  	_ = 	snop  }
0x5: {  	_ = 	snop  }
0x6: {  	_ = 	snop  }
0x7: {  	_ = 	snop  }
__scs_overlays_trampoline_lowered:
0x8: {  	[smem:$0x3FAA] =	sst s0  }
0x9: {  	[smem:$0x3FAB] =	sst s1  }
0xa: {  	[smem:$0x3FAC] =	sst s2  }
0xb: {  	[smem:$0x3FAD] =	sst s3  }
0xc: {  	[smem:$0x3FAE] =	sst s4  }
0xd: {  	[smem:$0x3FAF] =	sst s5  }
0xe: {  	[smem:$0x3FB0] =	sst s6  }
0xf: {  	[smem:$0x3FB1] =	sst s7  }
0x10: {  	[smem:$0x3FB2] =	sst s8  }
0x11: {  	[smem:$0x3FB3] =	sst s9;
	s0 =	simm.s32 @!p0 $0x0  }
0x12: {  	s1 =	sld [smem:$0x3F99];
	s0 =	simm.s32 @p0 $0x1  }
0x13: {  	[smem:$0x3FB4] =	sst s0;
	s0 =	simm.s32 @!p1 $0x0  }
0x14: {  	s2 =	sld [smem:$0x3F98];
	s0 =	simm.s32 @p1 $0x1  }
0x15: {  	[smem:$0x3FB5] =	sst s0;
	s0 =	simm.s32 @!p2 $0x0  }
0x16: {  	s3 =	sld [smem:$0x3FDB];
	s0 =	simm.s32 @p2 $0x1  }
0x17: {  	s4 =	simm.s32 $0x1BF5;
	[smem:$0x3FB7] =	sst s0  }
0x18: {  	s0 =	sld [smem:$0x3F9A];
	_ =	swait.ge [sflag:s4], $0x0  }
0x19: {  	s7 =	sld [smem:$0x3F9B]  }
0x1a: {  	s8 =	sadd.s32 $0xFFFFE003, lr  }
0x1b: {  	s9 =	sadd.s32 $0xFFFFFEF7, lr;
	s5 =	simm.s32 $0xFFFFFFFF;
	p2 =	slt.u32 s8, $0xFFFFF086  }
0x1c: {  	p1 =	slt.u32 s9, $0xF7A;
	s5 =	simm.s32 @!p2 $0x0  }
0x1d: {  	s5 =	simm.s32 @p1 $0x1;
	p0 =	seq.s32 s7, s2  }
0x1e: {  	s7 =	smul.u32 @!p0 $0xF7A, s2;
	p2 =	seq.s32 @!p0 s5, $0x0  }
0x1f: {  	s9 =	smul.u32 $0xF7A, s1;
	s8 =	simm.s32 @!p0 $0x1BF5;
	p2 =	por !p2, p0  }
0x20: {  	[sflag:s8] =	ssyncset.s32 @!p0 $0xFFFFF086;
	s6 =	sadd.s32 @!p0 s3, s7;
	s7 =	simm.s32 @!p0 $0x108  }
0x21: {  	s3 =	sadd.s32 s3, s9;
	s6 =	sadd.s32 @!p0 $0x88, s6;
	s7 =	simm.s32 @p2 $0x1082  }
0x22: {  	[simem:s7], [sflag:s8] =	dma.local @!p0 [hbm:s6], $0xF7A  }
0x23: {  	s9 =	sor.u32 $0xD0000000, s2;
	s6 =	simm.s32 $0x108;
	_ =	swait.ge @!p0 [sflag:s8], $0x0  }
0x24: {  	s3 =	sadd.s32 $0x88, s3;
	s6 =	simm.s32 @!p1 $0x1082;
	[sflag:s4] =	ssyncset.s32 $0xFFFFF086  }
0x25: {  	[simem:s6], [sflag:s4] =	dma.local [hbm:s3], $0xF7A  }
0x26: {  	[smem:$0x3F9B] =	sst s1;
	(tag) =	ssettag s2;
	_ =	strace s9  }
0x27: {  	s1 =	sld [smem:$0x3FAB]  }
0x28: {  	s2 =	sld [smem:$0x3FAC]  }
0x29: {  	s4 =	sld [smem:$0x3FAE]  }
0x2a: {  	p0 =	seq.s32 s5, $0x0;
	s5 =	sld [smem:$0x3FAF]  }
0x2b: {  	s6 =	sld [smem:$0x3FB0]  }
0x2c: {  	s7 =	sld [smem:$0x3FB1]  }
0x2d: {  	s3 =	simm.s32 $0x108;
	s8 =	sld [smem:$0x3FB2]  }
0x2e: {  	s3 =	simm.s32 @!p0 $0x1082;
	s9 =	sld [smem:$0x3FB3]  }
0x2f: {  	lr =	sadd.s32 s0, s3;
	s0 =	sld [smem:$0x3FAA]  }
0x30: {  	s3 =	sld [smem:$0x3FAD]  }
0x31: {  	[smem:$0x3FB6] =	sst s10  }
0x32: {  	s10 =	sld [smem:$0x3FB4];
	_ =	sdelay $0x3  }
0x33: {  	p0 =	seq.s32 s10, $0x1;
	s10 =	sld [smem:$0x3FB6];
	_ =	sdelay $0x3  }
0x34: {  	[smem:$0x3FB6] =	sst s10  }
0x35: {  	s10 =	sld [smem:$0x3FB5];
	_ =	sdelay $0x3  }
0x36: {  	p1 =	seq.s32 s10, $0x1;
	s10 =	sld [smem:$0x3FB6];
	_ =	sdelay $0x3  }
0x37: {  	[smem:$0x3FB6] =	sst s10  }
0x38: {  	s10 =	sld [smem:$0x3FB7]  }
0x39: {  	_ = 	snop;
	(pc) =	sbr.ind lr, $3  }
0x3a: {  	_ = 	snop  }
0x3b: {  	_ = 	snop  }
0x3c: {  	p2 =	seq.s32 s10, $0x1;
	s10 =	sld [smem:$0x3FB6]  }
0x3d: {  	_ =	shalt  }
0x3e: {  	_ =	shalt  }
0x3f: {  	_ =	shalt  }
0x40: {  	_ =	shalt  }
0x41: {  	_ =	shalt  }
0x42: {  	_ =	shalt  }
0x43: {  	_ =	shalt  }
0x44: {  	_ =	shalt  }
0x45: {  	_ =	shalt  }
0x46: {  	_ =	shalt  }
0x47: {  	_ =	shalt  }
0x48: {  	_ =	shalt  }
0x49: {  	_ =	shalt  }
0x4a: {  	_ =	shalt  }
0x4b: {  	_ =	shalt  }
0x4c: {  	_ =	shalt  }
0x4d: {  	_ =	shalt  }
0x4e: {  	_ =	shalt  }
0x4f: {  	_ =	shalt  }
0x50: {  	_ =	shalt  }
0x51: {  	_ =	shalt  }
0x52: {  	_ =	shalt  }
0x53: {  	_ =	shalt  }
0x54: {  	_ =	shalt  }
0x55: {  	_ =	shalt  }
0x56: {  	_ =	shalt  }
0x57: {  	_ =	shalt  }
0x58: {  	_ =	shalt  }
0x59: {  	_ =	shalt  }
0x5a: {  	_ =	shalt  }
0x5b: {  	_ =	shalt  }
0x5c: {  	_ =	shalt  }
0x5d: {  	_ =	shalt  }
0x5e: {  	_ =	shalt  }
0x5f: {  	_ =	shalt  }
0x60: {  	_ =	shalt  }
0x61: {  	_ =	shalt  }
0x62: {  	_ =	shalt  }
0x63: {  	_ =	shalt  }
0x64: {  	_ =	shalt  }
0x65: {  	_ =	shalt  }
0x66: {  	_ =	shalt  }
0x67: {  	_ =	shalt  }
0x68: {  	_ =	shalt  }
0x69: {  	_ =	shalt  }
0x6a: {  	_ =	shalt  }
0x6b: {  	_ =	shalt  }
0x6c: {  	_ =	shalt  }
0x6d: {  	_ =	shalt  }
0x6e: {  	_ =	shalt  }
0x6f: {  	_ =	shalt  }
0x70: {  	_ =	shalt  }
0x71: {  	_ =	shalt  }
0x72: {  	_ =	shalt  }
0x73: {  	_ =	shalt  }
0x74: {  	_ =	shalt  }
0x75: {  	_ =	shalt  }
0x76: {  	_ =	shalt  }
0x77: {  	_ =	shalt  }
0x78: {  	_ =	shalt  }
0x79: {  	_ =	shalt  }
0x7a: {  	_ =	shalt  }
0x7b: {  	_ =	shalt  }
0x7c: {  	_ =	shalt  }
0x7d: {  	_ =	shalt  }
0x7e: {  	_ =	shalt  }
0x7f: {  	_ =	shalt  }
0x80: {  	_ =	shalt  }
0x81: {  	_ =	shalt  }
0x82: {  	_ =	shalt  }
0x83: {  	_ =	shalt  }
0x84: {  	_ =	shalt  }
0x85: {  	_ =	shalt  }
0x86: {  	_ =	shalt  }
0x87: {  	_ =	shalt  }
.Lfunc_end0:
.L_simem_size_0:
called_computation.1_lowered:
.L_overlay_start_0:
0x88: {  	s2 =	sld [smem:$0x3FD9]  }
0x89: {  	s3 =	sld [smem:$0x3FFE];
	_ =	sdelay $0x1  }
0x8a: {  	s1 =	srdreg.scid  }
0x8b: {  	s0 =	sand.u32 $0x1, s1  }
0x8c: {  	s17 =	sshll.u32 s0, $0xA;
	s2 =	sadd.s32 s3, s2  }
0x8d: {  	s2 =	sadd.s32 s2, s17  }
0x8e: {  	[smem:$0x3FC2] =	sst s2  }
0x8f: {  	_ = 	snop  }
0x90: {  	s2 =	sld [smem:$0x3FD0];
	(tm) =	ssettm $0x1  }
0x91: {  	s18 =	sld [smem:$0x3FFB];
	_ =	sdelay $0x3  }
0x92: {  	_ =	strace s18  }
0x93: {  	s3 =	sld [smem:$0x3FFC];
	_ =	sdelay $0x3  }
0x94: {  	_ =	strace s3  }
0x95: {  	s3 =	sld [smem:$0x3FFD];
	_ =	sdelay $0x3  }
0x96: {  	_ =	strace s3  }
0x97: {  	_ =	strace $0x8FFFFFFF  }
0x98: {  	s19 =	sld [smem:$0x3FDB];
	_ =	sdelay $0x1  }
0x99: {  	s4 =	simm.s32 $_scs_section_size  }
0x9a: {  	s5 =	simm.s32 $_size__tile_overlayer_lowered;
	s6 =	simm.s32 $_tile_overlayer_lowered  }
0x9b: {  	s22 =	simm.s32 $0x1BFF;
	s21 =	sshll.u32 s6, $0x1;
	s3 =	sadd.s32 s4, s19  }
0x9c: {  	s7 =	simm.s32 $0x0;
	s20 =	sshll.u32 s5, $0x1;
	s5 =	sadd.s32 s21, s3  }
0x9d: {  	[timem:s7], [sflag:s22] =	dma.local [hbm:s5], s20  }
0x9e: {  	_ =	swait.ge [sflag:s22], s20  }
0x9f: {  	s4 =	ssub.s32 $0x0, s20;
	[sflag:s22] =	ssyncset.done $0x0  }
0xa0: {  	[sflag:s22] =	ssyncadd.s32 s4;
	_ =	sdelay $0x1  }
0xa1: {  	s23 =	simm.s32 $0x1B8B  }
0xa2: {  	_ =	swait.ge [sflag:s23], $0x1  }
0xa3: {  	[sflag:s23] =	ssyncset.done $0x0  }
0xa4: {  	s25 =	simm.s32 $0x1B8E;
	s24 =	sld [smem:$0x3FFE];
	[sflag:s23] =	ssyncadd.s32 $0xFFFFFFFF  }
0xa5: {  	s26 =	simm.s32 $execute0_lowered;
	[smem:$0x3FD2] =	sst s25  }
0xa6: {  	s5 =	sshll.u32 s26, $0x1;
	_ =	strace $0x80000049;
	[dreg:$0x1] =	wrdreg $0xFFFFFFFF  }
0xa7: {  	s28 =	simm.s32 $_size_execute0_lowered;
	s3 =	sadd.s32 s3, s5;
	[dreg:$0x0] =	wrdreg $0x0  }
0xa8: {  	s5 =	sshll.u32 s28, $0x1;
	[dreg:$0x2] =	wrdreg s3  }
0xa9: {  	[dreg:$0x3] =	wrdreg s5  }
0xaa: {  	[dreg:$0x4] =	wrdreg $0xC0  }
0xab: {  	_ =	task [dreg:s7], $0x5FFFF  }
0xac: {  	[dreg:$0x1] =	wrdreg $0xFFFFFFFF  }
0xad: {  	[dreg:$0x0] =	wrdreg $0x60  }
0xae: {  	[dreg:$0x2] =	wrdreg s2  }
0xaf: {  	[dreg:$0x3] =	wrdreg s24  }
0xb0: {  	[dreg:$0x4] =	wrdreg $0xB8000  }
0xb1: {  	[dreg:$0x5] =	wrdreg $0x9  }
0xb2: {  	_ =	task.clear_ibuf [dreg:s7], $0x6FFFF;
	_ =	strace $0x90000049  }
0xb3: {  	s29 =	simm.s32 $0x9;
	_ =	strace $0x8000004B  }
0xb4: {  	_ =	swait.ge [sflag:s29], $0x1  }
0xb5: {  	[sflag:s29] =	ssyncadd.s32 $0xFFFFFFFF  }
0xb6: {  	_ =	strace $0x9000004B  }
0xb7: {  	_ =	sfence  }
0xb8: {  	s30 =	sld [smem:$0x0];
	_ =	sdelay $0x2  }
0xb9: {  	s31 =	sshll.u32 s1, $0xD;
	s1 =	sshrl.u32 s1, $0x2  }
0xba: {  	s3 =	sand.u32 $0x4000, s31;
	s1 =	sadd.s32 s1, s30  }
0xbb: {  	s0 =	sor.u32 s3, s0;
	s1 =	sshll.u32 s1, $0x11  }
0xbc: {  	s0 =	sor.u32 s1, s0  }
0xbd: {  	s0 =	sadd.s32 $0x8F2B, s0  }
0xbe: {  	[sflag:s0] =	ssyncadd.remote.s32 $0x1  }
0xbf: {  	_ =	sfence.sel $0xFFFF  }
0xc0: {  	[dreg:$0x0] =	wrdreg $0xFFFFFFFF;
	(pc) =	sbr.abs _section_cstart, $3  }
0xc1: {  	[dreg:$0x1] =	wrdreg $0xFFFFFFFF  }
0xc2: {  	_ =	task.clear_ibuf [dreg:s7], $0x2FFFF;
	_ =	strace $0x9FFFFFFF  }
0xc3: {  	(tm) =	ssettm $0x7FFFFFFF  }
tec
execute0_lowered:
.L_overlay_start_1:
0x0: {  	(tag) =	ssettag $0x1  }
0x1: {  	s1 =	rddreg [dreg:$0x0]  }
0x2: {  	s0 =	rddreg [dreg:$0x1]  }
0x3: {  	s2 =	rddreg [dreg:$0x2];
	s3 =	srdreg.scid;
	s4 =	simm.s32 $0x0  }
0x4: {  	s10 =	stileid.u32;
	s28 =	simm.s32 $0x3000;
	s29 =	simm.s32 $0x2  }
0x5: {  	s30 =	simm.s32 $0x3;
	s31 =	simm.s32 $0x1080;
	s3 =	sand.u32 $0x1, s3  }
0x6: {  	[smem:$0x7FF] =	sst s4;
	s6 =	smul.u32 $0x13C00, s10;
	s7 =	sadd.s32 $0x1FE00, s0  }
0x7: {  	s8 =	sadd.s32 $0xBE00, s0;
	s18 =	sadd.s32 $0x2000, s0;
	s20 =	smul.u32 $0x4E200, s10  }
0x8: {  	s19 =	sshll.u32 s10, $0x1;
	s5 =	smul.u32 $0x13C000, s3;
	_ =	strace $0x8000004A  }
0x9: {  	[dreg:$0x4] =	wrdreg s18;
	s9 =	ssub.s32 $0x2, s3;
	s3 =	sor.u32 s3, s19  }
0xa: {  	s21 =	sshrl.u32 s9, $0x1;
	s3 =	smul.u32 $0x5000, s3;
	s5 =	sadd.s32 s6, s5  }
0xb: {  	s22 =	sshrl.u32 s20, $0x2;
	s6 =	sshll.u32 s10, $0x6;
	s5 =	sshrl.u32 s5, $0x3  }
0xc: {  	s10 =	sor.u32 $0x1C01, s6;
	s3 =	sshrl.u32 s3, $0x3;
	s0 =	sadd.s32 s5, s0  }
0xd: {  	s5 =	ssub.s32 s9, s21;
	s9 =	sadd.s32 s22, s2;
	[dreg:$0x5] =	wrdreg s10  }
0xe: {  	s23 =	sadd.s32 s7, s3;
	s24 =	sadd.s32 s8, s3;
	s11 =	sadd.s32 $0x200, s3  }
0xf: {  	s13 =	sadd.s32 $0x400, s3;
	s15 =	sadd.s32 $0x600, s3;
	s3 =	sadd.s32 $0x800, s3  }
0x10: {  	s21 =	simm.s32 $0x1;
	s22 =	simm.s32 $0x50;
	[dreg:$0x6] =	wrdreg s23  }
0x11: {  	[dreg:$0x7] =	wrdreg s24;
	s25 =	sadd.s32 s7, s11;
	s26 =	sadd.s32 s8, s11  }
0x12: {  	s12 =	sadd.s32 s7, s13;
	s13 =	sadd.s32 s8, s13;
	s14 =	sadd.s32 s7, s15  }
0x13: {  	s15 =	sadd.s32 s8, s15;
	s16 =	sadd.s32 s7, s3;
	s17 =	sadd.s32 s8, s3  }
0x14: {  	s18 =	sadd.s32 $0x33E00, s0;
	s19 =	smax.u32 s5, $0x1;
	s20 =	sshrl.u32 s9, $0x3  }
0x15: {  	s23 =	simm.s32 $0x4000;
	s24 =	simm.s32 $0x80;
	s0 =	simm.s32 $0x2000  }
0x16: {  	s3 =	simm.s32 $0x4;
	s5 =	simm.s32 $0x0;
	[dreg:$0x8] =	wrdreg s25  }
0x17: {  	[dreg:$0x9] =	wrdreg s26;
	s25 =	simm.s32 $0x6800;
	s26 =	simm.s32 $0x1000  }
.LBB2_1:
0x18: {  	s7 =	rddreg [dreg:$0x4]  }
0x19: {  	s8 =	rddreg [dreg:$0x5]  }
0x1a: {  	[spmem:s20], [sflag:s8] =	dma.local [hbm:s7], $0x2710  }
0x1b: {  	s7 =	rddreg [dreg:$0x6]  }
0x1c: {  	[tilespmem:s4], [sflag:$0x1] =	stream.linear.gather [hbm4b:s7+s4], $0xC80, $0x38;
	[tilespmem:$0x1F080] =	vst v63  }
0x1d: {  	s9 =	rddreg [dreg:$0x7]  }
0x1e: {  	[tilespmem:s0], [sflag:$0x1] =	stream.linear.gather [hbm4b:s9+s4], $0xC80, $0x38;
	[tilespmem:$0x1F080] =	vst v63  }
0x1f: {  	_ =	swait.ge [sflag:s21], $0x2710  }
0x20: {  	[sflag:s21] =	ssyncset.done $0x0  }
0x21: {  	[sflag:s21] =	ssyncadd.s32 $0xFFFFD8F0  }
0x22: {  	_ =	swait.ge [sflag:s21], $0xC80  }
0x23: {  	[sflag:s21] =	ssyncset.done $0x0  }
0x24: {  	[sflag:s21] =	ssyncadd.s32 $0xFFFFF380  }
0x25: {  	_ =	swait.ge [sflag:s21], $0xC80  }
0x26: {  	[sflag:s21] =	ssyncset.done $0x0  }
0x27: {  	[sflag:s21] =	ssyncadd.s32 $0xFFFFF380  }
0x28: {  	[bflag:$0x0] =	sbarrier.arrive $0xFFFF  }
0x29: {  	[tilespmem:s23], [sflag:$0x1] =	stream.indirect.gather [hbm4b:s1+s22], $0x80, s4, s22, $0xb8;
	[tilespmem:$0x1F080] =	vst v63  }
0x2a: {  	_ = 	snop  }
0x2b: {  	[tilespmem:s25], [sflag:$0x1] =	stream.indirect.gather [hbm4b:s1+s22], $0x80, s24, s22, $0xb8;
	[tilespmem:$0x1F080] =	vst v63  }
0x2c: {  	s8 =	simm.s32 $0x2000;
	s10 =	rddreg [dreg:$0x8]  }
0x2d: {  	[tilespmem:s26], [sflag:$0x3] =	stream.linear.gather [hbm4b:s10+s4], $0xC80, $0x38;
	[tilespmem:$0x1F080] =	vst v63  }
0x2e: {  	s7 =	simm.s32 $0x100;
	s9 =	simm.s32 $0x0;
	s11 =	rddreg [dreg:$0x9]  }
0x2f: {  	[tilespmem:s28], [sflag:$0x3] =	stream.linear.gather [hbm4b:s11+s4], $0xC80, $0x38;
	[tilespmem:$0x1F080] =	vst v63  }
.LBB2_2:
0x30: {  	s10 =	smul.u32 $0xAB, s9;
	_ =	sdelay $0x1  }
0x31: {  	s10 =	sshrl.u32 s10, $0x9  }
0x32: {  	s10 =	sand.u32 $0x7F, s10  }
0x33: {  	s10 =	smul.u32 $0x3, s10;
	_ =	sdelay $0x1  }
0x34: {  	s10 =	ssub.s32 s9, s10  }
0x35: {  	s10 =	sand.u32 $0xFF, s10  }
0x36: {  	s10 =	smul.u32 $0xA000, s10  }
0x37: {  	_ =	swait.ge [sflag:s21], $0x2800  }
0x38: {  	[sflag:s21] =	ssyncset.done $0x0;
	s10 =	sshrl.u32 s10, $0x2  }
0x39: {  	p0 =	seq.s32 s9, $0x0;
	[sflag:s21] =	ssyncadd.s32 $0xFFFFD800;
	s10 =	sadd.s32 $0x4000, s10  }
0x3a: {  	[spmem:s2] =	stream.indirect.scatter.add.f32 [tilespmem:s10], [sflag:$0x2], $0x80, s8, s22, $0xb8;
	[tilespmem:$0x1F080] =	vst v63  }
0x3b: {  	s10 =	simm.s32 @!p0 $0x2  }
0x3c: {  	p1 =	sgt.u32 @!p0 s9, $0x16;
	_ =	swait.ge @!p0 [sflag:s10], $0x2800  }
0x3d: {  	p1 =	por p0, !p1;
	[sflag:s10] =	ssyncset.done @!p0 $0x0  }
0x3e: {  	[sflag:s10] =	ssyncadd.s32 @!p0 $0xFFFFD800;
	s10 =	sadd.s32 @p1 $0x2, s9  }
0x3f: {  	s11 =	smul.u32 @p1 $0xAB, s10;
	_ =	sdelay $0x1  }
0x40: {  	s11 =	sshrl.u32 @p1 s11, $0x9  }
0x41: {  	s11 =	sand.u32 @p1 $0x7F, s11  }
0x42: {  	s11 =	smul.u32 @p1 $0x3, s11;
	_ =	sdelay $0x1  }
0x43: {  	s10 =	ssub.s32 @p1 s10, s11  }
0x44: {  	s9 =	sadd.s32 $0x1, s9;
	s10 =	sand.u32 @p1 $0xFF, s10  }
0x45: {  	p0 =	sne.s32 s9, $0x19;
	s10 =	smul.u32 @p1 $0xA000, s10  }
.Ltmp0:
0x46: {  	_ = 	snop;
	(pc) =	sbr.rel @p0 .LBB2_2-.Ltmp0, $4  }
0x47: {  	s10 =	sshrl.u32 @p1 s10, $0x2  }
0x48: {  	s10 =	sadd.s32 @p1 $0x4000, s10  }
0x49: {  	[tilespmem:s10], [sflag:$0x1] =	stream.indirect.gather @p1 [hbm4b:s1+s22], $0x80, s7, s22, $0xb8;
	[tilespmem:$0x1F080] =	vst v63  }
0x4a: {  	s8 =	sadd.s32 $0x80, s8;
	s7 =	sadd.s32 $0x80, s7  }
0x4b: {  	_ =	swait.ge [sflag:s29], $0x2800  }
0x4c: {  	[sflag:s29] =	ssyncset.done $0x0  }
0x4d: {  	[sflag:s29] =	ssyncadd.s32 $0xFFFFD800  }
0x4e: {  	_ =	swait.ge [sflag:s30], $0xC80  }
0x4f: {  	[sflag:s30] =	ssyncset.done $0x0  }
0x50: {  	[sflag:s30] =	ssyncadd.s32 $0xFFFFF380  }
0x51: {  	_ =	swait.ge [sflag:s30], $0xC80  }
0x52: {  	[sflag:s30] =	ssyncset.done $0x0  }
0x53: {  	[sflag:s30] =	ssyncadd.s32 $0xFFFFF380  }
0x54: {  	[tilespmem:s23], [sflag:$0x1] =	stream.indirect.gather [hbm4b:s1+s22], $0x80, s26, s22, $0xb8;
	[tilespmem:$0x1F080] =	vst v63  }
0x55: {  	_ = 	snop  }
0x56: {  	[tilespmem:s25], [sflag:$0x1] =	stream.indirect.gather [hbm4b:s1+s22], $0x80, s31, s22, $0xb8;
	[tilespmem:$0x1F080] =	vst v63  }
0x57: {  	s7 =	simm.s32 $0x0  }
0x58: {  	[tilespmem:s7], [sflag:$0x3] =	stream.linear.gather [hbm4b:s12+s7], $0xC80, $0x38;
	[tilespmem:$0x1F080] =	vst v63  }
0x59: {  	s8 =	simm.s32 $0x1100;
	s9 =	simm.s32 $0x3000  }
0x5a: {  	[tilespmem:s0], [sflag:$0x3] =	stream.linear.gather [hbm4b:s13+s7], $0xC80, $0x38;
	[tilespmem:$0x1F080] =	vst v63  }
.LBB2_4:
0x5b: {  	s10 =	smul.u32 $0xAB, s7;
	_ =	sdelay $0x1  }
0x5c: {  	s10 =	sshrl.u32 s10, $0x9  }
0x5d: {  	s10 =	sand.u32 $0x7F, s10  }
0x5e: {  	s10 =	smul.u32 $0x3, s10;
	_ =	sdelay $0x1  }
0x5f: {  	s10 =	ssub.s32 s7, s10  }
0x60: {  	s10 =	sand.u32 $0xFF, s10  }
0x61: {  	s10 =	smul.u32 $0xA000, s10  }
0x62: {  	_ =	swait.ge [sflag:s21], $0x2800  }
0x63: {  	[sflag:s21] =	ssyncset.done $0x0;
	s10 =	sshrl.u32 s10, $0x2  }
0x64: {  	p0 =	seq.s32 s7, $0x0;
	[sflag:s21] =	ssyncadd.s32 $0xFFFFD800;
	s10 =	sadd.s32 $0x4000, s10  }
0x65: {  	[spmem:s2] =	stream.indirect.scatter.add.f32 [tilespmem:s10], [sflag:$0x2], $0x80, s9, s22, $0xb8;
	[tilespmem:$0x1F080] =	vst v63  }
0x66: {  	s10 =	simm.s32 @!p0 $0x2  }
0x67: {  	p1 =	sgt.u32 @!p0 s7, $0x16;
	_ =	swait.ge @!p0 [sflag:s10], $0x2800  }
0x68: {  	p1 =	por p0, !p1;
	[sflag:s10] =	ssyncset.done @!p0 $0x0  }
0x69: {  	[sflag:s10] =	ssyncadd.s32 @!p0 $0xFFFFD800;
	s10 =	sadd.s32 @p1 $0x2, s7  }
0x6a: {  	s11 =	smul.u32 @p1 $0xAB, s10;
	_ =	sdelay $0x1  }
0x6b: {  	s11 =	sshrl.u32 @p1 s11, $0x9  }
0x6c: {  	s11 =	sand.u32 @p1 $0x7F, s11  }
0x6d: {  	s11 =	smul.u32 @p1 $0x3, s11;
	_ =	sdelay $0x1  }
0x6e: {  	s10 =	ssub.s32 @p1 s10, s11  }
0x6f: {  	s7 =	sadd.s32 $0x1, s7;
	s10 =	sand.u32 @p1 $0xFF, s10  }
0x70: {  	p0 =	sne.s32 s7, $0x19;
	s10 =	smul.u32 @p1 $0xA000, s10  }
.Ltmp1:
0x71: {  	_ = 	snop;
	(pc) =	sbr.rel @p0 .LBB2_4-.Ltmp1, $4  }
0x72: {  	s10 =	sshrl.u32 @p1 s10, $0x2  }
0x73: {  	s10 =	sadd.s32 @p1 $0x4000, s10  }
0x74: {  	[tilespmem:s10], [sflag:$0x1] =	stream.indirect.gather @p1 [hbm4b:s1+s22], $0x80, s8, s22, $0xb8;
	[tilespmem:$0x1F080] =	vst v63  }
0x75: {  	s9 =	sadd.s32 $0x80, s9;
	s8 =	sadd.s32 $0x80, s8  }
0x76: {  	_ =	swait.ge [sflag:s29], $0x2800  }
0x77: {  	[sflag:s29] =	ssyncset.done $0x0  }
0x78: {  	[sflag:s29] =	ssyncadd.s32 $0xFFFFD800  }
0x79: {  	_ =	swait.ge [sflag:s30], $0xC80  }
0x7a: {  	[sflag:s30] =	ssyncset.done $0x0  }
0x7b: {  	[sflag:s30] =	ssyncadd.s32 $0xFFFFF380  }
0x7c: {  	_ =	swait.ge [sflag:s30], $0xC80  }
0x7d: {  	[sflag:s30] =	ssyncset.done $0x0  }
0x7e: {  	s7 =	simm.s32 $0x0;
	[sflag:s30] =	ssyncadd.s32 $0xFFFFF380  }
0x7f: {  	[tilespmem:s23], [sflag:$0x1] =	stream.indirect.gather [hbm4b:s1+s22], $0x80, s7, s22, $0xb8;
	[tilespmem:$0x1F080] =	vst v63  }
0x80: {  	_ = 	snop  }
0x81: {  	[tilespmem:s25], [sflag:$0x1] =	stream.indirect.gather [hbm4b:s1+s22], $0x80, s24, s22, $0xb8;
	[tilespmem:$0x1F080] =	vst v63  }
0x82: {  	_ = 	snop  }
0x83: {  	[tilespmem:s26], [sflag:$0x3] =	stream.linear.gather [hbm4b:s14+s7], $0xC80, $0x38;
	[tilespmem:$0x1F080] =	vst v63  }
0x84: {  	s8 =	simm.s32 $0x100;
	s9 =	simm.s32 $0x2000  }
0x85: {  	[tilespmem:s28], [sflag:$0x3] =	stream.linear.gather [hbm4b:s15+s7], $0xC80, $0x38;
	[tilespmem:$0x1F080] =	vst v63  }
.LBB2_6:
0x86: {  	s10 =	smul.u32 $0xAB, s7;
	_ =	sdelay $0x1  }
0x87: {  	s10 =	sshrl.u32 s10, $0x9  }
0x88: {  	s10 =	sand.u32 $0x7F, s10  }
0x89: {  	s10 =	smul.u32 $0x3, s10;
	_ =	sdelay $0x1  }
0x8a: {  	s10 =	ssub.s32 s7, s10  }
0x8b: {  	s10 =	sand.u32 $0xFF, s10  }
0x8c: {  	s10 =	smul.u32 $0xA000, s10  }
0x8d: {  	_ =	swait.ge [sflag:s21], $0x2800  }
0x8e: {  	[sflag:s21] =	ssyncset.done $0x0;
	s10 =	sshrl.u32 s10, $0x2  }
0x8f: {  	p0 =	seq.s32 s7, $0x0;
	[sflag:s21] =	ssyncadd.s32 $0xFFFFD800;
	s10 =	sadd.s32 $0x4000, s10  }
0x90: {  	[spmem:s2] =	stream.indirect.scatter.add.f32 [tilespmem:s10], [sflag:$0x2], $0x80, s9, s22, $0xb8;
	[tilespmem:$0x1F080] =	vst v63  }
0x91: {  	s10 =	simm.s32 @!p0 $0x2  }
0x92: {  	p1 =	sgt.u32 @!p0 s7, $0x16;
	_ =	swait.ge @!p0 [sflag:s10], $0x2800  }
0x93: {  	p1 =	por p0, !p1;
	[sflag:s10] =	ssyncset.done @!p0 $0x0  }
0x94: {  	[sflag:s10] =	ssyncadd.s32 @!p0 $0xFFFFD800;
	s10 =	sadd.s32 @p1 $0x2, s7  }
0x95: {  	s11 =	smul.u32 @p1 $0xAB, s10;
	_ =	sdelay $0x1  }
0x96: {  	s11 =	sshrl.u32 @p1 s11, $0x9  }
0x97: {  	s11 =	sand.u32 @p1 $0x7F, s11  }
0x98: {  	s11 =	smul.u32 @p1 $0x3, s11;
	_ =	sdelay $0x1  }
0x99: {  	s10 =	ssub.s32 @p1 s10, s11  }
0x9a: {  	s7 =	sadd.s32 $0x1, s7;
	s10 =	sand.u32 @p1 $0xFF, s10  }
0x9b: {  	p0 =	sne.s32 s7, $0x19;
	s10 =	smul.u32 @p1 $0xA000, s10  }
.Ltmp2:
0x9c: {  	_ = 	snop;
	(pc) =	sbr.rel @p0 .LBB2_6-.Ltmp2, $4  }
0x9d: {  	s10 =	sshrl.u32 @p1 s10, $0x2  }
0x9e: {  	s10 =	sadd.s32 @p1 $0x4000, s10  }
0x9f: {  	[tilespmem:s10], [sflag:$0x1] =	stream.indirect.gather @p1 [hbm4b:s1+s22], $0x80, s8, s22, $0xb8;
	[tilespmem:$0x1F080] =	vst v63  }
0xa0: {  	s9 =	sadd.s32 $0x80, s9;
	s8 =	sadd.s32 $0x80, s8  }
0xa1: {  	_ =	swait.ge [sflag:s29], $0x2800  }
0xa2: {  	[sflag:s29] =	ssyncset.done $0x0  }
0xa3: {  	[sflag:s29] =	ssyncadd.s32 $0xFFFFD800  }
0xa4: {  	_ =	swait.ge [sflag:s30], $0xC80  }
0xa5: {  	[sflag:s30] =	ssyncset.done $0x0  }
0xa6: {  	[sflag:s30] =	ssyncadd.s32 $0xFFFFF380  }
0xa7: {  	_ =	swait.ge [sflag:s30], $0xC80  }
0xa8: {  	[sflag:s30] =	ssyncset.done $0x0  }
0xa9: {  	[sflag:s30] =	ssyncadd.s32 $0xFFFFF380  }
0xaa: {  	[tilespmem:s23], [sflag:$0x1] =	stream.indirect.gather [hbm4b:s1+s22], $0x80, s26, s22, $0xb8;
	[tilespmem:$0x1F080] =	vst v63  }
0xab: {  	_ = 	snop  }
0xac: {  	[tilespmem:s25], [sflag:$0x1] =	stream.indirect.gather [hbm4b:s1+s22], $0x80, s31, s22, $0xb8;
	[tilespmem:$0x1F080] =	vst v63  }
0xad: {  	s7 =	simm.s32 $0x0  }
0xae: {  	[tilespmem:s7], [sflag:$0x3] =	stream.linear.gather [hbm4b:s16+s7], $0xC80, $0x38;
	[tilespmem:$0x1F080] =	vst v63  }
0xaf: {  	s8 =	simm.s32 $0x1100;
	s9 =	simm.s32 $0x3000  }
0xb0: {  	[tilespmem:s0], [sflag:$0x3] =	stream.linear.gather [hbm4b:s17+s7], $0xC80, $0x38;
	[tilespmem:$0x1F080] =	vst v63  }
.LBB2_8:
0xb1: {  	s10 =	smul.u32 $0xAB, s7;
	_ =	sdelay $0x1  }
0xb2: {  	s10 =	sshrl.u32 s10, $0x9  }
0xb3: {  	s10 =	sand.u32 $0x7F, s10  }
0xb4: {  	s10 =	smul.u32 $0x3, s10;
	_ =	sdelay $0x1  }
0xb5: {  	s10 =	ssub.s32 s7, s10  }
0xb6: {  	s10 =	sand.u32 $0xFF, s10  }
0xb7: {  	s10 =	smul.u32 $0xA000, s10  }
0xb8: {  	_ =	swait.ge [sflag:s21], $0x2800  }
0xb9: {  	[sflag:s21] =	ssyncset.done $0x0;
	s10 =	sshrl.u32 s10, $0x2  }
0xba: {  	p0 =	seq.s32 s7, $0x0;
	[sflag:s21] =	ssyncadd.s32 $0xFFFFD800;
	s10 =	sadd.s32 $0x4000, s10  }
0xbb: {  	[spmem:s2] =	stream.indirect.scatter.add.f32 [tilespmem:s10], [sflag:$0x2], $0x80, s9, s22, $0xb8;
	[tilespmem:$0x1F080] =	vst v63  }
0xbc: {  	s10 =	simm.s32 @!p0 $0x2  }
0xbd: {  	p1 =	sgt.u32 @!p0 s7, $0x16;
	_ =	swait.ge @!p0 [sflag:s10], $0x2800  }
0xbe: {  	p1 =	por p0, !p1;
	[sflag:s10] =	ssyncset.done @!p0 $0x0  }
0xbf: {  	[sflag:s10] =	ssyncadd.s32 @!p0 $0xFFFFD800;
	s10 =	sadd.s32 @p1 $0x2, s7  }
0xc0: {  	s11 =	smul.u32 @p1 $0xAB, s10;
	_ =	sdelay $0x1  }
0xc1: {  	s11 =	sshrl.u32 @p1 s11, $0x9  }
0xc2: {  	s11 =	sand.u32 @p1 $0x7F, s11  }
0xc3: {  	s11 =	smul.u32 @p1 $0x3, s11;
	_ =	sdelay $0x1  }
0xc4: {  	s10 =	ssub.s32 @p1 s10, s11  }
0xc5: {  	s7 =	sadd.s32 $0x1, s7;
	s10 =	sand.u32 @p1 $0xFF, s10  }
0xc6: {  	p0 =	sne.s32 s7, $0x19;
	s10 =	smul.u32 @p1 $0xA000, s10  }
.Ltmp3:
0xc7: {  	_ = 	snop;
	(pc) =	sbr.rel @p0 .LBB2_8-.Ltmp3, $4  }
0xc8: {  	s10 =	sshrl.u32 @p1 s10, $0x2  }
0xc9: {  	s10 =	sadd.s32 @p1 $0x4000, s10  }
0xca: {  	[tilespmem:s10], [sflag:$0x1] =	stream.indirect.gather @p1 [hbm4b:s1+s22], $0x80, s8, s22, $0xb8;
	[tilespmem:$0x1F080] =	vst v63  }
0xcb: {  	s9 =	sadd.s32 $0x80, s9;
	s8 =	sadd.s32 $0x80, s8  }
0xcc: {  	_ =	swait.ge [sflag:s29], $0x2800  }
0xcd: {  	[sflag:s29] =	ssyncset.done $0x0  }
0xce: {  	[sflag:s29] =	ssyncadd.s32 $0xFFFFD800  }
0xcf: {  	_ =	swait.ge [sflag:s30], $0xC80  }
0xd0: {  	[sflag:s30] =	ssyncset.done $0x0  }
0xd1: {  	[sflag:s30] =	ssyncadd.s32 $0xFFFFF380  }
0xd2: {  	_ =	swait.ge [sflag:s30], $0xC80  }
0xd3: {  	[sflag:s30] =	ssyncset.done $0x0  }
0xd4: {  	s7 =	simm.s32 $0x0;
	[sflag:s30] =	ssyncadd.s32 $0xFFFFF380  }
0xd5: {  	[tilespmem:s23], [sflag:$0x1] =	stream.indirect.gather [hbm4b:s1+s22], $0x80, s7, s22, $0xb8;
	[tilespmem:$0x1F080] =	vst v63  }
0xd6: {  	s8 =	simm.s32 $0x100;
	s9 =	simm.s32 $0x2000  }
0xd7: {  	[tilespmem:s25], [sflag:$0x1] =	stream.indirect.gather [hbm4b:s1+s22], $0x80, s24, s22, $0xb8;
	[tilespmem:$0x1F080] =	vst v63  }
.LBB2_10:
0xd8: {  	s10 =	smul.u32 $0xAB, s7;
	_ =	sdelay $0x1  }
0xd9: {  	s10 =	sshrl.u32 s10, $0x9  }
0xda: {  	s10 =	sand.u32 $0x7F, s10  }
0xdb: {  	s10 =	smul.u32 $0x3, s10;
	_ =	sdelay $0x1  }
0xdc: {  	s10 =	ssub.s32 s7, s10  }
0xdd: {  	s10 =	sand.u32 $0xFF, s10  }
0xde: {  	s10 =	smul.u32 $0xA000, s10  }
0xdf: {  	_ =	swait.ge [sflag:s21], $0x2800  }
0xe0: {  	[sflag:s21] =	ssyncset.done $0x0;
	s10 =	sshrl.u32 s10, $0x2  }
0xe1: {  	p0 =	seq.s32 s7, $0x0;
	[sflag:s21] =	ssyncadd.s32 $0xFFFFD800;
	s10 =	sadd.s32 $0x4000, s10  }
0xe2: {  	[spmem:s2] =	stream.indirect.scatter.add.f32 [tilespmem:s10], [sflag:$0x2], $0x80, s9, s22, $0xb8;
	[tilespmem:$0x1F080] =	vst v63  }
0xe3: {  	s10 =	simm.s32 @!p0 $0x2  }
0xe4: {  	p1 =	sgt.u32 @!p0 s7, $0x16;
	_ =	swait.ge @!p0 [sflag:s10], $0x2800  }
0xe5: {  	p1 =	por p0, !p1;
	[sflag:s10] =	ssyncset.done @!p0 $0x0  }
0xe6: {  	[sflag:s10] =	ssyncadd.s32 @!p0 $0xFFFFD800;
	s10 =	sadd.s32 @p1 $0x2, s7  }
0xe7: {  	s11 =	smul.u32 @p1 $0xAB, s10;
	_ =	sdelay $0x1  }
0xe8: {  	s11 =	sshrl.u32 @p1 s11, $0x9  }
0xe9: {  	s11 =	sand.u32 @p1 $0x7F, s11  }
0xea: {  	s11 =	smul.u32 @p1 $0x3, s11;
	_ =	sdelay $0x1  }
0xeb: {  	s10 =	ssub.s32 @p1 s10, s11  }
0xec: {  	s7 =	sadd.s32 $0x1, s7;
	s10 =	sand.u32 @p1 $0xFF, s10  }
0xed: {  	p0 =	sne.s32 s7, $0x19;
	s10 =	smul.u32 @p1 $0xA000, s10  }
.Ltmp4:
0xee: {  	_ = 	snop;
	(pc) =	sbr.rel @p0 .LBB2_10-.Ltmp4, $4  }
0xef: {  	s10 =	sshrl.u32 @p1 s10, $0x2  }
0xf0: {  	s10 =	sadd.s32 @p1 $0x4000, s10  }
0xf1: {  	[tilespmem:s10], [sflag:$0x1] =	stream.indirect.gather @p1 [hbm4b:s1+s22], $0x80, s8, s22, $0xb8;
	[tilespmem:$0x1F080] =	vst v63  }
0xf2: {  	s9 =	sadd.s32 $0x80, s9;
	s8 =	sadd.s32 $0x80, s8  }
0xf3: {  	_ =	swait.ge [sflag:s29], $0x2800  }
0xf4: {  	s5 =	sadd.s32 $0x1, s5;
	[sflag:s29] =	ssyncset.done $0x0  }
0xf5: {  	p0 =	sne.s32 s5, s19;
	[sflag:s29] =	ssyncadd.s32 $0xFFFFD800  }
.Ltmp5:
0xf6: {  	s7 =	sor.u32 $0x1C04, s6;
	[bflag:$0x0] =	sbarrier.arrive $0xFFFF;
	(pc) =	sbr.rel @p0 .LBB2_1-.Ltmp5, $4  }
0xf7: {  	[hbm:s18], [sflag:s7] =	dma.local [spmem:s20], $0x2710  }
0xf8: {  	_ =	swait.ge [sflag:s3], $0x2710  }
0xf9: {  	[sflag:s3] =	ssyncset.done $0x0  }
0xfa: {  	[sflag:s3] =	ssyncadd.s32 $0xFFFFD8F0  }
0xfb: {  	_ =	sfence.sel $0x180000  }
0xfc: {  	[bflag:$0x0] =	sbarrier.arrive $0xFFFF  }
0xfd: {  	_ =	strace $0x9000004A  }
0xfe: {  	s0 =	stileid.u32;
	[bflag:$0x2] =	sbarrier.arrive $0xFFFF  }
0xff: {  	p0 =	sne.s32 s0, $0x0;
	s0 =	rddreg [dreg:$0x3]  }
0x100: {  	s0 =	sadd.s32 @!p0 $0x100000, s0  }
0x101: {  	[sflag:s0] =	ssyncadd.tile.s32 @!p0 $0x1;
	_ =	shalt  }
.Lfunc_end2:
_tile_overlayer_lowered:
.L_overlay_start_2:
0x102: {  	(tag) =	ssettag $0x2  }
0x103: {  	s0 =	rddreg [dreg:$0x0];
	s2 =	stileid.u32  }
0x104: {  	s1 =	rddreg [dreg:$0x1];
	p0 =	sne.s32 s2, $0x0  }
0x105: {  	s3 =	rddreg [dreg:$0x2];
	[bflag:$0x3] =	sbarrier.arrive $0xFFFF;
	s2 =	simm.s32 @!p0 $0x1C04  }
0x106: {  	[timem:s3], [sflag:s2] =	dma.local @!p0 [hbm:s0], s1  }
0x107: {  	s0 =	simm.s32 @!p0 $0x4  }
0x108: {  	_ =	swait.ge @!p0 [sflag:s0], s1  }
0x109: {  	s1 =	ssub.s32 @!p0 $0x0, s1;
	[sflag:s0] =	ssyncset.done @!p0 $0x0  }
0x10a: {  	[sflag:s0] =	ssyncadd.s32 @!p0 s1  }
0x10b: {  	[bflag:$0x3] =	sbarrier.arrive $0xFFFF  }
0x10c: {  	_ =	shalt  }

// kernel: kernel.14.cloned.1.call-start
scs
__scs_entry_jumppad:
0x0: {  	(pc) =	sbr.rel $0x88, $3  }
0x1: {  	(tag) =	ssettag $0x0;
	lr =	simm.s32 $0x1  }
0x2: {  	[smem:$0x3F9B] =	sst lr;
	_ =	strace $0xD0000000  }
0x3: {  	_ = 	snop  }
0x4: {  	_ = 	snop  }
0x5: {  	_ = 	snop  }
0x6: {  	_ = 	snop  }
0x7: {  	_ = 	snop  }
__scs_overlays_trampoline_lowered:
0x8: {  	[smem:$0x3FAA] =	sst s0  }
0x9: {  	[smem:$0x3FAB] =	sst s1  }
0xa: {  	[smem:$0x3FAC] =	sst s2  }
0xb: {  	[smem:$0x3FAD] =	sst s3  }
0xc: {  	[smem:$0x3FAE] =	sst s4  }
0xd: {  	[smem:$0x3FAF] =	sst s5  }
0xe: {  	[smem:$0x3FB0] =	sst s6  }
0xf: {  	[smem:$0x3FB1] =	sst s7  }
0x10: {  	[smem:$0x3FB2] =	sst s8  }
0x11: {  	[smem:$0x3FB3] =	sst s9;
	s0 =	simm.s32 @!p0 $0x0  }
0x12: {  	s1 =	sld [smem:$0x3F99];
	s0 =	simm.s32 @p0 $0x1  }
0x13: {  	[smem:$0x3FB4] =	sst s0;
	s0 =	simm.s32 @!p1 $0x0  }
0x14: {  	s2 =	sld [smem:$0x3F98];
	s0 =	simm.s32 @p1 $0x1  }
0x15: {  	[smem:$0x3FB5] =	sst s0;
	s0 =	simm.s32 @!p2 $0x0  }
0x16: {  	s3 =	sld [smem:$0x3FDB];
	s0 =	simm.s32 @p2 $0x1  }
0x17: {  	s4 =	simm.s32 $0x1BF5;
	[smem:$0x3FB7] =	sst s0  }
0x18: {  	s0 =	sld [smem:$0x3F9A];
	_ =	swait.ge [sflag:s4], $0x0  }
0x19: {  	s7 =	sld [smem:$0x3F9B]  }
0x1a: {  	s8 =	sadd.s32 $0xFFFFE003, lr  }
0x1b: {  	s9 =	sadd.s32 $0xFFFFFEF7, lr;
	s5 =	simm.s32 $0xFFFFFFFF;
	p2 =	slt.u32 s8, $0xFFFFF086  }
0x1c: {  	p1 =	slt.u32 s9, $0xF7A;
	s5 =	simm.s32 @!p2 $0x0  }
0x1d: {  	s5 =	simm.s32 @p1 $0x1;
	p0 =	seq.s32 s7, s2  }
0x1e: {  	s7 =	smul.u32 @!p0 $0xF7A, s2;
	p2 =	seq.s32 @!p0 s5, $0x0  }
0x1f: {  	s9 =	smul.u32 $0xF7A, s1;
	s8 =	simm.s32 @!p0 $0x1BF5;
	p2 =	por !p2, p0  }
0x20: {  	[sflag:s8] =	ssyncset.s32 @!p0 $0xFFFFF086;
	s6 =	sadd.s32 @!p0 s3, s7;
	s7 =	simm.s32 @!p0 $0x108  }
0x21: {  	s3 =	sadd.s32 s3, s9;
	s6 =	sadd.s32 @!p0 $0x88, s6;
	s7 =	simm.s32 @p2 $0x1082  }
0x22: {  	[simem:s7], [sflag:s8] =	dma.local @!p0 [hbm:s6], $0xF7A  }
0x23: {  	s9 =	sor.u32 $0xD0000000, s2;
	s6 =	simm.s32 $0x108;
	_ =	swait.ge @!p0 [sflag:s8], $0x0  }
0x24: {  	s3 =	sadd.s32 $0x88, s3;
	s6 =	simm.s32 @!p1 $0x1082;
	[sflag:s4] =	ssyncset.s32 $0xFFFFF086  }
0x25: {  	[simem:s6], [sflag:s4] =	dma.local [hbm:s3], $0xF7A  }
0x26: {  	[smem:$0x3F9B] =	sst s1;
	(tag) =	ssettag s2;
	_ =	strace s9  }
0x27: {  	s1 =	sld [smem:$0x3FAB]  }
0x28: {  	s2 =	sld [smem:$0x3FAC]  }
0x29: {  	s4 =	sld [smem:$0x3FAE]  }
0x2a: {  	p0 =	seq.s32 s5, $0x0;
	s5 =	sld [smem:$0x3FAF]  }
0x2b: {  	s6 =	sld [smem:$0x3FB0]  }
0x2c: {  	s7 =	sld [smem:$0x3FB1]  }
0x2d: {  	s3 =	simm.s32 $0x108;
	s8 =	sld [smem:$0x3FB2]  }
0x2e: {  	s3 =	simm.s32 @!p0 $0x1082;
	s9 =	sld [smem:$0x3FB3]  }
0x2f: {  	lr =	sadd.s32 s0, s3;
	s0 =	sld [smem:$0x3FAA]  }
0x30: {  	s3 =	sld [smem:$0x3FAD]  }
0x31: {  	[smem:$0x3FB6] =	sst s10  }
0x32: {  	s10 =	sld [smem:$0x3FB4];
	_ =	sdelay $0x3  }
0x33: {  	p0 =	seq.s32 s10, $0x1;
	s10 =	sld [smem:$0x3FB6];
	_ =	sdelay $0x3  }
0x34: {  	[smem:$0x3FB6] =	sst s10  }
0x35: {  	s10 =	sld [smem:$0x3FB5];
	_ =	sdelay $0x3  }
0x36: {  	p1 =	seq.s32 s10, $0x1;
	s10 =	sld [smem:$0x3FB6];
	_ =	sdelay $0x3  }
0x37: {  	[smem:$0x3FB6] =	sst s10  }
0x38: {  	s10 =	sld [smem:$0x3FB7]  }
0x39: {  	_ = 	snop;
	(pc) =	sbr.ind lr, $3  }
0x3a: {  	_ = 	snop  }
0x3b: {  	_ = 	snop  }
0x3c: {  	p2 =	seq.s32 s10, $0x1;
	s10 =	sld [smem:$0x3FB6]  }
0x3d: {  	_ =	shalt  }
0x3e: {  	_ =	shalt  }
0x3f: {  	_ =	shalt  }
0x40: {  	_ =	shalt  }
0x41: {  	_ =	shalt  }
0x42: {  	_ =	shalt  }
0x43: {  	_ =	shalt  }
0x44: {  	_ =	shalt  }
0x45: {  	_ =	shalt  }
0x46: {  	_ =	shalt  }
0x47: {  	_ =	shalt  }
0x48: {  	_ =	shalt  }
0x49: {  	_ =	shalt  }
0x4a: {  	_ =	shalt  }
0x4b: {  	_ =	shalt  }
0x4c: {  	_ =	shalt  }
0x4d: {  	_ =	shalt  }
0x4e: {  	_ =	shalt  }
0x4f: {  	_ =	shalt  }
0x50: {  	_ =	shalt  }
0x51: {  	_ =	shalt  }
0x52: {  	_ =	shalt  }
0x53: {  	_ =	shalt  }
0x54: {  	_ =	shalt  }
0x55: {  	_ =	shalt  }
0x56: {  	_ =	shalt  }
0x57: {  	_ =	shalt  }
0x58: {  	_ =	shalt  }
0x59: {  	_ =	shalt  }
0x5a: {  	_ =	shalt  }
0x5b: {  	_ =	shalt  }
0x5c: {  	_ =	shalt  }
0x5d: {  	_ =	shalt  }
0x5e: {  	_ =	shalt  }
0x5f: {  	_ =	shalt  }
0x60: {  	_ =	shalt  }
0x61: {  	_ =	shalt  }
0x62: {  	_ =	shalt  }
0x63: {  	_ =	shalt  }
0x64: {  	_ =	shalt  }
0x65: {  	_ =	shalt  }
0x66: {  	_ =	shalt  }
0x67: {  	_ =	shalt  }
0x68: {  	_ =	shalt  }
0x69: {  	_ =	shalt  }
0x6a: {  	_ =	shalt  }
0x6b: {  	_ =	shalt  }
0x6c: {  	_ =	shalt  }
0x6d: {  	_ =	shalt  }
0x6e: {  	_ =	shalt  }
0x6f: {  	_ =	shalt  }
0x70: {  	_ =	shalt  }
0x71: {  	_ =	shalt  }
0x72: {  	_ =	shalt  }
0x73: {  	_ =	shalt  }
0x74: {  	_ =	shalt  }
0x75: {  	_ =	shalt  }
0x76: {  	_ =	shalt  }
0x77: {  	_ =	shalt  }
0x78: {  	_ =	shalt  }
0x79: {  	_ =	shalt  }
0x7a: {  	_ =	shalt  }
0x7b: {  	_ =	shalt  }
0x7c: {  	_ =	shalt  }
0x7d: {  	_ =	shalt  }
0x7e: {  	_ =	shalt  }
0x7f: {  	_ =	shalt  }
0x80: {  	_ =	shalt  }
0x81: {  	_ =	shalt  }
0x82: {  	_ =	shalt  }
0x83: {  	_ =	shalt  }
0x84: {  	_ =	shalt  }
0x85: {  	_ =	shalt  }
0x86: {  	_ =	shalt  }
0x87: {  	_ =	shalt  }
.Lfunc_end0:
.L_simem_size_0:
called_computation.2_lowered:
.L_overlay_start_0:
0x88: {  	s2 =	sld [smem:$0x3FD9]  }
0x89: {  	s3 =	sld [smem:$0x3FFE];
	_ =	sdelay $0x1  }
0x8a: {  	s1 =	srdreg.scid  }
0x8b: {  	s0 =	sand.u32 $0x1, s1  }
0x8c: {  	s17 =	sshll.u32 s0, $0xA;
	s2 =	sadd.s32 s3, s2  }
0x8d: {  	s2 =	sadd.s32 s2, s17  }
0x8e: {  	[smem:$0x3FC2] =	sst s2  }
0x8f: {  	_ = 	snop  }
0x90: {  	s2 =	sld [smem:$0x3FD0];
	(tm) =	ssettm $0x1  }
0x91: {  	s18 =	sld [smem:$0x3FFB];
	_ =	sdelay $0x3  }
0x92: {  	_ =	strace s18  }
0x93: {  	s3 =	sld [smem:$0x3FFC];
	_ =	sdelay $0x3  }
0x94: {  	_ =	strace s3  }
0x95: {  	s3 =	sld [smem:$0x3FFD];
	_ =	sdelay $0x3  }
0x96: {  	_ =	strace s3  }
0x97: {  	_ =	strace $0x8FFFFFFF  }
0x98: {  	s19 =	sld [smem:$0x3FDB];
	_ =	sdelay $0x1  }
0x99: {  	s4 =	simm.s32 $_scs_section_size  }
0x9a: {  	s5 =	simm.s32 $_size__tile_overlayer_lowered;
	s6 =	simm.s32 $_tile_overlayer_lowered  }
0x9b: {  	s22 =	simm.s32 $0x1BFF;
	s21 =	sshll.u32 s6, $0x1;
	s3 =	sadd.s32 s4, s19  }
0x9c: {  	s7 =	simm.s32 $0x0;
	s20 =	sshll.u32 s5, $0x1;
	s5 =	sadd.s32 s21, s3  }
0x9d: {  	[timem:s7], [sflag:s22] =	dma.local [hbm:s5], s20  }
0x9e: {  	_ =	swait.ge [sflag:s22], s20  }
0x9f: {  	s4 =	ssub.s32 $0x0, s20;
	[sflag:s22] =	ssyncset.done $0x0  }
0xa0: {  	[sflag:s22] =	ssyncadd.s32 s4;
	_ =	sdelay $0x1  }
0xa1: {  	s23 =	simm.s32 $0x1B8B  }
0xa2: {  	_ =	swait.ge [sflag:s23], $0x1  }
0xa3: {  	[sflag:s23] =	ssyncset.done $0x0  }
0xa4: {  	s25 =	simm.s32 $0x1B8E;
	s24 =	sld [smem:$0x3FFE];
	[sflag:s23] =	ssyncadd.s32 $0xFFFFFFFF  }
0xa5: {  	s26 =	simm.s32 $execute0_lowered;
	[smem:$0x3FD2] =	sst s25  }
0xa6: {  	s5 =	sshll.u32 s26, $0x1;
	_ =	strace $0x8000004C;
	[dreg:$0x1] =	wrdreg $0xFFFFFFFF  }
0xa7: {  	s28 =	simm.s32 $_size_execute0_lowered;
	s3 =	sadd.s32 s3, s5;
	[dreg:$0x0] =	wrdreg $0x0  }
0xa8: {  	s5 =	sshll.u32 s28, $0x1;
	[dreg:$0x2] =	wrdreg s3  }
0xa9: {  	[dreg:$0x3] =	wrdreg s5  }
0xaa: {  	[dreg:$0x4] =	wrdreg $0xC0  }
0xab: {  	_ =	task [dreg:s7], $0x5FFFF  }
0xac: {  	[dreg:$0x1] =	wrdreg $0xFFFFFFFF  }
0xad: {  	[dreg:$0x0] =	wrdreg $0x60  }
0xae: {  	[dreg:$0x2] =	wrdreg s2  }
0xaf: {  	[dreg:$0x3] =	wrdreg s24  }
0xb0: {  	[dreg:$0x4] =	wrdreg $0xB8000  }
0xb1: {  	[dreg:$0x5] =	wrdreg $0x9  }
0xb2: {  	_ =	task.clear_ibuf [dreg:s7], $0x6FFFF;
	_ =	strace $0x9000004C  }
0xb3: {  	s29 =	simm.s32 $0x9;
	_ =	strace $0x8000004E  }
0xb4: {  	_ =	swait.ge [sflag:s29], $0x1  }
0xb5: {  	[sflag:s29] =	ssyncadd.s32 $0xFFFFFFFF  }
0xb6: {  	_ =	strace $0x9000004E  }
0xb7: {  	_ =	sfence  }
0xb8: {  	s30 =	sld [smem:$0x0];
	_ =	sdelay $0x2  }
0xb9: {  	s31 =	sshll.u32 s1, $0xD;
	s1 =	sshrl.u32 s1, $0x2  }
0xba: {  	s3 =	sand.u32 $0x4000, s31;
	s1 =	sadd.s32 s1, s30  }
0xbb: {  	s0 =	sor.u32 s3, s0;
	s1 =	sshll.u32 s1, $0x11  }
0xbc: {  	s0 =	sor.u32 s1, s0  }
0xbd: {  	s0 =	sadd.s32 $0x8F2B, s0  }
0xbe: {  	[sflag:s0] =	ssyncadd.remote.s32 $0x1  }
0xbf: {  	_ =	sfence.sel $0xFFFF  }
0xc0: {  	[dreg:$0x0] =	wrdreg $0xFFFFFFFF;
	(pc) =	sbr.abs _section_cstart, $3  }
0xc1: {  	[dreg:$0x1] =	wrdreg $0xFFFFFFFF  }
0xc2: {  	_ =	task.clear_ibuf [dreg:s7], $0x2FFFF;
	_ =	strace $0x9FFFFFFF  }
0xc3: {  	(tm) =	ssettm $0x7FFFFFFF  }
tec
execute0_lowered:
.L_overlay_start_1:
0x0: {  	(tag) =	ssettag $0x1  }
0x1: {  	s1 =	rddreg [dreg:$0x0]  }
0x2: {  	s0 =	rddreg [dreg:$0x1]  }
0x3: {  	s2 =	rddreg [dreg:$0x2];
	s3 =	srdreg.scid;
	s4 =	simm.s32 $0x0  }
0x4: {  	s10 =	stileid.u32;
	s28 =	simm.s32 $0x3000;
	s29 =	simm.s32 $0x2  }
0x5: {  	s30 =	simm.s32 $0x3;
	s31 =	simm.s32 $0x1080;
	s3 =	sand.u32 $0x1, s3  }
0x6: {  	[smem:$0x7FF] =	sst s4;
	s6 =	smul.u32 $0x13C00, s10;
	s7 =	sadd.s32 $0x1FE00, s0  }
0x7: {  	s8 =	sadd.s32 $0xBE00, s0;
	s18 =	sadd.s32 $0x2000, s0;
	s20 =	smul.u32 $0x4E200, s10  }
0x8: {  	s19 =	sshll.u32 s10, $0x1;
	s5 =	smul.u32 $0x13C000, s3;
	_ =	strace $0x8000004D  }
0x9: {  	[dreg:$0x4] =	wrdreg s18;
	s9 =	ssub.s32 $0x2, s3;
	s3 =	sor.u32 s3, s19  }
0xa: {  	s21 =	sshrl.u32 s9, $0x1;
	s3 =	smul.u32 $0x5000, s3;
	s5 =	sadd.s32 s6, s5  }
0xb: {  	s22 =	sshrl.u32 s20, $0x2;
	s6 =	sshll.u32 s10, $0x6;
	s5 =	sshrl.u32 s5, $0x3  }
0xc: {  	s10 =	sor.u32 $0x1C01, s6;
	s3 =	sshrl.u32 s3, $0x3;
	s0 =	sadd.s32 s5, s0  }
0xd: {  	s5 =	ssub.s32 s9, s21;
	s9 =	sadd.s32 s22, s2;
	[dreg:$0x5] =	wrdreg s10  }
0xe: {  	s23 =	sadd.s32 s7, s3;
	s24 =	sadd.s32 s8, s3;
	s11 =	sadd.s32 $0x200, s3  }
0xf: {  	s13 =	sadd.s32 $0x400, s3;
	s15 =	sadd.s32 $0x600, s3;
	s3 =	sadd.s32 $0x800, s3  }
0x10: {  	s21 =	simm.s32 $0x1;
	s22 =	simm.s32 $0x50;
	[dreg:$0x6] =	wrdreg s23  }
0x11: {  	[dreg:$0x7] =	wrdreg s24;
	s25 =	sadd.s32 s7, s11;
	s26 =	sadd.s32 s8, s11  }
0x12: {  	s12 =	sadd.s32 s7, s13;
	s13 =	sadd.s32 s8, s13;
	s14 =	sadd.s32 s7, s15  }
0x13: {  	s15 =	sadd.s32 s8, s15;
	s16 =	sadd.s32 s7, s3;
	s17 =	sadd.s32 s8, s3  }
0x14: {  	s18 =	sadd.s32 $0x33E00, s0;
	s19 =	smax.u32 s5, $0x1;
	s20 =	sshrl.u32 s9, $0x3  }
0x15: {  	s23 =	simm.s32 $0x4000;
	s24 =	simm.s32 $0x80;
	s0 =	simm.s32 $0x2000  }
0x16: {  	s3 =	simm.s32 $0x4;
	s5 =	simm.s32 $0x0;
	[dreg:$0x8] =	wrdreg s25  }
0x17: {  	[dreg:$0x9] =	wrdreg s26;
	s25 =	simm.s32 $0x6800;
	s26 =	simm.s32 $0x1000  }
.LBB2_1:
0x18: {  	s7 =	rddreg [dreg:$0x4]  }
0x19: {  	s8 =	rddreg [dreg:$0x5]  }
0x1a: {  	[spmem:s20], [sflag:s8] =	dma.local [hbm:s7], $0x2710  }
0x1b: {  	s7 =	rddreg [dreg:$0x6]  }
0x1c: {  	[tilespmem:s4], [sflag:$0x1] =	stream.linear.gather [hbm4b:s7+s4], $0xC80, $0x38;
	[tilespmem:$0x1F080] =	vst v63  }
0x1d: {  	s9 =	rddreg [dreg:$0x7]  }
0x1e: {  	[tilespmem:s0], [sflag:$0x1] =	stream.linear.gather [hbm4b:s9+s4], $0xC80, $0x38;
	[tilespmem:$0x1F080] =	vst v63  }
0x1f: {  	_ =	swait.ge [sflag:s21], $0x2710  }
0x20: {  	[sflag:s21] =	ssyncset.done $0x0  }
0x21: {  	[sflag:s21] =	ssyncadd.s32 $0xFFFFD8F0  }
0x22: {  	_ =	swait.ge [sflag:s21], $0xC80  }
0x23: {  	[sflag:s21] =	ssyncset.done $0x0  }
0x24: {  	[sflag:s21] =	ssyncadd.s32 $0xFFFFF380  }
0x25: {  	_ =	swait.ge [sflag:s21], $0xC80  }
0x26: {  	[sflag:s21] =	ssyncset.done $0x0  }
0x27: {  	[sflag:s21] =	ssyncadd.s32 $0xFFFFF380  }
0x28: {  	[bflag:$0x0] =	sbarrier.arrive $0xFFFF  }
0x29: {  	[tilespmem:s23], [sflag:$0x1] =	stream.indirect.gather [hbm4b:s1+s22], $0x80, s4, s22, $0xb8;
	[tilespmem:$0x1F080] =	vst v63  }
0x2a: {  	_ = 	snop  }
0x2b: {  	[tilespmem:s25], [sflag:$0x1] =	stream.indirect.gather [hbm4b:s1+s22], $0x80, s24, s22, $0xb8;
	[tilespmem:$0x1F080] =	vst v63  }
0x2c: {  	s8 =	simm.s32 $0x2000;
	s10 =	rddreg [dreg:$0x8]  }
0x2d: {  	[tilespmem:s26], [sflag:$0x3] =	stream.linear.gather [hbm4b:s10+s4], $0xC80, $0x38;
	[tilespmem:$0x1F080] =	vst v63  }
0x2e: {  	s7 =	simm.s32 $0x100;
	s9 =	simm.s32 $0x0;
	s11 =	rddreg [dreg:$0x9]  }
0x2f: {  	[tilespmem:s28], [sflag:$0x3] =	stream.linear.gather [hbm4b:s11+s4], $0xC80, $0x38;
	[tilespmem:$0x1F080] =	vst v63  }
.LBB2_2:
0x30: {  	s10 =	smul.u32 $0xAB, s9;
	_ =	sdelay $0x1  }
0x31: {  	s10 =	sshrl.u32 s10, $0x9  }
0x32: {  	s10 =	sand.u32 $0x7F, s10  }
0x33: {  	s10 =	smul.u32 $0x3, s10;
	_ =	sdelay $0x1  }
0x34: {  	s10 =	ssub.s32 s9, s10  }
0x35: {  	s10 =	sand.u32 $0xFF, s10  }
0x36: {  	s10 =	smul.u32 $0xA000, s10  }
0x37: {  	_ =	swait.ge [sflag:s21], $0x2800  }
0x38: {  	[sflag:s21] =	ssyncset.done $0x0;
	s10 =	sshrl.u32 s10, $0x2  }
0x39: {  	p0 =	seq.s32 s9, $0x0;
	[sflag:s21] =	ssyncadd.s32 $0xFFFFD800;
	s10 =	sadd.s32 $0x4000, s10  }
0x3a: {  	[spmem:s2] =	stream.indirect.scatter.add.f32 [tilespmem:s10], [sflag:$0x2], $0x80, s8, s22, $0xb8;
	[tilespmem:$0x1F080] =	vst v63  }
0x3b: {  	s10 =	simm.s32 @!p0 $0x2  }
0x3c: {  	p1 =	sgt.u32 @!p0 s9, $0x16;
	_ =	swait.ge @!p0 [sflag:s10], $0x2800  }
0x3d: {  	p1 =	por p0, !p1;
	[sflag:s10] =	ssyncset.done @!p0 $0x0  }
0x3e: {  	[sflag:s10] =	ssyncadd.s32 @!p0 $0xFFFFD800;
	s10 =	sadd.s32 @p1 $0x2, s9  }
0x3f: {  	s11 =	smul.u32 @p1 $0xAB, s10;
	_ =	sdelay $0x1  }
0x40: {  	s11 =	sshrl.u32 @p1 s11, $0x9  }
0x41: {  	s11 =	sand.u32 @p1 $0x7F, s11  }
0x42: {  	s11 =	smul.u32 @p1 $0x3, s11;
	_ =	sdelay $0x1  }
0x43: {  	s10 =	ssub.s32 @p1 s10, s11  }
0x44: {  	s9 =	sadd.s32 $0x1, s9;
	s10 =	sand.u32 @p1 $0xFF, s10  }
0x45: {  	p0 =	sne.s32 s9, $0x19;
	s10 =	smul.u32 @p1 $0xA000, s10  }
.Ltmp0:
0x46: {  	_ = 	snop;
	(pc) =	sbr.rel @p0 .LBB2_2-.Ltmp0, $4  }
0x47: {  	s10 =	sshrl.u32 @p1 s10, $0x2  }
0x48: {  	s10 =	sadd.s32 @p1 $0x4000, s10  }
0x49: {  	[tilespmem:s10], [sflag:$0x1] =	stream.indirect.gather @p1 [hbm4b:s1+s22], $0x80, s7, s22, $0xb8;
	[tilespmem:$0x1F080] =	vst v63  }
0x4a: {  	s8 =	sadd.s32 $0x80, s8;
	s7 =	sadd.s32 $0x80, s7  }
0x4b: {  	_ =	swait.ge [sflag:s29], $0x2800  }
0x4c: {  	[sflag:s29] =	ssyncset.done $0x0  }
0x4d: {  	[sflag:s29] =	ssyncadd.s32 $0xFFFFD800  }
0x4e: {  	_ =	swait.ge [sflag:s30], $0xC80  }
0x4f: {  	[sflag:s30] =	ssyncset.done $0x0  }
0x50: {  	[sflag:s30] =	ssyncadd.s32 $0xFFFFF380  }
0x51: {  	_ =	swait.ge [sflag:s30], $0xC80  }
0x52: {  	[sflag:s30] =	ssyncset.done $0x0  }
0x53: {  	[sflag:s30] =	ssyncadd.s32 $0xFFFFF380  }
0x54: {  	[tilespmem:s23], [sflag:$0x1] =	stream.indirect.gather [hbm4b:s1+s22], $0x80, s26, s22, $0xb8;
	[tilespmem:$0x1F080] =	vst v63  }
0x55: {  	_ = 	snop  }
0x56: {  	[tilespmem:s25], [sflag:$0x1] =	stream.indirect.gather [hbm4b:s1+s22], $0x80, s31, s22, $0xb8;
	[tilespmem:$0x1F080] =	vst v63  }
0x57: {  	s7 =	simm.s32 $0x0  }
0x58: {  	[tilespmem:s7], [sflag:$0x3] =	stream.linear.gather [hbm4b:s12+s7], $0xC80, $0x38;
	[tilespmem:$0x1F080] =	vst v63  }
0x59: {  	s8 =	simm.s32 $0x1100;
	s9 =	simm.s32 $0x3000  }
0x5a: {  	[tilespmem:s0], [sflag:$0x3] =	stream.linear.gather [hbm4b:s13+s7], $0xC80, $0x38;
	[tilespmem:$0x1F080] =	vst v63  }
.LBB2_4:
0x5b: {  	s10 =	smul.u32 $0xAB, s7;
	_ =	sdelay $0x1  }
0x5c: {  	s10 =	sshrl.u32 s10, $0x9  }
0x5d: {  	s10 =	sand.u32 $0x7F, s10  }
0x5e: {  	s10 =	smul.u32 $0x3, s10;
	_ =	sdelay $0x1  }
0x5f: {  	s10 =	ssub.s32 s7, s10  }
0x60: {  	s10 =	sand.u32 $0xFF, s10  }
0x61: {  	s10 =	smul.u32 $0xA000, s10  }
0x62: {  	_ =	swait.ge [sflag:s21], $0x2800  }
0x63: {  	[sflag:s21] =	ssyncset.done $0x0;
	s10 =	sshrl.u32 s10, $0x2  }
0x64: {  	p0 =	seq.s32 s7, $0x0;
	[sflag:s21] =	ssyncadd.s32 $0xFFFFD800;
	s10 =	sadd.s32 $0x4000, s10  }
0x65: {  	[spmem:s2] =	stream.indirect.scatter.add.f32 [tilespmem:s10], [sflag:$0x2], $0x80, s9, s22, $0xb8;
	[tilespmem:$0x1F080] =	vst v63  }
0x66: {  	s10 =	simm.s32 @!p0 $0x2  }
0x67: {  	p1 =	sgt.u32 @!p0 s7, $0x16;
	_ =	swait.ge @!p0 [sflag:s10], $0x2800  }
0x68: {  	p1 =	por p0, !p1;
	[sflag:s10] =	ssyncset.done @!p0 $0x0  }
0x69: {  	[sflag:s10] =	ssyncadd.s32 @!p0 $0xFFFFD800;
	s10 =	sadd.s32 @p1 $0x2, s7  }
0x6a: {  	s11 =	smul.u32 @p1 $0xAB, s10;
	_ =	sdelay $0x1  }
0x6b: {  	s11 =	sshrl.u32 @p1 s11, $0x9  }
0x6c: {  	s11 =	sand.u32 @p1 $0x7F, s11  }
0x6d: {  	s11 =	smul.u32 @p1 $0x3, s11;
	_ =	sdelay $0x1  }
0x6e: {  	s10 =	ssub.s32 @p1 s10, s11  }
0x6f: {  	s7 =	sadd.s32 $0x1, s7;
	s10 =	sand.u32 @p1 $0xFF, s10  }
0x70: {  	p0 =	sne.s32 s7, $0x19;
	s10 =	smul.u32 @p1 $0xA000, s10  }
.Ltmp1:
0x71: {  	_ = 	snop;
	(pc) =	sbr.rel @p0 .LBB2_4-.Ltmp1, $4  }
0x72: {  	s10 =	sshrl.u32 @p1 s10, $0x2  }
0x73: {  	s10 =	sadd.s32 @p1 $0x4000, s10  }
0x74: {  	[tilespmem:s10], [sflag:$0x1] =	stream.indirect.gather @p1 [hbm4b:s1+s22], $0x80, s8, s22, $0xb8;
	[tilespmem:$0x1F080] =	vst v63  }
0x75: {  	s9 =	sadd.s32 $0x80, s9;
	s8 =	sadd.s32 $0x80, s8  }
0x76: {  	_ =	swait.ge [sflag:s29], $0x2800  }
0x77: {  	[sflag:s29] =	ssyncset.done $0x0  }
0x78: {  	[sflag:s29] =	ssyncadd.s32 $0xFFFFD800  }
0x79: {  	_ =	swait.ge [sflag:s30], $0xC80  }
0x7a: {  	[sflag:s30] =	ssyncset.done $0x0  }
0x7b: {  	[sflag:s30] =	ssyncadd.s32 $0xFFFFF380  }
0x7c: {  	_ =	swait.ge [sflag:s30], $0xC80  }
0x7d: {  	[sflag:s30] =	ssyncset.done $0x0  }
0x7e: {  	s7 =	simm.s32 $0x0;
	[sflag:s30] =	ssyncadd.s32 $0xFFFFF380  }
0x7f: {  	[tilespmem:s23], [sflag:$0x1] =	stream.indirect.gather [hbm4b:s1+s22], $0x80, s7, s22, $0xb8;
	[tilespmem:$0x1F080] =	vst v63  }
0x80: {  	_ = 	snop  }
0x81: {  	[tilespmem:s25], [sflag:$0x1] =	stream.indirect.gather [hbm4b:s1+s22], $0x80, s24, s22, $0xb8;
	[tilespmem:$0x1F080] =	vst v63  }
0x82: {  	_ = 	snop  }
0x83: {  	[tilespmem:s26], [sflag:$0x3] =	stream.linear.gather [hbm4b:s14+s7], $0xC80, $0x38;
	[tilespmem:$0x1F080] =	vst v63  }
0x84: {  	s8 =	simm.s32 $0x100;
	s9 =	simm.s32 $0x2000  }
0x85: {  	[tilespmem:s28], [sflag:$0x3] =	stream.linear.gather [hbm4b:s15+s7], $0xC80, $0x38;
	[tilespmem:$0x1F080] =	vst v63  }
.LBB2_6:
0x86: {  	s10 =	smul.u32 $0xAB, s7;
	_ =	sdelay $0x1  }
0x87: {  	s10 =	sshrl.u32 s10, $0x9  }
0x88: {  	s10 =	sand.u32 $0x7F, s10  }
0x89: {  	s10 =	smul.u32 $0x3, s10;
	_ =	sdelay $0x1  }
0x8a: {  	s10 =	ssub.s32 s7, s10  }
0x8b: {  	s10 =	sand.u32 $0xFF, s10  }
0x8c: {  	s10 =	smul.u32 $0xA000, s10  }
0x8d: {  	_ =	swait.ge [sflag:s21], $0x2800  }
0x8e: {  	[sflag:s21] =	ssyncset.done $0x0;
	s10 =	sshrl.u32 s10, $0x2  }
0x8f: {  	p0 =	seq.s32 s7, $0x0;
	[sflag:s21] =	ssyncadd.s32 $0xFFFFD800;
	s10 =	sadd.s32 $0x4000, s10  }
0x90: {  	[spmem:s2] =	stream.indirect.scatter.add.f32 [tilespmem:s10], [sflag:$0x2], $0x80, s9, s22, $0xb8;
	[tilespmem:$0x1F080] =	vst v63  }
0x91: {  	s10 =	simm.s32 @!p0 $0x2  }
0x92: {  	p1 =	sgt.u32 @!p0 s7, $0x16;
	_ =	swait.ge @!p0 [sflag:s10], $0x2800  }
0x93: {  	p1 =	por p0, !p1;
	[sflag:s10] =	ssyncset.done @!p0 $0x0  }
0x94: {  	[sflag:s10] =	ssyncadd.s32 @!p0 $0xFFFFD800;
	s10 =	sadd.s32 @p1 $0x2, s7  }
0x95: {  	s11 =	smul.u32 @p1 $0xAB, s10;
	_ =	sdelay $0x1  }
0x96: {  	s11 =	sshrl.u32 @p1 s11, $0x9  }
0x97: {  	s11 =	sand.u32 @p1 $0x7F, s11  }
0x98: {  	s11 =	smul.u32 @p1 $0x3, s11;
	_ =	sdelay $0x1  }
0x99: {  	s10 =	ssub.s32 @p1 s10, s11  }
0x9a: {  	s7 =	sadd.s32 $0x1, s7;
	s10 =	sand.u32 @p1 $0xFF, s10  }
0x9b: {  	p0 =	sne.s32 s7, $0x19;
	s10 =	smul.u32 @p1 $0xA000, s10  }
.Ltmp2:
0x9c: {  	_ = 	snop;
	(pc) =	sbr.rel @p0 .LBB2_6-.Ltmp2, $4  }
0x9d: {  	s10 =	sshrl.u32 @p1 s10, $0x2  }
0x9e: {  	s10 =	sadd.s32 @p1 $0x4000, s10  }
0x9f: {  	[tilespmem:s10], [sflag:$0x1] =	stream.indirect.gather @p1 [hbm4b:s1+s22], $0x80, s8, s22, $0xb8;
	[tilespmem:$0x1F080] =	vst v63  }
0xa0: {  	s9 =	sadd.s32 $0x80, s9;
	s8 =	sadd.s32 $0x80, s8  }
0xa1: {  	_ =	swait.ge [sflag:s29], $0x2800  }
0xa2: {  	[sflag:s29] =	ssyncset.done $0x0  }
0xa3: {  	[sflag:s29] =	ssyncadd.s32 $0xFFFFD800  }
0xa4: {  	_ =	swait.ge [sflag:s30], $0xC80  }
0xa5: {  	[sflag:s30] =	ssyncset.done $0x0  }
0xa6: {  	[sflag:s30] =	ssyncadd.s32 $0xFFFFF380  }
0xa7: {  	_ =	swait.ge [sflag:s30], $0xC80  }
0xa8: {  	[sflag:s30] =	ssyncset.done $0x0  }
0xa9: {  	[sflag:s30] =	ssyncadd.s32 $0xFFFFF380  }
0xaa: {  	[tilespmem:s23], [sflag:$0x1] =	stream.indirect.gather [hbm4b:s1+s22], $0x80, s26, s22, $0xb8;
	[tilespmem:$0x1F080] =	vst v63  }
0xab: {  	_ = 	snop  }
0xac: {  	[tilespmem:s25], [sflag:$0x1] =	stream.indirect.gather [hbm4b:s1+s22], $0x80, s31, s22, $0xb8;
	[tilespmem:$0x1F080] =	vst v63  }
0xad: {  	s7 =	simm.s32 $0x0  }
0xae: {  	[tilespmem:s7], [sflag:$0x3] =	stream.linear.gather [hbm4b:s16+s7], $0xC80, $0x38;
	[tilespmem:$0x1F080] =	vst v63  }
0xaf: {  	s8 =	simm.s32 $0x1100;
	s9 =	simm.s32 $0x3000  }
0xb0: {  	[tilespmem:s0], [sflag:$0x3] =	stream.linear.gather [hbm4b:s17+s7], $0xC80, $0x38;
	[tilespmem:$0x1F080] =	vst v63  }
.LBB2_8:
0xb1: {  	s10 =	smul.u32 $0xAB, s7;
	_ =	sdelay $0x1  }
0xb2: {  	s10 =	sshrl.u32 s10, $0x9  }
0xb3: {  	s10 =	sand.u32 $0x7F, s10  }
0xb4: {  	s10 =	smul.u32 $0x3, s10;
	_ =	sdelay $0x1  }
0xb5: {  	s10 =	ssub.s32 s7, s10  }
0xb6: {  	s10 =	sand.u32 $0xFF, s10  }
0xb7: {  	s10 =	smul.u32 $0xA000, s10  }
0xb8: {  	_ =	swait.ge [sflag:s21], $0x2800  }
0xb9: {  	[sflag:s21] =	ssyncset.done $0x0;
	s10 =	sshrl.u32 s10, $0x2  }
0xba: {  	p0 =	seq.s32 s7, $0x0;
	[sflag:s21] =	ssyncadd.s32 $0xFFFFD800;
	s10 =	sadd.s32 $0x4000, s10  }
0xbb: {  	[spmem:s2] =	stream.indirect.scatter.add.f32 [tilespmem:s10], [sflag:$0x2], $0x80, s9, s22, $0xb8;
	[tilespmem:$0x1F080] =	vst v63  }
0xbc: {  	s10 =	simm.s32 @!p0 $0x2  }
0xbd: {  	p1 =	sgt.u32 @!p0 s7, $0x16;
	_ =	swait.ge @!p0 [sflag:s10], $0x2800  }
0xbe: {  	p1 =	por p0, !p1;
	[sflag:s10] =	ssyncset.done @!p0 $0x0  }
0xbf: {  	[sflag:s10] =	ssyncadd.s32 @!p0 $0xFFFFD800;
	s10 =	sadd.s32 @p1 $0x2, s7  }
0xc0: {  	s11 =	smul.u32 @p1 $0xAB, s10;
	_ =	sdelay $0x1  }
0xc1: {  	s11 =	sshrl.u32 @p1 s11, $0x9  }
0xc2: {  	s11 =	sand.u32 @p1 $0x7F, s11  }
0xc3: {  	s11 =	smul.u32 @p1 $0x3, s11;
	_ =	sdelay $0x1  }
0xc4: {  	s10 =	ssub.s32 @p1 s10, s11  }
0xc5: {  	s7 =	sadd.s32 $0x1, s7;
	s10 =	sand.u32 @p1 $0xFF, s10  }
0xc6: {  	p0 =	sne.s32 s7, $0x19;
	s10 =	smul.u32 @p1 $0xA000, s10  }
.Ltmp3:
0xc7: {  	_ = 	snop;
	(pc) =	sbr.rel @p0 .LBB2_8-.Ltmp3, $4  }
0xc8: {  	s10 =	sshrl.u32 @p1 s10, $0x2  }
0xc9: {  	s10 =	sadd.s32 @p1 $0x4000, s10  }
0xca: {  	[tilespmem:s10], [sflag:$0x1] =	stream.indirect.gather @p1 [hbm4b:s1+s22], $0x80, s8, s22, $0xb8;
	[tilespmem:$0x1F080] =	vst v63  }
0xcb: {  	s9 =	sadd.s32 $0x80, s9;
	s8 =	sadd.s32 $0x80, s8  }
0xcc: {  	_ =	swait.ge [sflag:s29], $0x2800  }
0xcd: {  	[sflag:s29] =	ssyncset.done $0x0  }
0xce: {  	[sflag:s29] =	ssyncadd.s32 $0xFFFFD800  }
0xcf: {  	_ =	swait.ge [sflag:s30], $0xC80  }
0xd0: {  	[sflag:s30] =	ssyncset.done $0x0  }
0xd1: {  	[sflag:s30] =	ssyncadd.s32 $0xFFFFF380  }
0xd2: {  	_ =	swait.ge [sflag:s30], $0xC80  }
0xd3: {  	[sflag:s30] =	ssyncset.done $0x0  }
0xd4: {  	s7 =	simm.s32 $0x0;
	[sflag:s30] =	ssyncadd.s32 $0xFFFFF380  }
0xd5: {  	[tilespmem:s23], [sflag:$0x1] =	stream.indirect.gather [hbm4b:s1+s22], $0x80, s7, s22, $0xb8;
	[tilespmem:$0x1F080] =	vst v63  }
0xd6: {  	s8 =	simm.s32 $0x100;
	s9 =	simm.s32 $0x2000  }
0xd7: {  	[tilespmem:s25], [sflag:$0x1] =	stream.indirect.gather [hbm4b:s1+s22], $0x80, s24, s22, $0xb8;
	[tilespmem:$0x1F080] =	vst v63  }
.LBB2_10:
0xd8: {  	s10 =	smul.u32 $0xAB, s7;
	_ =	sdelay $0x1  }
0xd9: {  	s10 =	sshrl.u32 s10, $0x9  }
0xda: {  	s10 =	sand.u32 $0x7F, s10  }
0xdb: {  	s10 =	smul.u32 $0x3, s10;
	_ =	sdelay $0x1  }
0xdc: {  	s10 =	ssub.s32 s7, s10  }
0xdd: {  	s10 =	sand.u32 $0xFF, s10  }
0xde: {  	s10 =	smul.u32 $0xA000, s10  }
0xdf: {  	_ =	swait.ge [sflag:s21], $0x2800  }
0xe0: {  	[sflag:s21] =	ssyncset.done $0x0;
	s10 =	sshrl.u32 s10, $0x2  }
0xe1: {  	p0 =	seq.s32 s7, $0x0;
	[sflag:s21] =	ssyncadd.s32 $0xFFFFD800;
	s10 =	sadd.s32 $0x4000, s10  }
0xe2: {  	[spmem:s2] =	stream.indirect.scatter.add.f32 [tilespmem:s10], [sflag:$0x2], $0x80, s9, s22, $0xb8;
	[tilespmem:$0x1F080] =	vst v63  }
0xe3: {  	s10 =	simm.s32 @!p0 $0x2  }
0xe4: {  	p1 =	sgt.u32 @!p0 s7, $0x16;
	_ =	swait.ge @!p0 [sflag:s10], $0x2800  }
0xe5: {  	p1 =	por p0, !p1;
	[sflag:s10] =	ssyncset.done @!p0 $0x0  }
0xe6: {  	[sflag:s10] =	ssyncadd.s32 @!p0 $0xFFFFD800;
	s10 =	sadd.s32 @p1 $0x2, s7  }
0xe7: {  	s11 =	smul.u32 @p1 $0xAB, s10;
	_ =	sdelay $0x1  }
0xe8: {  	s11 =	sshrl.u32 @p1 s11, $0x9  }
0xe9: {  	s11 =	sand.u32 @p1 $0x7F, s11  }
0xea: {  	s11 =	smul.u32 @p1 $0x3, s11;
	_ =	sdelay $0x1  }
0xeb: {  	s10 =	ssub.s32 @p1 s10, s11  }
0xec: {  	s7 =	sadd.s32 $0x1, s7;
	s10 =	sand.u32 @p1 $0xFF, s10  }
0xed: {  	p0 =	sne.s32 s7, $0x19;
	s10 =	smul.u32 @p1 $0xA000, s10  }
.Ltmp4:
0xee: {  	_ = 	snop;
	(pc) =	sbr.rel @p0 .LBB2_10-.Ltmp4, $4  }
0xef: {  	s10 =	sshrl.u32 @p1 s10, $0x2  }
0xf0: {  	s10 =	sadd.s32 @p1 $0x4000, s10  }
0xf1: {  	[tilespmem:s10], [sflag:$0x1] =	stream.indirect.gather @p1 [hbm4b:s1+s22], $0x80, s8, s22, $0xb8;
	[tilespmem:$0x1F080] =	vst v63  }
0xf2: {  	s9 =	sadd.s32 $0x80, s9;
	s8 =	sadd.s32 $0x80, s8  }
0xf3: {  	_ =	swait.ge [sflag:s29], $0x2800  }
0xf4: {  	s5 =	sadd.s32 $0x1, s5;
	[sflag:s29] =	ssyncset.done $0x0  }
0xf5: {  	p0 =	sne.s32 s5, s19;
	[sflag:s29] =	ssyncadd.s32 $0xFFFFD800  }
.Ltmp5:
0xf6: {  	s7 =	sor.u32 $0x1C04, s6;
	[bflag:$0x0] =	sbarrier.arrive $0xFFFF;
	(pc) =	sbr.rel @p0 .LBB2_1-.Ltmp5, $4  }
0xf7: {  	[hbm:s18], [sflag:s7] =	dma.local [spmem:s20], $0x2710  }
0xf8: {  	_ =	swait.ge [sflag:s3], $0x2710  }
0xf9: {  	[sflag:s3] =	ssyncset.done $0x0  }
0xfa: {  	[sflag:s3] =	ssyncadd.s32 $0xFFFFD8F0  }
0xfb: {  	_ =	sfence.sel $0x180000  }
0xfc: {  	[bflag:$0x0] =	sbarrier.arrive $0xFFFF  }
0xfd: {  	_ =	strace $0x9000004D  }
0xfe: {  	s0 =	stileid.u32;
	[bflag:$0x2] =	sbarrier.arrive $0xFFFF  }
0xff: {  	p0 =	sne.s32 s0, $0x0;
	s0 =	rddreg [dreg:$0x3]  }
0x100: {  	s0 =	sadd.s32 @!p0 $0x100000, s0  }
0x101: {  	[sflag:s0] =	ssyncadd.tile.s32 @!p0 $0x1;
	_ =	shalt  }
.Lfunc_end2:
_tile_overlayer_lowered:
.L_overlay_start_2:
0x102: {  	(tag) =	ssettag $0x2  }
0x103: {  	s0 =	rddreg [dreg:$0x0];
	s2 =	stileid.u32  }
0x104: {  	s1 =	rddreg [dreg:$0x1];
	p0 =	sne.s32 s2, $0x0  }
0x105: {  	s3 =	rddreg [dreg:$0x2];
	[bflag:$0x3] =	sbarrier.arrive $0xFFFF;
	s2 =	simm.s32 @!p0 $0x1C04  }
0x106: {  	[timem:s3], [sflag:s2] =	dma.local @!p0 [hbm:s0], s1  }
0x107: {  	s0 =	simm.s32 @!p0 $0x4  }
0x108: {  	_ =	swait.ge @!p0 [sflag:s0], s1  }
0x109: {  	s1 =	ssub.s32 @!p0 $0x0, s1;
	[sflag:s0] =	ssyncset.done @!p0 $0x0  }
0x10a: {  	[sflag:s0] =	ssyncadd.s32 @!p0 s1  }
0x10b: {  	[bflag:$0x3] =	sbarrier.arrive $0xFFFF  }
0x10c: {  	_ =	shalt  }

// kernel: kernel.8.cloned.1.call-start
scs
__scs_entry_jumppad:
0x0: {  	(pc) =	sbr.rel $0x88, $3  }
0x1: {  	(tag) =	ssettag $0x0;
	lr =	simm.s32 $0x1  }
0x2: {  	[smem:$0x3F9B] =	sst lr;
	_ =	strace $0xD0000000  }
0x3: {  	_ = 	snop  }
0x4: {  	_ = 	snop  }
0x5: {  	_ = 	snop  }
0x6: {  	_ = 	snop  }
0x7: {  	_ = 	snop  }
__scs_overlays_trampoline_lowered:
0x8: {  	[smem:$0x3FAA] =	sst s0  }
0x9: {  	[smem:$0x3FAB] =	sst s1  }
0xa: {  	[smem:$0x3FAC] =	sst s2  }
0xb: {  	[smem:$0x3FAD] =	sst s3  }
0xc: {  	[smem:$0x3FAE] =	sst s4  }
0xd: {  	[smem:$0x3FAF] =	sst s5  }
0xe: {  	[smem:$0x3FB0] =	sst s6  }
0xf: {  	[smem:$0x3FB1] =	sst s7  }
0x10: {  	[smem:$0x3FB2] =	sst s8  }
0x11: {  	[smem:$0x3FB3] =	sst s9;
	s0 =	simm.s32 @!p0 $0x0  }
0x12: {  	s1 =	sld [smem:$0x3F99];
	s0 =	simm.s32 @p0 $0x1  }
0x13: {  	[smem:$0x3FB4] =	sst s0;
	s0 =	simm.s32 @!p1 $0x0  }
0x14: {  	s2 =	sld [smem:$0x3F98];
	s0 =	simm.s32 @p1 $0x1  }
0x15: {  	[smem:$0x3FB5] =	sst s0;
	s0 =	simm.s32 @!p2 $0x0  }
0x16: {  	s3 =	sld [smem:$0x3FDB];
	s0 =	simm.s32 @p2 $0x1  }
0x17: {  	s4 =	simm.s32 $0x1BF5;
	[smem:$0x3FB7] =	sst s0  }
0x18: {  	s0 =	sld [smem:$0x3F9A];
	_ =	swait.ge [sflag:s4], $0x0  }
0x19: {  	s7 =	sld [smem:$0x3F9B]  }
0x1a: {  	s8 =	sadd.s32 $0xFFFFE003, lr  }
0x1b: {  	s9 =	sadd.s32 $0xFFFFFEF7, lr;
	s5 =	simm.s32 $0xFFFFFFFF;
	p2 =	slt.u32 s8, $0xFFFFF086  }
0x1c: {  	p1 =	slt.u32 s9, $0xF7A;
	s5 =	simm.s32 @!p2 $0x0  }
0x1d: {  	s5 =	simm.s32 @p1 $0x1;
	p0 =	seq.s32 s7, s2  }
0x1e: {  	s7 =	smul.u32 @!p0 $0xF7A, s2;
	p2 =	seq.s32 @!p0 s5, $0x0  }
0x1f: {  	s9 =	smul.u32 $0xF7A, s1;
	s8 =	simm.s32 @!p0 $0x1BF5;
	p2 =	por !p2, p0  }
0x20: {  	[sflag:s8] =	ssyncset.s32 @!p0 $0xFFFFF086;
	s6 =	sadd.s32 @!p0 s3, s7;
	s7 =	simm.s32 @!p0 $0x108  }
0x21: {  	s3 =	sadd.s32 s3, s9;
	s6 =	sadd.s32 @!p0 $0x88, s6;
	s7 =	simm.s32 @p2 $0x1082  }
0x22: {  	[simem:s7], [sflag:s8] =	dma.local @!p0 [hbm:s6], $0xF7A  }
0x23: {  	s9 =	sor.u32 $0xD0000000, s2;
	s6 =	simm.s32 $0x108;
	_ =	swait.ge @!p0 [sflag:s8], $0x0  }
0x24: {  	s3 =	sadd.s32 $0x88, s3;
	s6 =	simm.s32 @!p1 $0x1082;
	[sflag:s4] =	ssyncset.s32 $0xFFFFF086  }
0x25: {  	[simem:s6], [sflag:s4] =	dma.local [hbm:s3], $0xF7A  }
0x26: {  	[smem:$0x3F9B] =	sst s1;
	(tag) =	ssettag s2;
	_ =	strace s9  }
0x27: {  	s1 =	sld [smem:$0x3FAB]  }
0x28: {  	s2 =	sld [smem:$0x3FAC]  }
0x29: {  	s4 =	sld [smem:$0x3FAE]  }
0x2a: {  	p0 =	seq.s32 s5, $0x0;
	s5 =	sld [smem:$0x3FAF]  }
0x2b: {  	s6 =	sld [smem:$0x3FB0]  }
0x2c: {  	s7 =	sld [smem:$0x3FB1]  }
0x2d: {  	s3 =	simm.s32 $0x108;
	s8 =	sld [smem:$0x3FB2]  }
0x2e: {  	s3 =	simm.s32 @!p0 $0x1082;
	s9 =	sld [smem:$0x3FB3]  }
0x2f: {  	lr =	sadd.s32 s0, s3;
	s0 =	sld [smem:$0x3FAA]  }
0x30: {  	s3 =	sld [smem:$0x3FAD]  }
0x31: {  	[smem:$0x3FB6] =	sst s10  }
0x32: {  	s10 =	sld [smem:$0x3FB4];
	_ =	sdelay $0x3  }
0x33: {  	p0 =	seq.s32 s10, $0x1;
	s10 =	sld [smem:$0x3FB6];
	_ =	sdelay $0x3  }
0x34: {  	[smem:$0x3FB6] =	sst s10  }
0x35: {  	s10 =	sld [smem:$0x3FB5];
	_ =	sdelay $0x3  }
0x36: {  	p1 =	seq.s32 s10, $0x1;
	s10 =	sld [smem:$0x3FB6];
	_ =	sdelay $0x3  }
0x37: {  	[smem:$0x3FB6] =	sst s10  }
0x38: {  	s10 =	sld [smem:$0x3FB7]  }
0x39: {  	_ = 	snop;
	(pc) =	sbr.ind lr, $3  }
0x3a: {  	_ = 	snop  }
0x3b: {  	_ = 	snop  }
0x3c: {  	p2 =	seq.s32 s10, $0x1;
	s10 =	sld [smem:$0x3FB6]  }
0x3d: {  	_ =	shalt  }
0x3e: {  	_ =	shalt  }
0x3f: {  	_ =	shalt  }
0x40: {  	_ =	shalt  }
0x41: {  	_ =	shalt  }
0x42: {  	_ =	shalt  }
0x43: {  	_ =	shalt  }
0x44: {  	_ =	shalt  }
0x45: {  	_ =	shalt  }
0x46: {  	_ =	shalt  }
0x47: {  	_ =	shalt  }
0x48: {  	_ =	shalt  }
0x49: {  	_ =	shalt  }
0x4a: {  	_ =	shalt  }
0x4b: {  	_ =	shalt  }
0x4c: {  	_ =	shalt  }
0x4d: {  	_ =	shalt  }
0x4e: {  	_ =	shalt  }
0x4f: {  	_ =	shalt  }
0x50: {  	_ =	shalt  }
0x51: {  	_ =	shalt  }
0x52: {  	_ =	shalt  }
0x53: {  	_ =	shalt  }
0x54: {  	_ =	shalt  }
0x55: {  	_ =	shalt  }
0x56: {  	_ =	shalt  }
0x57: {  	_ =	shalt  }
0x58: {  	_ =	shalt  }
0x59: {  	_ =	shalt  }
0x5a: {  	_ =	shalt  }
0x5b: {  	_ =	shalt  }
0x5c: {  	_ =	shalt  }
0x5d: {  	_ =	shalt  }
0x5e: {  	_ =	shalt  }
0x5f: {  	_ =	shalt  }
0x60: {  	_ =	shalt  }
0x61: {  	_ =	shalt  }
0x62: {  	_ =	shalt  }
0x63: {  	_ =	shalt  }
0x64: {  	_ =	shalt  }
0x65: {  	_ =	shalt  }
0x66: {  	_ =	shalt  }
0x67: {  	_ =	shalt  }
0x68: {  	_ =	shalt  }
0x69: {  	_ =	shalt  }
0x6a: {  	_ =	shalt  }
0x6b: {  	_ =	shalt  }
0x6c: {  	_ =	shalt  }
0x6d: {  	_ =	shalt  }
0x6e: {  	_ =	shalt  }
0x6f: {  	_ =	shalt  }
0x70: {  	_ =	shalt  }
0x71: {  	_ =	shalt  }
0x72: {  	_ =	shalt  }
0x73: {  	_ =	shalt  }
0x74: {  	_ =	shalt  }
0x75: {  	_ =	shalt  }
0x76: {  	_ =	shalt  }
0x77: {  	_ =	shalt  }
0x78: {  	_ =	shalt  }
0x79: {  	_ =	shalt  }
0x7a: {  	_ =	shalt  }
0x7b: {  	_ =	shalt  }
0x7c: {  	_ =	shalt  }
0x7d: {  	_ =	shalt  }
0x7e: {  	_ =	shalt  }
0x7f: {  	_ =	shalt  }
0x80: {  	_ =	shalt  }
0x81: {  	_ =	shalt  }
0x82: {  	_ =	shalt  }
0x83: {  	_ =	shalt  }
0x84: {  	_ =	shalt  }
0x85: {  	_ =	shalt  }
0x86: {  	_ =	shalt  }
0x87: {  	_ =	shalt  }
.Lfunc_end0:
.L_simem_size_0:
called_computation_lowered:
.L_overlay_start_0:
0x88: {  	s2 =	sld [smem:$0x3FD9]  }
0x89: {  	s3 =	sld [smem:$0x3FFE];
	_ =	sdelay $0x1  }
0x8a: {  	s1 =	srdreg.scid  }
0x8b: {  	s0 =	sand.u32 $0x1, s1  }
0x8c: {  	s17 =	sshll.u32 s0, $0xA;
	s2 =	sadd.s32 s3, s2  }
0x8d: {  	s2 =	sadd.s32 s2, s17  }
0x8e: {  	[smem:$0x3FC2] =	sst s2  }
0x8f: {  	_ = 	snop  }
0x90: {  	s2 =	sld [smem:$0x3FD0];
	(tm) =	ssettm $0x1  }
0x91: {  	s18 =	sld [smem:$0x3FFB];
	_ =	sdelay $0x3  }
0x92: {  	_ =	strace s18  }
0x93: {  	s3 =	sld [smem:$0x3FFC];
	_ =	sdelay $0x3  }
0x94: {  	_ =	strace s3  }
0x95: {  	s3 =	sld [smem:$0x3FFD];
	_ =	sdelay $0x3  }
0x96: {  	_ =	strace s3  }
0x97: {  	_ =	strace $0x8FFFFFFF  }
0x98: {  	s19 =	sld [smem:$0x3FDB];
	_ =	sdelay $0x1  }
0x99: {  	s4 =	simm.s32 $_scs_section_size  }
0x9a: {  	s5 =	simm.s32 $_size__tile_overlayer_lowered;
	s6 =	simm.s32 $_tile_overlayer_lowered  }
0x9b: {  	s22 =	simm.s32 $0x1BFF;
	s21 =	sshll.u32 s6, $0x1;
	s3 =	sadd.s32 s4, s19  }
0x9c: {  	s7 =	simm.s32 $0x0;
	s20 =	sshll.u32 s5, $0x1;
	s5 =	sadd.s32 s21, s3  }
0x9d: {  	[timem:s7], [sflag:s22] =	dma.local [hbm:s5], s20  }
0x9e: {  	_ =	swait.ge [sflag:s22], s20  }
0x9f: {  	s4 =	ssub.s32 $0x0, s20;
	[sflag:s22] =	ssyncset.done $0x0  }
0xa0: {  	[sflag:s22] =	ssyncadd.s32 s4;
	_ =	sdelay $0x1  }
0xa1: {  	s23 =	simm.s32 $0x1B8B  }
0xa2: {  	_ =	swait.ge [sflag:s23], $0x1  }
0xa3: {  	[sflag:s23] =	ssyncset.done $0x0  }
0xa4: {  	s25 =	simm.s32 $0x1B8E;
	s24 =	sld [smem:$0x3FFE];
	[sflag:s23] =	ssyncadd.s32 $0xFFFFFFFF  }
0xa5: {  	s26 =	simm.s32 $execute0_lowered;
	[smem:$0x3FD2] =	sst s25  }
0xa6: {  	s5 =	sshll.u32 s26, $0x1;
	_ =	strace $0x80000046;
	[dreg:$0x1] =	wrdreg $0xFFFFFFFF  }
0xa7: {  	s28 =	simm.s32 $_size_execute0_lowered;
	s3 =	sadd.s32 s3, s5;
	[dreg:$0x0] =	wrdreg $0x0  }
0xa8: {  	s5 =	sshll.u32 s28, $0x1;
	[dreg:$0x2] =	wrdreg s3  }
0xa9: {  	[dreg:$0x3] =	wrdreg s5  }
0xaa: {  	[dreg:$0x4] =	wrdreg $0xC0  }
0xab: {  	_ =	task [dreg:s7], $0x5FFFF  }
0xac: {  	[dreg:$0x1] =	wrdreg $0xFFFFFFFF  }
0xad: {  	[dreg:$0x0] =	wrdreg $0x60  }
0xae: {  	[dreg:$0x2] =	wrdreg s2  }
0xaf: {  	[dreg:$0x3] =	wrdreg s24  }
0xb0: {  	[dreg:$0x4] =	wrdreg $0x9  }
0xb1: {  	_ =	task.clear_ibuf [dreg:s7], $0x5FFFF;
	_ =	strace $0x90000046  }
0xb2: {  	s29 =	simm.s32 $0x9;
	_ =	strace $0x80000048  }
0xb3: {  	_ =	swait.ge [sflag:s29], $0x1  }
0xb4: {  	[sflag:s29] =	ssyncadd.s32 $0xFFFFFFFF  }
0xb5: {  	_ =	strace $0x90000048  }
0xb6: {  	_ =	sfence  }
0xb7: {  	s30 =	sld [smem:$0x0];
	_ =	sdelay $0x2  }
0xb8: {  	s31 =	sshll.u32 s1, $0xD;
	s1 =	sshrl.u32 s1, $0x2  }
0xb9: {  	s3 =	sand.u32 $0x4000, s31;
	s1 =	sadd.s32 s1, s30  }
0xba: {  	s0 =	sor.u32 s3, s0;
	s1 =	sshll.u32 s1, $0x11  }
0xbb: {  	s0 =	sor.u32 s1, s0  }
0xbc: {  	s0 =	sadd.s32 $0x8F2B, s0  }
0xbd: {  	[sflag:s0] =	ssyncadd.remote.s32 $0x1  }
0xbe: {  	_ =	sfence.sel $0xFFFF  }
0xbf: {  	[dreg:$0x0] =	wrdreg $0xFFFFFFFF;
	(pc) =	sbr.abs _section_cstart, $3  }
0xc0: {  	[dreg:$0x1] =	wrdreg $0xFFFFFFFF  }
0xc1: {  	_ =	task.clear_ibuf [dreg:s7], $0x2FFFF;
	_ =	strace $0x9FFFFFFF  }
0xc2: {  	(tm) =	ssettm $0x7FFFFFFF  }
0xc3: {  	_ =	shalt  }
tec
execute0_lowered:
.L_overlay_start_1:
0x0: {  	(tag) =	ssettag $0x1  }
0x1: {  	s3 =	rddreg [dreg:$0x0]  }
0x2: {  	s4 =	rddreg [dreg:$0x1]  }
0x3: {  	s1 =	srdreg.scid;
	s0 =	stileid.u32  }
0x4: {  	s9 =	simm.s32 $0x2780;
	s5 =	sand.u32 $0x1, s1;
	s30 =	sshrl.u32 s0, $0x2  }
0x5: {  	s2 =	sshll.u32 s0, $0x8;
	s1 =	rddreg [dreg:$0x2];
	s6 =	smul.u32 $0x13C00, s30  }
0x6: {  	s7 =	sshll.u32 s5, $0x7;
	s8 =	sand.u32 $0x300, s2;
	s2 =	simm.s32 $0x0  }
0x7: {  	s5 =	ssub.s32 $0x2, s5;
	s7 =	sor.u32 s7, s8;
	[smem:$0x7FF] =	sst s2  }
0x8: {  	s31 =	sshrl.u32 s5, $0x1;
	s8 =	simm.s32 $0x1;
	s6 =	sor.u32 s6, s7  }
0x9: {  	_ =	strace $0x80000047;
	s5 =	ssub.s32 s5, s31;
	s6 =	sshrl.u32 s6, $0x3  }
0xa: {  	s7 =	simm.s32 $0x400;
	s5 =	smax.u32 s5, $0x1;
	s4 =	sadd.s32 s6, s4  }
0xb: {  	v0 =	vimm.f32 $0.0e+00;
	v1 =	vimm.f32 $1.000000000e+00;
	s3 =	sadd.s32 s3, s6;
	s6 =	simm.s32 $0x80;
	s4 =	sadd.s32 $0x2000, s4  }
.LBB2_1:
0xc: {  	s10 =	simm.s32 $0x40;
	s11 =	simm.s32 $0x0  }
.LBB2_2:
0xd: {  	p0 =	sne.s32 s10, $0x9C00;
	[tilespmem:s11+$0x2780] =	vst v0;
	s11 =	smov.u32 s10;
	s10 =	sadd.s32 $0x40, s10  }
.Ltmp0:
0xe: {  	(pc) =	sbr.rel @p0 .LBB2_2-.Ltmp0, $2  }
0xf: {  	_ =	sdelay $0x2  }
0x10: {  	s11 =	sshra.s32 s11, $0x2  }
0x11: {  	[tilespmem:s11+$0x2780] =	vst v0;
	s10 =	simm.s32 $0x0  }
0x12: {  	[tilespmem:s10], [sflag:$0x1] =	stream.strided.gather [hbm4b:s3+s6], $0x2780, s7, s6, $0x38;
	[tilespmem:$0x4F00] =	vst v63  }
0x13: {  	_ =	swait.ge [sflag:s8], $0x2780  }
0x14: {  	[sflag:s8] =	ssyncset.done $0x0  }
0x15: {  	s11 =	simm.s32 $0x0;
	s10 =	simm.s32 $0x40;
	[sflag:s8] =	ssyncadd.s32 $0xFFFFD880  }
.LBB2_4:
0x16: {  	p0 =	sne.s32 s10, $0x9C00;
	v2 =	vld [tilespmem:s11+$0x0];
	_ =	sdelay $0x3  }
.Ltmp1:
0x17: {  	(pc) =	sbr.rel @p0 .LBB2_4-.Ltmp1, $2  }
0x18: {  	_ =	sdelay $0x2  }
0x19: {  	s11 =	sshra.s32 s10, $0x2;
	s10 =	sadd.s32 $0x40, s10;
	[tilespmem:v2+s9+$0x0] =	vst.idx.add.f32.msk $0xffff, v1  }
0x1a: {  	v2 =	vld [tilespmem:s11+$0x0];
	_ =	sdelay $0x5  }
0x1b: {  	s2 =	sadd.s32 $0x1, s2  }
0x1c: {  	p0 =	sne.s32 s2, s5  }
.Ltmp2:
0x1d: {  	[tilespmem:v2+s9+$0x0] =	vst.idx.add.f32.msk $0xffff, v1;
	(pc) =	sbr.rel @p0 .LBB2_1-.Ltmp2, $4  }
0x1e: {  	[hbm4b:s4+s6] =	stream.strided.scatter [tilespmem:s9], [sflag:$0x1], $0x2780, s7, s6, $0x38;
	[tilespmem:$0x4F00] =	vst v63  }
0x1f: {  	_ =	swait.ge [sflag:s8], $0x2780  }
0x20: {  	[sflag:s8] =	ssyncset.done $0x0  }
0x21: {  	[sflag:s8] =	ssyncadd.s32 $0xFFFFD880  }
0x22: {  	_ =	sfence.sel $0x180000  }
0x23: {  	[bflag:$0x0] =	sbarrier.arrive $0xFFFF  }
0x24: {  	p0 =	sne.s32 s0, $0x0;
	_ =	strace $0x90000047  }
0x25: {  	s0 =	sadd.s32 @!p0 $0x100000, s1;
	[bflag:$0x2] =	sbarrier.arrive $0xFFFF  }
0x26: {  	[sflag:s0] =	ssyncadd.tile.s32 @!p0 $0x1;
	_ =	shalt  }
.Lfunc_end2:
_tile_overlayer_lowered:
.L_overlay_start_2:
0x27: {  	(tag) =	ssettag $0x2  }
0x28: {  	s0 =	rddreg [dreg:$0x0];
	s2 =	stileid.u32  }
0x29: {  	s1 =	rddreg [dreg:$0x1];
	p0 =	sne.s32 s2, $0x0  }
0x2a: {  	s3 =	rddreg [dreg:$0x2];
	[bflag:$0x3] =	sbarrier.arrive $0xFFFF;
	s2 =	simm.s32 @!p0 $0x1C01  }
0x2b: {  	[timem:s3], [sflag:s2] =	dma.local @!p0 [hbm:s0], s1  }
0x2c: {  	s0 =	simm.s32 @!p0 $0x1  }
0x2d: {  	_ =	swait.ge @!p0 [sflag:s0], s1  }
0x2e: {  	s1 =	ssub.s32 @!p0 $0x0, s1;
	[sflag:s0] =	ssyncset.done @!p0 $0x0  }
0x2f: {  	[sflag:s0] =	ssyncadd.s32 @!p0 s1  }
0x30: {  	[bflag:$0x3] =	sbarrier.arrive $0xFFFF  }
0x31: {  	_ =	shalt  }

</sc_bundles>
